<compile_context>
chip_gen: v7x
topology: tpu7x:2x2x1
jax: 0.10.2.dev20260603
libtpu: 0.0.44.dev20260713+nightly
codegen_flags: <defaults>
</compile_context>

<pallas_src>
import functools

import jax
import jax.numpy as jnp
from jax import lax
from jax.experimental import pallas as pl
from jax.experimental.pallas import tpu as pltpu
from jax.experimental.pallas import tpu_sc as plsc

D = 128
N = 100000
NC, NS = 2, 16
NW = NC * NS
CH = 128
NFULL = N // CH
TAIL = N - NFULL * CH
NSLOTS = (NFULL + NW - 1) // NW
W13 = NFULL - (NSLOTS - 1) * NW
R = 5


def _embed_body(table_hbm, idx_hbm, out_hbm, idxb, rowb, idxt, rowt,
                isem, gsem, osem):
    wid = lax.axis_index("s") * NC + lax.axis_index("c")

    def guarded(k, fn):
        if k == NSLOTS - 1:
            pl.when(wid < W13)(fn)
        else:
            fn()

    def idx_args(k):
        r = k % R
        c = wid + k * NW
        return idx_hbm.at[pl.ds(c * CH, CH)], idxb.at[r], isem.at[r]

    def row_args(k):
        r = k % R
        return table_hbm.at[idxb.at[r]], rowb.at[r], gsem.at[r]

    def out_args(k):
        r = k % R
        c = wid + k * NW
        return rowb.at[r], out_hbm.at[pl.ds(c * CH, CH)], osem.at[r]

    def start(args_fn, k):
        def go():
            pltpu.async_copy(*args_fn(k))
            return None
        guarded(k, go)

    def wait(args_fn, k):
        def go():
            pltpu.make_async_copy(*args_fn(k)).wait()
            return None
        guarded(k, go)

    for k in range(R):
        start(idx_args, k)
    wait(idx_args, 0)
    start(row_args, 0)

    for k in range(NSLOTS):
        if k + 1 < NSLOTS:
            wait(idx_args, k + 1)
            if k + 1 >= R:
                wait(out_args, k + 1 - R)
            start(row_args, k + 1)
        wait(row_args, k)
        start(out_args, k)
        if k + R < NSLOTS:
            start(idx_args, k + R)

    for k in range(NSLOTS - R, NSLOTS):
        wait(out_args, k)

    @pl.when(wid == NW - 1)
    def _tail():
        base = NFULL * CH
        pltpu.sync_copy(idx_hbm.at[pl.ds(base, TAIL)], idxt)
        pltpu.async_copy(table_hbm.at[idxt], rowt, gsem.at[0]).wait()
        pltpu.sync_copy(rowt, out_hbm.at[pl.ds(base, TAIL)])


_embed = functools.partial(
    pl.kernel,
    out_type=jax.ShapeDtypeStruct((N, D), jnp.float32),
    mesh=plsc.VectorSubcoreMesh(
        core_axis_name="c", subcore_axis_name="s", num_cores=NC, num_subcores=NS
    ),
    scratch_types=[
        pltpu.VMEM((R, CH), jnp.int32),
        pltpu.VMEM((R, CH, D), jnp.float32),
        pltpu.VMEM((TAIL,), jnp.int32),
        pltpu.VMEM((TAIL, D), jnp.float32),
        pltpu.SemaphoreType.DMA((R,)),
        pltpu.SemaphoreType.DMA((R,)),
        pltpu.SemaphoreType.DMA((R,)),
    ],
)(_embed_body)


def kernel(atom_types, W):
    idx = atom_types.astype(jnp.int32)
    table = W.T
    return _embed(table, idx)

# --- scband reference (transcript-rebuilt; emitter-appended) ---
"""Pipeline reference for scband-atom-featurizer-56925496541391 (READ-ONLY COPY).

The authoritative reference and input builder live on the scoring server;
editing this copy changes nothing except your own understanding.
"""

import jax, jax.numpy as jnp
import numpy as np

NUM_TYPES = 100
EMBED_DIM = 128
N_NODES = 100000

def setup_inputs(seed: int = 0) -> dict:
    key = jax.random.key(seed)
    k1, k2 = jax.random.split(key)
    atom_types = jax.random.randint(k1, (N_NODES,), 0, NUM_TYPES, dtype=jnp.int64 if jax.config.jax_enable_x64 else jnp.int32)
    # torch.nn.Linear(num_types, embedding_dim, bias=False) weight: [embedding_dim, num_types]
    W = jax.random.normal(k2, (EMBED_DIM, NUM_TYPES), dtype=jnp.float32) * (1.0 / np.sqrt(NUM_TYPES))
    return {"atom_types": atom_types, "W": W}

def reference(atom_types, W):
    # one_hot: [N, num_types]; linear(one_hot) = one_hot @ W.T -> [N, embedding_dim]
    one_hot = jax.nn.one_hot(atom_types, NUM_TYPES, dtype=jnp.float32)
    x = one_hot @ W.T
    return x

if __name__ == "__main__":
    import jax
    _d = setup_inputs()
    print(jax.jit(kernel)(*tuple(_d.values())))

</pallas_src>

<mosaic_0001>
#map = affine_map<(d0, d1) -> (0, 0)>
#map1 = affine_map<(d0, d1) -> (0)>
module attributes {stable_mosaic.version = 14 : i64} {
  func.func @_embed_body(%arg0: i32, %arg1: i32, %arg2: memref<100x128xf32, #tpu.memory_space<hbm>>, %arg3: memref<100000xi32, #tpu.memory_space<hbm>>, %arg4: memref<100000x128xf32, #tpu.memory_space<hbm>>, %arg5: memref<5x128xi32, #tpu.memory_space<vmem>>, %arg6: memref<5x128x128xf32, #tpu.memory_space<vmem>>, %arg7: memref<32xi32, #tpu.memory_space<vmem>>, %arg8: memref<32x128xf32, #tpu.memory_space<vmem>>, %arg9: memref<5x!tpu.dma_semaphore, #tpu.memory_space<semaphore_mem>>, %arg10: memref<5x!tpu.dma_semaphore, #tpu.memory_space<semaphore_mem>>, %arg11: memref<5x!tpu.dma_semaphore, #tpu.memory_space<semaphore_mem>>) attributes {dimension_semantics = [#tpu.dimension_semantics<core_parallel>, #tpu.dimension_semantics<subcore_parallel>], iteration_bounds = array<i64: 2, 16>, scalar_prefetch = 0 : i64, scratch_operands = 7 : i64, tpu.core_type = #tpu.core_type<sc_vector_subcore>, window_params = [{transform_indices = #map}, {transform_indices = #map1}, {transform_indices = #map}]} {
    %mul3A = arith.constant 2 : i32
    %mul3A_0 = arith.muli %arg1, %mul3A : i32
    %add3A = arith.addi %mul3A_0, %arg0 : i32
    %add3A_1 = arith.constant 0 : i32
    %add3A_2 = arith.addi %add3A, %add3A_1 : i32
    %mul3A_3 = arith.constant 128 : i32
    %mul3A_4 = arith.muli %add3A_2, %mul3A_3 : i32
    %dma_start3A = arith.constant 0 : i32
    %dma_start3A_5 = arith.constant 0 : i32
    %dma_start3A_6 = arith.constant 0 : i32
    %dma_start3A_7 = tpu.memref_slice %arg5[%dma_start3A, %dma_start3A_6] : memref<5x128xi32, #tpu.memory_space<vmem>> -> memref<1x128xi32, #tpu.memory_space<vmem>>
    %dma_start3A_8 = tpu.memref_squeeze %dma_start3A_7 : memref<1x128xi32, #tpu.memory_space<vmem>> -> memref<128xi32, #tpu.memory_space<vmem>>
    %dma_start3A_9 = tpu.memref_slice %arg3[%mul3A_4] : memref<100000xi32, #tpu.memory_space<hbm>> -> memref<128xi32, #tpu.memory_space<hbm>>
    %dma_start3A_10 = tpu.memref_slice %arg9[%dma_start3A_5] : memref<5x!tpu.dma_semaphore, #tpu.memory_space<semaphore_mem>> -> memref<1x!tpu.dma_semaphore, #tpu.memory_space<semaphore_mem>>
    %dma_start3A_11 = tpu.memref_squeeze %dma_start3A_10 : memref<1x!tpu.dma_semaphore, #tpu.memory_space<semaphore_mem>> -> memref<!tpu.dma_semaphore, #tpu.memory_space<semaphore_mem>>
    %dma_start3A_12 = arith.constant 0 : i32
    %dma_start3A_13 = tpu.memref_slice %arg5[%dma_start3A, %dma_start3A_12] : memref<5x128xi32, #tpu.memory_space<vmem>> -> memref<1x128xi32, #tpu.memory_space<vmem>>
    %dma_start3A_14 = tpu.memref_squeeze %dma_start3A_13 : memref<1x128xi32, #tpu.memory_space<vmem>> -> memref<128xi32, #tpu.memory_space<vmem>>
    %dma_start3A_15 = tpu.memref_slice %arg3[%mul3A_4] : memref<100000xi32, #tpu.memory_space<hbm>> -> memref<128xi32, #tpu.memory_space<hbm>>
    tpu.enqueue_dma source(%dma_start3A_15 : memref<128xi32, #tpu.memory_space<hbm>>) target(%dma_start3A_14 : memref<128xi32, #tpu.memory_space<vmem>>) target_semaphore(%dma_start3A_11 : memref<!tpu.dma_semaphore, #tpu.memory_space<semaphore_mem>>)
    %add3A_16 = arith.constant 32 : i32
    %add3A_17 = arith.addi %add3A, %add3A_16 : i32
    %mul3A_18 = arith.constant 128 : i32
    %mul3A_19 = arith.muli %add3A_17, %mul3A_18 : i32
    %dma_start3A_20 = arith.constant 1 : i32
    %dma_start3A_21 = arith.constant 1 : i32
    %dma_start3A_22 = arith.constant 0 : i32
    %dma_start3A_23 = tpu.memref_slice %arg5[%dma_start3A_20, %dma_start3A_22] : memref<5x128xi32, #tpu.memory_space<vmem>> -> memref<1x128xi32, #tpu.memory_space<vmem>>
    %dma_start3A_24 = tpu.memref_squeeze %dma_start3A_23 : memref<1x128xi32, #tpu.memory_space<vmem>> -> memref<128xi32, #tpu.memory_space<vmem>>
    %dma_start3A_25 = tpu.memref_slice %arg3[%mul3A_19] : memref<100000xi32, #tpu.memory_space<hbm>> -> memref<128xi32, #tpu.memory_space<hbm>>
    %dma_start3A_26 = tpu.memref_slice %arg9[%dma_start3A_21] : memref<5x!tpu.dma_semaphore, #tpu.memory_space<semaphore_mem>> -> memref<1x!tpu.dma_semaphore, #tpu.memory_space<semaphore_mem>>
    %dma_start3A_27 = tpu.memref_squeeze %dma_start3A_26 : memref<1x!tpu.dma_semaphore, #tpu.memory_space<semaphore_mem>> -> memref<!tpu.dma_semaphore, #tpu.memory_space<semaphore_mem>>
    %dma_start3A_28 = arith.constant 0 : i32
    %dma_start3A_29 = tpu.memref_slice %arg5[%dma_start3A_20, %dma_start3A_28] : memref<5x128xi32, #tpu.memory_space<vmem>> -> memref<1x128xi32, #tpu.memory_space<vmem>>
    %dma_start3A_30 = tpu.memref_squeeze %dma_start3A_29 : memref<1x128xi32, #tpu.memory_space<vmem>> -> memref<128xi32, #tpu.memory_space<vmem>>
    %dma_start3A_31 = tpu.memref_slice %arg3[%mul3A_19] : memref<100000xi32, #tpu.memory_space<hbm>> -> memref<128xi32, #tpu.memory_space<hbm>>
    tpu.enqueue_dma source(%dma_start3A_31 : memref<128xi32, #tpu.memory_space<hbm>>) target(%dma_start3A_30 : memref<128xi32, #tpu.memory_space<vmem>>) target_semaphore(%dma_start3A_27 : memref<!tpu.dma_semaphore, #tpu.memory_space<semaphore_mem>>)
    %add3A_32 = arith.constant 64 : i32
    %add3A_33 = arith.addi %add3A, %add3A_32 : i32
    %mul3A_34 = arith.constant 128 : i32
    %mul3A_35 = arith.muli %add3A_33, %mul3A_34 : i32
    %dma_start3A_36 = arith.constant 2 : i32
    %dma_start3A_37 = arith.constant 2 : i32
    %dma_start3A_38 = arith.constant 0 : i32
    %dma_start3A_39 = tpu.memref_slice %arg5[%dma_start3A_36, %dma_start3A_38] : memref<5x128xi32, #tpu.memory_space<vmem>> -> memref<1x128xi32, #tpu.memory_space<vmem>>
    %dma_start3A_40 = tpu.memref_squeeze %dma_start3A_39 : memref<1x128xi32, #tpu.memory_space<vmem>> -> memref<128xi32, #tpu.memory_space<vmem>>
    %dma_start3A_41 = tpu.memref_slice %arg3[%mul3A_35] : memref<100000xi32, #tpu.memory_space<hbm>> -> memref<128xi32, #tpu.memory_space<hbm>>
    %dma_start3A_42 = tpu.memref_slice %arg9[%dma_start3A_37] : memref<5x!tpu.dma_semaphore, #tpu.memory_space<semaphore_mem>> -> memref<1x!tpu.dma_semaphore, #tpu.memory_space<semaphore_mem>>
    %dma_start3A_43 = tpu.memref_squeeze %dma_start3A_42 : memref<1x!tpu.dma_semaphore, #tpu.memory_space<semaphore_mem>> -> memref<!tpu.dma_semaphore, #tpu.memory_space<semaphore_mem>>
    %dma_start3A_44 = arith.constant 0 : i32
    %dma_start3A_45 = tpu.memref_slice %arg5[%dma_start3A_36, %dma_start3A_44] : memref<5x128xi32, #tpu.memory_space<vmem>> -> memref<1x128xi32, #tpu.memory_space<vmem>>
    %dma_start3A_46 = tpu.memref_squeeze %dma_start3A_45 : memref<1x128xi32, #tpu.memory_space<vmem>> -> memref<128xi32, #tpu.memory_space<vmem>>
    %dma_start3A_47 = tpu.memref_slice %arg3[%mul3A_35] : memref<100000xi32, #tpu.memory_space<hbm>> -> memref<128xi32, #tpu.memory_space<hbm>>
    tpu.enqueue_dma source(%dma_start3A_47 : memref<128xi32, #tpu.memory_space<hbm>>) target(%dma_start3A_46 : memref<128xi32, #tpu.memory_space<vmem>>) target_semaphore(%dma_start3A_43 : memref<!tpu.dma_semaphore, #tpu.memory_space<semaphore_mem>>)
    %add3A_48 = arith.constant 96 : i32
    %add3A_49 = arith.addi %add3A, %add3A_48 : i32
    %mul3A_50 = arith.constant 128 : i32
    %mul3A_51 = arith.muli %add3A_49, %mul3A_50 : i32
    %dma_start3A_52 = arith.constant 3 : i32
    %dma_start3A_53 = arith.constant 3 : i32
    %dma_start3A_54 = arith.constant 0 : i32
    %dma_start3A_55 = tpu.memref_slice %arg5[%dma_start3A_52, %dma_start3A_54] : memref<5x128xi32, #tpu.memory_space<vmem>> -> memref<1x128xi32, #tpu.memory_space<vmem>>
    %dma_start3A_56 = tpu.memref_squeeze %dma_start3A_55 : memref<1x128xi32, #tpu.memory_space<vmem>> -> memref<128xi32, #tpu.memory_space<vmem>>
    %dma_start3A_57 = tpu.memref_slice %arg3[%mul3A_51] : memref<100000xi32, #tpu.memory_space<hbm>> -> memref<128xi32, #tpu.memory_space<hbm>>
    %dma_start3A_58 = tpu.memref_slice %arg9[%dma_start3A_53] : memref<5x!tpu.dma_semaphore, #tpu.memory_space<semaphore_mem>> -> memref<1x!tpu.dma_semaphore, #tpu.memory_space<semaphore_mem>>
    %dma_start3A_59 = tpu.memref_squeeze %dma_start3A_58 : memref<1x!tpu.dma_semaphore, #tpu.memory_space<semaphore_mem>> -> memref<!tpu.dma_semaphore, #tpu.memory_space<semaphore_mem>>
    %dma_start3A_60 = arith.constant 0 : i32
    %dma_start3A_61 = tpu.memref_slice %arg5[%dma_start3A_52, %dma_start3A_60] : memref<5x128xi32, #tpu.memory_space<vmem>> -> memref<1x128xi32, #tpu.memory_space<vmem>>
    %dma_start3A_62 = tpu.memref_squeeze %dma_start3A_61 : memref<1x128xi32, #tpu.memory_space<vmem>> -> memref<128xi32, #tpu.memory_space<vmem>>
    %dma_start3A_63 = tpu.memref_slice %arg3[%mul3A_51] : memref<100000xi32, #tpu.memory_space<hbm>> -> memref<128xi32, #tpu.memory_space<hbm>>
    tpu.enqueue_dma source(%dma_start3A_63 : memref<128xi32, #tpu.memory_space<hbm>>) target(%dma_start3A_62 : memref<128xi32, #tpu.memory_space<vmem>>) target_semaphore(%dma_start3A_59 : memref<!tpu.dma_semaphore, #tpu.memory_space<semaphore_mem>>)
    %add3A_64 = arith.constant 128 : i32
    %add3A_65 = arith.addi %add3A, %add3A_64 : i32
    %mul3A_66 = arith.constant 128 : i32
    %mul3A_67 = arith.muli %add3A_65, %mul3A_66 : i32
    %dma_start3A_68 = arith.constant 4 : i32
    %dma_start3A_69 = arith.constant 4 : i32
    %dma_start3A_70 = arith.constant 0 : i32
    %dma_start3A_71 = tpu.memref_slice %arg5[%dma_start3A_68, %dma_start3A_70] : memref<5x128xi32, #tpu.memory_space<vmem>> -> memref<1x128xi32, #tpu.memory_space<vmem>>
    %dma_start3A_72 = tpu.memref_squeeze %dma_start3A_71 : memref<1x128xi32, #tpu.memory_space<vmem>> -> memref<128xi32, #tpu.memory_space<vmem>>
    %dma_start3A_73 = tpu.memref_slice %arg3[%mul3A_67] : memref<100000xi32, #tpu.memory_space<hbm>> -> memref<128xi32, #tpu.memory_space<hbm>>
    %dma_start3A_74 = tpu.memref_slice %arg9[%dma_start3A_69] : memref<5x!tpu.dma_semaphore, #tpu.memory_space<semaphore_mem>> -> memref<1x!tpu.dma_semaphore, #tpu.memory_space<semaphore_mem>>
    %dma_start3A_75 = tpu.memref_squeeze %dma_start3A_74 : memref<1x!tpu.dma_semaphore, #tpu.memory_space<semaphore_mem>> -> memref<!tpu.dma_semaphore, #tpu.memory_space<semaphore_mem>>
    %dma_start3A_76 = arith.constant 0 : i32
    %dma_start3A_77 = tpu.memref_slice %arg5[%dma_start3A_68, %dma_start3A_76] : memref<5x128xi32, #tpu.memory_space<vmem>> -> memref<1x128xi32, #tpu.memory_space<vmem>>
    %dma_start3A_78 = tpu.memref_squeeze %dma_start3A_77 : memref<1x128xi32, #tpu.memory_space<vmem>> -> memref<128xi32, #tpu.memory_space<vmem>>
    %dma_start3A_79 = tpu.memref_slice %arg3[%mul3A_67] : memref<100000xi32, #tpu.memory_space<hbm>> -> memref<128xi32, #tpu.memory_space<hbm>>
    tpu.enqueue_dma source(%dma_start3A_79 : memref<128xi32, #tpu.memory_space<hbm>>) target(%dma_start3A_78 : memref<128xi32, #tpu.memory_space<vmem>>) target_semaphore(%dma_start3A_75 : memref<!tpu.dma_semaphore, #tpu.memory_space<semaphore_mem>>)
    %add3A_80 = arith.constant 0 : i32
    %add3A_81 = arith.addi %add3A, %add3A_80 : i32
    %mul3A_82 = arith.constant 128 : i32
    %mul3A_83 = arith.muli %add3A_81, %mul3A_82 : i32
    %dma_wait3A = arith.constant 0 : i32
    %dma_wait3A_84 = arith.constant 0 : i32
    %dma_wait3A_85 = arith.constant 0 : i32
    %dma_wait3A_86 = tpu.memref_slice %arg5[%dma_wait3A, %dma_wait3A_85] : memref<5x128xi32, #tpu.memory_space<vmem>> -> memref<1x128xi32, #tpu.memory_space<vmem>>
    %dma_wait3A_87 = tpu.memref_squeeze %dma_wait3A_86 : memref<1x128xi32, #tpu.memory_space<vmem>> -> memref<128xi32, #tpu.memory_space<vmem>>
    %dma_wait3A_88 = tpu.memref_slice %arg3[%mul3A_83] : memref<100000xi32, #tpu.memory_space<hbm>> -> memref<128xi32, #tpu.memory_space<hbm>>
    %dma_wait3A_89 = tpu.memref_slice %arg9[%dma_wait3A_84] : memref<5x!tpu.dma_semaphore, #tpu.memory_space<semaphore_mem>> -> memref<1x!tpu.dma_semaphore, #tpu.memory_space<semaphore_mem>>
    %dma_wait3A_90 = tpu.memref_squeeze %dma_wait3A_89 : memref<1x!tpu.dma_semaphore, #tpu.memory_space<semaphore_mem>> -> memref<!tpu.dma_semaphore, #tpu.memory_space<semaphore_mem>>
    %dma_wait3A_91 = arith.constant 0 : i32
    %dma_wait3A_92 = tpu.memref_slice %arg5[%dma_wait3A, %dma_wait3A_91] : memref<5x128xi32, #tpu.memory_space<vmem>> -> memref<1x128xi32, #tpu.memory_space<vmem>>
    %dma_wait3A_93 = tpu.memref_squeeze %dma_wait3A_92 : memref<1x128xi32, #tpu.memory_space<vmem>> -> memref<128xi32, #tpu.memory_space<vmem>>
    %dma_wait3A_94 = tpu.memref_slice %arg3[%mul3A_83] : memref<100000xi32, #tpu.memory_space<hbm>> -> memref<128xi32, #tpu.memory_space<hbm>>
    tpu.wait_dma2 semaphore(%dma_wait3A_90 : memref<!tpu.dma_semaphore, #tpu.memory_space<semaphore_mem>>) src(%dma_wait3A_94 : memref<128xi32, #tpu.memory_space<hbm>>) dst(%dma_wait3A_93 : memref<128xi32, #tpu.memory_space<vmem>>)
    %dma_start3A_95 = arith.constant 0 : i32
    %dma_start3A_96 = arith.constant 0 : i32
    %dma_start3A_97 = arith.constant 0 : i32
    %dma_start3A_98 = arith.constant 0 : i32
    %dma_start3A_99 = arith.constant 0 : i32
    %dma_start3A_100 = tpu.memref_slice %arg6[%dma_start3A_96, %dma_start3A_98, %dma_start3A_99] : memref<5x128x128xf32, #tpu.memory_space<vmem>> -> memref<1x128x128xf32, #tpu.memory_space<vmem>>
    %dma_start3A_101 = tpu.memref_squeeze %dma_start3A_100 : memref<1x128x128xf32, #tpu.memory_space<vmem>> -> memref<128x128xf32, #tpu.memory_space<vmem>>
    %dma_start3A_102 = arith.constant 0 : i32
    %dma_start3A_103 = tpu.memref_slice %arg5[%dma_start3A_95, %dma_start3A_102] : memref<5x128xi32, #tpu.memory_space<vmem>> -> memref<1x128xi32, #tpu.memory_space<vmem>>
    %dma_start3A_104 = tpu.memref_squeeze %dma_start3A_103 : memref<1x128xi32, #tpu.memory_space<vmem>> -> memref<128xi32, #tpu.memory_space<vmem>>
    %dma_start3A_105 = arith.constant 0 : i32
    %dma_start3A_106 = arith.constant 0 : i32
    %dma_start3A_107 = tpu.memref_slice %arg2[%dma_start3A_105, %dma_start3A_106] : memref<100x128xf32, #tpu.memory_space<hbm>> -> memref<100x128xf32, #tpu.memory_space<hbm>>
    %dma_start3A_108 = tpu.memref_slice %arg10[%dma_start3A_97] : memref<5x!tpu.dma_semaphore, #tpu.memory_space<semaphore_mem>> -> memref<1x!tpu.dma_semaphore, #tpu.memory_space<semaphore_mem>>
    %dma_start3A_109 = tpu.memref_squeeze %dma_start3A_108 : memref<1x!tpu.dma_semaphore, #tpu.memory_space<semaphore_mem>> -> memref<!tpu.dma_semaphore, #tpu.memory_space<semaphore_mem>>
    tpu.enqueue_indirect_dma source(%dma_start3A_107 : memref<100x128xf32, #tpu.memory_space<hbm>>) target(%dma_start3A_101 : memref<128x128xf32, #tpu.memory_space<vmem>>) offsets(%dma_start3A_104 : memref<128xi32, #tpu.memory_space<vmem>>) semaphore(%dma_start3A_109 : memref<!tpu.dma_semaphore, #tpu.memory_space<semaphore_mem>>)
    %add3A_110 = arith.constant 32 : i32
    %add3A_111 = arith.addi %add3A, %add3A_110 : i32
    %mul3A_112 = arith.constant 128 : i32
    %mul3A_113 = arith.muli %add3A_111, %mul3A_112 : i32
    %dma_wait3A_114 = arith.constant 1 : i32
    %dma_wait3A_115 = arith.constant 1 : i32
    %dma_wait3A_116 = arith.constant 0 : i32
    %dma_wait3A_117 = tpu.memref_slice %arg5[%dma_wait3A_114, %dma_wait3A_116] : memref<5x128xi32, #tpu.memory_space<vmem>> -> memref<1x128xi32, #tpu.memory_space<vmem>>
    %dma_wait3A_118 = tpu.memref_squeeze %dma_wait3A_117 : memref<1x128xi32, #tpu.memory_space<vmem>> -> memref<128xi32, #tpu.memory_space<vmem>>
    %dma_wait3A_119 = tpu.memref_slice %arg3[%mul3A_113] : memref<100000xi32, #tpu.memory_space<hbm>> -> memref<128xi32, #tpu.memory_space<hbm>>
    %dma_wait3A_120 = tpu.memref_slice %arg9[%dma_wait3A_115] : memref<5x!tpu.dma_semaphore, #tpu.memory_space<semaphore_mem>> -> memref<1x!tpu.dma_semaphore, #tpu.memory_space<semaphore_mem>>
    %dma_wait3A_121 = tpu.memref_squeeze %dma_wait3A_120 : memref<1x!tpu.dma_semaphore, #tpu.memory_space<semaphore_mem>> -> memref<!tpu.dma_semaphore, #tpu.memory_space<semaphore_mem>>
    %dma_wait3A_122 = arith.constant 0 : i32
    %dma_wait3A_123 = tpu.memref_slice %arg5[%dma_wait3A_114, %dma_wait3A_122] : memref<5x128xi32, #tpu.memory_space<vmem>> -> memref<1x128xi32, #tpu.memory_space<vmem>>
    %dma_wait3A_124 = tpu.memref_squeeze %dma_wait3A_123 : memref<1x128xi32, #tpu.memory_space<vmem>> -> memref<128xi32, #tpu.memory_space<vmem>>
    %dma_wait3A_125 = tpu.memref_slice %arg3[%mul3A_113] : memref<100000xi32, #tpu.memory_space<hbm>> -> memref<128xi32, #tpu.memory_space<hbm>>
    tpu.wait_dma2 semaphore(%dma_wait3A_121 : memref<!tpu.dma_semaphore, #tpu.memory_space<semaphore_mem>>) src(%dma_wait3A_125 : memref<128xi32, #tpu.memory_space<hbm>>) dst(%dma_wait3A_124 : memref<128xi32, #tpu.memory_space<vmem>>)
    %dma_start3A_126 = arith.constant 1 : i32
    %dma_start3A_127 = arith.constant 1 : i32
    %dma_start3A_128 = arith.constant 1 : i32
    %dma_start3A_129 = arith.constant 0 : i32
    %dma_start3A_130 = arith.constant 0 : i32
    %dma_start3A_131 = tpu.memref_slice %arg6[%dma_start3A_127, %dma_start3A_129, %dma_start3A_130] : memref<5x128x128xf32, #tpu.memory_space<vmem>> -> memref<1x128x128xf32, #tpu.memory_space<vmem>>
    %dma_start3A_132 = tpu.memref_squeeze %dma_start3A_131 : memref<1x128x128xf32, #tpu.memory_space<vmem>> -> memref<128x128xf32, #tpu.memory_space<vmem>>
    %dma_start3A_133 = arith.constant 0 : i32
    %dma_start3A_134 = tpu.memref_slice %arg5[%dma_start3A_126, %dma_start3A_133] : memref<5x128xi32, #tpu.memory_space<vmem>> -> memref<1x128xi32, #tpu.memory_space<vmem>>
    %dma_start3A_135 = tpu.memref_squeeze %dma_start3A_134 : memref<1x128xi32, #tpu.memory_space<vmem>> -> memref<128xi32, #tpu.memory_space<vmem>>
    %dma_start3A_136 = arith.constant 0 : i32
    %dma_start3A_137 = arith.constant 0 : i32
    %dma_start3A_138 = tpu.memref_slice %arg2[%dma_start3A_136, %dma_start3A_137] : memref<100x128xf32, #tpu.memory_space<hbm>> -> memref<100x128xf32, #tpu.memory_space<hbm>>
    %dma_start3A_139 = tpu.memref_slice %arg10[%dma_start3A_128] : memref<5x!tpu.dma_semaphore, #tpu.memory_space<semaphore_mem>> -> memref<1x!tpu.dma_semaphore, #tpu.memory_space<semaphore_mem>>
    %dma_start3A_140 = tpu.memref_squeeze %dma_start3A_139 : memref<1x!tpu.dma_semaphore, #tpu.memory_space<semaphore_mem>> -> memref<!tpu.dma_semaphore, #tpu.memory_space<semaphore_mem>>
    tpu.enqueue_indirect_dma source(%dma_start3A_138 : memref<100x128xf32, #tpu.memory_space<hbm>>) target(%dma_start3A_132 : memref<128x128xf32, #tpu.memory_space<vmem>>) offsets(%dma_start3A_135 : memref<128xi32, #tpu.memory_space<vmem>>) semaphore(%dma_start3A_140 : memref<!tpu.dma_semaphore, #tpu.memory_space<semaphore_mem>>)
    %dma_wait3A_141 = arith.constant 0 : i32
    %dma_wait3A_142 = arith.constant 0 : i32
    %dma_wait3A_143 = arith.constant 0 : i32
    %dma_wait3A_144 = arith.constant 0 : i32
    %dma_wait3A_145 = arith.constant 0 : i32
    %dma_wait3A_146 = tpu.memref_slice %arg6[%dma_wait3A_142, %dma_wait3A_144, %dma_wait3A_145] : memref<5x128x128xf32, #tpu.memory_space<vmem>> -> memref<1x128x128xf32, #tpu.memory_space<vmem>>
    %dma_wait3A_147 = tpu.memref_squeeze %dma_wait3A_146 : memref<1x128x128xf32, #tpu.memory_space<vmem>> -> memref<128x128xf32, #tpu.memory_space<vmem>>
    %dma_wait3A_148 = arith.constant 0 : i32
    %dma_wait3A_149 = tpu.memref_slice %arg5[%dma_wait3A_141, %dma_wait3A_148] : memref<5x128xi32, #tpu.memory_space<vmem>> -> memref<1x128xi32, #tpu.memory_space<vmem>>
    %dma_wait3A_150 = tpu.memref_squeeze %dma_wait3A_149 : memref<1x128xi32, #tpu.memory_space<vmem>> -> memref<128xi32, #tpu.memory_space<vmem>>
    %dma_wait3A_151 = arith.constant 0 : i32
    %dma_wait3A_152 = arith.constant 0 : i32
    %dma_wait3A_153 = tpu.memref_slice %arg2[%dma_wait3A_151, %dma_wait3A_152] : memref<100x128xf32, #tpu.memory_space<hbm>> -> memref<100x128xf32, #tpu.memory_space<hbm>>
    %dma_wait3A_154 = tpu.memref_slice %arg10[%dma_wait3A_143] : memref<5x!tpu.dma_semaphore, #tpu.memory_space<semaphore_mem>> -> memref<1x!tpu.dma_semaphore, #tpu.memory_space<semaphore_mem>>
    %dma_wait3A_155 = tpu.memref_squeeze %dma_wait3A_154 : memref<1x!tpu.dma_semaphore, #tpu.memory_space<semaphore_mem>> -> memref<!tpu.dma_semaphore, #tpu.memory_space<semaphore_mem>>
    tpu.wait_indirect_dma semaphore(%dma_wait3A_155 : memref<!tpu.dma_semaphore, #tpu.memory_space<semaphore_mem>>) src(%dma_wait3A_153 : memref<100x128xf32, #tpu.memory_space<hbm>>) dst(%dma_wait3A_147 : memref<128x128xf32, #tpu.memory_space<vmem>>)
    %add3A_156 = arith.constant 0 : i32
    %add3A_157 = arith.addi %add3A, %add3A_156 : i32
    %mul3A_158 = arith.constant 128 : i32
    %mul3A_159 = arith.muli %add3A_157, %mul3A_158 : i32
    %dma_start3A_160 = arith.constant 0 : i32
    %dma_start3A_161 = arith.constant 0 : i32
    %dma_start3A_162 = arith.constant 0 : i32
    %dma_start3A_163 = arith.constant 0 : i32
    %dma_start3A_164 = tpu.memref_slice %arg6[%dma_start3A_160, %dma_start3A_162, %dma_start3A_163] : memref<5x128x128xf32, #tpu.memory_space<vmem>> -> memref<1x128x128xf32, #tpu.memory_space<vmem>>
    %dma_start3A_165 = tpu.memref_squeeze %dma_start3A_164 : memref<1x128x128xf32, #tpu.memory_space<vmem>> -> memref<128x128xf32, #tpu.memory_space<vmem>>
    %dma_start3A_166 = arith.constant 0 : i32
    %dma_start3A_167 = tpu.memref_slice %arg4[%mul3A_159, %dma_start3A_166] : memref<100000x128xf32, #tpu.memory_space<hbm>> -> memref<128x128xf32, #tpu.memory_space<hbm>>
    %dma_start3A_168 = tpu.memref_slice %arg11[%dma_start3A_161] : memref<5x!tpu.dma_semaphore, #tpu.memory_space<semaphore_mem>> -> memref<1x!tpu.dma_semaphore, #tpu.memory_space<semaphore_mem>>
    %dma_start3A_169 = tpu.memref_squeeze %dma_start3A_168 : memref<1x!tpu.dma_semaphore, #tpu.memory_space<semaphore_mem>> -> memref<!tpu.dma_semaphore, #tpu.memory_space<semaphore_mem>>
    %dma_start3A_170 = arith.constant 0 : i32
    %dma_start3A_171 = tpu.memref_slice %arg4[%mul3A_159, %dma_start3A_170] : memref<100000x128xf32, #tpu.memory_space<hbm>> -> memref<128x128xf32, #tpu.memory_space<hbm>>
    %dma_start3A_172 = arith.constant 0 : i32
    %dma_start3A_173 = arith.constant 0 : i32
    %dma_start3A_174 = tpu.memref_slice %arg6[%dma_start3A_160, %dma_start3A_172, %dma_start3A_173] : memref<5x128x128xf32, #tpu.memory_space<vmem>> -> memref<1x128x128xf32, #tpu.memory_space<vmem>>
    %dma_start3A_175 = tpu.memref_squeeze %dma_start3A_174 : memref<1x128x128xf32, #tpu.memory_space<vmem>> -> memref<128x128xf32, #tpu.memory_space<vmem>>
    tpu.enqueue_dma source(%dma_start3A_175 : memref<128x128xf32, #tpu.memory_space<vmem>>) target(%dma_start3A_171 : memref<128x128xf32, #tpu.memory_space<hbm>>) target_semaphore(%dma_start3A_169 : memref<!tpu.dma_semaphore, #tpu.memory_space<semaphore_mem>>)
    %add3A_176 = arith.constant 160 : i32
    %add3A_177 = arith.addi %add3A, %add3A_176 : i32
    %mul3A_178 = arith.constant 128 : i32
    %mul3A_179 = arith.muli %add3A_177, %mul3A_178 : i32
    %dma_start3A_180 = arith.constant 0 : i32
    %dma_start3A_181 = arith.constant 0 : i32
    %dma_start3A_182 = arith.constant 0 : i32
    %dma_start3A_183 = tpu.memref_slice %arg5[%dma_start3A_180, %dma_start3A_182] : memref<5x128xi32, #tpu.memory_space<vmem>> -> memref<1x128xi32, #tpu.memory_space<vmem>>
    %dma_start3A_184 = tpu.memref_squeeze %dma_start3A_183 : memref<1x128xi32, #tpu.memory_space<vmem>> -> memref<128xi32, #tpu.memory_space<vmem>>
    %dma_start3A_185 = tpu.memref_slice %arg3[%mul3A_179] : memref<100000xi32, #tpu.memory_space<hbm>> -> memref<128xi32, #tpu.memory_space<hbm>>
    %dma_start3A_186 = tpu.memref_slice %arg9[%dma_start3A_181] : memref<5x!tpu.dma_semaphore, #tpu.memory_space<semaphore_mem>> -> memref<1x!tpu.dma_semaphore, #tpu.memory_space<semaphore_mem>>
    %dma_start3A_187 = tpu.memref_squeeze %dma_start3A_186 : memref<1x!tpu.dma_semaphore, #tpu.memory_space<semaphore_mem>> -> memref<!tpu.dma_semaphore, #tpu.memory_space<semaphore_mem>>
    %dma_start3A_188 = arith.constant 0 : i32
    %dma_start3A_189 = tpu.memref_slice %arg5[%dma_start3A_180, %dma_start3A_188] : memref<5x128xi32, #tpu.memory_space<vmem>> -> memref<1x128xi32, #tpu.memory_space<vmem>>
    %dma_start3A_190 = tpu.memref_squeeze %dma_start3A_189 : memref<1x128xi32, #tpu.memory_space<vmem>> -> memref<128xi32, #tpu.memory_space<vmem>>
    %dma_start3A_191 = tpu.memref_slice %arg3[%mul3A_179] : memref<100000xi32, #tpu.memory_space<hbm>> -> memref<128xi32, #tpu.memory_space<hbm>>
    tpu.enqueue_dma source(%dma_start3A_191 : memref<128xi32, #tpu.memory_space<hbm>>) target(%dma_start3A_190 : memref<128xi32, #tpu.memory_space<vmem>>) target_semaphore(%dma_start3A_187 : memref<!tpu.dma_semaphore, #tpu.memory_space<semaphore_mem>>)
    %add3A_192 = arith.constant 64 : i32
    %add3A_193 = arith.addi %add3A, %add3A_192 : i32
    %mul3A_194 = arith.constant 128 : i32
    %mul3A_195 = arith.muli %add3A_193, %mul3A_194 : i32
    %dma_wait3A_196 = arith.constant 2 : i32
    %dma_wait3A_197 = arith.constant 2 : i32
    %dma_wait3A_198 = arith.constant 0 : i32
    %dma_wait3A_199 = tpu.memref_slice %arg5[%dma_wait3A_196, %dma_wait3A_198] : memref<5x128xi32, #tpu.memory_space<vmem>> -> memref<1x128xi32, #tpu.memory_space<vmem>>
    %dma_wait3A_200 = tpu.memref_squeeze %dma_wait3A_199 : memref<1x128xi32, #tpu.memory_space<vmem>> -> memref<128xi32, #tpu.memory_space<vmem>>
    %dma_wait3A_201 = tpu.memref_slice %arg3[%mul3A_195] : memref<100000xi32, #tpu.memory_space<hbm>> -> memref<128xi32, #tpu.memory_space<hbm>>
    %dma_wait3A_202 = tpu.memref_slice %arg9[%dma_wait3A_197] : memref<5x!tpu.dma_semaphore, #tpu.memory_space<semaphore_mem>> -> memref<1x!tpu.dma_semaphore, #tpu.memory_space<semaphore_mem>>
    %dma_wait3A_203 = tpu.memref_squeeze %dma_wait3A_202 : memref<1x!tpu.dma_semaphore, #tpu.memory_space<semaphore_mem>> -> memref<!tpu.dma_semaphore, #tpu.memory_space<semaphore_mem>>
    %dma_wait3A_204 = arith.constant 0 : i32
    %dma_wait3A_205 = tpu.memref_slice %arg5[%dma_wait3A_196, %dma_wait3A_204] : memref<5x128xi32, #tpu.memory_space<vmem>> -> memref<1x128xi32, #tpu.memory_space<vmem>>
    %dma_wait3A_206 = tpu.memref_squeeze %dma_wait3A_205 : memref<1x128xi32, #tpu.memory_space<vmem>> -> memref<128xi32, #tpu.memory_space<vmem>>
    %dma_wait3A_207 = tpu.memref_slice %arg3[%mul3A_195] : memref<100000xi32, #tpu.memory_space<hbm>> -> memref<128xi32, #tpu.memory_space<hbm>>
    tpu.wait_dma2 semaphore(%dma_wait3A_203 : memref<!tpu.dma_semaphore, #tpu.memory_space<semaphore_mem>>) src(%dma_wait3A_207 : memref<128xi32, #tpu.memory_space<hbm>>) dst(%dma_wait3A_206 : memref<128xi32, #tpu.memory_space<vmem>>)
    %dma_start3A_208 = arith.constant 2 : i32
    %dma_start3A_209 = arith.constant 2 : i32
    %dma_start3A_210 = arith.constant 2 : i32
    %dma_start3A_211 = arith.constant 0 : i32
    %dma_start3A_212 = arith.constant 0 : i32
    %dma_start3A_213 = tpu.memref_slice %arg6[%dma_start3A_209, %dma_start3A_211, %dma_start3A_212] : memref<5x128x128xf32, #tpu.memory_space<vmem>> -> memref<1x128x128xf32, #tpu.memory_space<vmem>>
    %dma_start3A_214 = tpu.memref_squeeze %dma_start3A_213 : memref<1x128x128xf32, #tpu.memory_space<vmem>> -> memref<128x128xf32, #tpu.memory_space<vmem>>
    %dma_start3A_215 = arith.constant 0 : i32
    %dma_start3A_216 = tpu.memref_slice %arg5[%dma_start3A_208, %dma_start3A_215] : memref<5x128xi32, #tpu.memory_space<vmem>> -> memref<1x128xi32, #tpu.memory_space<vmem>>
    %dma_start3A_217 = tpu.memref_squeeze %dma_start3A_216 : memref<1x128xi32, #tpu.memory_space<vmem>> -> memref<128xi32, #tpu.memory_space<vmem>>
    %dma_start3A_218 = arith.constant 0 : i32
    %dma_start3A_219 = arith.constant 0 : i32
    %dma_start3A_220 = tpu.memref_slice %arg2[%dma_start3A_218, %dma_start3A_219] : memref<100x128xf32, #tpu.memory_space<hbm>> -> memref<100x128xf32, #tpu.memory_space<hbm>>
    %dma_start3A_221 = tpu.memref_slice %arg10[%dma_start3A_210] : memref<5x!tpu.dma_semaphore, #tpu.memory_space<semaphore_mem>> -> memref<1x!tpu.dma_semaphore, #tpu.memory_space<semaphore_mem>>
    %dma_start3A_222 = tpu.memref_squeeze %dma_start3A_221 : memref<1x!tpu.dma_semaphore, #tpu.memory_space<semaphore_mem>> -> memref<!tpu.dma_semaphore, #tpu.memory_space<semaphore_mem>>
    tpu.enqueue_indirect_dma source(%dma_start3A_220 : memref<100x128xf32, #tpu.memory_space<hbm>>) target(%dma_start3A_214 : memref<128x128xf32, #tpu.memory_space<vmem>>) offsets(%dma_start3A_217 : memref<128xi32, #tpu.memory_space<vmem>>) semaphore(%dma_start3A_222 : memref<!tpu.dma_semaphore, #tpu.memory_space<semaphore_mem>>)
    %dma_wait3A_223 = arith.constant 1 : i32
    %dma_wait3A_224 = arith.constant 1 : i32
    %dma_wait3A_225 = arith.constant 1 : i32
    %dma_wait3A_226 = arith.constant 0 : i32
    %dma_wait3A_227 = arith.constant 0 : i32
    %dma_wait3A_228 = tpu.memref_slice %arg6[%dma_wait3A_224, %dma_wait3A_226, %dma_wait3A_227] : memref<5x128x128xf32, #tpu.memory_space<vmem>> -> memref<1x128x128xf32, #tpu.memory_space<vmem>>
    %dma_wait3A_229 = tpu.memref_squeeze %dma_wait3A_228 : memref<1x128x128xf32, #tpu.memory_space<vmem>> -> memref<128x128xf32, #tpu.memory_space<vmem>>
    %dma_wait3A_230 = arith.constant 0 : i32
    %dma_wait3A_231 = tpu.memref_slice %arg5[%dma_wait3A_223, %dma_wait3A_230] : memref<5x128xi32, #tpu.memory_space<vmem>> -> memref<1x128xi32, #tpu.memory_space<vmem>>
    %dma_wait3A_232 = tpu.memref_squeeze %dma_wait3A_231 : memref<1x128xi32, #tpu.memory_space<vmem>> -> memref<128xi32, #tpu.memory_space<vmem>>
    %dma_wait3A_233 = arith.constant 0 : i32
    %dma_wait3A_234 = arith.constant 0 : i32
    %dma_wait3A_235 = tpu.memref_slice %arg2[%dma_wait3A_233, %dma_wait3A_234] : memref<100x128xf32, #tpu.memory_space<hbm>> -> memref<100x128xf32, #tpu.memory_space<hbm>>
    %dma_wait3A_236 = tpu.memref_slice %arg10[%dma_wait3A_225] : memref<5x!tpu.dma_semaphore, #tpu.memory_space<semaphore_mem>> -> memref<1x!tpu.dma_semaphore, #tpu.memory_space<semaphore_mem>>
    %dma_wait3A_237 = tpu.memref_squeeze %dma_wait3A_236 : memref<1x!tpu.dma_semaphore, #tpu.memory_space<semaphore_mem>> -> memref<!tpu.dma_semaphore, #tpu.memory_space<semaphore_mem>>
    tpu.wait_indirect_dma semaphore(%dma_wait3A_237 : memref<!tpu.dma_semaphore, #tpu.memory_space<semaphore_mem>>) src(%dma_wait3A_235 : memref<100x128xf32, #tpu.memory_space<hbm>>) dst(%dma_wait3A_229 : memref<128x128xf32, #tpu.memory_space<vmem>>)
    %add3A_238 = arith.constant 32 : i32
    %add3A_239 = arith.addi %add3A, %add3A_238 : i32
    %mul3A_240 = arith.constant 128 : i32
    %mul3A_241 = arith.muli %add3A_239, %mul3A_240 : i32
    %dma_start3A_242 = arith.constant 1 : i32
    %dma_start3A_243 = arith.constant 1 : i32
    %dma_start3A_244 = arith.constant 0 : i32
    %dma_start3A_245 = arith.constant 0 : i32
    %dma_start3A_246 = tpu.memref_slice %arg6[%dma_start3A_242, %dma_start3A_244, %dma_start3A_245] : memref<5x128x128xf32, #tpu.memory_space<vmem>> -> memref<1x128x128xf32, #tpu.memory_space<vmem>>
    %dma_start3A_247 = tpu.memref_squeeze %dma_start3A_246 : memref<1x128x128xf32, #tpu.memory_space<vmem>> -> memref<128x128xf32, #tpu.memory_space<vmem>>
    %dma_start3A_248 = arith.constant 0 : i32
    %dma_start3A_249 = tpu.memref_slice %arg4[%mul3A_241, %dma_start3A_248] : memref<100000x128xf32, #tpu.memory_space<hbm>> -> memref<128x128xf32, #tpu.memory_space<hbm>>
    %dma_start3A_250 = tpu.memref_slice %arg11[%dma_start3A_243] : memref<5x!tpu.dma_semaphore, #tpu.memory_space<semaphore_mem>> -> memref<1x!tpu.dma_semaphore, #tpu.memory_space<semaphore_mem>>
    %dma_start3A_251 = tpu.memref_squeeze %dma_start3A_250 : memref<1x!tpu.dma_semaphore, #tpu.memory_space<semaphore_mem>> -> memref<!tpu.dma_semaphore, #tpu.memory_space<semaphore_mem>>
    %dma_start3A_252 = arith.constant 0 : i32
    %dma_start3A_253 = tpu.memref_slice %arg4[%mul3A_241, %dma_start3A_252] : memref<100000x128xf32, #tpu.memory_space<hbm>> -> memref<128x128xf32, #tpu.memory_space<hbm>>
    %dma_start3A_254 = arith.constant 0 : i32
    %dma_start3A_255 = arith.constant 0 : i32
    %dma_start3A_256 = tpu.memref_slice %arg6[%dma_start3A_242, %dma_start3A_254, %dma_start3A_255] : memref<5x128x128xf32, #tpu.memory_space<vmem>> -> memref<1x128x128xf32, #tpu.memory_space<vmem>>
    %dma_start3A_257 = tpu.memref_squeeze %dma_start3A_256 : memref<1x128x128xf32, #tpu.memory_space<vmem>> -> memref<128x128xf32, #tpu.memory_space<vmem>>
    tpu.enqueue_dma source(%dma_start3A_257 : memref<128x128xf32, #tpu.memory_space<vmem>>) target(%dma_start3A_253 : memref<128x128xf32, #tpu.memory_space<hbm>>) target_semaphore(%dma_start3A_251 : memref<!tpu.dma_semaphore, #tpu.memory_space<semaphore_mem>>)
    %add3A_258 = arith.constant 192 : i32
    %add3A_259 = arith.addi %add3A, %add3A_258 : i32
    %mul3A_260 = arith.constant 128 : i32
    %mul3A_261 = arith.muli %add3A_259, %mul3A_260 : i32
    %dma_start3A_262 = arith.constant 1 : i32
    %dma_start3A_263 = arith.constant 1 : i32
    %dma_start3A_264 = arith.constant 0 : i32
    %dma_start3A_265 = tpu.memref_slice %arg5[%dma_start3A_262, %dma_start3A_264] : memref<5x128xi32, #tpu.memory_space<vmem>> -> memref<1x128xi32, #tpu.memory_space<vmem>>
    %dma_start3A_266 = tpu.memref_squeeze %dma_start3A_265 : memref<1x128xi32, #tpu.memory_space<vmem>> -> memref<128xi32, #tpu.memory_space<vmem>>
    %dma_start3A_267 = tpu.memref_slice %arg3[%mul3A_261] : memref<100000xi32, #tpu.memory_space<hbm>> -> memref<128xi32, #tpu.memory_space<hbm>>
    %dma_start3A_268 = tpu.memref_slice %arg9[%dma_start3A_263] : memref<5x!tpu.dma_semaphore, #tpu.memory_space<semaphore_mem>> -> memref<1x!tpu.dma_semaphore, #tpu.memory_space<semaphore_mem>>
    %dma_start3A_269 = tpu.memref_squeeze %dma_start3A_268 : memref<1x!tpu.dma_semaphore, #tpu.memory_space<semaphore_mem>> -> memref<!tpu.dma_semaphore, #tpu.memory_space<semaphore_mem>>
    %dma_start3A_270 = arith.constant 0 : i32
    %dma_start3A_271 = tpu.memref_slice %arg5[%dma_start3A_262, %dma_start3A_270] : memref<5x128xi32, #tpu.memory_space<vmem>> -> memref<1x128xi32, #tpu.memory_space<vmem>>
    %dma_start3A_272 = tpu.memref_squeeze %dma_start3A_271 : memref<1x128xi32, #tpu.memory_space<vmem>> -> memref<128xi32, #tpu.memory_space<vmem>>
    %dma_start3A_273 = tpu.memref_slice %arg3[%mul3A_261] : memref<100000xi32, #tpu.memory_space<hbm>> -> memref<128xi32, #tpu.memory_space<hbm>>
    tpu.enqueue_dma source(%dma_start3A_273 : memref<128xi32, #tpu.memory_space<hbm>>) target(%dma_start3A_272 : memref<128xi32, #tpu.memory_space<vmem>>) target_semaphore(%dma_start3A_269 : memref<!tpu.dma_semaphore, #tpu.memory_space<semaphore_mem>>)
    %add3A_274 = arith.constant 96 : i32
    %add3A_275 = arith.addi %add3A, %add3A_274 : i32
    %mul3A_276 = arith.constant 128 : i32
    %mul3A_277 = arith.muli %add3A_275, %mul3A_276 : i32
    %dma_wait3A_278 = arith.constant 3 : i32
    %dma_wait3A_279 = arith.constant 3 : i32
    %dma_wait3A_280 = arith.constant 0 : i32
    %dma_wait3A_281 = tpu.memref_slice %arg5[%dma_wait3A_278, %dma_wait3A_280] : memref<5x128xi32, #tpu.memory_space<vmem>> -> memref<1x128xi32, #tpu.memory_space<vmem>>
    %dma_wait3A_282 = tpu.memref_squeeze %dma_wait3A_281 : memref<1x128xi32, #tpu.memory_space<vmem>> -> memref<128xi32, #tpu.memory_space<vmem>>
    %dma_wait3A_283 = tpu.memref_slice %arg3[%mul3A_277] : memref<100000xi32, #tpu.memory_space<hbm>> -> memref<128xi32, #tpu.memory_space<hbm>>
    %dma_wait3A_284 = tpu.memref_slice %arg9[%dma_wait3A_279] : memref<5x!tpu.dma_semaphore, #tpu.memory_space<semaphore_mem>> -> memref<1x!tpu.dma_semaphore, #tpu.memory_space<semaphore_mem>>
    %dma_wait3A_285 = tpu.memref_squeeze %dma_wait3A_284 : memref<1x!tpu.dma_semaphore, #tpu.memory_space<semaphore_mem>> -> memref<!tpu.dma_semaphore, #tpu.memory_space<semaphore_mem>>
    %dma_wait3A_286 = arith.constant 0 : i32
    %dma_wait3A_287 = tpu.memref_slice %arg5[%dma_wait3A_278, %dma_wait3A_286] : memref<5x128xi32, #tpu.memory_space<vmem>> -> memref<1x128xi32, #tpu.memory_space<vmem>>
    %dma_wait3A_288 = tpu.memref_squeeze %dma_wait3A_287 : memref<1x128xi32, #tpu.memory_space<vmem>> -> memref<128xi32, #tpu.memory_space<vmem>>
    %dma_wait3A_289 = tpu.memref_slice %arg3[%mul3A_277] : memref<100000xi32, #tpu.memory_space<hbm>> -> memref<128xi32, #tpu.memory_space<hbm>>
    tpu.wait_dma2 semaphore(%dma_wait3A_285 : memref<!tpu.dma_semaphore, #tpu.memory_space<semaphore_mem>>) src(%dma_wait3A_289 : memref<128xi32, #tpu.memory_space<hbm>>) dst(%dma_wait3A_288 : memref<128xi32, #tpu.memory_space<vmem>>)
    %dma_start3A_290 = arith.constant 3 : i32
    %dma_start3A_291 = arith.constant 3 : i32
    %dma_start3A_292 = arith.constant 3 : i32
    %dma_start3A_293 = arith.constant 0 : i32
    %dma_start3A_294 = arith.constant 0 : i32
    %dma_start3A_295 = tpu.memref_slice %arg6[%dma_start3A_291, %dma_start3A_293, %dma_start3A_294] : memref<5x128x128xf32, #tpu.memory_space<vmem>> -> memref<1x128x128xf32, #tpu.memory_space<vmem>>
    %dma_start3A_296 = tpu.memref_squeeze %dma_start3A_295 : memref<1x128x128xf32, #tpu.memory_space<vmem>> -> memref<128x128xf32, #tpu.memory_space<vmem>>
    %dma_start3A_297 = arith.constant 0 : i32
    %dma_start3A_298 = tpu.memref_slice %arg5[%dma_start3A_290, %dma_start3A_297] : memref<5x128xi32, #tpu.memory_space<vmem>> -> memref<1x128xi32, #tpu.memory_space<vmem>>
    %dma_start3A_299 = tpu.memref_squeeze %dma_start3A_298 : memref<1x128xi32, #tpu.memory_space<vmem>> -> memref<128xi32, #tpu.memory_space<vmem>>
    %dma_start3A_300 = arith.constant 0 : i32
    %dma_start3A_301 = arith.constant 0 : i32
    %dma_start3A_302 = tpu.memref_slice %arg2[%dma_start3A_300, %dma_start3A_301] : memref<100x128xf32, #tpu.memory_space<hbm>> -> memref<100x128xf32, #tpu.memory_space<hbm>>
    %dma_start3A_303 = tpu.memref_slice %arg10[%dma_start3A_292] : memref<5x!tpu.dma_semaphore, #tpu.memory_space<semaphore_mem>> -> memref<1x!tpu.dma_semaphore, #tpu.memory_space<semaphore_mem>>
    %dma_start3A_304 = tpu.memref_squeeze %dma_start3A_303 : memref<1x!tpu.dma_semaphore, #tpu.memory_space<semaphore_mem>> -> memref<!tpu.dma_semaphore, #tpu.memory_space<semaphore_mem>>
    tpu.enqueue_indirect_dma source(%dma_start3A_302 : memref<100x128xf32, #tpu.memory_space<hbm>>) target(%dma_start3A_296 : memref<128x128xf32, #tpu.memory_space<vmem>>) offsets(%dma_start3A_299 : memref<128xi32, #tpu.memory_space<vmem>>) semaphore(%dma_start3A_304 : memref<!tpu.dma_semaphore, #tpu.memory_space<semaphore_mem>>)
    %dma_wait3A_305 = arith.constant 2 : i32
    %dma_wait3A_306 = arith.constant 2 : i32
    %dma_wait3A_307 = arith.constant 2 : i32
    %dma_wait3A_308 = arith.constant 0 : i32
    %dma_wait3A_309 = arith.constant 0 : i32
    %dma_wait3A_310 = tpu.memref_slice %arg6[%dma_wait3A_306, %dma_wait3A_308, %dma_wait3A_309] : memref<5x128x128xf32, #tpu.memory_space<vmem>> -> memref<1x128x128xf32, #tpu.memory_space<vmem>>
    %dma_wait3A_311 = tpu.memref_squeeze %dma_wait3A_310 : memref<1x128x128xf32, #tpu.memory_space<vmem>> -> memref<128x128xf32, #tpu.memory_space<vmem>>
    %dma_wait3A_312 = arith.constant 0 : i32
    %dma_wait3A_313 = tpu.memref_slice %arg5[%dma_wait3A_305, %dma_wait3A_312] : memref<5x128xi32, #tpu.memory_space<vmem>> -> memref<1x128xi32, #tpu.memory_space<vmem>>
    %dma_wait3A_314 = tpu.memref_squeeze %dma_wait3A_313 : memref<1x128xi32, #tpu.memory_space<vmem>> -> memref<128xi32, #tpu.memory_space<vmem>>
    %dma_wait3A_315 = arith.constant 0 : i32
    %dma_wait3A_316 = arith.constant 0 : i32
    %dma_wait3A_317 = tpu.memref_slice %arg2[%dma_wait3A_315, %dma_wait3A_316] : memref<100x128xf32, #tpu.memory_space<hbm>> -> memref<100x128xf32, #tpu.memory_space<hbm>>
    %dma_wait3A_318 = tpu.memref_slice %arg10[%dma_wait3A_307] : memref<5x!tpu.dma_semaphore, #tpu.memory_space<semaphore_mem>> -> memref<1x!tpu.dma_semaphore, #tpu.memory_space<semaphore_mem>>
    %dma_wait3A_319 = tpu.memref_squeeze %dma_wait3A_318 : memref<1x!tpu.dma_semaphore, #tpu.memory_space<semaphore_mem>> -> memref<!tpu.dma_semaphore, #tpu.memory_space<semaphore_mem>>
    tpu.wait_indirect_dma semaphore(%dma_wait3A_319 : memref<!tpu.dma_semaphore, #tpu.memory_space<semaphore_mem>>) src(%dma_wait3A_317 : memref<100x128xf32, #tpu.memory_space<hbm>>) dst(%dma_wait3A_311 : memref<128x128xf32, #tpu.memory_space<vmem>>)
    %add3A_320 = arith.constant 64 : i32
    %add3A_321 = arith.addi %add3A, %add3A_320 : i32
    %mul3A_322 = arith.constant 128 : i32
    %mul3A_323 = arith.muli %add3A_321, %mul3A_322 : i32
    %dma_start3A_324 = arith.constant 2 : i32
    %dma_start3A_325 = arith.constant 2 : i32
    %dma_start3A_326 = arith.constant 0 : i32
    %dma_start3A_327 = arith.constant 0 : i32
    %dma_start3A_328 = tpu.memref_slice %arg6[%dma_start3A_324, %dma_start3A_326, %dma_start3A_327] : memref<5x128x128xf32, #tpu.memory_space<vmem>> -> memref<1x128x128xf32, #tpu.memory_space<vmem>>
    %dma_start3A_329 = tpu.memref_squeeze %dma_start3A_328 : memref<1x128x128xf32, #tpu.memory_space<vmem>> -> memref<128x128xf32, #tpu.memory_space<vmem>>
    %dma_start3A_330 = arith.constant 0 : i32
    %dma_start3A_331 = tpu.memref_slice %arg4[%mul3A_323, %dma_start3A_330] : memref<100000x128xf32, #tpu.memory_space<hbm>> -> memref<128x128xf32, #tpu.memory_space<hbm>>
    %dma_start3A_332 = tpu.memref_slice %arg11[%dma_start3A_325] : memref<5x!tpu.dma_semaphore, #tpu.memory_space<semaphore_mem>> -> memref<1x!tpu.dma_semaphore, #tpu.memory_space<semaphore_mem>>
    %dma_start3A_333 = tpu.memref_squeeze %dma_start3A_332 : memref<1x!tpu.dma_semaphore, #tpu.memory_space<semaphore_mem>> -> memref<!tpu.dma_semaphore, #tpu.memory_space<semaphore_mem>>
    %dma_start3A_334 = arith.constant 0 : i32
    %dma_start3A_335 = tpu.memref_slice %arg4[%mul3A_323, %dma_start3A_334] : memref<100000x128xf32, #tpu.memory_space<hbm>> -> memref<128x128xf32, #tpu.memory_space<hbm>>
    %dma_start3A_336 = arith.constant 0 : i32
    %dma_start3A_337 = arith.constant 0 : i32
    %dma_start3A_338 = tpu.memref_slice %arg6[%dma_start3A_324, %dma_start3A_336, %dma_start3A_337] : memref<5x128x128xf32, #tpu.memory_space<vmem>> -> memref<1x128x128xf32, #tpu.memory_space<vmem>>
    %dma_start3A_339 = tpu.memref_squeeze %dma_start3A_338 : memref<1x128x128xf32, #tpu.memory_space<vmem>> -> memref<128x128xf32, #tpu.memory_space<vmem>>
    tpu.enqueue_dma source(%dma_start3A_339 : memref<128x128xf32, #tpu.memory_space<vmem>>) target(%dma_start3A_335 : memref<128x128xf32, #tpu.memory_space<hbm>>) target_semaphore(%dma_start3A_333 : memref<!tpu.dma_semaphore, #tpu.memory_space<semaphore_mem>>)
    %add3A_340 = arith.constant 224 : i32
    %add3A_341 = arith.addi %add3A, %add3A_340 : i32
    %mul3A_342 = arith.constant 128 : i32
    %mul3A_343 = arith.muli %add3A_341, %mul3A_342 : i32
    %dma_start3A_344 = arith.constant 2 : i32
    %dma_start3A_345 = arith.constant 2 : i32
    %dma_start3A_346 = arith.constant 0 : i32
    %dma_start3A_347 = tpu.memref_slice %arg5[%dma_start3A_344, %dma_start3A_346] : memref<5x128xi32, #tpu.memory_space<vmem>> -> memref<1x128xi32, #tpu.memory_space<vmem>>
    %dma_start3A_348 = tpu.memref_squeeze %dma_start3A_347 : memref<1x128xi32, #tpu.memory_space<vmem>> -> memref<128xi32, #tpu.memory_space<vmem>>
    %dma_start3A_349 = tpu.memref_slice %arg3[%mul3A_343] : memref<100000xi32, #tpu.memory_space<hbm>> -> memref<128xi32, #tpu.memory_space<hbm>>
    %dma_start3A_350 = tpu.memref_slice %arg9[%dma_start3A_345] : memref<5x!tpu.dma_semaphore, #tpu.memory_space<semaphore_mem>> -> memref<1x!tpu.dma_semaphore, #tpu.memory_space<semaphore_mem>>
    %dma_start3A_351 = tpu.memref_squeeze %dma_start3A_350 : memref<1x!tpu.dma_semaphore, #tpu.memory_space<semaphore_mem>> -> memref<!tpu.dma_semaphore, #tpu.memory_space<semaphore_mem>>
    %dma_start3A_352 = arith.constant 0 : i32
    %dma_start3A_353 = tpu.memref_slice %arg5[%dma_start3A_344, %dma_start3A_352] : memref<5x128xi32, #tpu.memory_space<vmem>> -> memref<1x128xi32, #tpu.memory_space<vmem>>
    %dma_start3A_354 = tpu.memref_squeeze %dma_start3A_353 : memref<1x128xi32, #tpu.memory_space<vmem>> -> memref<128xi32, #tpu.memory_space<vmem>>
    %dma_start3A_355 = tpu.memref_slice %arg3[%mul3A_343] : memref<100000xi32, #tpu.memory_space<hbm>> -> memref<128xi32, #tpu.memory_space<hbm>>
    tpu.enqueue_dma source(%dma_start3A_355 : memref<128xi32, #tpu.memory_space<hbm>>) target(%dma_start3A_354 : memref<128xi32, #tpu.memory_space<vmem>>) target_semaphore(%dma_start3A_351 : memref<!tpu.dma_semaphore, #tpu.memory_space<semaphore_mem>>)
    %add3A_356 = arith.constant 128 : i32
    %add3A_357 = arith.addi %add3A, %add3A_356 : i32
    %mul3A_358 = arith.constant 128 : i32
    %mul3A_359 = arith.muli %add3A_357, %mul3A_358 : i32
    %dma_wait3A_360 = arith.constant 4 : i32
    %dma_wait3A_361 = arith.constant 4 : i32
    %dma_wait3A_362 = arith.constant 0 : i32
    %dma_wait3A_363 = tpu.memref_slice %arg5[%dma_wait3A_360, %dma_wait3A_362] : memref<5x128xi32, #tpu.memory_space<vmem>> -> memref<1x128xi32, #tpu.memory_space<vmem>>
    %dma_wait3A_364 = tpu.memref_squeeze %dma_wait3A_363 : memref<1x128xi32, #tpu.memory_space<vmem>> -> memref<128xi32, #tpu.memory_space<vmem>>
    %dma_wait3A_365 = tpu.memref_slice %arg3[%mul3A_359] : memref<100000xi32, #tpu.memory_space<hbm>> -> memref<128xi32, #tpu.memory_space<hbm>>
    %dma_wait3A_366 = tpu.memref_slice %arg9[%dma_wait3A_361] : memref<5x!tpu.dma_semaphore, #tpu.memory_space<semaphore_mem>> -> memref<1x!tpu.dma_semaphore, #tpu.memory_space<semaphore_mem>>
    %dma_wait3A_367 = tpu.memref_squeeze %dma_wait3A_366 : memref<1x!tpu.dma_semaphore, #tpu.memory_space<semaphore_mem>> -> memref<!tpu.dma_semaphore, #tpu.memory_space<semaphore_mem>>
    %dma_wait3A_368 = arith.constant 0 : i32
    %dma_wait3A_369 = tpu.memref_slice %arg5[%dma_wait3A_360, %dma_wait3A_368] : memref<5x128xi32, #tpu.memory_space<vmem>> -> memref<1x128xi32, #tpu.memory_space<vmem>>
    %dma_wait3A_370 = tpu.memref_squeeze %dma_wait3A_369 : memref<1x128xi32, #tpu.memory_space<vmem>> -> memref<128xi32, #tpu.memory_space<vmem>>
    %dma_wait3A_371 = tpu.memref_slice %arg3[%mul3A_359] : memref<100000xi32, #tpu.memory_space<hbm>> -> memref<128xi32, #tpu.memory_space<hbm>>
    tpu.wait_dma2 semaphore(%dma_wait3A_367 : memref<!tpu.dma_semaphore, #tpu.memory_space<semaphore_mem>>) src(%dma_wait3A_371 : memref<128xi32, #tpu.memory_space<hbm>>) dst(%dma_wait3A_370 : memref<128xi32, #tpu.memory_space<vmem>>)
    %dma_start3A_372 = arith.constant 4 : i32
    %dma_start3A_373 = arith.constant 4 : i32
    %dma_start3A_374 = arith.constant 4 : i32
    %dma_start3A_375 = arith.constant 0 : i32
    %dma_start3A_376 = arith.constant 0 : i32
    %dma_start3A_377 = tpu.memref_slice %arg6[%dma_start3A_373, %dma_start3A_375, %dma_start3A_376] : memref<5x128x128xf32, #tpu.memory_space<vmem>> -> memref<1x128x128xf32, #tpu.memory_space<vmem>>
    %dma_start3A_378 = tpu.memref_squeeze %dma_start3A_377 : memref<1x128x128xf32, #tpu.memory_space<vmem>> -> memref<128x128xf32, #tpu.memory_space<vmem>>
    %dma_start3A_379 = arith.constant 0 : i32
    %dma_start3A_380 = tpu.memref_slice %arg5[%dma_start3A_372, %dma_start3A_379] : memref<5x128xi32, #tpu.memory_space<vmem>> -> memref<1x128xi32, #tpu.memory_space<vmem>>
    %dma_start3A_381 = tpu.memref_squeeze %dma_start3A_380 : memref<1x128xi32, #tpu.memory_space<vmem>> -> memref<128xi32, #tpu.memory_space<vmem>>
    %dma_start3A_382 = arith.constant 0 : i32
    %dma_start3A_383 = arith.constant 0 : i32
    %dma_start3A_384 = tpu.memref_slice %arg2[%dma_start3A_382, %dma_start3A_383] : memref<100x128xf32, #tpu.memory_space<hbm>> -> memref<100x128xf32, #tpu.memory_space<hbm>>
    %dma_start3A_385 = tpu.memref_slice %arg10[%dma_start3A_374] : memref<5x!tpu.dma_semaphore, #tpu.memory_space<semaphore_mem>> -> memref<1x!tpu.dma_semaphore, #tpu.memory_space<semaphore_mem>>
    %dma_start3A_386 = tpu.memref_squeeze %dma_start3A_385 : memref<1x!tpu.dma_semaphore, #tpu.memory_space<semaphore_mem>> -> memref<!tpu.dma_semaphore, #tpu.memory_space<semaphore_mem>>
    tpu.enqueue_indirect_dma source(%dma_start3A_384 : memref<100x128xf32, #tpu.memory_space<hbm>>) target(%dma_start3A_378 : memref<128x128xf32, #tpu.memory_space<vmem>>) offsets(%dma_start3A_381 : memref<128xi32, #tpu.memory_space<vmem>>) semaphore(%dma_start3A_386 : memref<!tpu.dma_semaphore, #tpu.memory_space<semaphore_mem>>)
    %dma_wait3A_387 = arith.constant 3 : i32
    %dma_wait3A_388 = arith.constant 3 : i32
    %dma_wait3A_389 = arith.constant 3 : i32
    %dma_wait3A_390 = arith.constant 0 : i32
    %dma_wait3A_391 = arith.constant 0 : i32
    %dma_wait3A_392 = tpu.memref_slice %arg6[%dma_wait3A_388, %dma_wait3A_390, %dma_wait3A_391] : memref<5x128x128xf32, #tpu.memory_space<vmem>> -> memref<1x128x128xf32, #tpu.memory_space<vmem>>
    %dma_wait3A_393 = tpu.memref_squeeze %dma_wait3A_392 : memref<1x128x128xf32, #tpu.memory_space<vmem>> -> memref<128x128xf32, #tpu.memory_space<vmem>>
    %dma_wait3A_394 = arith.constant 0 : i32
    %dma_wait3A_395 = tpu.memref_slice %arg5[%dma_wait3A_387, %dma_wait3A_394] : memref<5x128xi32, #tpu.memory_space<vmem>> -> memref<1x128xi32, #tpu.memory_space<vmem>>
    %dma_wait3A_396 = tpu.memref_squeeze %dma_wait3A_395 : memref<1x128xi32, #tpu.memory_space<vmem>> -> memref<128xi32, #tpu.memory_space<vmem>>
    %dma_wait3A_397 = arith.constant 0 : i32
    %dma_wait3A_398 = arith.constant 0 : i32
    %dma_wait3A_399 = tpu.memref_slice %arg2[%dma_wait3A_397, %dma_wait3A_398] : memref<100x128xf32, #tpu.memory_space<hbm>> -> memref<100x128xf32, #tpu.memory_space<hbm>>
    %dma_wait3A_400 = tpu.memref_slice %arg10[%dma_wait3A_389] : memref<5x!tpu.dma_semaphore, #tpu.memory_space<semaphore_mem>> -> memref<1x!tpu.dma_semaphore, #tpu.memory_space<semaphore_mem>>
    %dma_wait3A_401 = tpu.memref_squeeze %dma_wait3A_400 : memref<1x!tpu.dma_semaphore, #tpu.memory_space<semaphore_mem>> -> memref<!tpu.dma_semaphore, #tpu.memory_space<semaphore_mem>>
    tpu.wait_indirect_dma semaphore(%dma_wait3A_401 : memref<!tpu.dma_semaphore, #tpu.memory_space<semaphore_mem>>) src(%dma_wait3A_399 : memref<100x128xf32, #tpu.memory_space<hbm>>) dst(%dma_wait3A_393 : memref<128x128xf32, #tpu.memory_space<vmem>>)
    %add3A_402 = arith.constant 96 : i32
    %add3A_403 = arith.addi %add3A, %add3A_402 : i32
    %mul3A_404 = arith.constant 128 : i32
    %mul3A_405 = arith.muli %add3A_403, %mul3A_404 : i32
    %dma_start3A_406 = arith.constant 3 : i32
    %dma_start3A_407 = arith.constant 3 : i32
    %dma_start3A_408 = arith.constant 0 : i32
    %dma_start3A_409 = arith.constant 0 : i32
    %dma_start3A_410 = tpu.memref_slice %arg6[%dma_start3A_406, %dma_start3A_408, %dma_start3A_409] : memref<5x128x128xf32, #tpu.memory_space<vmem>> -> memref<1x128x128xf32, #tpu.memory_space<vmem>>
    %dma_start3A_411 = tpu.memref_squeeze %dma_start3A_410 : memref<1x128x128xf32, #tpu.memory_space<vmem>> -> memref<128x128xf32, #tpu.memory_space<vmem>>
    %dma_start3A_412 = arith.constant 0 : i32
    %dma_start3A_413 = tpu.memref_slice %arg4[%mul3A_405, %dma_start3A_412] : memref<100000x128xf32, #tpu.memory_space<hbm>> -> memref<128x128xf32, #tpu.memory_space<hbm>>
    %dma_start3A_414 = tpu.memref_slice %arg11[%dma_start3A_407] : memref<5x!tpu.dma_semaphore, #tpu.memory_space<semaphore_mem>> -> memref<1x!tpu.dma_semaphore, #tpu.memory_space<semaphore_mem>>
    %dma_start3A_415 = tpu.memref_squeeze %dma_start3A_414 : memref<1x!tpu.dma_semaphore, #tpu.memory_space<semaphore_mem>> -> memref<!tpu.dma_semaphore, #tpu.memory_space<semaphore_mem>>
    %dma_start3A_416 = arith.constant 0 : i32
    %dma_start3A_417 = tpu.memref_slice %arg4[%mul3A_405, %dma_start3A_416] : memref<100000x128xf32, #tpu.memory_space<hbm>> -> memref<128x128xf32, #tpu.memory_space<hbm>>
    %dma_start3A_418 = arith.constant 0 : i32
    %dma_start3A_419 = arith.constant 0 : i32
    %dma_start3A_420 = tpu.memref_slice %arg6[%dma_start3A_406, %dma_start3A_418, %dma_start3A_419] : memref<5x128x128xf32, #tpu.memory_space<vmem>> -> memref<1x128x128xf32, #tpu.memory_space<vmem>>
    %dma_start3A_421 = tpu.memref_squeeze %dma_start3A_420 : memref<1x128x128xf32, #tpu.memory_space<vmem>> -> memref<128x128xf32, #tpu.memory_space<vmem>>
    tpu.enqueue_dma source(%dma_start3A_421 : memref<128x128xf32, #tpu.memory_space<vmem>>) target(%dma_start3A_417 : memref<128x128xf32, #tpu.memory_space<hbm>>) target_semaphore(%dma_start3A_415 : memref<!tpu.dma_semaphore, #tpu.memory_space<semaphore_mem>>)
    %add3A_422 = arith.constant 256 : i32
    %add3A_423 = arith.addi %add3A, %add3A_422 : i32
    %mul3A_424 = arith.constant 128 : i32
    %mul3A_425 = arith.muli %add3A_423, %mul3A_424 : i32
    %dma_start3A_426 = arith.constant 3 : i32
    %dma_start3A_427 = arith.constant 3 : i32
    %dma_start3A_428 = arith.constant 0 : i32
    %dma_start3A_429 = tpu.memref_slice %arg5[%dma_start3A_426, %dma_start3A_428] : memref<5x128xi32, #tpu.memory_space<vmem>> -> memref<1x128xi32, #tpu.memory_space<vmem>>
    %dma_start3A_430 = tpu.memref_squeeze %dma_start3A_429 : memref<1x128xi32, #tpu.memory_space<vmem>> -> memref<128xi32, #tpu.memory_space<vmem>>
    %dma_start3A_431 = tpu.memref_slice %arg3[%mul3A_425] : memref<100000xi32, #tpu.memory_space<hbm>> -> memref<128xi32, #tpu.memory_space<hbm>>
    %dma_start3A_432 = tpu.memref_slice %arg9[%dma_start3A_427] : memref<5x!tpu.dma_semaphore, #tpu.memory_space<semaphore_mem>> -> memref<1x!tpu.dma_semaphore, #tpu.memory_space<semaphore_mem>>
    %dma_start3A_433 = tpu.memref_squeeze %dma_start3A_432 : memref<1x!tpu.dma_semaphore, #tpu.memory_space<semaphore_mem>> -> memref<!tpu.dma_semaphore, #tpu.memory_space<semaphore_mem>>
    %dma_start3A_434 = arith.constant 0 : i32
    %dma_start3A_435 = tpu.memref_slice %arg5[%dma_start3A_426, %dma_start3A_434] : memref<5x128xi32, #tpu.memory_space<vmem>> -> memref<1x128xi32, #tpu.memory_space<vmem>>
    %dma_start3A_436 = tpu.memref_squeeze %dma_start3A_435 : memref<1x128xi32, #tpu.memory_space<vmem>> -> memref<128xi32, #tpu.memory_space<vmem>>
    %dma_start3A_437 = tpu.memref_slice %arg3[%mul3A_425] : memref<100000xi32, #tpu.memory_space<hbm>> -> memref<128xi32, #tpu.memory_space<hbm>>
    tpu.enqueue_dma source(%dma_start3A_437 : memref<128xi32, #tpu.memory_space<hbm>>) target(%dma_start3A_436 : memref<128xi32, #tpu.memory_space<vmem>>) target_semaphore(%dma_start3A_433 : memref<!tpu.dma_semaphore, #tpu.memory_space<semaphore_mem>>)
    %add3A_438 = arith.constant 160 : i32
    %add3A_439 = arith.addi %add3A, %add3A_438 : i32
    %mul3A_440 = arith.constant 128 : i32
    %mul3A_441 = arith.muli %add3A_439, %mul3A_440 : i32
    %dma_wait3A_442 = arith.constant 0 : i32
    %dma_wait3A_443 = arith.constant 0 : i32
    %dma_wait3A_444 = arith.constant 0 : i32
    %dma_wait3A_445 = tpu.memref_slice %arg5[%dma_wait3A_442, %dma_wait3A_444] : memref<5x128xi32, #tpu.memory_space<vmem>> -> memref<1x128xi32, #tpu.memory_space<vmem>>
    %dma_wait3A_446 = tpu.memref_squeeze %dma_wait3A_445 : memref<1x128xi32, #tpu.memory_space<vmem>> -> memref<128xi32, #tpu.memory_space<vmem>>
    %dma_wait3A_447 = tpu.memref_slice %arg3[%mul3A_441] : memref<100000xi32, #tpu.memory_space<hbm>> -> memref<128xi32, #tpu.memory_space<hbm>>
    %dma_wait3A_448 = tpu.memref_slice %arg9[%dma_wait3A_443] : memref<5x!tpu.dma_semaphore, #tpu.memory_space<semaphore_mem>> -> memref<1x!tpu.dma_semaphore, #tpu.memory_space<semaphore_mem>>
    %dma_wait3A_449 = tpu.memref_squeeze %dma_wait3A_448 : memref<1x!tpu.dma_semaphore, #tpu.memory_space<semaphore_mem>> -> memref<!tpu.dma_semaphore, #tpu.memory_space<semaphore_mem>>
    %dma_wait3A_450 = arith.constant 0 : i32
    %dma_wait3A_451 = tpu.memref_slice %arg5[%dma_wait3A_442, %dma_wait3A_450] : memref<5x128xi32, #tpu.memory_space<vmem>> -> memref<1x128xi32, #tpu.memory_space<vmem>>
    %dma_wait3A_452 = tpu.memref_squeeze %dma_wait3A_451 : memref<1x128xi32, #tpu.memory_space<vmem>> -> memref<128xi32, #tpu.memory_space<vmem>>
    %dma_wait3A_453 = tpu.memref_slice %arg3[%mul3A_441] : memref<100000xi32, #tpu.memory_space<hbm>> -> memref<128xi32, #tpu.memory_space<hbm>>
    tpu.wait_dma2 semaphore(%dma_wait3A_449 : memref<!tpu.dma_semaphore, #tpu.memory_space<semaphore_mem>>) src(%dma_wait3A_453 : memref<128xi32, #tpu.memory_space<hbm>>) dst(%dma_wait3A_452 : memref<128xi32, #tpu.memory_space<vmem>>)
    %add3A_454 = arith.constant 0 : i32
    %add3A_455 = arith.addi %add3A, %add3A_454 : i32
    %mul3A_456 = arith.constant 128 : i32
    %mul3A_457 = arith.muli %add3A_455, %mul3A_456 : i32
    %dma_wait3A_458 = arith.constant 0 : i32
    %dma_wait3A_459 = arith.constant 0 : i32
    %dma_wait3A_460 = arith.constant 0 : i32
    %dma_wait3A_461 = arith.constant 0 : i32
    %dma_wait3A_462 = tpu.memref_slice %arg6[%dma_wait3A_458, %dma_wait3A_460, %dma_wait3A_461] : memref<5x128x128xf32, #tpu.memory_space<vmem>> -> memref<1x128x128xf32, #tpu.memory_space<vmem>>
    %dma_wait3A_463 = tpu.memref_squeeze %dma_wait3A_462 : memref<1x128x128xf32, #tpu.memory_space<vmem>> -> memref<128x128xf32, #tpu.memory_space<vmem>>
    %dma_wait3A_464 = arith.constant 0 : i32
    %dma_wait3A_465 = tpu.memref_slice %arg4[%mul3A_457, %dma_wait3A_464] : memref<100000x128xf32, #tpu.memory_space<hbm>> -> memref<128x128xf32, #tpu.memory_space<hbm>>
    %dma_wait3A_466 = tpu.memref_slice %arg11[%dma_wait3A_459] : memref<5x!tpu.dma_semaphore, #tpu.memory_space<semaphore_mem>> -> memref<1x!tpu.dma_semaphore, #tpu.memory_space<semaphore_mem>>
    %dma_wait3A_467 = tpu.memref_squeeze %dma_wait3A_466 : memref<1x!tpu.dma_semaphore, #tpu.memory_space<semaphore_mem>> -> memref<!tpu.dma_semaphore, #tpu.memory_space<semaphore_mem>>
    %dma_wait3A_468 = arith.constant 0 : i32
    %dma_wait3A_469 = tpu.memref_slice %arg4[%mul3A_457, %dma_wait3A_468] : memref<100000x128xf32, #tpu.memory_space<hbm>> -> memref<128x128xf32, #tpu.memory_space<hbm>>
    %dma_wait3A_470 = arith.constant 0 : i32
    %dma_wait3A_471 = arith.constant 0 : i32
    %dma_wait3A_472 = tpu.memref_slice %arg6[%dma_wait3A_458, %dma_wait3A_470, %dma_wait3A_471] : memref<5x128x128xf32, #tpu.memory_space<vmem>> -> memref<1x128x128xf32, #tpu.memory_space<vmem>>
    %dma_wait3A_473 = tpu.memref_squeeze %dma_wait3A_472 : memref<1x128x128xf32, #tpu.memory_space<vmem>> -> memref<128x128xf32, #tpu.memory_space<vmem>>
    tpu.wait_dma2 semaphore(%dma_wait3A_467 : memref<!tpu.dma_semaphore, #tpu.memory_space<semaphore_mem>>) src(%dma_wait3A_473 : memref<128x128xf32, #tpu.memory_space<vmem>>) dst(%dma_wait3A_469 : memref<128x128xf32, #tpu.memory_space<hbm>>)
    %dma_start3A_474 = arith.constant 0 : i32
    %dma_start3A_475 = arith.constant 0 : i32
    %dma_start3A_476 = arith.constant 0 : i32
    %dma_start3A_477 = arith.constant 0 : i32
    %dma_start3A_478 = arith.constant 0 : i32
    %dma_start3A_479 = tpu.memref_slice %arg6[%dma_start3A_475, %dma_start3A_477, %dma_start3A_478] : memref<5x128x128xf32, #tpu.memory_space<vmem>> -> memref<1x128x128xf32, #tpu.memory_space<vmem>>
    %dma_start3A_480 = tpu.memref_squeeze %dma_start3A_479 : memref<1x128x128xf32, #tpu.memory_space<vmem>> -> memref<128x128xf32, #tpu.memory_space<vmem>>
    %dma_start3A_481 = arith.constant 0 : i32
    %dma_start3A_482 = tpu.memref_slice %arg5[%dma_start3A_474, %dma_start3A_481] : memref<5x128xi32, #tpu.memory_space<vmem>> -> memref<1x128xi32, #tpu.memory_space<vmem>>
    %dma_start3A_483 = tpu.memref_squeeze %dma_start3A_482 : memref<1x128xi32, #tpu.memory_space<vmem>> -> memref<128xi32, #tpu.memory_space<vmem>>
    %dma_start3A_484 = arith.constant 0 : i32
    %dma_start3A_485 = arith.constant 0 : i32
    %dma_start3A_486 = tpu.memref_slice %arg2[%dma_start3A_484, %dma_start3A_485] : memref<100x128xf32, #tpu.memory_space<hbm>> -> memref<100x128xf32, #tpu.memory_space<hbm>>
    %dma_start3A_487 = tpu.memref_slice %arg10[%dma_start3A_476] : memref<5x!tpu.dma_semaphore, #tpu.memory_space<semaphore_mem>> -> memref<1x!tpu.dma_semaphore, #tpu.memory_space<semaphore_mem>>
    %dma_start3A_488 = tpu.memref_squeeze %dma_start3A_487 : memref<1x!tpu.dma_semaphore, #tpu.memory_space<semaphore_mem>> -> memref<!tpu.dma_semaphore, #tpu.memory_space<semaphore_mem>>
    tpu.enqueue_indirect_dma source(%dma_start3A_486 : memref<100x128xf32, #tpu.memory_space<hbm>>) target(%dma_start3A_480 : memref<128x128xf32, #tpu.memory_space<vmem>>) offsets(%dma_start3A_483 : memref<128xi32, #tpu.memory_space<vmem>>) semaphore(%dma_start3A_488 : memref<!tpu.dma_semaphore, #tpu.memory_space<semaphore_mem>>)
    %dma_wait3A_489 = arith.constant 4 : i32
    %dma_wait3A_490 = arith.constant 4 : i32
    %dma_wait3A_491 = arith.constant 4 : i32
    %dma_wait3A_492 = arith.constant 0 : i32
    %dma_wait3A_493 = arith.constant 0 : i32
    %dma_wait3A_494 = tpu.memref_slice %arg6[%dma_wait3A_490, %dma_wait3A_492, %dma_wait3A_493] : memref<5x128x128xf32, #tpu.memory_space<vmem>> -> memref<1x128x128xf32, #tpu.memory_space<vmem>>
    %dma_wait3A_495 = tpu.memref_squeeze %dma_wait3A_494 : memref<1x128x128xf32, #tpu.memory_space<vmem>> -> memref<128x128xf32, #tpu.memory_space<vmem>>
    %dma_wait3A_496 = arith.constant 0 : i32
    %dma_wait3A_497 = tpu.memref_slice %arg5[%dma_wait3A_489, %dma_wait3A_496] : memref<5x128xi32, #tpu.memory_space<vmem>> -> memref<1x128xi32, #tpu.memory_space<vmem>>
    %dma_wait3A_498 = tpu.memref_squeeze %dma_wait3A_497 : memref<1x128xi32, #tpu.memory_space<vmem>> -> memref<128xi32, #tpu.memory_space<vmem>>
    %dma_wait3A_499 = arith.constant 0 : i32
    %dma_wait3A_500 = arith.constant 0 : i32
    %dma_wait3A_501 = tpu.memref_slice %arg2[%dma_wait3A_499, %dma_wait3A_500] : memref<100x128xf32, #tpu.memory_space<hbm>> -> memref<100x128xf32, #tpu.memory_space<hbm>>
    %dma_wait3A_502 = tpu.memref_slice %arg10[%dma_wait3A_491] : memref<5x!tpu.dma_semaphore, #tpu.memory_space<semaphore_mem>> -> memref<1x!tpu.dma_semaphore, #tpu.memory_space<semaphore_mem>>
    %dma_wait3A_503 = tpu.memref_squeeze %dma_wait3A_502 : memref<1x!tpu.dma_semaphore, #tpu.memory_space<semaphore_mem>> -> memref<!tpu.dma_semaphore, #tpu.memory_space<semaphore_mem>>
    tpu.wait_indirect_dma semaphore(%dma_wait3A_503 : memref<!tpu.dma_semaphore, #tpu.memory_space<semaphore_mem>>) src(%dma_wait3A_501 : memref<100x128xf32, #tpu.memory_space<hbm>>) dst(%dma_wait3A_495 : memref<128x128xf32, #tpu.memory_space<vmem>>)
    %add3A_504 = arith.constant 128 : i32
    %add3A_505 = arith.addi %add3A, %add3A_504 : i32
    %mul3A_506 = arith.constant 128 : i32
    %mul3A_507 = arith.muli %add3A_505, %mul3A_506 : i32
    %dma_start3A_508 = arith.constant 4 : i32
    %dma_start3A_509 = arith.constant 4 : i32
    %dma_start3A_510 = arith.constant 0 : i32
    %dma_start3A_511 = arith.constant 0 : i32
    %dma_start3A_512 = tpu.memref_slice %arg6[%dma_start3A_508, %dma_start3A_510, %dma_start3A_511] : memref<5x128x128xf32, #tpu.memory_space<vmem>> -> memref<1x128x128xf32, #tpu.memory_space<vmem>>
    %dma_start3A_513 = tpu.memref_squeeze %dma_start3A_512 : memref<1x128x128xf32, #tpu.memory_space<vmem>> -> memref<128x128xf32, #tpu.memory_space<vmem>>
    %dma_start3A_514 = arith.constant 0 : i32
    %dma_start3A_515 = tpu.memref_slice %arg4[%mul3A_507, %dma_start3A_514] : memref<100000x128xf32, #tpu.memory_space<hbm>> -> memref<128x128xf32, #tpu.memory_space<hbm>>
    %dma_start3A_516 = tpu.memref_slice %arg11[%dma_start3A_509] : memref<5x!tpu.dma_semaphore, #tpu.memory_space<semaphore_mem>> -> memref<1x!tpu.dma_semaphore, #tpu.memory_space<semaphore_mem>>
    %dma_start3A_517 = tpu.memref_squeeze %dma_start3A_516 : memref<1x!tpu.dma_semaphore, #tpu.memory_space<semaphore_mem>> -> memref<!tpu.dma_semaphore, #tpu.memory_space<semaphore_mem>>
    %dma_start3A_518 = arith.constant 0 : i32
    %dma_start3A_519 = tpu.memref_slice %arg4[%mul3A_507, %dma_start3A_518] : memref<100000x128xf32, #tpu.memory_space<hbm>> -> memref<128x128xf32, #tpu.memory_space<hbm>>
    %dma_start3A_520 = arith.constant 0 : i32
    %dma_start3A_521 = arith.constant 0 : i32
    %dma_start3A_522 = tpu.memref_slice %arg6[%dma_start3A_508, %dma_start3A_520, %dma_start3A_521] : memref<5x128x128xf32, #tpu.memory_space<vmem>> -> memref<1x128x128xf32, #tpu.memory_space<vmem>>
    %dma_start3A_523 = tpu.memref_squeeze %dma_start3A_522 : memref<1x128x128xf32, #tpu.memory_space<vmem>> -> memref<128x128xf32, #tpu.memory_space<vmem>>
    tpu.enqueue_dma source(%dma_start3A_523 : memref<128x128xf32, #tpu.memory_space<vmem>>) target(%dma_start3A_519 : memref<128x128xf32, #tpu.memory_space<hbm>>) target_semaphore(%dma_start3A_517 : memref<!tpu.dma_semaphore, #tpu.memory_space<semaphore_mem>>)
    %add3A_524 = arith.constant 288 : i32
    %add3A_525 = arith.addi %add3A, %add3A_524 : i32
    %mul3A_526 = arith.constant 128 : i32
    %mul3A_527 = arith.muli %add3A_525, %mul3A_526 : i32
    %dma_start3A_528 = arith.constant 4 : i32
    %dma_start3A_529 = arith.constant 4 : i32
    %dma_start3A_530 = arith.constant 0 : i32
    %dma_start3A_531 = tpu.memref_slice %arg5[%dma_start3A_528, %dma_start3A_530] : memref<5x128xi32, #tpu.memory_space<vmem>> -> memref<1x128xi32, #tpu.memory_space<vmem>>
    %dma_start3A_532 = tpu.memref_squeeze %dma_start3A_531 : memref<1x128xi32, #tpu.memory_space<vmem>> -> memref<128xi32, #tpu.memory_space<vmem>>
    %dma_start3A_533 = tpu.memref_slice %arg3[%mul3A_527] : memref<100000xi32, #tpu.memory_space<hbm>> -> memref<128xi32, #tpu.memory_space<hbm>>
    %dma_start3A_534 = tpu.memref_slice %arg9[%dma_start3A_529] : memref<5x!tpu.dma_semaphore, #tpu.memory_space<semaphore_mem>> -> memref<1x!tpu.dma_semaphore, #tpu.memory_space<semaphore_mem>>
    %dma_start3A_535 = tpu.memref_squeeze %dma_start3A_534 : memref<1x!tpu.dma_semaphore, #tpu.memory_space<semaphore_mem>> -> memref<!tpu.dma_semaphore, #tpu.memory_space<semaphore_mem>>
    %dma_start3A_536 = arith.constant 0 : i32
    %dma_start3A_537 = tpu.memref_slice %arg5[%dma_start3A_528, %dma_start3A_536] : memref<5x128xi32, #tpu.memory_space<vmem>> -> memref<1x128xi32, #tpu.memory_space<vmem>>
    %dma_start3A_538 = tpu.memref_squeeze %dma_start3A_537 : memref<1x128xi32, #tpu.memory_space<vmem>> -> memref<128xi32, #tpu.memory_space<vmem>>
    %dma_start3A_539 = tpu.memref_slice %arg3[%mul3A_527] : memref<100000xi32, #tpu.memory_space<hbm>> -> memref<128xi32, #tpu.memory_space<hbm>>
    tpu.enqueue_dma source(%dma_start3A_539 : memref<128xi32, #tpu.memory_space<hbm>>) target(%dma_start3A_538 : memref<128xi32, #tpu.memory_space<vmem>>) target_semaphore(%dma_start3A_535 : memref<!tpu.dma_semaphore, #tpu.memory_space<semaphore_mem>>)
    %add3A_540 = arith.constant 192 : i32
    %add3A_541 = arith.addi %add3A, %add3A_540 : i32
    %mul3A_542 = arith.constant 128 : i32
    %mul3A_543 = arith.muli %add3A_541, %mul3A_542 : i32
    %dma_wait3A_544 = arith.constant 1 : i32
    %dma_wait3A_545 = arith.constant 1 : i32
    %dma_wait3A_546 = arith.constant 0 : i32
    %dma_wait3A_547 = tpu.memref_slice %arg5[%dma_wait3A_544, %dma_wait3A_546] : memref<5x128xi32, #tpu.memory_space<vmem>> -> memref<1x128xi32, #tpu.memory_space<vmem>>
    %dma_wait3A_548 = tpu.memref_squeeze %dma_wait3A_547 : memref<1x128xi32, #tpu.memory_space<vmem>> -> memref<128xi32, #tpu.memory_space<vmem>>
    %dma_wait3A_549 = tpu.memref_slice %arg3[%mul3A_543] : memref<100000xi32, #tpu.memory_space<hbm>> -> memref<128xi32, #tpu.memory_space<hbm>>
    %dma_wait3A_550 = tpu.memref_slice %arg9[%dma_wait3A_545] : memref<5x!tpu.dma_semaphore, #tpu.memory_space<semaphore_mem>> -> memref<1x!tpu.dma_semaphore, #tpu.memory_space<semaphore_mem>>
    %dma_wait3A_551 = tpu.memref_squeeze %dma_wait3A_550 : memref<1x!tpu.dma_semaphore, #tpu.memory_space<semaphore_mem>> -> memref<!tpu.dma_semaphore, #tpu.memory_space<semaphore_mem>>
    %dma_wait3A_552 = arith.constant 0 : i32
    %dma_wait3A_553 = tpu.memref_slice %arg5[%dma_wait3A_544, %dma_wait3A_552] : memref<5x128xi32, #tpu.memory_space<vmem>> -> memref<1x128xi32, #tpu.memory_space<vmem>>
    %dma_wait3A_554 = tpu.memref_squeeze %dma_wait3A_553 : memref<1x128xi32, #tpu.memory_space<vmem>> -> memref<128xi32, #tpu.memory_space<vmem>>
    %dma_wait3A_555 = tpu.memref_slice %arg3[%mul3A_543] : memref<100000xi32, #tpu.memory_space<hbm>> -> memref<128xi32, #tpu.memory_space<hbm>>
    tpu.wait_dma2 semaphore(%dma_wait3A_551 : memref<!tpu.dma_semaphore, #tpu.memory_space<semaphore_mem>>) src(%dma_wait3A_555 : memref<128xi32, #tpu.memory_space<hbm>>) dst(%dma_wait3A_554 : memref<128xi32, #tpu.memory_space<vmem>>)
    %add3A_556 = arith.constant 32 : i32
    %add3A_557 = arith.addi %add3A, %add3A_556 : i32
    %mul3A_558 = arith.constant 128 : i32
    %mul3A_559 = arith.muli %add3A_557, %mul3A_558 : i32
    %dma_wait3A_560 = arith.constant 1 : i32
    %dma_wait3A_561 = arith.constant 1 : i32
    %dma_wait3A_562 = arith.constant 0 : i32
    %dma_wait3A_563 = arith.constant 0 : i32
    %dma_wait3A_564 = tpu.memref_slice %arg6[%dma_wait3A_560, %dma_wait3A_562, %dma_wait3A_563] : memref<5x128x128xf32, #tpu.memory_space<vmem>> -> memref<1x128x128xf32, #tpu.memory_space<vmem>>
    %dma_wait3A_565 = tpu.memref_squeeze %dma_wait3A_564 : memref<1x128x128xf32, #tpu.memory_space<vmem>> -> memref<128x128xf32, #tpu.memory_space<vmem>>
    %dma_wait3A_566 = arith.constant 0 : i32
    %dma_wait3A_567 = tpu.memref_slice %arg4[%mul3A_559, %dma_wait3A_566] : memref<100000x128xf32, #tpu.memory_space<hbm>> -> memref<128x128xf32, #tpu.memory_space<hbm>>
    %dma_wait3A_568 = tpu.memref_slice %arg11[%dma_wait3A_561] : memref<5x!tpu.dma_semaphore, #tpu.memory_space<semaphore_mem>> -> memref<1x!tpu.dma_semaphore, #tpu.memory_space<semaphore_mem>>
    %dma_wait3A_569 = tpu.memref_squeeze %dma_wait3A_568 : memref<1x!tpu.dma_semaphore, #tpu.memory_space<semaphore_mem>> -> memref<!tpu.dma_semaphore, #tpu.memory_space<semaphore_mem>>
    %dma_wait3A_570 = arith.constant 0 : i32
    %dma_wait3A_571 = tpu.memref_slice %arg4[%mul3A_559, %dma_wait3A_570] : memref<100000x128xf32, #tpu.memory_space<hbm>> -> memref<128x128xf32, #tpu.memory_space<hbm>>
    %dma_wait3A_572 = arith.constant 0 : i32
    %dma_wait3A_573 = arith.constant 0 : i32
    %dma_wait3A_574 = tpu.memref_slice %arg6[%dma_wait3A_560, %dma_wait3A_572, %dma_wait3A_573] : memref<5x128x128xf32, #tpu.memory_space<vmem>> -> memref<1x128x128xf32, #tpu.memory_space<vmem>>
    %dma_wait3A_575 = tpu.memref_squeeze %dma_wait3A_574 : memref<1x128x128xf32, #tpu.memory_space<vmem>> -> memref<128x128xf32, #tpu.memory_space<vmem>>
    tpu.wait_dma2 semaphore(%dma_wait3A_569 : memref<!tpu.dma_semaphore, #tpu.memory_space<semaphore_mem>>) src(%dma_wait3A_575 : memref<128x128xf32, #tpu.memory_space<vmem>>) dst(%dma_wait3A_571 : memref<128x128xf32, #tpu.memory_space<hbm>>)
    %dma_start3A_576 = arith.constant 1 : i32
    %dma_start3A_577 = arith.constant 1 : i32
    %dma_start3A_578 = arith.constant 1 : i32
    %dma_start3A_579 = arith.constant 0 : i32
    %dma_start3A_580 = arith.constant 0 : i32
    %dma_start3A_581 = tpu.memref_slice %arg6[%dma_start3A_577, %dma_start3A_579, %dma_start3A_580] : memref<5x128x128xf32, #tpu.memory_space<vmem>> -> memref<1x128x128xf32, #tpu.memory_space<vmem>>
    %dma_start3A_582 = tpu.memref_squeeze %dma_start3A_581 : memref<1x128x128xf32, #tpu.memory_space<vmem>> -> memref<128x128xf32, #tpu.memory_space<vmem>>
    %dma_start3A_583 = arith.constant 0 : i32
    %dma_start3A_584 = tpu.memref_slice %arg5[%dma_start3A_576, %dma_start3A_583] : memref<5x128xi32, #tpu.memory_space<vmem>> -> memref<1x128xi32, #tpu.memory_space<vmem>>
    %dma_start3A_585 = tpu.memref_squeeze %dma_start3A_584 : memref<1x128xi32, #tpu.memory_space<vmem>> -> memref<128xi32, #tpu.memory_space<vmem>>
    %dma_start3A_586 = arith.constant 0 : i32
    %dma_start3A_587 = arith.constant 0 : i32
    %dma_start3A_588 = tpu.memref_slice %arg2[%dma_start3A_586, %dma_start3A_587] : memref<100x128xf32, #tpu.memory_space<hbm>> -> memref<100x128xf32, #tpu.memory_space<hbm>>
    %dma_start3A_589 = tpu.memref_slice %arg10[%dma_start3A_578] : memref<5x!tpu.dma_semaphore, #tpu.memory_space<semaphore_mem>> -> memref<1x!tpu.dma_semaphore, #tpu.memory_space<semaphore_mem>>
    %dma_start3A_590 = tpu.memref_squeeze %dma_start3A_589 : memref<1x!tpu.dma_semaphore, #tpu.memory_space<semaphore_mem>> -> memref<!tpu.dma_semaphore, #tpu.memory_space<semaphore_mem>>
    tpu.enqueue_indirect_dma source(%dma_start3A_588 : memref<100x128xf32, #tpu.memory_space<hbm>>) target(%dma_start3A_582 : memref<128x128xf32, #tpu.memory_space<vmem>>) offsets(%dma_start3A_585 : memref<128xi32, #tpu.memory_space<vmem>>) semaphore(%dma_start3A_590 : memref<!tpu.dma_semaphore, #tpu.memory_space<semaphore_mem>>)
    %dma_wait3A_591 = arith.constant 0 : i32
    %dma_wait3A_592 = arith.constant 0 : i32
    %dma_wait3A_593 = arith.constant 0 : i32
    %dma_wait3A_594 = arith.constant 0 : i32
    %dma_wait3A_595 = arith.constant 0 : i32
    %dma_wait3A_596 = tpu.memref_slice %arg6[%dma_wait3A_592, %dma_wait3A_594, %dma_wait3A_595] : memref<5x128x128xf32, #tpu.memory_space<vmem>> -> memref<1x128x128xf32, #tpu.memory_space<vmem>>
    %dma_wait3A_597 = tpu.memref_squeeze %dma_wait3A_596 : memref<1x128x128xf32, #tpu.memory_space<vmem>> -> memref<128x128xf32, #tpu.memory_space<vmem>>
    %dma_wait3A_598 = arith.constant 0 : i32
    %dma_wait3A_599 = tpu.memref_slice %arg5[%dma_wait3A_591, %dma_wait3A_598] : memref<5x128xi32, #tpu.memory_space<vmem>> -> memref<1x128xi32, #tpu.memory_space<vmem>>
    %dma_wait3A_600 = tpu.memref_squeeze %dma_wait3A_599 : memref<1x128xi32, #tpu.memory_space<vmem>> -> memref<128xi32, #tpu.memory_space<vmem>>
    %dma_wait3A_601 = arith.constant 0 : i32
    %dma_wait3A_602 = arith.constant 0 : i32
    %dma_wait3A_603 = tpu.memref_slice %arg2[%dma_wait3A_601, %dma_wait3A_602] : memref<100x128xf32, #tpu.memory_space<hbm>> -> memref<100x128xf32, #tpu.memory_space<hbm>>
    %dma_wait3A_604 = tpu.memref_slice %arg10[%dma_wait3A_593] : memref<5x!tpu.dma_semaphore, #tpu.memory_space<semaphore_mem>> -> memref<1x!tpu.dma_semaphore, #tpu.memory_space<semaphore_mem>>
    %dma_wait3A_605 = tpu.memref_squeeze %dma_wait3A_604 : memref<1x!tpu.dma_semaphore, #tpu.memory_space<semaphore_mem>> -> memref<!tpu.dma_semaphore, #tpu.memory_space<semaphore_mem>>
    tpu.wait_indirect_dma semaphore(%dma_wait3A_605 : memref<!tpu.dma_semaphore, #tpu.memory_space<semaphore_mem>>) src(%dma_wait3A_603 : memref<100x128xf32, #tpu.memory_space<hbm>>) dst(%dma_wait3A_597 : memref<128x128xf32, #tpu.memory_space<vmem>>)
    %add3A_606 = arith.constant 160 : i32
    %add3A_607 = arith.addi %add3A, %add3A_606 : i32
    %mul3A_608 = arith.constant 128 : i32
    %mul3A_609 = arith.muli %add3A_607, %mul3A_608 : i32
    %dma_start3A_610 = arith.constant 0 : i32
    %dma_start3A_611 = arith.constant 0 : i32
    %dma_start3A_612 = arith.constant 0 : i32
    %dma_start3A_613 = arith.constant 0 : i32
    %dma_start3A_614 = tpu.memref_slice %arg6[%dma_start3A_610, %dma_start3A_612, %dma_start3A_613] : memref<5x128x128xf32, #tpu.memory_space<vmem>> -> memref<1x128x128xf32, #tpu.memory_space<vmem>>
    %dma_start3A_615 = tpu.memref_squeeze %dma_start3A_614 : memref<1x128x128xf32, #tpu.memory_space<vmem>> -> memref<128x128xf32, #tpu.memory_space<vmem>>
    %dma_start3A_616 = arith.constant 0 : i32
    %dma_start3A_617 = tpu.memref_slice %arg4[%mul3A_609, %dma_start3A_616] : memref<100000x128xf32, #tpu.memory_space<hbm>> -> memref<128x128xf32, #tpu.memory_space<hbm>>
    %dma_start3A_618 = tpu.memref_slice %arg11[%dma_start3A_611] : memref<5x!tpu.dma_semaphore, #tpu.memory_space<semaphore_mem>> -> memref<1x!tpu.dma_semaphore, #tpu.memory_space<semaphore_mem>>
    %dma_start3A_619 = tpu.memref_squeeze %dma_start3A_618 : memref<1x!tpu.dma_semaphore, #tpu.memory_space<semaphore_mem>> -> memref<!tpu.dma_semaphore, #tpu.memory_space<semaphore_mem>>
    %dma_start3A_620 = arith.constant 0 : i32
    %dma_start3A_621 = tpu.memref_slice %arg4[%mul3A_609, %dma_start3A_620] : memref<100000x128xf32, #tpu.memory_space<hbm>> -> memref<128x128xf32, #tpu.memory_space<hbm>>
    %dma_start3A_622 = arith.constant 0 : i32
    %dma_start3A_623 = arith.constant 0 : i32
    %dma_start3A_624 = tpu.memref_slice %arg6[%dma_start3A_610, %dma_start3A_622, %dma_start3A_623] : memref<5x128x128xf32, #tpu.memory_space<vmem>> -> memref<1x128x128xf32, #tpu.memory_space<vmem>>
    %dma_start3A_625 = tpu.memref_squeeze %dma_start3A_624 : memref<1x128x128xf32, #tpu.memory_space<vmem>> -> memref<128x128xf32, #tpu.memory_space<vmem>>
    tpu.enqueue_dma source(%dma_start3A_625 : memref<128x128xf32, #tpu.memory_space<vmem>>) target(%dma_start3A_621 : memref<128x128xf32, #tpu.memory_space<hbm>>) target_semaphore(%dma_start3A_619 : memref<!tpu.dma_semaphore, #tpu.memory_space<semaphore_mem>>)
    %add3A_626 = arith.constant 320 : i32
    %add3A_627 = arith.addi %add3A, %add3A_626 : i32
    %mul3A_628 = arith.constant 128 : i32
    %mul3A_629 = arith.muli %add3A_627, %mul3A_628 : i32
    %dma_start3A_630 = arith.constant 0 : i32
    %dma_start3A_631 = arith.constant 0 : i32
    %dma_start3A_632 = arith.constant 0 : i32
    %dma_start3A_633 = tpu.memref_slice %arg5[%dma_start3A_630, %dma_start3A_632] : memref<5x128xi32, #tpu.memory_space<vmem>> -> memref<1x128xi32, #tpu.memory_space<vmem>>
    %dma_start3A_634 = tpu.memref_squeeze %dma_start3A_633 : memref<1x128xi32, #tpu.memory_space<vmem>> -> memref<128xi32, #tpu.memory_space<vmem>>
    %dma_start3A_635 = tpu.memref_slice %arg3[%mul3A_629] : memref<100000xi32, #tpu.memory_space<hbm>> -> memref<128xi32, #tpu.memory_space<hbm>>
    %dma_start3A_636 = tpu.memref_slice %arg9[%dma_start3A_631] : memref<5x!tpu.dma_semaphore, #tpu.memory_space<semaphore_mem>> -> memref<1x!tpu.dma_semaphore, #tpu.memory_space<semaphore_mem>>
    %dma_start3A_637 = tpu.memref_squeeze %dma_start3A_636 : memref<1x!tpu.dma_semaphore, #tpu.memory_space<semaphore_mem>> -> memref<!tpu.dma_semaphore, #tpu.memory_space<semaphore_mem>>
    %dma_start3A_638 = arith.constant 0 : i32
    %dma_start3A_639 = tpu.memref_slice %arg5[%dma_start3A_630, %dma_start3A_638] : memref<5x128xi32, #tpu.memory_space<vmem>> -> memref<1x128xi32, #tpu.memory_space<vmem>>
    %dma_start3A_640 = tpu.memref_squeeze %dma_start3A_639 : memref<1x128xi32, #tpu.memory_space<vmem>> -> memref<128xi32, #tpu.memory_space<vmem>>
    %dma_start3A_641 = tpu.memref_slice %arg3[%mul3A_629] : memref<100000xi32, #tpu.memory_space<hbm>> -> memref<128xi32, #tpu.memory_space<hbm>>
    tpu.enqueue_dma source(%dma_start3A_641 : memref<128xi32, #tpu.memory_space<hbm>>) target(%dma_start3A_640 : memref<128xi32, #tpu.memory_space<vmem>>) target_semaphore(%dma_start3A_637 : memref<!tpu.dma_semaphore, #tpu.memory_space<semaphore_mem>>)
    %add3A_642 = arith.constant 224 : i32
    %add3A_643 = arith.addi %add3A, %add3A_642 : i32
    %mul3A_644 = arith.constant 128 : i32
    %mul3A_645 = arith.muli %add3A_643, %mul3A_644 : i32
    %dma_wait3A_646 = arith.constant 2 : i32
    %dma_wait3A_647 = arith.constant 2 : i32
    %dma_wait3A_648 = arith.constant 0 : i32
    %dma_wait3A_649 = tpu.memref_slice %arg5[%dma_wait3A_646, %dma_wait3A_648] : memref<5x128xi32, #tpu.memory_space<vmem>> -> memref<1x128xi32, #tpu.memory_space<vmem>>
    %dma_wait3A_650 = tpu.memref_squeeze %dma_wait3A_649 : memref<1x128xi32, #tpu.memory_space<vmem>> -> memref<128xi32, #tpu.memory_space<vmem>>
    %dma_wait3A_651 = tpu.memref_slice %arg3[%mul3A_645] : memref<100000xi32, #tpu.memory_space<hbm>> -> memref<128xi32, #tpu.memory_space<hbm>>
    %dma_wait3A_652 = tpu.memref_slice %arg9[%dma_wait3A_647] : memref<5x!tpu.dma_semaphore, #tpu.memory_space<semaphore_mem>> -> memref<1x!tpu.dma_semaphore, #tpu.memory_space<semaphore_mem>>
    %dma_wait3A_653 = tpu.memref_squeeze %dma_wait3A_652 : memref<1x!tpu.dma_semaphore, #tpu.memory_space<semaphore_mem>> -> memref<!tpu.dma_semaphore, #tpu.memory_space<semaphore_mem>>
    %dma_wait3A_654 = arith.constant 0 : i32
    %dma_wait3A_655 = tpu.memref_slice %arg5[%dma_wait3A_646, %dma_wait3A_654] : memref<5x128xi32, #tpu.memory_space<vmem>> -> memref<1x128xi32, #tpu.memory_space<vmem>>
    %dma_wait3A_656 = tpu.memref_squeeze %dma_wait3A_655 : memref<1x128xi32, #tpu.memory_space<vmem>> -> memref<128xi32, #tpu.memory_space<vmem>>
    %dma_wait3A_657 = tpu.memref_slice %arg3[%mul3A_645] : memref<100000xi32, #tpu.memory_space<hbm>> -> memref<128xi32, #tpu.memory_space<hbm>>
    tpu.wait_dma2 semaphore(%dma_wait3A_653 : memref<!tpu.dma_semaphore, #tpu.memory_space<semaphore_mem>>) src(%dma_wait3A_657 : memref<128xi32, #tpu.memory_space<hbm>>) dst(%dma_wait3A_656 : memref<128xi32, #tpu.memory_space<vmem>>)
    %add3A_658 = arith.constant 64 : i32
    %add3A_659 = arith.addi %add3A, %add3A_658 : i32
    %mul3A_660 = arith.constant 128 : i32
    %mul3A_661 = arith.muli %add3A_659, %mul3A_660 : i32
    %dma_wait3A_662 = arith.constant 2 : i32
    %dma_wait3A_663 = arith.constant 2 : i32
    %dma_wait3A_664 = arith.constant 0 : i32
    %dma_wait3A_665 = arith.constant 0 : i32
    %dma_wait3A_666 = tpu.memref_slice %arg6[%dma_wait3A_662, %dma_wait3A_664, %dma_wait3A_665] : memref<5x128x128xf32, #tpu.memory_space<vmem>> -> memref<1x128x128xf32, #tpu.memory_space<vmem>>
    %dma_wait3A_667 = tpu.memref_squeeze %dma_wait3A_666 : memref<1x128x128xf32, #tpu.memory_space<vmem>> -> memref<128x128xf32, #tpu.memory_space<vmem>>
    %dma_wait3A_668 = arith.constant 0 : i32
    %dma_wait3A_669 = tpu.memref_slice %arg4[%mul3A_661, %dma_wait3A_668] : memref<100000x128xf32, #tpu.memory_space<hbm>> -> memref<128x128xf32, #tpu.memory_space<hbm>>
    %dma_wait3A_670 = tpu.memref_slice %arg11[%dma_wait3A_663] : memref<5x!tpu.dma_semaphore, #tpu.memory_space<semaphore_mem>> -> memref<1x!tpu.dma_semaphore, #tpu.memory_space<semaphore_mem>>
    %dma_wait3A_671 = tpu.memref_squeeze %dma_wait3A_670 : memref<1x!tpu.dma_semaphore, #tpu.memory_space<semaphore_mem>> -> memref<!tpu.dma_semaphore, #tpu.memory_space<semaphore_mem>>
    %dma_wait3A_672 = arith.constant 0 : i32
    %dma_wait3A_673 = tpu.memref_slice %arg4[%mul3A_661, %dma_wait3A_672] : memref<100000x128xf32, #tpu.memory_space<hbm>> -> memref<128x128xf32, #tpu.memory_space<hbm>>
    %dma_wait3A_674 = arith.constant 0 : i32
    %dma_wait3A_675 = arith.constant 0 : i32
    %dma_wait3A_676 = tpu.memref_slice %arg6[%dma_wait3A_662, %dma_wait3A_674, %dma_wait3A_675] : memref<5x128x128xf32, #tpu.memory_space<vmem>> -> memref<1x128x128xf32, #tpu.memory_space<vmem>>
    %dma_wait3A_677 = tpu.memref_squeeze %dma_wait3A_676 : memref<1x128x128xf32, #tpu.memory_space<vmem>> -> memref<128x128xf32, #tpu.memory_space<vmem>>
    tpu.wait_dma2 semaphore(%dma_wait3A_671 : memref<!tpu.dma_semaphore, #tpu.memory_space<semaphore_mem>>) src(%dma_wait3A_677 : memref<128x128xf32, #tpu.memory_space<vmem>>) dst(%dma_wait3A_673 : memref<128x128xf32, #tpu.memory_space<hbm>>)
    %dma_start3A_678 = arith.constant 2 : i32
    %dma_start3A_679 = arith.constant 2 : i32
    %dma_start3A_680 = arith.constant 2 : i32
    %dma_start3A_681 = arith.constant 0 : i32
    %dma_start3A_682 = arith.constant 0 : i32
    %dma_start3A_683 = tpu.memref_slice %arg6[%dma_start3A_679, %dma_start3A_681, %dma_start3A_682] : memref<5x128x128xf32, #tpu.memory_space<vmem>> -> memref<1x128x128xf32, #tpu.memory_space<vmem>>
    %dma_start3A_684 = tpu.memref_squeeze %dma_start3A_683 : memref<1x128x128xf32, #tpu.memory_space<vmem>> -> memref<128x128xf32, #tpu.memory_space<vmem>>
    %dma_start3A_685 = arith.constant 0 : i32
    %dma_start3A_686 = tpu.memref_slice %arg5[%dma_start3A_678, %dma_start3A_685] : memref<5x128xi32, #tpu.memory_space<vmem>> -> memref<1x128xi32, #tpu.memory_space<vmem>>
    %dma_start3A_687 = tpu.memref_squeeze %dma_start3A_686 : memref<1x128xi32, #tpu.memory_space<vmem>> -> memref<128xi32, #tpu.memory_space<vmem>>
    %dma_start3A_688 = arith.constant 0 : i32
    %dma_start3A_689 = arith.constant 0 : i32
    %dma_start3A_690 = tpu.memref_slice %arg2[%dma_start3A_688, %dma_start3A_689] : memref<100x128xf32, #tpu.memory_space<hbm>> -> memref<100x128xf32, #tpu.memory_space<hbm>>
    %dma_start3A_691 = tpu.memref_slice %arg10[%dma_start3A_680] : memref<5x!tpu.dma_semaphore, #tpu.memory_space<semaphore_mem>> -> memref<1x!tpu.dma_semaphore, #tpu.memory_space<semaphore_mem>>
    %dma_start3A_692 = tpu.memref_squeeze %dma_start3A_691 : memref<1x!tpu.dma_semaphore, #tpu.memory_space<semaphore_mem>> -> memref<!tpu.dma_semaphore, #tpu.memory_space<semaphore_mem>>
    tpu.enqueue_indirect_dma source(%dma_start3A_690 : memref<100x128xf32, #tpu.memory_space<hbm>>) target(%dma_start3A_684 : memref<128x128xf32, #tpu.memory_space<vmem>>) offsets(%dma_start3A_687 : memref<128xi32, #tpu.memory_space<vmem>>) semaphore(%dma_start3A_692 : memref<!tpu.dma_semaphore, #tpu.memory_space<semaphore_mem>>)
    %dma_wait3A_693 = arith.constant 1 : i32
    %dma_wait3A_694 = arith.constant 1 : i32
    %dma_wait3A_695 = arith.constant 1 : i32
    %dma_wait3A_696 = arith.constant 0 : i32
    %dma_wait3A_697 = arith.constant 0 : i32
    %dma_wait3A_698 = tpu.memref_slice %arg6[%dma_wait3A_694, %dma_wait3A_696, %dma_wait3A_697] : memref<5x128x128xf32, #tpu.memory_space<vmem>> -> memref<1x128x128xf32, #tpu.memory_space<vmem>>
    %dma_wait3A_699 = tpu.memref_squeeze %dma_wait3A_698 : memref<1x128x128xf32, #tpu.memory_space<vmem>> -> memref<128x128xf32, #tpu.memory_space<vmem>>
    %dma_wait3A_700 = arith.constant 0 : i32
    %dma_wait3A_701 = tpu.memref_slice %arg5[%dma_wait3A_693, %dma_wait3A_700] : memref<5x128xi32, #tpu.memory_space<vmem>> -> memref<1x128xi32, #tpu.memory_space<vmem>>
    %dma_wait3A_702 = tpu.memref_squeeze %dma_wait3A_701 : memref<1x128xi32, #tpu.memory_space<vmem>> -> memref<128xi32, #tpu.memory_space<vmem>>
    %dma_wait3A_703 = arith.constant 0 : i32
    %dma_wait3A_704 = arith.constant 0 : i32
    %dma_wait3A_705 = tpu.memref_slice %arg2[%dma_wait3A_703, %dma_wait3A_704] : memref<100x128xf32, #tpu.memory_space<hbm>> -> memref<100x128xf32, #tpu.memory_space<hbm>>
    %dma_wait3A_706 = tpu.memref_slice %arg10[%dma_wait3A_695] : memref<5x!tpu.dma_semaphore, #tpu.memory_space<semaphore_mem>> -> memref<1x!tpu.dma_semaphore, #tpu.memory_space<semaphore_mem>>
    %dma_wait3A_707 = tpu.memref_squeeze %dma_wait3A_706 : memref<1x!tpu.dma_semaphore, #tpu.memory_space<semaphore_mem>> -> memref<!tpu.dma_semaphore, #tpu.memory_space<semaphore_mem>>
    tpu.wait_indirect_dma semaphore(%dma_wait3A_707 : memref<!tpu.dma_semaphore, #tpu.memory_space<semaphore_mem>>) src(%dma_wait3A_705 : memref<100x128xf32, #tpu.memory_space<hbm>>) dst(%dma_wait3A_699 : memref<128x128xf32, #tpu.memory_space<vmem>>)
    %add3A_708 = arith.constant 192 : i32
    %add3A_709 = arith.addi %add3A, %add3A_708 : i32
    %mul3A_710 = arith.constant 128 : i32
    %mul3A_711 = arith.muli %add3A_709, %mul3A_710 : i32
    %dma_start3A_712 = arith.constant 1 : i32
    %dma_start3A_713 = arith.constant 1 : i32
    %dma_start3A_714 = arith.constant 0 : i32
    %dma_start3A_715 = arith.constant 0 : i32
    %dma_start3A_716 = tpu.memref_slice %arg6[%dma_start3A_712, %dma_start3A_714, %dma_start3A_715] : memref<5x128x128xf32, #tpu.memory_space<vmem>> -> memref<1x128x128xf32, #tpu.memory_space<vmem>>
    %dma_start3A_717 = tpu.memref_squeeze %dma_start3A_716 : memref<1x128x128xf32, #tpu.memory_space<vmem>> -> memref<128x128xf32, #tpu.memory_space<vmem>>
    %dma_start3A_718 = arith.constant 0 : i32
    %dma_start3A_719 = tpu.memref_slice %arg4[%mul3A_711, %dma_start3A_718] : memref<100000x128xf32, #tpu.memory_space<hbm>> -> memref<128x128xf32, #tpu.memory_space<hbm>>
    %dma_start3A_720 = tpu.memref_slice %arg11[%dma_start3A_713] : memref<5x!tpu.dma_semaphore, #tpu.memory_space<semaphore_mem>> -> memref<1x!tpu.dma_semaphore, #tpu.memory_space<semaphore_mem>>
    %dma_start3A_721 = tpu.memref_squeeze %dma_start3A_720 : memref<1x!tpu.dma_semaphore, #tpu.memory_space<semaphore_mem>> -> memref<!tpu.dma_semaphore, #tpu.memory_space<semaphore_mem>>
    %dma_start3A_722 = arith.constant 0 : i32
    %dma_start3A_723 = tpu.memref_slice %arg4[%mul3A_711, %dma_start3A_722] : memref<100000x128xf32, #tpu.memory_space<hbm>> -> memref<128x128xf32, #tpu.memory_space<hbm>>
    %dma_start3A_724 = arith.constant 0 : i32
    %dma_start3A_725 = arith.constant 0 : i32
    %dma_start3A_726 = tpu.memref_slice %arg6[%dma_start3A_712, %dma_start3A_724, %dma_start3A_725] : memref<5x128x128xf32, #tpu.memory_space<vmem>> -> memref<1x128x128xf32, #tpu.memory_space<vmem>>
    %dma_start3A_727 = tpu.memref_squeeze %dma_start3A_726 : memref<1x128x128xf32, #tpu.memory_space<vmem>> -> memref<128x128xf32, #tpu.memory_space<vmem>>
    tpu.enqueue_dma source(%dma_start3A_727 : memref<128x128xf32, #tpu.memory_space<vmem>>) target(%dma_start3A_723 : memref<128x128xf32, #tpu.memory_space<hbm>>) target_semaphore(%dma_start3A_721 : memref<!tpu.dma_semaphore, #tpu.memory_space<semaphore_mem>>)
    %add3A_728 = arith.constant 352 : i32
    %add3A_729 = arith.addi %add3A, %add3A_728 : i32
    %mul3A_730 = arith.constant 128 : i32
    %mul3A_731 = arith.muli %add3A_729, %mul3A_730 : i32
    %dma_start3A_732 = arith.constant 1 : i32
    %dma_start3A_733 = arith.constant 1 : i32
    %dma_start3A_734 = arith.constant 0 : i32
    %dma_start3A_735 = tpu.memref_slice %arg5[%dma_start3A_732, %dma_start3A_734] : memref<5x128xi32, #tpu.memory_space<vmem>> -> memref<1x128xi32, #tpu.memory_space<vmem>>
    %dma_start3A_736 = tpu.memref_squeeze %dma_start3A_735 : memref<1x128xi32, #tpu.memory_space<vmem>> -> memref<128xi32, #tpu.memory_space<vmem>>
    %dma_start3A_737 = tpu.memref_slice %arg3[%mul3A_731] : memref<100000xi32, #tpu.memory_space<hbm>> -> memref<128xi32, #tpu.memory_space<hbm>>
    %dma_start3A_738 = tpu.memref_slice %arg9[%dma_start3A_733] : memref<5x!tpu.dma_semaphore, #tpu.memory_space<semaphore_mem>> -> memref<1x!tpu.dma_semaphore, #tpu.memory_space<semaphore_mem>>
    %dma_start3A_739 = tpu.memref_squeeze %dma_start3A_738 : memref<1x!tpu.dma_semaphore, #tpu.memory_space<semaphore_mem>> -> memref<!tpu.dma_semaphore, #tpu.memory_space<semaphore_mem>>
    %dma_start3A_740 = arith.constant 0 : i32
    %dma_start3A_741 = tpu.memref_slice %arg5[%dma_start3A_732, %dma_start3A_740] : memref<5x128xi32, #tpu.memory_space<vmem>> -> memref<1x128xi32, #tpu.memory_space<vmem>>
    %dma_start3A_742 = tpu.memref_squeeze %dma_start3A_741 : memref<1x128xi32, #tpu.memory_space<vmem>> -> memref<128xi32, #tpu.memory_space<vmem>>
    %dma_start3A_743 = tpu.memref_slice %arg3[%mul3A_731] : memref<100000xi32, #tpu.memory_space<hbm>> -> memref<128xi32, #tpu.memory_space<hbm>>
    tpu.enqueue_dma source(%dma_start3A_743 : memref<128xi32, #tpu.memory_space<hbm>>) target(%dma_start3A_742 : memref<128xi32, #tpu.memory_space<vmem>>) target_semaphore(%dma_start3A_739 : memref<!tpu.dma_semaphore, #tpu.memory_space<semaphore_mem>>)
    %add3A_744 = arith.constant 256 : i32
    %add3A_745 = arith.addi %add3A, %add3A_744 : i32
    %mul3A_746 = arith.constant 128 : i32
    %mul3A_747 = arith.muli %add3A_745, %mul3A_746 : i32
    %dma_wait3A_748 = arith.constant 3 : i32
    %dma_wait3A_749 = arith.constant 3 : i32
    %dma_wait3A_750 = arith.constant 0 : i32
    %dma_wait3A_751 = tpu.memref_slice %arg5[%dma_wait3A_748, %dma_wait3A_750] : memref<5x128xi32, #tpu.memory_space<vmem>> -> memref<1x128xi32, #tpu.memory_space<vmem>>
    %dma_wait3A_752 = tpu.memref_squeeze %dma_wait3A_751 : memref<1x128xi32, #tpu.memory_space<vmem>> -> memref<128xi32, #tpu.memory_space<vmem>>
    %dma_wait3A_753 = tpu.memref_slice %arg3[%mul3A_747] : memref<100000xi32, #tpu.memory_space<hbm>> -> memref<128xi32, #tpu.memory_space<hbm>>
    %dma_wait3A_754 = tpu.memref_slice %arg9[%dma_wait3A_749] : memref<5x!tpu.dma_semaphore, #tpu.memory_space<semaphore_mem>> -> memref<1x!tpu.dma_semaphore, #tpu.memory_space<semaphore_mem>>
    %dma_wait3A_755 = tpu.memref_squeeze %dma_wait3A_754 : memref<1x!tpu.dma_semaphore, #tpu.memory_space<semaphore_mem>> -> memref<!tpu.dma_semaphore, #tpu.memory_space<semaphore_mem>>
    %dma_wait3A_756 = arith.constant 0 : i32
    %dma_wait3A_757 = tpu.memref_slice %arg5[%dma_wait3A_748, %dma_wait3A_756] : memref<5x128xi32, #tpu.memory_space<vmem>> -> memref<1x128xi32, #tpu.memory_space<vmem>>
    %dma_wait3A_758 = tpu.memref_squeeze %dma_wait3A_757 : memref<1x128xi32, #tpu.memory_space<vmem>> -> memref<128xi32, #tpu.memory_space<vmem>>
    %dma_wait3A_759 = tpu.memref_slice %arg3[%mul3A_747] : memref<100000xi32, #tpu.memory_space<hbm>> -> memref<128xi32, #tpu.memory_space<hbm>>
    tpu.wait_dma2 semaphore(%dma_wait3A_755 : memref<!tpu.dma_semaphore, #tpu.memory_space<semaphore_mem>>) src(%dma_wait3A_759 : memref<128xi32, #tpu.memory_space<hbm>>) dst(%dma_wait3A_758 : memref<128xi32, #tpu.memory_space<vmem>>)
    %add3A_760 = arith.constant 96 : i32
    %add3A_761 = arith.addi %add3A, %add3A_760 : i32
    %mul3A_762 = arith.constant 128 : i32
    %mul3A_763 = arith.muli %add3A_761, %mul3A_762 : i32
    %dma_wait3A_764 = arith.constant 3 : i32
    %dma_wait3A_765 = arith.constant 3 : i32
    %dma_wait3A_766 = arith.constant 0 : i32
    %dma_wait3A_767 = arith.constant 0 : i32
    %dma_wait3A_768 = tpu.memref_slice %arg6[%dma_wait3A_764, %dma_wait3A_766, %dma_wait3A_767] : memref<5x128x128xf32, #tpu.memory_space<vmem>> -> memref<1x128x128xf32, #tpu.memory_space<vmem>>
    %dma_wait3A_769 = tpu.memref_squeeze %dma_wait3A_768 : memref<1x128x128xf32, #tpu.memory_space<vmem>> -> memref<128x128xf32, #tpu.memory_space<vmem>>
    %dma_wait3A_770 = arith.constant 0 : i32
    %dma_wait3A_771 = tpu.memref_slice %arg4[%mul3A_763, %dma_wait3A_770] : memref<100000x128xf32, #tpu.memory_space<hbm>> -> memref<128x128xf32, #tpu.memory_space<hbm>>
    %dma_wait3A_772 = tpu.memref_slice %arg11[%dma_wait3A_765] : memref<5x!tpu.dma_semaphore, #tpu.memory_space<semaphore_mem>> -> memref<1x!tpu.dma_semaphore, #tpu.memory_space<semaphore_mem>>
    %dma_wait3A_773 = tpu.memref_squeeze %dma_wait3A_772 : memref<1x!tpu.dma_semaphore, #tpu.memory_space<semaphore_mem>> -> memref<!tpu.dma_semaphore, #tpu.memory_space<semaphore_mem>>
    %dma_wait3A_774 = arith.constant 0 : i32
    %dma_wait3A_775 = tpu.memref_slice %arg4[%mul3A_763, %dma_wait3A_774] : memref<100000x128xf32, #tpu.memory_space<hbm>> -> memref<128x128xf32, #tpu.memory_space<hbm>>
    %dma_wait3A_776 = arith.constant 0 : i32
    %dma_wait3A_777 = arith.constant 0 : i32
    %dma_wait3A_778 = tpu.memref_slice %arg6[%dma_wait3A_764, %dma_wait3A_776, %dma_wait3A_777] : memref<5x128x128xf32, #tpu.memory_space<vmem>> -> memref<1x128x128xf32, #tpu.memory_space<vmem>>
    %dma_wait3A_779 = tpu.memref_squeeze %dma_wait3A_778 : memref<1x128x128xf32, #tpu.memory_space<vmem>> -> memref<128x128xf32, #tpu.memory_space<vmem>>
    tpu.wait_dma2 semaphore(%dma_wait3A_773 : memref<!tpu.dma_semaphore, #tpu.memory_space<semaphore_mem>>) src(%dma_wait3A_779 : memref<128x128xf32, #tpu.memory_space<vmem>>) dst(%dma_wait3A_775 : memref<128x128xf32, #tpu.memory_space<hbm>>)
    %dma_start3A_780 = arith.constant 3 : i32
    %dma_start3A_781 = arith.constant 3 : i32
    %dma_start3A_782 = arith.constant 3 : i32
    %dma_start3A_783 = arith.constant 0 : i32
    %dma_start3A_784 = arith.constant 0 : i32
    %dma_start3A_785 = tpu.memref_slice %arg6[%dma_start3A_781, %dma_start3A_783, %dma_start3A_784] : memref<5x128x128xf32, #tpu.memory_space<vmem>> -> memref<1x128x128xf32, #tpu.memory_space<vmem>>
    %dma_start3A_786 = tpu.memref_squeeze %dma_start3A_785 : memref<1x128x128xf32, #tpu.memory_space<vmem>> -> memref<128x128xf32, #tpu.memory_space<vmem>>
    %dma_start3A_787 = arith.constant 0 : i32
    %dma_start3A_788 = tpu.memref_slice %arg5[%dma_start3A_780, %dma_start3A_787] : memref<5x128xi32, #tpu.memory_space<vmem>> -> memref<1x128xi32, #tpu.memory_space<vmem>>
    %dma_start3A_789 = tpu.memref_squeeze %dma_start3A_788 : memref<1x128xi32, #tpu.memory_space<vmem>> -> memref<128xi32, #tpu.memory_space<vmem>>
    %dma_start3A_790 = arith.constant 0 : i32
    %dma_start3A_791 = arith.constant 0 : i32
    %dma_start3A_792 = tpu.memref_slice %arg2[%dma_start3A_790, %dma_start3A_791] : memref<100x128xf32, #tpu.memory_space<hbm>> -> memref<100x128xf32, #tpu.memory_space<hbm>>
    %dma_start3A_793 = tpu.memref_slice %arg10[%dma_start3A_782] : memref<5x!tpu.dma_semaphore, #tpu.memory_space<semaphore_mem>> -> memref<1x!tpu.dma_semaphore, #tpu.memory_space<semaphore_mem>>
    %dma_start3A_794 = tpu.memref_squeeze %dma_start3A_793 : memref<1x!tpu.dma_semaphore, #tpu.memory_space<semaphore_mem>> -> memref<!tpu.dma_semaphore, #tpu.memory_space<semaphore_mem>>
    tpu.enqueue_indirect_dma source(%dma_start3A_792 : memref<100x128xf32, #tpu.memory_space<hbm>>) target(%dma_start3A_786 : memref<128x128xf32, #tpu.memory_space<vmem>>) offsets(%dma_start3A_789 : memref<128xi32, #tpu.memory_space<vmem>>) semaphore(%dma_start3A_794 : memref<!tpu.dma_semaphore, #tpu.memory_space<semaphore_mem>>)
    %dma_wait3A_795 = arith.constant 2 : i32
    %dma_wait3A_796 = arith.constant 2 : i32
    %dma_wait3A_797 = arith.constant 2 : i32
    %dma_wait3A_798 = arith.constant 0 : i32
    %dma_wait3A_799 = arith.constant 0 : i32
    %dma_wait3A_800 = tpu.memref_slice %arg6[%dma_wait3A_796, %dma_wait3A_798, %dma_wait3A_799] : memref<5x128x128xf32, #tpu.memory_space<vmem>> -> memref<1x128x128xf32, #tpu.memory_space<vmem>>
    %dma_wait3A_801 = tpu.memref_squeeze %dma_wait3A_800 : memref<1x128x128xf32, #tpu.memory_space<vmem>> -> memref<128x128xf32, #tpu.memory_space<vmem>>
    %dma_wait3A_802 = arith.constant 0 : i32
    %dma_wait3A_803 = tpu.memref_slice %arg5[%dma_wait3A_795, %dma_wait3A_802] : memref<5x128xi32, #tpu.memory_space<vmem>> -> memref<1x128xi32, #tpu.memory_space<vmem>>
    %dma_wait3A_804 = tpu.memref_squeeze %dma_wait3A_803 : memref<1x128xi32, #tpu.memory_space<vmem>> -> memref<128xi32, #tpu.memory_space<vmem>>
    %dma_wait3A_805 = arith.constant 0 : i32
    %dma_wait3A_806 = arith.constant 0 : i32
    %dma_wait3A_807 = tpu.memref_slice %arg2[%dma_wait3A_805, %dma_wait3A_806] : memref<100x128xf32, #tpu.memory_space<hbm>> -> memref<100x128xf32, #tpu.memory_space<hbm>>
    %dma_wait3A_808 = tpu.memref_slice %arg10[%dma_wait3A_797] : memref<5x!tpu.dma_semaphore, #tpu.memory_space<semaphore_mem>> -> memref<1x!tpu.dma_semaphore, #tpu.memory_space<semaphore_mem>>
    %dma_wait3A_809 = tpu.memref_squeeze %dma_wait3A_808 : memref<1x!tpu.dma_semaphore, #tpu.memory_space<semaphore_mem>> -> memref<!tpu.dma_semaphore, #tpu.memory_space<semaphore_mem>>
    tpu.wait_indirect_dma semaphore(%dma_wait3A_809 : memref<!tpu.dma_semaphore, #tpu.memory_space<semaphore_mem>>) src(%dma_wait3A_807 : memref<100x128xf32, #tpu.memory_space<hbm>>) dst(%dma_wait3A_801 : memref<128x128xf32, #tpu.memory_space<vmem>>)
    %add3A_810 = arith.constant 224 : i32
    %add3A_811 = arith.addi %add3A, %add3A_810 : i32
    %mul3A_812 = arith.constant 128 : i32
    %mul3A_813 = arith.muli %add3A_811, %mul3A_812 : i32
    %dma_start3A_814 = arith.constant 2 : i32
    %dma_start3A_815 = arith.constant 2 : i32
    %dma_start3A_816 = arith.constant 0 : i32
    %dma_start3A_817 = arith.constant 0 : i32
    %dma_start3A_818 = tpu.memref_slice %arg6[%dma_start3A_814, %dma_start3A_816, %dma_start3A_817] : memref<5x128x128xf32, #tpu.memory_space<vmem>> -> memref<1x128x128xf32, #tpu.memory_space<vmem>>
    %dma_start3A_819 = tpu.memref_squeeze %dma_start3A_818 : memref<1x128x128xf32, #tpu.memory_space<vmem>> -> memref<128x128xf32, #tpu.memory_space<vmem>>
    %dma_start3A_820 = arith.constant 0 : i32
    %dma_start3A_821 = tpu.memref_slice %arg4[%mul3A_813, %dma_start3A_820] : memref<100000x128xf32, #tpu.memory_space<hbm>> -> memref<128x128xf32, #tpu.memory_space<hbm>>
    %dma_start3A_822 = tpu.memref_slice %arg11[%dma_start3A_815] : memref<5x!tpu.dma_semaphore, #tpu.memory_space<semaphore_mem>> -> memref<1x!tpu.dma_semaphore, #tpu.memory_space<semaphore_mem>>
    %dma_start3A_823 = tpu.memref_squeeze %dma_start3A_822 : memref<1x!tpu.dma_semaphore, #tpu.memory_space<semaphore_mem>> -> memref<!tpu.dma_semaphore, #tpu.memory_space<semaphore_mem>>
    %dma_start3A_824 = arith.constant 0 : i32
    %dma_start3A_825 = tpu.memref_slice %arg4[%mul3A_813, %dma_start3A_824] : memref<100000x128xf32, #tpu.memory_space<hbm>> -> memref<128x128xf32, #tpu.memory_space<hbm>>
    %dma_start3A_826 = arith.constant 0 : i32
    %dma_start3A_827 = arith.constant 0 : i32
    %dma_start3A_828 = tpu.memref_slice %arg6[%dma_start3A_814, %dma_start3A_826, %dma_start3A_827] : memref<5x128x128xf32, #tpu.memory_space<vmem>> -> memref<1x128x128xf32, #tpu.memory_space<vmem>>
    %dma_start3A_829 = tpu.memref_squeeze %dma_start3A_828 : memref<1x128x128xf32, #tpu.memory_space<vmem>> -> memref<128x128xf32, #tpu.memory_space<vmem>>
    tpu.enqueue_dma source(%dma_start3A_829 : memref<128x128xf32, #tpu.memory_space<vmem>>) target(%dma_start3A_825 : memref<128x128xf32, #tpu.memory_space<hbm>>) target_semaphore(%dma_start3A_823 : memref<!tpu.dma_semaphore, #tpu.memory_space<semaphore_mem>>)
    %add3A_830 = arith.constant 384 : i32
    %add3A_831 = arith.addi %add3A, %add3A_830 : i32
    %mul3A_832 = arith.constant 128 : i32
    %mul3A_833 = arith.muli %add3A_831, %mul3A_832 : i32
    %dma_start3A_834 = arith.constant 2 : i32
    %dma_start3A_835 = arith.constant 2 : i32
    %dma_start3A_836 = arith.constant 0 : i32
    %dma_start3A_837 = tpu.memref_slice %arg5[%dma_start3A_834, %dma_start3A_836] : memref<5x128xi32, #tpu.memory_space<vmem>> -> memref<1x128xi32, #tpu.memory_space<vmem>>
    %dma_start3A_838 = tpu.memref_squeeze %dma_start3A_837 : memref<1x128xi32, #tpu.memory_space<vmem>> -> memref<128xi32, #tpu.memory_space<vmem>>
    %dma_start3A_839 = tpu.memref_slice %arg3[%mul3A_833] : memref<100000xi32, #tpu.memory_space<hbm>> -> memref<128xi32, #tpu.memory_space<hbm>>
    %dma_start3A_840 = tpu.memref_slice %arg9[%dma_start3A_835] : memref<5x!tpu.dma_semaphore, #tpu.memory_space<semaphore_mem>> -> memref<1x!tpu.dma_semaphore, #tpu.memory_space<semaphore_mem>>
    %dma_start3A_841 = tpu.memref_squeeze %dma_start3A_840 : memref<1x!tpu.dma_semaphore, #tpu.memory_space<semaphore_mem>> -> memref<!tpu.dma_semaphore, #tpu.memory_space<semaphore_mem>>
    %dma_start3A_842 = arith.constant 0 : i32
    %dma_start3A_843 = tpu.memref_slice %arg5[%dma_start3A_834, %dma_start3A_842] : memref<5x128xi32, #tpu.memory_space<vmem>> -> memref<1x128xi32, #tpu.memory_space<vmem>>
    %dma_start3A_844 = tpu.memref_squeeze %dma_start3A_843 : memref<1x128xi32, #tpu.memory_space<vmem>> -> memref<128xi32, #tpu.memory_space<vmem>>
    %dma_start3A_845 = tpu.memref_slice %arg3[%mul3A_833] : memref<100000xi32, #tpu.memory_space<hbm>> -> memref<128xi32, #tpu.memory_space<hbm>>
    tpu.enqueue_dma source(%dma_start3A_845 : memref<128xi32, #tpu.memory_space<hbm>>) target(%dma_start3A_844 : memref<128xi32, #tpu.memory_space<vmem>>) target_semaphore(%dma_start3A_841 : memref<!tpu.dma_semaphore, #tpu.memory_space<semaphore_mem>>)
    %add3A_846 = arith.constant 288 : i32
    %add3A_847 = arith.addi %add3A, %add3A_846 : i32
    %mul3A_848 = arith.constant 128 : i32
    %mul3A_849 = arith.muli %add3A_847, %mul3A_848 : i32
    %dma_wait3A_850 = arith.constant 4 : i32
    %dma_wait3A_851 = arith.constant 4 : i32
    %dma_wait3A_852 = arith.constant 0 : i32
    %dma_wait3A_853 = tpu.memref_slice %arg5[%dma_wait3A_850, %dma_wait3A_852] : memref<5x128xi32, #tpu.memory_space<vmem>> -> memref<1x128xi32, #tpu.memory_space<vmem>>
    %dma_wait3A_854 = tpu.memref_squeeze %dma_wait3A_853 : memref<1x128xi32, #tpu.memory_space<vmem>> -> memref<128xi32, #tpu.memory_space<vmem>>
    %dma_wait3A_855 = tpu.memref_slice %arg3[%mul3A_849] : memref<100000xi32, #tpu.memory_space<hbm>> -> memref<128xi32, #tpu.memory_space<hbm>>
    %dma_wait3A_856 = tpu.memref_slice %arg9[%dma_wait3A_851] : memref<5x!tpu.dma_semaphore, #tpu.memory_space<semaphore_mem>> -> memref<1x!tpu.dma_semaphore, #tpu.memory_space<semaphore_mem>>
    %dma_wait3A_857 = tpu.memref_squeeze %dma_wait3A_856 : memref<1x!tpu.dma_semaphore, #tpu.memory_space<semaphore_mem>> -> memref<!tpu.dma_semaphore, #tpu.memory_space<semaphore_mem>>
    %dma_wait3A_858 = arith.constant 0 : i32
    %dma_wait3A_859 = tpu.memref_slice %arg5[%dma_wait3A_850, %dma_wait3A_858] : memref<5x128xi32, #tpu.memory_space<vmem>> -> memref<1x128xi32, #tpu.memory_space<vmem>>
    %dma_wait3A_860 = tpu.memref_squeeze %dma_wait3A_859 : memref<1x128xi32, #tpu.memory_space<vmem>> -> memref<128xi32, #tpu.memory_space<vmem>>
    %dma_wait3A_861 = tpu.memref_slice %arg3[%mul3A_849] : memref<100000xi32, #tpu.memory_space<hbm>> -> memref<128xi32, #tpu.memory_space<hbm>>
    tpu.wait_dma2 semaphore(%dma_wait3A_857 : memref<!tpu.dma_semaphore, #tpu.memory_space<semaphore_mem>>) src(%dma_wait3A_861 : memref<128xi32, #tpu.memory_space<hbm>>) dst(%dma_wait3A_860 : memref<128xi32, #tpu.memory_space<vmem>>)
    %add3A_862 = arith.constant 128 : i32
    %add3A_863 = arith.addi %add3A, %add3A_862 : i32
    %mul3A_864 = arith.constant 128 : i32
    %mul3A_865 = arith.muli %add3A_863, %mul3A_864 : i32
    %dma_wait3A_866 = arith.constant 4 : i32
    %dma_wait3A_867 = arith.constant 4 : i32
    %dma_wait3A_868 = arith.constant 0 : i32
    %dma_wait3A_869 = arith.constant 0 : i32
    %dma_wait3A_870 = tpu.memref_slice %arg6[%dma_wait3A_866, %dma_wait3A_868, %dma_wait3A_869] : memref<5x128x128xf32, #tpu.memory_space<vmem>> -> memref<1x128x128xf32, #tpu.memory_space<vmem>>
    %dma_wait3A_871 = tpu.memref_squeeze %dma_wait3A_870 : memref<1x128x128xf32, #tpu.memory_space<vmem>> -> memref<128x128xf32, #tpu.memory_space<vmem>>
    %dma_wait3A_872 = arith.constant 0 : i32
    %dma_wait3A_873 = tpu.memref_slice %arg4[%mul3A_865, %dma_wait3A_872] : memref<100000x128xf32, #tpu.memory_space<hbm>> -> memref<128x128xf32, #tpu.memory_space<hbm>>
    %dma_wait3A_874 = tpu.memref_slice %arg11[%dma_wait3A_867] : memref<5x!tpu.dma_semaphore, #tpu.memory_space<semaphore_mem>> -> memref<1x!tpu.dma_semaphore, #tpu.memory_space<semaphore_mem>>
    %dma_wait3A_875 = tpu.memref_squeeze %dma_wait3A_874 : memref<1x!tpu.dma_semaphore, #tpu.memory_space<semaphore_mem>> -> memref<!tpu.dma_semaphore, #tpu.memory_space<semaphore_mem>>
    %dma_wait3A_876 = arith.constant 0 : i32
    %dma_wait3A_877 = tpu.memref_slice %arg4[%mul3A_865, %dma_wait3A_876] : memref<100000x128xf32, #tpu.memory_space<hbm>> -> memref<128x128xf32, #tpu.memory_space<hbm>>
    %dma_wait3A_878 = arith.constant 0 : i32
    %dma_wait3A_879 = arith.constant 0 : i32
    %dma_wait3A_880 = tpu.memref_slice %arg6[%dma_wait3A_866, %dma_wait3A_878, %dma_wait3A_879] : memref<5x128x128xf32, #tpu.memory_space<vmem>> -> memref<1x128x128xf32, #tpu.memory_space<vmem>>
    %dma_wait3A_881 = tpu.memref_squeeze %dma_wait3A_880 : memref<1x128x128xf32, #tpu.memory_space<vmem>> -> memref<128x128xf32, #tpu.memory_space<vmem>>
    tpu.wait_dma2 semaphore(%dma_wait3A_875 : memref<!tpu.dma_semaphore, #tpu.memory_space<semaphore_mem>>) src(%dma_wait3A_881 : memref<128x128xf32, #tpu.memory_space<vmem>>) dst(%dma_wait3A_877 : memref<128x128xf32, #tpu.memory_space<hbm>>)
    %dma_start3A_882 = arith.constant 4 : i32
    %dma_start3A_883 = arith.constant 4 : i32
    %dma_start3A_884 = arith.constant 4 : i32
    %dma_start3A_885 = arith.constant 0 : i32
    %dma_start3A_886 = arith.constant 0 : i32
    %dma_start3A_887 = tpu.memref_slice %arg6[%dma_start3A_883, %dma_start3A_885, %dma_start3A_886] : memref<5x128x128xf32, #tpu.memory_space<vmem>> -> memref<1x128x128xf32, #tpu.memory_space<vmem>>
    %dma_start3A_888 = tpu.memref_squeeze %dma_start3A_887 : memref<1x128x128xf32, #tpu.memory_space<vmem>> -> memref<128x128xf32, #tpu.memory_space<vmem>>
    %dma_start3A_889 = arith.constant 0 : i32
    %dma_start3A_890 = tpu.memref_slice %arg5[%dma_start3A_882, %dma_start3A_889] : memref<5x128xi32, #tpu.memory_space<vmem>> -> memref<1x128xi32, #tpu.memory_space<vmem>>
    %dma_start3A_891 = tpu.memref_squeeze %dma_start3A_890 : memref<1x128xi32, #tpu.memory_space<vmem>> -> memref<128xi32, #tpu.memory_space<vmem>>
    %dma_start3A_892 = arith.constant 0 : i32
    %dma_start3A_893 = arith.constant 0 : i32
    %dma_start3A_894 = tpu.memref_slice %arg2[%dma_start3A_892, %dma_start3A_893] : memref<100x128xf32, #tpu.memory_space<hbm>> -> memref<100x128xf32, #tpu.memory_space<hbm>>
    %dma_start3A_895 = tpu.memref_slice %arg10[%dma_start3A_884] : memref<5x!tpu.dma_semaphore, #tpu.memory_space<semaphore_mem>> -> memref<1x!tpu.dma_semaphore, #tpu.memory_space<semaphore_mem>>
    %dma_start3A_896 = tpu.memref_squeeze %dma_start3A_895 : memref<1x!tpu.dma_semaphore, #tpu.memory_space<semaphore_mem>> -> memref<!tpu.dma_semaphore, #tpu.memory_space<semaphore_mem>>
    tpu.enqueue_indirect_dma source(%dma_start3A_894 : memref<100x128xf32, #tpu.memory_space<hbm>>) target(%dma_start3A_888 : memref<128x128xf32, #tpu.memory_space<vmem>>) offsets(%dma_start3A_891 : memref<128xi32, #tpu.memory_space<vmem>>) semaphore(%dma_start3A_896 : memref<!tpu.dma_semaphore, #tpu.memory_space<semaphore_mem>>)
    %dma_wait3A_897 = arith.constant 3 : i32
    %dma_wait3A_898 = arith.constant 3 : i32
    %dma_wait3A_899 = arith.constant 3 : i32
    %dma_wait3A_900 = arith.constant 0 : i32
    %dma_wait3A_901 = arith.constant 0 : i32
    %dma_wait3A_902 = tpu.memref_slice %arg6[%dma_wait3A_898, %dma_wait3A_900, %dma_wait3A_901] : memref<5x128x128xf32, #tpu.memory_space<vmem>> -> memref<1x128x128xf32, #tpu.memory_space<vmem>>
    %dma_wait3A_903 = tpu.memref_squeeze %dma_wait3A_902 : memref<1x128x128xf32, #tpu.memory_space<vmem>> -> memref<128x128xf32, #tpu.memory_space<vmem>>
    %dma_wait3A_904 = arith.constant 0 : i32
    %dma_wait3A_905 = tpu.memref_slice %arg5[%dma_wait3A_897, %dma_wait3A_904] : memref<5x128xi32, #tpu.memory_space<vmem>> -> memref<1x128xi32, #tpu.memory_space<vmem>>
    %dma_wait3A_906 = tpu.memref_squeeze %dma_wait3A_905 : memref<1x128xi32, #tpu.memory_space<vmem>> -> memref<128xi32, #tpu.memory_space<vmem>>
    %dma_wait3A_907 = arith.constant 0 : i32
    %dma_wait3A_908 = arith.constant 0 : i32
    %dma_wait3A_909 = tpu.memref_slice %arg2[%dma_wait3A_907, %dma_wait3A_908] : memref<100x128xf32, #tpu.memory_space<hbm>> -> memref<100x128xf32, #tpu.memory_space<hbm>>
    %dma_wait3A_910 = tpu.memref_slice %arg10[%dma_wait3A_899] : memref<5x!tpu.dma_semaphore, #tpu.memory_space<semaphore_mem>> -> memref<1x!tpu.dma_semaphore, #tpu.memory_space<semaphore_mem>>
    %dma_wait3A_911 = tpu.memref_squeeze %dma_wait3A_910 : memref<1x!tpu.dma_semaphore, #tpu.memory_space<semaphore_mem>> -> memref<!tpu.dma_semaphore, #tpu.memory_space<semaphore_mem>>
    tpu.wait_indirect_dma semaphore(%dma_wait3A_911 : memref<!tpu.dma_semaphore, #tpu.memory_space<semaphore_mem>>) src(%dma_wait3A_909 : memref<100x128xf32, #tpu.memory_space<hbm>>) dst(%dma_wait3A_903 : memref<128x128xf32, #tpu.memory_space<vmem>>)
    %add3A_912 = arith.constant 256 : i32
    %add3A_913 = arith.addi %add3A, %add3A_912 : i32
    %mul3A_914 = arith.constant 128 : i32
    %mul3A_915 = arith.muli %add3A_913, %mul3A_914 : i32
    %dma_start3A_916 = arith.constant 3 : i32
    %dma_start3A_917 = arith.constant 3 : i32
    %dma_start3A_918 = arith.constant 0 : i32
    %dma_start3A_919 = arith.constant 0 : i32
    %dma_start3A_920 = tpu.memref_slice %arg6[%dma_start3A_916, %dma_start3A_918, %dma_start3A_919] : memref<5x128x128xf32, #tpu.memory_space<vmem>> -> memref<1x128x128xf32, #tpu.memory_space<vmem>>
    %dma_start3A_921 = tpu.memref_squeeze %dma_start3A_920 : memref<1x128x128xf32, #tpu.memory_space<vmem>> -> memref<128x128xf32, #tpu.memory_space<vmem>>
    %dma_start3A_922 = arith.constant 0 : i32
    %dma_start3A_923 = tpu.memref_slice %arg4[%mul3A_915, %dma_start3A_922] : memref<100000x128xf32, #tpu.memory_space<hbm>> -> memref<128x128xf32, #tpu.memory_space<hbm>>
    %dma_start3A_924 = tpu.memref_slice %arg11[%dma_start3A_917] : memref<5x!tpu.dma_semaphore, #tpu.memory_space<semaphore_mem>> -> memref<1x!tpu.dma_semaphore, #tpu.memory_space<semaphore_mem>>
    %dma_start3A_925 = tpu.memref_squeeze %dma_start3A_924 : memref<1x!tpu.dma_semaphore, #tpu.memory_space<semaphore_mem>> -> memref<!tpu.dma_semaphore, #tpu.memory_space<semaphore_mem>>
    %dma_start3A_926 = arith.constant 0 : i32
    %dma_start3A_927 = tpu.memref_slice %arg4[%mul3A_915, %dma_start3A_926] : memref<100000x128xf32, #tpu.memory_space<hbm>> -> memref<128x128xf32, #tpu.memory_space<hbm>>
    %dma_start3A_928 = arith.constant 0 : i32
    %dma_start3A_929 = arith.constant 0 : i32
    %dma_start3A_930 = tpu.memref_slice %arg6[%dma_start3A_916, %dma_start3A_928, %dma_start3A_929] : memref<5x128x128xf32, #tpu.memory_space<vmem>> -> memref<1x128x128xf32, #tpu.memory_space<vmem>>
    %dma_start3A_931 = tpu.memref_squeeze %dma_start3A_930 : memref<1x128x128xf32, #tpu.memory_space<vmem>> -> memref<128x128xf32, #tpu.memory_space<vmem>>
    tpu.enqueue_dma source(%dma_start3A_931 : memref<128x128xf32, #tpu.memory_space<vmem>>) target(%dma_start3A_927 : memref<128x128xf32, #tpu.memory_space<hbm>>) target_semaphore(%dma_start3A_925 : memref<!tpu.dma_semaphore, #tpu.memory_space<semaphore_mem>>)
    %add3A_932 = arith.constant 416 : i32
    %add3A_933 = arith.addi %add3A, %add3A_932 : i32
    %mul3A_934 = arith.constant 128 : i32
    %mul3A_935 = arith.muli %add3A_933, %mul3A_934 : i32
    %dma_start3A_936 = arith.constant 3 : i32
    %dma_start3A_937 = arith.constant 3 : i32
    %dma_start3A_938 = arith.constant 0 : i32
    %dma_start3A_939 = tpu.memref_slice %arg5[%dma_start3A_936, %dma_start3A_938] : memref<5x128xi32, #tpu.memory_space<vmem>> -> memref<1x128xi32, #tpu.memory_space<vmem>>
    %dma_start3A_940 = tpu.memref_squeeze %dma_start3A_939 : memref<1x128xi32, #tpu.memory_space<vmem>> -> memref<128xi32, #tpu.memory_space<vmem>>
    %dma_start3A_941 = tpu.memref_slice %arg3[%mul3A_935] : memref<100000xi32, #tpu.memory_space<hbm>> -> memref<128xi32, #tpu.memory_space<hbm>>
    %dma_start3A_942 = tpu.memref_slice %arg9[%dma_start3A_937] : memref<5x!tpu.dma_semaphore, #tpu.memory_space<semaphore_mem>> -> memref<1x!tpu.dma_semaphore, #tpu.memory_space<semaphore_mem>>
    %dma_start3A_943 = tpu.memref_squeeze %dma_start3A_942 : memref<1x!tpu.dma_semaphore, #tpu.memory_space<semaphore_mem>> -> memref<!tpu.dma_semaphore, #tpu.memory_space<semaphore_mem>>
    %dma_start3A_944 = arith.constant 0 : i32
    %dma_start3A_945 = tpu.memref_slice %arg5[%dma_start3A_936, %dma_start3A_944] : memref<5x128xi32, #tpu.memory_space<vmem>> -> memref<1x128xi32, #tpu.memory_space<vmem>>
    %dma_start3A_946 = tpu.memref_squeeze %dma_start3A_945 : memref<1x128xi32, #tpu.memory_space<vmem>> -> memref<128xi32, #tpu.memory_space<vmem>>
    %dma_start3A_947 = tpu.memref_slice %arg3[%mul3A_935] : memref<100000xi32, #tpu.memory_space<hbm>> -> memref<128xi32, #tpu.memory_space<hbm>>
    tpu.enqueue_dma source(%dma_start3A_947 : memref<128xi32, #tpu.memory_space<hbm>>) target(%dma_start3A_946 : memref<128xi32, #tpu.memory_space<vmem>>) target_semaphore(%dma_start3A_943 : memref<!tpu.dma_semaphore, #tpu.memory_space<semaphore_mem>>)
    %add3A_948 = arith.constant 320 : i32
    %add3A_949 = arith.addi %add3A, %add3A_948 : i32
    %mul3A_950 = arith.constant 128 : i32
    %mul3A_951 = arith.muli %add3A_949, %mul3A_950 : i32
    %dma_wait3A_952 = arith.constant 0 : i32
    %dma_wait3A_953 = arith.constant 0 : i32
    %dma_wait3A_954 = arith.constant 0 : i32
    %dma_wait3A_955 = tpu.memref_slice %arg5[%dma_wait3A_952, %dma_wait3A_954] : memref<5x128xi32, #tpu.memory_space<vmem>> -> memref<1x128xi32, #tpu.memory_space<vmem>>
    %dma_wait3A_956 = tpu.memref_squeeze %dma_wait3A_955 : memref<1x128xi32, #tpu.memory_space<vmem>> -> memref<128xi32, #tpu.memory_space<vmem>>
    %dma_wait3A_957 = tpu.memref_slice %arg3[%mul3A_951] : memref<100000xi32, #tpu.memory_space<hbm>> -> memref<128xi32, #tpu.memory_space<hbm>>
    %dma_wait3A_958 = tpu.memref_slice %arg9[%dma_wait3A_953] : memref<5x!tpu.dma_semaphore, #tpu.memory_space<semaphore_mem>> -> memref<1x!tpu.dma_semaphore, #tpu.memory_space<semaphore_mem>>
    %dma_wait3A_959 = tpu.memref_squeeze %dma_wait3A_958 : memref<1x!tpu.dma_semaphore, #tpu.memory_space<semaphore_mem>> -> memref<!tpu.dma_semaphore, #tpu.memory_space<semaphore_mem>>
    %dma_wait3A_960 = arith.constant 0 : i32
    %dma_wait3A_961 = tpu.memref_slice %arg5[%dma_wait3A_952, %dma_wait3A_960] : memref<5x128xi32, #tpu.memory_space<vmem>> -> memref<1x128xi32, #tpu.memory_space<vmem>>
    %dma_wait3A_962 = tpu.memref_squeeze %dma_wait3A_961 : memref<1x128xi32, #tpu.memory_space<vmem>> -> memref<128xi32, #tpu.memory_space<vmem>>
    %dma_wait3A_963 = tpu.memref_slice %arg3[%mul3A_951] : memref<100000xi32, #tpu.memory_space<hbm>> -> memref<128xi32, #tpu.memory_space<hbm>>
    tpu.wait_dma2 semaphore(%dma_wait3A_959 : memref<!tpu.dma_semaphore, #tpu.memory_space<semaphore_mem>>) src(%dma_wait3A_963 : memref<128xi32, #tpu.memory_space<hbm>>) dst(%dma_wait3A_962 : memref<128xi32, #tpu.memory_space<vmem>>)
    %add3A_964 = arith.constant 160 : i32
    %add3A_965 = arith.addi %add3A, %add3A_964 : i32
    %mul3A_966 = arith.constant 128 : i32
    %mul3A_967 = arith.muli %add3A_965, %mul3A_966 : i32
    %dma_wait3A_968 = arith.constant 0 : i32
    %dma_wait3A_969 = arith.constant 0 : i32
    %dma_wait3A_970 = arith.constant 0 : i32
    %dma_wait3A_971 = arith.constant 0 : i32
    %dma_wait3A_972 = tpu.memref_slice %arg6[%dma_wait3A_968, %dma_wait3A_970, %dma_wait3A_971] : memref<5x128x128xf32, #tpu.memory_space<vmem>> -> memref<1x128x128xf32, #tpu.memory_space<vmem>>
    %dma_wait3A_973 = tpu.memref_squeeze %dma_wait3A_972 : memref<1x128x128xf32, #tpu.memory_space<vmem>> -> memref<128x128xf32, #tpu.memory_space<vmem>>
    %dma_wait3A_974 = arith.constant 0 : i32
    %dma_wait3A_975 = tpu.memref_slice %arg4[%mul3A_967, %dma_wait3A_974] : memref<100000x128xf32, #tpu.memory_space<hbm>> -> memref<128x128xf32, #tpu.memory_space<hbm>>
    %dma_wait3A_976 = tpu.memref_slice %arg11[%dma_wait3A_969] : memref<5x!tpu.dma_semaphore, #tpu.memory_space<semaphore_mem>> -> memref<1x!tpu.dma_semaphore, #tpu.memory_space<semaphore_mem>>
    %dma_wait3A_977 = tpu.memref_squeeze %dma_wait3A_976 : memref<1x!tpu.dma_semaphore, #tpu.memory_space<semaphore_mem>> -> memref<!tpu.dma_semaphore, #tpu.memory_space<semaphore_mem>>
    %dma_wait3A_978 = arith.constant 0 : i32
    %dma_wait3A_979 = tpu.memref_slice %arg4[%mul3A_967, %dma_wait3A_978] : memref<100000x128xf32, #tpu.memory_space<hbm>> -> memref<128x128xf32, #tpu.memory_space<hbm>>
    %dma_wait3A_980 = arith.constant 0 : i32
    %dma_wait3A_981 = arith.constant 0 : i32
    %dma_wait3A_982 = tpu.memref_slice %arg6[%dma_wait3A_968, %dma_wait3A_980, %dma_wait3A_981] : memref<5x128x128xf32, #tpu.memory_space<vmem>> -> memref<1x128x128xf32, #tpu.memory_space<vmem>>
    %dma_wait3A_983 = tpu.memref_squeeze %dma_wait3A_982 : memref<1x128x128xf32, #tpu.memory_space<vmem>> -> memref<128x128xf32, #tpu.memory_space<vmem>>
    tpu.wait_dma2 semaphore(%dma_wait3A_977 : memref<!tpu.dma_semaphore, #tpu.memory_space<semaphore_mem>>) src(%dma_wait3A_983 : memref<128x128xf32, #tpu.memory_space<vmem>>) dst(%dma_wait3A_979 : memref<128x128xf32, #tpu.memory_space<hbm>>)
    %dma_start3A_984 = arith.constant 0 : i32
    %dma_start3A_985 = arith.constant 0 : i32
    %dma_start3A_986 = arith.constant 0 : i32
    %dma_start3A_987 = arith.constant 0 : i32
    %dma_start3A_988 = arith.constant 0 : i32
    %dma_start3A_989 = tpu.memref_slice %arg6[%dma_start3A_985, %dma_start3A_987, %dma_start3A_988] : memref<5x128x128xf32, #tpu.memory_space<vmem>> -> memref<1x128x128xf32, #tpu.memory_space<vmem>>
    %dma_start3A_990 = tpu.memref_squeeze %dma_start3A_989 : memref<1x128x128xf32, #tpu.memory_space<vmem>> -> memref<128x128xf32, #tpu.memory_space<vmem>>
    %dma_start3A_991 = arith.constant 0 : i32
    %dma_start3A_992 = tpu.memref_slice %arg5[%dma_start3A_984, %dma_start3A_991] : memref<5x128xi32, #tpu.memory_space<vmem>> -> memref<1x128xi32, #tpu.memory_space<vmem>>
    %dma_start3A_993 = tpu.memref_squeeze %dma_start3A_992 : memref<1x128xi32, #tpu.memory_space<vmem>> -> memref<128xi32, #tpu.memory_space<vmem>>
    %dma_start3A_994 = arith.constant 0 : i32
    %dma_start3A_995 = arith.constant 0 : i32
    %dma_start3A_996 = tpu.memref_slice %arg2[%dma_start3A_994, %dma_start3A_995] : memref<100x128xf32, #tpu.memory_space<hbm>> -> memref<100x128xf32, #tpu.memory_space<hbm>>
    %dma_start3A_997 = tpu.memref_slice %arg10[%dma_start3A_986] : memref<5x!tpu.dma_semaphore, #tpu.memory_space<semaphore_mem>> -> memref<1x!tpu.dma_semaphore, #tpu.memory_space<semaphore_mem>>
    %dma_start3A_998 = tpu.memref_squeeze %dma_start3A_997 : memref<1x!tpu.dma_semaphore, #tpu.memory_space<semaphore_mem>> -> memref<!tpu.dma_semaphore, #tpu.memory_space<semaphore_mem>>
    tpu.enqueue_indirect_dma source(%dma_start3A_996 : memref<100x128xf32, #tpu.memory_space<hbm>>) target(%dma_start3A_990 : memref<128x128xf32, #tpu.memory_space<vmem>>) offsets(%dma_start3A_993 : memref<128xi32, #tpu.memory_space<vmem>>) semaphore(%dma_start3A_998 : memref<!tpu.dma_semaphore, #tpu.memory_space<semaphore_mem>>)
    %dma_wait3A_999 = arith.constant 4 : i32
    %dma_wait3A_1000 = arith.constant 4 : i32
    %dma_wait3A_1001 = arith.constant 4 : i32
    %dma_wait3A_1002 = arith.constant 0 : i32
    %dma_wait3A_1003 = arith.constant 0 : i32
    %dma_wait3A_1004 = tpu.memref_slice %arg6[%dma_wait3A_1000, %dma_wait3A_1002, %dma_wait3A_1003] : memref<5x128x128xf32, #tpu.memory_space<vmem>> -> memref<1x128x128xf32, #tpu.memory_space<vmem>>
    %dma_wait3A_1005 = tpu.memref_squeeze %dma_wait3A_1004 : memref<1x128x128xf32, #tpu.memory_space<vmem>> -> memref<128x128xf32, #tpu.memory_space<vmem>>
    %dma_wait3A_1006 = arith.constant 0 : i32
    %dma_wait3A_1007 = tpu.memref_slice %arg5[%dma_wait3A_999, %dma_wait3A_1006] : memref<5x128xi32, #tpu.memory_space<vmem>> -> memref<1x128xi32, #tpu.memory_space<vmem>>
    %dma_wait3A_1008 = tpu.memref_squeeze %dma_wait3A_1007 : memref<1x128xi32, #tpu.memory_space<vmem>> -> memref<128xi32, #tpu.memory_space<vmem>>
    %dma_wait3A_1009 = arith.constant 0 : i32
    %dma_wait3A_1010 = arith.constant 0 : i32
    %dma_wait3A_1011 = tpu.memref_slice %arg2[%dma_wait3A_1009, %dma_wait3A_1010] : memref<100x128xf32, #tpu.memory_space<hbm>> -> memref<100x128xf32, #tpu.memory_space<hbm>>
    %dma_wait3A_1012 = tpu.memref_slice %arg10[%dma_wait3A_1001] : memref<5x!tpu.dma_semaphore, #tpu.memory_space<semaphore_mem>> -> memref<1x!tpu.dma_semaphore, #tpu.memory_space<semaphore_mem>>
    %dma_wait3A_1013 = tpu.memref_squeeze %dma_wait3A_1012 : memref<1x!tpu.dma_semaphore, #tpu.memory_space<semaphore_mem>> -> memref<!tpu.dma_semaphore, #tpu.memory_space<semaphore_mem>>
    tpu.wait_indirect_dma semaphore(%dma_wait3A_1013 : memref<!tpu.dma_semaphore, #tpu.memory_space<semaphore_mem>>) src(%dma_wait3A_1011 : memref<100x128xf32, #tpu.memory_space<hbm>>) dst(%dma_wait3A_1005 : memref<128x128xf32, #tpu.memory_space<vmem>>)
    %add3A_1014 = arith.constant 288 : i32
    %add3A_1015 = arith.addi %add3A, %add3A_1014 : i32
    %mul3A_1016 = arith.constant 128 : i32
    %mul3A_1017 = arith.muli %add3A_1015, %mul3A_1016 : i32
    %dma_start3A_1018 = arith.constant 4 : i32
    %dma_start3A_1019 = arith.constant 4 : i32
    %dma_start3A_1020 = arith.constant 0 : i32
    %dma_start3A_1021 = arith.constant 0 : i32
    %dma_start3A_1022 = tpu.memref_slice %arg6[%dma_start3A_1018, %dma_start3A_1020, %dma_start3A_1021] : memref<5x128x128xf32, #tpu.memory_space<vmem>> -> memref<1x128x128xf32, #tpu.memory_space<vmem>>
    %dma_start3A_1023 = tpu.memref_squeeze %dma_start3A_1022 : memref<1x128x128xf32, #tpu.memory_space<vmem>> -> memref<128x128xf32, #tpu.memory_space<vmem>>
    %dma_start3A_1024 = arith.constant 0 : i32
    %dma_start3A_1025 = tpu.memref_slice %arg4[%mul3A_1017, %dma_start3A_1024] : memref<100000x128xf32, #tpu.memory_space<hbm>> -> memref<128x128xf32, #tpu.memory_space<hbm>>
    %dma_start3A_1026 = tpu.memref_slice %arg11[%dma_start3A_1019] : memref<5x!tpu.dma_semaphore, #tpu.memory_space<semaphore_mem>> -> memref<1x!tpu.dma_semaphore, #tpu.memory_space<semaphore_mem>>
    %dma_start3A_1027 = tpu.memref_squeeze %dma_start3A_1026 : memref<1x!tpu.dma_semaphore, #tpu.memory_space<semaphore_mem>> -> memref<!tpu.dma_semaphore, #tpu.memory_space<semaphore_mem>>
    %dma_start3A_1028 = arith.constant 0 : i32
    %dma_start3A_1029 = tpu.memref_slice %arg4[%mul3A_1017, %dma_start3A_1028] : memref<100000x128xf32, #tpu.memory_space<hbm>> -> memref<128x128xf32, #tpu.memory_space<hbm>>
    %dma_start3A_1030 = arith.constant 0 : i32
    %dma_start3A_1031 = arith.constant 0 : i32
    %dma_start3A_1032 = tpu.memref_slice %arg6[%dma_start3A_1018, %dma_start3A_1030, %dma_start3A_1031] : memref<5x128x128xf32, #tpu.memory_space<vmem>> -> memref<1x128x128xf32, #tpu.memory_space<vmem>>
    %dma_start3A_1033 = tpu.memref_squeeze %dma_start3A_1032 : memref<1x128x128xf32, #tpu.memory_space<vmem>> -> memref<128x128xf32, #tpu.memory_space<vmem>>
    tpu.enqueue_dma source(%dma_start3A_1033 : memref<128x128xf32, #tpu.memory_space<vmem>>) target(%dma_start3A_1029 : memref<128x128xf32, #tpu.memory_space<hbm>>) target_semaphore(%dma_start3A_1027 : memref<!tpu.dma_semaphore, #tpu.memory_space<semaphore_mem>>)
    %add3A_1034 = arith.constant 448 : i32
    %add3A_1035 = arith.addi %add3A, %add3A_1034 : i32
    %mul3A_1036 = arith.constant 128 : i32
    %mul3A_1037 = arith.muli %add3A_1035, %mul3A_1036 : i32
    %dma_start3A_1038 = arith.constant 4 : i32
    %dma_start3A_1039 = arith.constant 4 : i32
    %dma_start3A_1040 = arith.constant 0 : i32
    %dma_start3A_1041 = tpu.memref_slice %arg5[%dma_start3A_1038, %dma_start3A_1040] : memref<5x128xi32, #tpu.memory_space<vmem>> -> memref<1x128xi32, #tpu.memory_space<vmem>>
    %dma_start3A_1042 = tpu.memref_squeeze %dma_start3A_1041 : memref<1x128xi32, #tpu.memory_space<vmem>> -> memref<128xi32, #tpu.memory_space<vmem>>
    %dma_start3A_1043 = tpu.memref_slice %arg3[%mul3A_1037] : memref<100000xi32, #tpu.memory_space<hbm>> -> memref<128xi32, #tpu.memory_space<hbm>>
    %dma_start3A_1044 = tpu.memref_slice %arg9[%dma_start3A_1039] : memref<5x!tpu.dma_semaphore, #tpu.memory_space<semaphore_mem>> -> memref<1x!tpu.dma_semaphore, #tpu.memory_space<semaphore_mem>>
    %dma_start3A_1045 = tpu.memref_squeeze %dma_start3A_1044 : memref<1x!tpu.dma_semaphore, #tpu.memory_space<semaphore_mem>> -> memref<!tpu.dma_semaphore, #tpu.memory_space<semaphore_mem>>
    %dma_start3A_1046 = arith.constant 0 : i32
    %dma_start3A_1047 = tpu.memref_slice %arg5[%dma_start3A_1038, %dma_start3A_1046] : memref<5x128xi32, #tpu.memory_space<vmem>> -> memref<1x128xi32, #tpu.memory_space<vmem>>
    %dma_start3A_1048 = tpu.memref_squeeze %dma_start3A_1047 : memref<1x128xi32, #tpu.memory_space<vmem>> -> memref<128xi32, #tpu.memory_space<vmem>>
    %dma_start3A_1049 = tpu.memref_slice %arg3[%mul3A_1037] : memref<100000xi32, #tpu.memory_space<hbm>> -> memref<128xi32, #tpu.memory_space<hbm>>
    tpu.enqueue_dma source(%dma_start3A_1049 : memref<128xi32, #tpu.memory_space<hbm>>) target(%dma_start3A_1048 : memref<128xi32, #tpu.memory_space<vmem>>) target_semaphore(%dma_start3A_1045 : memref<!tpu.dma_semaphore, #tpu.memory_space<semaphore_mem>>)
    %add3A_1050 = arith.constant 352 : i32
    %add3A_1051 = arith.addi %add3A, %add3A_1050 : i32
    %mul3A_1052 = arith.constant 128 : i32
    %mul3A_1053 = arith.muli %add3A_1051, %mul3A_1052 : i32
    %dma_wait3A_1054 = arith.constant 1 : i32
    %dma_wait3A_1055 = arith.constant 1 : i32
    %dma_wait3A_1056 = arith.constant 0 : i32
    %dma_wait3A_1057 = tpu.memref_slice %arg5[%dma_wait3A_1054, %dma_wait3A_1056] : memref<5x128xi32, #tpu.memory_space<vmem>> -> memref<1x128xi32, #tpu.memory_space<vmem>>
    %dma_wait3A_1058 = tpu.memref_squeeze %dma_wait3A_1057 : memref<1x128xi32, #tpu.memory_space<vmem>> -> memref<128xi32, #tpu.memory_space<vmem>>
    %dma_wait3A_1059 = tpu.memref_slice %arg3[%mul3A_1053] : memref<100000xi32, #tpu.memory_space<hbm>> -> memref<128xi32, #tpu.memory_space<hbm>>
    %dma_wait3A_1060 = tpu.memref_slice %arg9[%dma_wait3A_1055] : memref<5x!tpu.dma_semaphore, #tpu.memory_space<semaphore_mem>> -> memref<1x!tpu.dma_semaphore, #tpu.memory_space<semaphore_mem>>
    %dma_wait3A_1061 = tpu.memref_squeeze %dma_wait3A_1060 : memref<1x!tpu.dma_semaphore, #tpu.memory_space<semaphore_mem>> -> memref<!tpu.dma_semaphore, #tpu.memory_space<semaphore_mem>>
    %dma_wait3A_1062 = arith.constant 0 : i32
    %dma_wait3A_1063 = tpu.memref_slice %arg5[%dma_wait3A_1054, %dma_wait3A_1062] : memref<5x128xi32, #tpu.memory_space<vmem>> -> memref<1x128xi32, #tpu.memory_space<vmem>>
    %dma_wait3A_1064 = tpu.memref_squeeze %dma_wait3A_1063 : memref<1x128xi32, #tpu.memory_space<vmem>> -> memref<128xi32, #tpu.memory_space<vmem>>
    %dma_wait3A_1065 = tpu.memref_slice %arg3[%mul3A_1053] : memref<100000xi32, #tpu.memory_space<hbm>> -> memref<128xi32, #tpu.memory_space<hbm>>
    tpu.wait_dma2 semaphore(%dma_wait3A_1061 : memref<!tpu.dma_semaphore, #tpu.memory_space<semaphore_mem>>) src(%dma_wait3A_1065 : memref<128xi32, #tpu.memory_space<hbm>>) dst(%dma_wait3A_1064 : memref<128xi32, #tpu.memory_space<vmem>>)
    %add3A_1066 = arith.constant 192 : i32
    %add3A_1067 = arith.addi %add3A, %add3A_1066 : i32
    %mul3A_1068 = arith.constant 128 : i32
    %mul3A_1069 = arith.muli %add3A_1067, %mul3A_1068 : i32
    %dma_wait3A_1070 = arith.constant 1 : i32
    %dma_wait3A_1071 = arith.constant 1 : i32
    %dma_wait3A_1072 = arith.constant 0 : i32
    %dma_wait3A_1073 = arith.constant 0 : i32
    %dma_wait3A_1074 = tpu.memref_slice %arg6[%dma_wait3A_1070, %dma_wait3A_1072, %dma_wait3A_1073] : memref<5x128x128xf32, #tpu.memory_space<vmem>> -> memref<1x128x128xf32, #tpu.memory_space<vmem>>
    %dma_wait3A_1075 = tpu.memref_squeeze %dma_wait3A_1074 : memref<1x128x128xf32, #tpu.memory_space<vmem>> -> memref<128x128xf32, #tpu.memory_space<vmem>>
    %dma_wait3A_1076 = arith.constant 0 : i32
    %dma_wait3A_1077 = tpu.memref_slice %arg4[%mul3A_1069, %dma_wait3A_1076] : memref<100000x128xf32, #tpu.memory_space<hbm>> -> memref<128x128xf32, #tpu.memory_space<hbm>>
    %dma_wait3A_1078 = tpu.memref_slice %arg11[%dma_wait3A_1071] : memref<5x!tpu.dma_semaphore, #tpu.memory_space<semaphore_mem>> -> memref<1x!tpu.dma_semaphore, #tpu.memory_space<semaphore_mem>>
    %dma_wait3A_1079 = tpu.memref_squeeze %dma_wait3A_1078 : memref<1x!tpu.dma_semaphore, #tpu.memory_space<semaphore_mem>> -> memref<!tpu.dma_semaphore, #tpu.memory_space<semaphore_mem>>
    %dma_wait3A_1080 = arith.constant 0 : i32
    %dma_wait3A_1081 = tpu.memref_slice %arg4[%mul3A_1069, %dma_wait3A_1080] : memref<100000x128xf32, #tpu.memory_space<hbm>> -> memref<128x128xf32, #tpu.memory_space<hbm>>
    %dma_wait3A_1082 = arith.constant 0 : i32
    %dma_wait3A_1083 = arith.constant 0 : i32
    %dma_wait3A_1084 = tpu.memref_slice %arg6[%dma_wait3A_1070, %dma_wait3A_1082, %dma_wait3A_1083] : memref<5x128x128xf32, #tpu.memory_space<vmem>> -> memref<1x128x128xf32, #tpu.memory_space<vmem>>
    %dma_wait3A_1085 = tpu.memref_squeeze %dma_wait3A_1084 : memref<1x128x128xf32, #tpu.memory_space<vmem>> -> memref<128x128xf32, #tpu.memory_space<vmem>>
    tpu.wait_dma2 semaphore(%dma_wait3A_1079 : memref<!tpu.dma_semaphore, #tpu.memory_space<semaphore_mem>>) src(%dma_wait3A_1085 : memref<128x128xf32, #tpu.memory_space<vmem>>) dst(%dma_wait3A_1081 : memref<128x128xf32, #tpu.memory_space<hbm>>)
    %dma_start3A_1086 = arith.constant 1 : i32
    %dma_start3A_1087 = arith.constant 1 : i32
    %dma_start3A_1088 = arith.constant 1 : i32
    %dma_start3A_1089 = arith.constant 0 : i32
    %dma_start3A_1090 = arith.constant 0 : i32
    %dma_start3A_1091 = tpu.memref_slice %arg6[%dma_start3A_1087, %dma_start3A_1089, %dma_start3A_1090] : memref<5x128x128xf32, #tpu.memory_space<vmem>> -> memref<1x128x128xf32, #tpu.memory_space<vmem>>
    %dma_start3A_1092 = tpu.memref_squeeze %dma_start3A_1091 : memref<1x128x128xf32, #tpu.memory_space<vmem>> -> memref<128x128xf32, #tpu.memory_space<vmem>>
    %dma_start3A_1093 = arith.constant 0 : i32
    %dma_start3A_1094 = tpu.memref_slice %arg5[%dma_start3A_1086, %dma_start3A_1093] : memref<5x128xi32, #tpu.memory_space<vmem>> -> memref<1x128xi32, #tpu.memory_space<vmem>>
    %dma_start3A_1095 = tpu.memref_squeeze %dma_start3A_1094 : memref<1x128xi32, #tpu.memory_space<vmem>> -> memref<128xi32, #tpu.memory_space<vmem>>
    %dma_start3A_1096 = arith.constant 0 : i32
    %dma_start3A_1097 = arith.constant 0 : i32
    %dma_start3A_1098 = tpu.memref_slice %arg2[%dma_start3A_1096, %dma_start3A_1097] : memref<100x128xf32, #tpu.memory_space<hbm>> -> memref<100x128xf32, #tpu.memory_space<hbm>>
    %dma_start3A_1099 = tpu.memref_slice %arg10[%dma_start3A_1088] : memref<5x!tpu.dma_semaphore, #tpu.memory_space<semaphore_mem>> -> memref<1x!tpu.dma_semaphore, #tpu.memory_space<semaphore_mem>>
    %dma_start3A_1100 = tpu.memref_squeeze %dma_start3A_1099 : memref<1x!tpu.dma_semaphore, #tpu.memory_space<semaphore_mem>> -> memref<!tpu.dma_semaphore, #tpu.memory_space<semaphore_mem>>
    tpu.enqueue_indirect_dma source(%dma_start3A_1098 : memref<100x128xf32, #tpu.memory_space<hbm>>) target(%dma_start3A_1092 : memref<128x128xf32, #tpu.memory_space<vmem>>) offsets(%dma_start3A_1095 : memref<128xi32, #tpu.memory_space<vmem>>) semaphore(%dma_start3A_1100 : memref<!tpu.dma_semaphore, #tpu.memory_space<semaphore_mem>>)
    %dma_wait3A_1101 = arith.constant 0 : i32
    %dma_wait3A_1102 = arith.constant 0 : i32
    %dma_wait3A_1103 = arith.constant 0 : i32
    %dma_wait3A_1104 = arith.constant 0 : i32
    %dma_wait3A_1105 = arith.constant 0 : i32
    %dma_wait3A_1106 = tpu.memref_slice %arg6[%dma_wait3A_1102, %dma_wait3A_1104, %dma_wait3A_1105] : memref<5x128x128xf32, #tpu.memory_space<vmem>> -> memref<1x128x128xf32, #tpu.memory_space<vmem>>
    %dma_wait3A_1107 = tpu.memref_squeeze %dma_wait3A_1106 : memref<1x128x128xf32, #tpu.memory_space<vmem>> -> memref<128x128xf32, #tpu.memory_space<vmem>>
    %dma_wait3A_1108 = arith.constant 0 : i32
    %dma_wait3A_1109 = tpu.memref_slice %arg5[%dma_wait3A_1101, %dma_wait3A_1108] : memref<5x128xi32, #tpu.memory_space<vmem>> -> memref<1x128xi32, #tpu.memory_space<vmem>>
    %dma_wait3A_1110 = tpu.memref_squeeze %dma_wait3A_1109 : memref<1x128xi32, #tpu.memory_space<vmem>> -> memref<128xi32, #tpu.memory_space<vmem>>
    %dma_wait3A_1111 = arith.constant 0 : i32
    %dma_wait3A_1112 = arith.constant 0 : i32
    %dma_wait3A_1113 = tpu.memref_slice %arg2[%dma_wait3A_1111, %dma_wait3A_1112] : memref<100x128xf32, #tpu.memory_space<hbm>> -> memref<100x128xf32, #tpu.memory_space<hbm>>
    %dma_wait3A_1114 = tpu.memref_slice %arg10[%dma_wait3A_1103] : memref<5x!tpu.dma_semaphore, #tpu.memory_space<semaphore_mem>> -> memref<1x!tpu.dma_semaphore, #tpu.memory_space<semaphore_mem>>
    %dma_wait3A_1115 = tpu.memref_squeeze %dma_wait3A_1114 : memref<1x!tpu.dma_semaphore, #tpu.memory_space<semaphore_mem>> -> memref<!tpu.dma_semaphore, #tpu.memory_space<semaphore_mem>>
    tpu.wait_indirect_dma semaphore(%dma_wait3A_1115 : memref<!tpu.dma_semaphore, #tpu.memory_space<semaphore_mem>>) src(%dma_wait3A_1113 : memref<100x128xf32, #tpu.memory_space<hbm>>) dst(%dma_wait3A_1107 : memref<128x128xf32, #tpu.memory_space<vmem>>)
    %add3A_1116 = arith.constant 320 : i32
    %add3A_1117 = arith.addi %add3A, %add3A_1116 : i32
    %mul3A_1118 = arith.constant 128 : i32
    %mul3A_1119 = arith.muli %add3A_1117, %mul3A_1118 : i32
    %dma_start3A_1120 = arith.constant 0 : i32
    %dma_start3A_1121 = arith.constant 0 : i32
    %dma_start3A_1122 = arith.constant 0 : i32
    %dma_start3A_1123 = arith.constant 0 : i32
    %dma_start3A_1124 = tpu.memref_slice %arg6[%dma_start3A_1120, %dma_start3A_1122, %dma_start3A_1123] : memref<5x128x128xf32, #tpu.memory_space<vmem>> -> memref<1x128x128xf32, #tpu.memory_space<vmem>>
    %dma_start3A_1125 = tpu.memref_squeeze %dma_start3A_1124 : memref<1x128x128xf32, #tpu.memory_space<vmem>> -> memref<128x128xf32, #tpu.memory_space<vmem>>
    %dma_start3A_1126 = arith.constant 0 : i32
    %dma_start3A_1127 = tpu.memref_slice %arg4[%mul3A_1119, %dma_start3A_1126] : memref<100000x128xf32, #tpu.memory_space<hbm>> -> memref<128x128xf32, #tpu.memory_space<hbm>>
    %dma_start3A_1128 = tpu.memref_slice %arg11[%dma_start3A_1121] : memref<5x!tpu.dma_semaphore, #tpu.memory_space<semaphore_mem>> -> memref<1x!tpu.dma_semaphore, #tpu.memory_space<semaphore_mem>>
    %dma_start3A_1129 = tpu.memref_squeeze %dma_start3A_1128 : memref<1x!tpu.dma_semaphore, #tpu.memory_space<semaphore_mem>> -> memref<!tpu.dma_semaphore, #tpu.memory_space<semaphore_mem>>
    %dma_start3A_1130 = arith.constant 0 : i32
    %dma_start3A_1131 = tpu.memref_slice %arg4[%mul3A_1119, %dma_start3A_1130] : memref<100000x128xf32, #tpu.memory_space<hbm>> -> memref<128x128xf32, #tpu.memory_space<hbm>>
    %dma_start3A_1132 = arith.constant 0 : i32
    %dma_start3A_1133 = arith.constant 0 : i32
    %dma_start3A_1134 = tpu.memref_slice %arg6[%dma_start3A_1120, %dma_start3A_1132, %dma_start3A_1133] : memref<5x128x128xf32, #tpu.memory_space<vmem>> -> memref<1x128x128xf32, #tpu.memory_space<vmem>>
    %dma_start3A_1135 = tpu.memref_squeeze %dma_start3A_1134 : memref<1x128x128xf32, #tpu.memory_space<vmem>> -> memref<128x128xf32, #tpu.memory_space<vmem>>
    tpu.enqueue_dma source(%dma_start3A_1135 : memref<128x128xf32, #tpu.memory_space<vmem>>) target(%dma_start3A_1131 : memref<128x128xf32, #tpu.memory_space<hbm>>) target_semaphore(%dma_start3A_1129 : memref<!tpu.dma_semaphore, #tpu.memory_space<semaphore_mem>>)
    %add3A_1136 = arith.constant 480 : i32
    %add3A_1137 = arith.addi %add3A, %add3A_1136 : i32
    %mul3A_1138 = arith.constant 128 : i32
    %mul3A_1139 = arith.muli %add3A_1137, %mul3A_1138 : i32
    %dma_start3A_1140 = arith.constant 0 : i32
    %dma_start3A_1141 = arith.constant 0 : i32
    %dma_start3A_1142 = arith.constant 0 : i32
    %dma_start3A_1143 = tpu.memref_slice %arg5[%dma_start3A_1140, %dma_start3A_1142] : memref<5x128xi32, #tpu.memory_space<vmem>> -> memref<1x128xi32, #tpu.memory_space<vmem>>
    %dma_start3A_1144 = tpu.memref_squeeze %dma_start3A_1143 : memref<1x128xi32, #tpu.memory_space<vmem>> -> memref<128xi32, #tpu.memory_space<vmem>>
    %dma_start3A_1145 = tpu.memref_slice %arg3[%mul3A_1139] : memref<100000xi32, #tpu.memory_space<hbm>> -> memref<128xi32, #tpu.memory_space<hbm>>
    %dma_start3A_1146 = tpu.memref_slice %arg9[%dma_start3A_1141] : memref<5x!tpu.dma_semaphore, #tpu.memory_space<semaphore_mem>> -> memref<1x!tpu.dma_semaphore, #tpu.memory_space<semaphore_mem>>
    %dma_start3A_1147 = tpu.memref_squeeze %dma_start3A_1146 : memref<1x!tpu.dma_semaphore, #tpu.memory_space<semaphore_mem>> -> memref<!tpu.dma_semaphore, #tpu.memory_space<semaphore_mem>>
    %dma_start3A_1148 = arith.constant 0 : i32
    %dma_start3A_1149 = tpu.memref_slice %arg5[%dma_start3A_1140, %dma_start3A_1148] : memref<5x128xi32, #tpu.memory_space<vmem>> -> memref<1x128xi32, #tpu.memory_space<vmem>>
    %dma_start3A_1150 = tpu.memref_squeeze %dma_start3A_1149 : memref<1x128xi32, #tpu.memory_space<vmem>> -> memref<128xi32, #tpu.memory_space<vmem>>
    %dma_start3A_1151 = tpu.memref_slice %arg3[%mul3A_1139] : memref<100000xi32, #tpu.memory_space<hbm>> -> memref<128xi32, #tpu.memory_space<hbm>>
    tpu.enqueue_dma source(%dma_start3A_1151 : memref<128xi32, #tpu.memory_space<hbm>>) target(%dma_start3A_1150 : memref<128xi32, #tpu.memory_space<vmem>>) target_semaphore(%dma_start3A_1147 : memref<!tpu.dma_semaphore, #tpu.memory_space<semaphore_mem>>)
    %add3A_1152 = arith.constant 384 : i32
    %add3A_1153 = arith.addi %add3A, %add3A_1152 : i32
    %mul3A_1154 = arith.constant 128 : i32
    %mul3A_1155 = arith.muli %add3A_1153, %mul3A_1154 : i32
    %dma_wait3A_1156 = arith.constant 2 : i32
    %dma_wait3A_1157 = arith.constant 2 : i32
    %dma_wait3A_1158 = arith.constant 0 : i32
    %dma_wait3A_1159 = tpu.memref_slice %arg5[%dma_wait3A_1156, %dma_wait3A_1158] : memref<5x128xi32, #tpu.memory_space<vmem>> -> memref<1x128xi32, #tpu.memory_space<vmem>>
    %dma_wait3A_1160 = tpu.memref_squeeze %dma_wait3A_1159 : memref<1x128xi32, #tpu.memory_space<vmem>> -> memref<128xi32, #tpu.memory_space<vmem>>
    %dma_wait3A_1161 = tpu.memref_slice %arg3[%mul3A_1155] : memref<100000xi32, #tpu.memory_space<hbm>> -> memref<128xi32, #tpu.memory_space<hbm>>
    %dma_wait3A_1162 = tpu.memref_slice %arg9[%dma_wait3A_1157] : memref<5x!tpu.dma_semaphore, #tpu.memory_space<semaphore_mem>> -> memref<1x!tpu.dma_semaphore, #tpu.memory_space<semaphore_mem>>
    %dma_wait3A_1163 = tpu.memref_squeeze %dma_wait3A_1162 : memref<1x!tpu.dma_semaphore, #tpu.memory_space<semaphore_mem>> -> memref<!tpu.dma_semaphore, #tpu.memory_space<semaphore_mem>>
    %dma_wait3A_1164 = arith.constant 0 : i32
    %dma_wait3A_1165 = tpu.memref_slice %arg5[%dma_wait3A_1156, %dma_wait3A_1164] : memref<5x128xi32, #tpu.memory_space<vmem>> -> memref<1x128xi32, #tpu.memory_space<vmem>>
    %dma_wait3A_1166 = tpu.memref_squeeze %dma_wait3A_1165 : memref<1x128xi32, #tpu.memory_space<vmem>> -> memref<128xi32, #tpu.memory_space<vmem>>
    %dma_wait3A_1167 = tpu.memref_slice %arg3[%mul3A_1155] : memref<100000xi32, #tpu.memory_space<hbm>> -> memref<128xi32, #tpu.memory_space<hbm>>
    tpu.wait_dma2 semaphore(%dma_wait3A_1163 : memref<!tpu.dma_semaphore, #tpu.memory_space<semaphore_mem>>) src(%dma_wait3A_1167 : memref<128xi32, #tpu.memory_space<hbm>>) dst(%dma_wait3A_1166 : memref<128xi32, #tpu.memory_space<vmem>>)
    %add3A_1168 = arith.constant 224 : i32
    %add3A_1169 = arith.addi %add3A, %add3A_1168 : i32
    %mul3A_1170 = arith.constant 128 : i32
    %mul3A_1171 = arith.muli %add3A_1169, %mul3A_1170 : i32
    %dma_wait3A_1172 = arith.constant 2 : i32
    %dma_wait3A_1173 = arith.constant 2 : i32
    %dma_wait3A_1174 = arith.constant 0 : i32
    %dma_wait3A_1175 = arith.constant 0 : i32
    %dma_wait3A_1176 = tpu.memref_slice %arg6[%dma_wait3A_1172, %dma_wait3A_1174, %dma_wait3A_1175] : memref<5x128x128xf32, #tpu.memory_space<vmem>> -> memref<1x128x128xf32, #tpu.memory_space<vmem>>
    %dma_wait3A_1177 = tpu.memref_squeeze %dma_wait3A_1176 : memref<1x128x128xf32, #tpu.memory_space<vmem>> -> memref<128x128xf32, #tpu.memory_space<vmem>>
    %dma_wait3A_1178 = arith.constant 0 : i32
    %dma_wait3A_1179 = tpu.memref_slice %arg4[%mul3A_1171, %dma_wait3A_1178] : memref<100000x128xf32, #tpu.memory_space<hbm>> -> memref<128x128xf32, #tpu.memory_space<hbm>>
    %dma_wait3A_1180 = tpu.memref_slice %arg11[%dma_wait3A_1173] : memref<5x!tpu.dma_semaphore, #tpu.memory_space<semaphore_mem>> -> memref<1x!tpu.dma_semaphore, #tpu.memory_space<semaphore_mem>>
    %dma_wait3A_1181 = tpu.memref_squeeze %dma_wait3A_1180 : memref<1x!tpu.dma_semaphore, #tpu.memory_space<semaphore_mem>> -> memref<!tpu.dma_semaphore, #tpu.memory_space<semaphore_mem>>
    %dma_wait3A_1182 = arith.constant 0 : i32
    %dma_wait3A_1183 = tpu.memref_slice %arg4[%mul3A_1171, %dma_wait3A_1182] : memref<100000x128xf32, #tpu.memory_space<hbm>> -> memref<128x128xf32, #tpu.memory_space<hbm>>
    %dma_wait3A_1184 = arith.constant 0 : i32
    %dma_wait3A_1185 = arith.constant 0 : i32
    %dma_wait3A_1186 = tpu.memref_slice %arg6[%dma_wait3A_1172, %dma_wait3A_1184, %dma_wait3A_1185] : memref<5x128x128xf32, #tpu.memory_space<vmem>> -> memref<1x128x128xf32, #tpu.memory_space<vmem>>
    %dma_wait3A_1187 = tpu.memref_squeeze %dma_wait3A_1186 : memref<1x128x128xf32, #tpu.memory_space<vmem>> -> memref<128x128xf32, #tpu.memory_space<vmem>>
    tpu.wait_dma2 semaphore(%dma_wait3A_1181 : memref<!tpu.dma_semaphore, #tpu.memory_space<semaphore_mem>>) src(%dma_wait3A_1187 : memref<128x128xf32, #tpu.memory_space<vmem>>) dst(%dma_wait3A_1183 : memref<128x128xf32, #tpu.memory_space<hbm>>)
    %dma_start3A_1188 = arith.constant 2 : i32
    %dma_start3A_1189 = arith.constant 2 : i32
    %dma_start3A_1190 = arith.constant 2 : i32
    %dma_start3A_1191 = arith.constant 0 : i32
    %dma_start3A_1192 = arith.constant 0 : i32
    %dma_start3A_1193 = tpu.memref_slice %arg6[%dma_start3A_1189, %dma_start3A_1191, %dma_start3A_1192] : memref<5x128x128xf32, #tpu.memory_space<vmem>> -> memref<1x128x128xf32, #tpu.memory_space<vmem>>
    %dma_start3A_1194 = tpu.memref_squeeze %dma_start3A_1193 : memref<1x128x128xf32, #tpu.memory_space<vmem>> -> memref<128x128xf32, #tpu.memory_space<vmem>>
    %dma_start3A_1195 = arith.constant 0 : i32
    %dma_start3A_1196 = tpu.memref_slice %arg5[%dma_start3A_1188, %dma_start3A_1195] : memref<5x128xi32, #tpu.memory_space<vmem>> -> memref<1x128xi32, #tpu.memory_space<vmem>>
    %dma_start3A_1197 = tpu.memref_squeeze %dma_start3A_1196 : memref<1x128xi32, #tpu.memory_space<vmem>> -> memref<128xi32, #tpu.memory_space<vmem>>
    %dma_start3A_1198 = arith.constant 0 : i32
    %dma_start3A_1199 = arith.constant 0 : i32
    %dma_start3A_1200 = tpu.memref_slice %arg2[%dma_start3A_1198, %dma_start3A_1199] : memref<100x128xf32, #tpu.memory_space<hbm>> -> memref<100x128xf32, #tpu.memory_space<hbm>>
    %dma_start3A_1201 = tpu.memref_slice %arg10[%dma_start3A_1190] : memref<5x!tpu.dma_semaphore, #tpu.memory_space<semaphore_mem>> -> memref<1x!tpu.dma_semaphore, #tpu.memory_space<semaphore_mem>>
    %dma_start3A_1202 = tpu.memref_squeeze %dma_start3A_1201 : memref<1x!tpu.dma_semaphore, #tpu.memory_space<semaphore_mem>> -> memref<!tpu.dma_semaphore, #tpu.memory_space<semaphore_mem>>
    tpu.enqueue_indirect_dma source(%dma_start3A_1200 : memref<100x128xf32, #tpu.memory_space<hbm>>) target(%dma_start3A_1194 : memref<128x128xf32, #tpu.memory_space<vmem>>) offsets(%dma_start3A_1197 : memref<128xi32, #tpu.memory_space<vmem>>) semaphore(%dma_start3A_1202 : memref<!tpu.dma_semaphore, #tpu.memory_space<semaphore_mem>>)
    %dma_wait3A_1203 = arith.constant 1 : i32
    %dma_wait3A_1204 = arith.constant 1 : i32
    %dma_wait3A_1205 = arith.constant 1 : i32
    %dma_wait3A_1206 = arith.constant 0 : i32
    %dma_wait3A_1207 = arith.constant 0 : i32
    %dma_wait3A_1208 = tpu.memref_slice %arg6[%dma_wait3A_1204, %dma_wait3A_1206, %dma_wait3A_1207] : memref<5x128x128xf32, #tpu.memory_space<vmem>> -> memref<1x128x128xf32, #tpu.memory_space<vmem>>
    %dma_wait3A_1209 = tpu.memref_squeeze %dma_wait3A_1208 : memref<1x128x128xf32, #tpu.memory_space<vmem>> -> memref<128x128xf32, #tpu.memory_space<vmem>>
    %dma_wait3A_1210 = arith.constant 0 : i32
    %dma_wait3A_1211 = tpu.memref_slice %arg5[%dma_wait3A_1203, %dma_wait3A_1210] : memref<5x128xi32, #tpu.memory_space<vmem>> -> memref<1x128xi32, #tpu.memory_space<vmem>>
    %dma_wait3A_1212 = tpu.memref_squeeze %dma_wait3A_1211 : memref<1x128xi32, #tpu.memory_space<vmem>> -> memref<128xi32, #tpu.memory_space<vmem>>
    %dma_wait3A_1213 = arith.constant 0 : i32
    %dma_wait3A_1214 = arith.constant 0 : i32
    %dma_wait3A_1215 = tpu.memref_slice %arg2[%dma_wait3A_1213, %dma_wait3A_1214] : memref<100x128xf32, #tpu.memory_space<hbm>> -> memref<100x128xf32, #tpu.memory_space<hbm>>
    %dma_wait3A_1216 = tpu.memref_slice %arg10[%dma_wait3A_1205] : memref<5x!tpu.dma_semaphore, #tpu.memory_space<semaphore_mem>> -> memref<1x!tpu.dma_semaphore, #tpu.memory_space<semaphore_mem>>
    %dma_wait3A_1217 = tpu.memref_squeeze %dma_wait3A_1216 : memref<1x!tpu.dma_semaphore, #tpu.memory_space<semaphore_mem>> -> memref<!tpu.dma_semaphore, #tpu.memory_space<semaphore_mem>>
    tpu.wait_indirect_dma semaphore(%dma_wait3A_1217 : memref<!tpu.dma_semaphore, #tpu.memory_space<semaphore_mem>>) src(%dma_wait3A_1215 : memref<100x128xf32, #tpu.memory_space<hbm>>) dst(%dma_wait3A_1209 : memref<128x128xf32, #tpu.memory_space<vmem>>)
    %add3A_1218 = arith.constant 352 : i32
    %add3A_1219 = arith.addi %add3A, %add3A_1218 : i32
    %mul3A_1220 = arith.constant 128 : i32
    %mul3A_1221 = arith.muli %add3A_1219, %mul3A_1220 : i32
    %dma_start3A_1222 = arith.constant 1 : i32
    %dma_start3A_1223 = arith.constant 1 : i32
    %dma_start3A_1224 = arith.constant 0 : i32
    %dma_start3A_1225 = arith.constant 0 : i32
    %dma_start3A_1226 = tpu.memref_slice %arg6[%dma_start3A_1222, %dma_start3A_1224, %dma_start3A_1225] : memref<5x128x128xf32, #tpu.memory_space<vmem>> -> memref<1x128x128xf32, #tpu.memory_space<vmem>>
    %dma_start3A_1227 = tpu.memref_squeeze %dma_start3A_1226 : memref<1x128x128xf32, #tpu.memory_space<vmem>> -> memref<128x128xf32, #tpu.memory_space<vmem>>
    %dma_start3A_1228 = arith.constant 0 : i32
    %dma_start3A_1229 = tpu.memref_slice %arg4[%mul3A_1221, %dma_start3A_1228] : memref<100000x128xf32, #tpu.memory_space<hbm>> -> memref<128x128xf32, #tpu.memory_space<hbm>>
    %dma_start3A_1230 = tpu.memref_slice %arg11[%dma_start3A_1223] : memref<5x!tpu.dma_semaphore, #tpu.memory_space<semaphore_mem>> -> memref<1x!tpu.dma_semaphore, #tpu.memory_space<semaphore_mem>>
    %dma_start3A_1231 = tpu.memref_squeeze %dma_start3A_1230 : memref<1x!tpu.dma_semaphore, #tpu.memory_space<semaphore_mem>> -> memref<!tpu.dma_semaphore, #tpu.memory_space<semaphore_mem>>
    %dma_start3A_1232 = arith.constant 0 : i32
    %dma_start3A_1233 = tpu.memref_slice %arg4[%mul3A_1221, %dma_start3A_1232] : memref<100000x128xf32, #tpu.memory_space<hbm>> -> memref<128x128xf32, #tpu.memory_space<hbm>>
    %dma_start3A_1234 = arith.constant 0 : i32
    %dma_start3A_1235 = arith.constant 0 : i32
    %dma_start3A_1236 = tpu.memref_slice %arg6[%dma_start3A_1222, %dma_start3A_1234, %dma_start3A_1235] : memref<5x128x128xf32, #tpu.memory_space<vmem>> -> memref<1x128x128xf32, #tpu.memory_space<vmem>>
    %dma_start3A_1237 = tpu.memref_squeeze %dma_start3A_1236 : memref<1x128x128xf32, #tpu.memory_space<vmem>> -> memref<128x128xf32, #tpu.memory_space<vmem>>
    tpu.enqueue_dma source(%dma_start3A_1237 : memref<128x128xf32, #tpu.memory_space<vmem>>) target(%dma_start3A_1233 : memref<128x128xf32, #tpu.memory_space<hbm>>) target_semaphore(%dma_start3A_1231 : memref<!tpu.dma_semaphore, #tpu.memory_space<semaphore_mem>>)
    %add3A_1238 = arith.constant 512 : i32
    %add3A_1239 = arith.addi %add3A, %add3A_1238 : i32
    %mul3A_1240 = arith.constant 128 : i32
    %mul3A_1241 = arith.muli %add3A_1239, %mul3A_1240 : i32
    %dma_start3A_1242 = arith.constant 1 : i32
    %dma_start3A_1243 = arith.constant 1 : i32
    %dma_start3A_1244 = arith.constant 0 : i32
    %dma_start3A_1245 = tpu.memref_slice %arg5[%dma_start3A_1242, %dma_start3A_1244] : memref<5x128xi32, #tpu.memory_space<vmem>> -> memref<1x128xi32, #tpu.memory_space<vmem>>
    %dma_start3A_1246 = tpu.memref_squeeze %dma_start3A_1245 : memref<1x128xi32, #tpu.memory_space<vmem>> -> memref<128xi32, #tpu.memory_space<vmem>>
    %dma_start3A_1247 = tpu.memref_slice %arg3[%mul3A_1241] : memref<100000xi32, #tpu.memory_space<hbm>> -> memref<128xi32, #tpu.memory_space<hbm>>
    %dma_start3A_1248 = tpu.memref_slice %arg9[%dma_start3A_1243] : memref<5x!tpu.dma_semaphore, #tpu.memory_space<semaphore_mem>> -> memref<1x!tpu.dma_semaphore, #tpu.memory_space<semaphore_mem>>
    %dma_start3A_1249 = tpu.memref_squeeze %dma_start3A_1248 : memref<1x!tpu.dma_semaphore, #tpu.memory_space<semaphore_mem>> -> memref<!tpu.dma_semaphore, #tpu.memory_space<semaphore_mem>>
    %dma_start3A_1250 = arith.constant 0 : i32
    %dma_start3A_1251 = tpu.memref_slice %arg5[%dma_start3A_1242, %dma_start3A_1250] : memref<5x128xi32, #tpu.memory_space<vmem>> -> memref<1x128xi32, #tpu.memory_space<vmem>>
    %dma_start3A_1252 = tpu.memref_squeeze %dma_start3A_1251 : memref<1x128xi32, #tpu.memory_space<vmem>> -> memref<128xi32, #tpu.memory_space<vmem>>
    %dma_start3A_1253 = tpu.memref_slice %arg3[%mul3A_1241] : memref<100000xi32, #tpu.memory_space<hbm>> -> memref<128xi32, #tpu.memory_space<hbm>>
    tpu.enqueue_dma source(%dma_start3A_1253 : memref<128xi32, #tpu.memory_space<hbm>>) target(%dma_start3A_1252 : memref<128xi32, #tpu.memory_space<vmem>>) target_semaphore(%dma_start3A_1249 : memref<!tpu.dma_semaphore, #tpu.memory_space<semaphore_mem>>)
    %add3A_1254 = arith.constant 416 : i32
    %add3A_1255 = arith.addi %add3A, %add3A_1254 : i32
    %mul3A_1256 = arith.constant 128 : i32
    %mul3A_1257 = arith.muli %add3A_1255, %mul3A_1256 : i32
    %dma_wait3A_1258 = arith.constant 3 : i32
    %dma_wait3A_1259 = arith.constant 3 : i32
    %dma_wait3A_1260 = arith.constant 0 : i32
    %dma_wait3A_1261 = tpu.memref_slice %arg5[%dma_wait3A_1258, %dma_wait3A_1260] : memref<5x128xi32, #tpu.memory_space<vmem>> -> memref<1x128xi32, #tpu.memory_space<vmem>>
    %dma_wait3A_1262 = tpu.memref_squeeze %dma_wait3A_1261 : memref<1x128xi32, #tpu.memory_space<vmem>> -> memref<128xi32, #tpu.memory_space<vmem>>
    %dma_wait3A_1263 = tpu.memref_slice %arg3[%mul3A_1257] : memref<100000xi32, #tpu.memory_space<hbm>> -> memref<128xi32, #tpu.memory_space<hbm>>
    %dma_wait3A_1264 = tpu.memref_slice %arg9[%dma_wait3A_1259] : memref<5x!tpu.dma_semaphore, #tpu.memory_space<semaphore_mem>> -> memref<1x!tpu.dma_semaphore, #tpu.memory_space<semaphore_mem>>
    %dma_wait3A_1265 = tpu.memref_squeeze %dma_wait3A_1264 : memref<1x!tpu.dma_semaphore, #tpu.memory_space<semaphore_mem>> -> memref<!tpu.dma_semaphore, #tpu.memory_space<semaphore_mem>>
    %dma_wait3A_1266 = arith.constant 0 : i32
    %dma_wait3A_1267 = tpu.memref_slice %arg5[%dma_wait3A_1258, %dma_wait3A_1266] : memref<5x128xi32, #tpu.memory_space<vmem>> -> memref<1x128xi32, #tpu.memory_space<vmem>>
    %dma_wait3A_1268 = tpu.memref_squeeze %dma_wait3A_1267 : memref<1x128xi32, #tpu.memory_space<vmem>> -> memref<128xi32, #tpu.memory_space<vmem>>
    %dma_wait3A_1269 = tpu.memref_slice %arg3[%mul3A_1257] : memref<100000xi32, #tpu.memory_space<hbm>> -> memref<128xi32, #tpu.memory_space<hbm>>
    tpu.wait_dma2 semaphore(%dma_wait3A_1265 : memref<!tpu.dma_semaphore, #tpu.memory_space<semaphore_mem>>) src(%dma_wait3A_1269 : memref<128xi32, #tpu.memory_space<hbm>>) dst(%dma_wait3A_1268 : memref<128xi32, #tpu.memory_space<vmem>>)
    %add3A_1270 = arith.constant 256 : i32
    %add3A_1271 = arith.addi %add3A, %add3A_1270 : i32
    %mul3A_1272 = arith.constant 128 : i32
    %mul3A_1273 = arith.muli %add3A_1271, %mul3A_1272 : i32
    %dma_wait3A_1274 = arith.constant 3 : i32
    %dma_wait3A_1275 = arith.constant 3 : i32
    %dma_wait3A_1276 = arith.constant 0 : i32
    %dma_wait3A_1277 = arith.constant 0 : i32
    %dma_wait3A_1278 = tpu.memref_slice %arg6[%dma_wait3A_1274, %dma_wait3A_1276, %dma_wait3A_1277] : memref<5x128x128xf32, #tpu.memory_space<vmem>> -> memref<1x128x128xf32, #tpu.memory_space<vmem>>
    %dma_wait3A_1279 = tpu.memref_squeeze %dma_wait3A_1278 : memref<1x128x128xf32, #tpu.memory_space<vmem>> -> memref<128x128xf32, #tpu.memory_space<vmem>>
    %dma_wait3A_1280 = arith.constant 0 : i32
    %dma_wait3A_1281 = tpu.memref_slice %arg4[%mul3A_1273, %dma_wait3A_1280] : memref<100000x128xf32, #tpu.memory_space<hbm>> -> memref<128x128xf32, #tpu.memory_space<hbm>>
    %dma_wait3A_1282 = tpu.memref_slice %arg11[%dma_wait3A_1275] : memref<5x!tpu.dma_semaphore, #tpu.memory_space<semaphore_mem>> -> memref<1x!tpu.dma_semaphore, #tpu.memory_space<semaphore_mem>>
    %dma_wait3A_1283 = tpu.memref_squeeze %dma_wait3A_1282 : memref<1x!tpu.dma_semaphore, #tpu.memory_space<semaphore_mem>> -> memref<!tpu.dma_semaphore, #tpu.memory_space<semaphore_mem>>
    %dma_wait3A_1284 = arith.constant 0 : i32
    %dma_wait3A_1285 = tpu.memref_slice %arg4[%mul3A_1273, %dma_wait3A_1284] : memref<100000x128xf32, #tpu.memory_space<hbm>> -> memref<128x128xf32, #tpu.memory_space<hbm>>
    %dma_wait3A_1286 = arith.constant 0 : i32
    %dma_wait3A_1287 = arith.constant 0 : i32
    %dma_wait3A_1288 = tpu.memref_slice %arg6[%dma_wait3A_1274, %dma_wait3A_1286, %dma_wait3A_1287] : memref<5x128x128xf32, #tpu.memory_space<vmem>> -> memref<1x128x128xf32, #tpu.memory_space<vmem>>
    %dma_wait3A_1289 = tpu.memref_squeeze %dma_wait3A_1288 : memref<1x128x128xf32, #tpu.memory_space<vmem>> -> memref<128x128xf32, #tpu.memory_space<vmem>>
    tpu.wait_dma2 semaphore(%dma_wait3A_1283 : memref<!tpu.dma_semaphore, #tpu.memory_space<semaphore_mem>>) src(%dma_wait3A_1289 : memref<128x128xf32, #tpu.memory_space<vmem>>) dst(%dma_wait3A_1285 : memref<128x128xf32, #tpu.memory_space<hbm>>)
    %dma_start3A_1290 = arith.constant 3 : i32
    %dma_start3A_1291 = arith.constant 3 : i32
    %dma_start3A_1292 = arith.constant 3 : i32
    %dma_start3A_1293 = arith.constant 0 : i32
    %dma_start3A_1294 = arith.constant 0 : i32
    %dma_start3A_1295 = tpu.memref_slice %arg6[%dma_start3A_1291, %dma_start3A_1293, %dma_start3A_1294] : memref<5x128x128xf32, #tpu.memory_space<vmem>> -> memref<1x128x128xf32, #tpu.memory_space<vmem>>
    %dma_start3A_1296 = tpu.memref_squeeze %dma_start3A_1295 : memref<1x128x128xf32, #tpu.memory_space<vmem>> -> memref<128x128xf32, #tpu.memory_space<vmem>>
    %dma_start3A_1297 = arith.constant 0 : i32
    %dma_start3A_1298 = tpu.memref_slice %arg5[%dma_start3A_1290, %dma_start3A_1297] : memref<5x128xi32, #tpu.memory_space<vmem>> -> memref<1x128xi32, #tpu.memory_space<vmem>>
    %dma_start3A_1299 = tpu.memref_squeeze %dma_start3A_1298 : memref<1x128xi32, #tpu.memory_space<vmem>> -> memref<128xi32, #tpu.memory_space<vmem>>
    %dma_start3A_1300 = arith.constant 0 : i32
    %dma_start3A_1301 = arith.constant 0 : i32
    %dma_start3A_1302 = tpu.memref_slice %arg2[%dma_start3A_1300, %dma_start3A_1301] : memref<100x128xf32, #tpu.memory_space<hbm>> -> memref<100x128xf32, #tpu.memory_space<hbm>>
    %dma_start3A_1303 = tpu.memref_slice %arg10[%dma_start3A_1292] : memref<5x!tpu.dma_semaphore, #tpu.memory_space<semaphore_mem>> -> memref<1x!tpu.dma_semaphore, #tpu.memory_space<semaphore_mem>>
    %dma_start3A_1304 = tpu.memref_squeeze %dma_start3A_1303 : memref<1x!tpu.dma_semaphore, #tpu.memory_space<semaphore_mem>> -> memref<!tpu.dma_semaphore, #tpu.memory_space<semaphore_mem>>
    tpu.enqueue_indirect_dma source(%dma_start3A_1302 : memref<100x128xf32, #tpu.memory_space<hbm>>) target(%dma_start3A_1296 : memref<128x128xf32, #tpu.memory_space<vmem>>) offsets(%dma_start3A_1299 : memref<128xi32, #tpu.memory_space<vmem>>) semaphore(%dma_start3A_1304 : memref<!tpu.dma_semaphore, #tpu.memory_space<semaphore_mem>>)
    %dma_wait3A_1305 = arith.constant 2 : i32
    %dma_wait3A_1306 = arith.constant 2 : i32
    %dma_wait3A_1307 = arith.constant 2 : i32
    %dma_wait3A_1308 = arith.constant 0 : i32
    %dma_wait3A_1309 = arith.constant 0 : i32
    %dma_wait3A_1310 = tpu.memref_slice %arg6[%dma_wait3A_1306, %dma_wait3A_1308, %dma_wait3A_1309] : memref<5x128x128xf32, #tpu.memory_space<vmem>> -> memref<1x128x128xf32, #tpu.memory_space<vmem>>
    %dma_wait3A_1311 = tpu.memref_squeeze %dma_wait3A_1310 : memref<1x128x128xf32, #tpu.memory_space<vmem>> -> memref<128x128xf32, #tpu.memory_space<vmem>>
    %dma_wait3A_1312 = arith.constant 0 : i32
    %dma_wait3A_1313 = tpu.memref_slice %arg5[%dma_wait3A_1305, %dma_wait3A_1312] : memref<5x128xi32, #tpu.memory_space<vmem>> -> memref<1x128xi32, #tpu.memory_space<vmem>>
    %dma_wait3A_1314 = tpu.memref_squeeze %dma_wait3A_1313 : memref<1x128xi32, #tpu.memory_space<vmem>> -> memref<128xi32, #tpu.memory_space<vmem>>
    %dma_wait3A_1315 = arith.constant 0 : i32
    %dma_wait3A_1316 = arith.constant 0 : i32
    %dma_wait3A_1317 = tpu.memref_slice %arg2[%dma_wait3A_1315, %dma_wait3A_1316] : memref<100x128xf32, #tpu.memory_space<hbm>> -> memref<100x128xf32, #tpu.memory_space<hbm>>
    %dma_wait3A_1318 = tpu.memref_slice %arg10[%dma_wait3A_1307] : memref<5x!tpu.dma_semaphore, #tpu.memory_space<semaphore_mem>> -> memref<1x!tpu.dma_semaphore, #tpu.memory_space<semaphore_mem>>
    %dma_wait3A_1319 = tpu.memref_squeeze %dma_wait3A_1318 : memref<1x!tpu.dma_semaphore, #tpu.memory_space<semaphore_mem>> -> memref<!tpu.dma_semaphore, #tpu.memory_space<semaphore_mem>>
    tpu.wait_indirect_dma semaphore(%dma_wait3A_1319 : memref<!tpu.dma_semaphore, #tpu.memory_space<semaphore_mem>>) src(%dma_wait3A_1317 : memref<100x128xf32, #tpu.memory_space<hbm>>) dst(%dma_wait3A_1311 : memref<128x128xf32, #tpu.memory_space<vmem>>)
    %add3A_1320 = arith.constant 384 : i32
    %add3A_1321 = arith.addi %add3A, %add3A_1320 : i32
    %mul3A_1322 = arith.constant 128 : i32
    %mul3A_1323 = arith.muli %add3A_1321, %mul3A_1322 : i32
    %dma_start3A_1324 = arith.constant 2 : i32
    %dma_start3A_1325 = arith.constant 2 : i32
    %dma_start3A_1326 = arith.constant 0 : i32
    %dma_start3A_1327 = arith.constant 0 : i32
    %dma_start3A_1328 = tpu.memref_slice %arg6[%dma_start3A_1324, %dma_start3A_1326, %dma_start3A_1327] : memref<5x128x128xf32, #tpu.memory_space<vmem>> -> memref<1x128x128xf32, #tpu.memory_space<vmem>>
    %dma_start3A_1329 = tpu.memref_squeeze %dma_start3A_1328 : memref<1x128x128xf32, #tpu.memory_space<vmem>> -> memref<128x128xf32, #tpu.memory_space<vmem>>
    %dma_start3A_1330 = arith.constant 0 : i32
    %dma_start3A_1331 = tpu.memref_slice %arg4[%mul3A_1323, %dma_start3A_1330] : memref<100000x128xf32, #tpu.memory_space<hbm>> -> memref<128x128xf32, #tpu.memory_space<hbm>>
    %dma_start3A_1332 = tpu.memref_slice %arg11[%dma_start3A_1325] : memref<5x!tpu.dma_semaphore, #tpu.memory_space<semaphore_mem>> -> memref<1x!tpu.dma_semaphore, #tpu.memory_space<semaphore_mem>>
    %dma_start3A_1333 = tpu.memref_squeeze %dma_start3A_1332 : memref<1x!tpu.dma_semaphore, #tpu.memory_space<semaphore_mem>> -> memref<!tpu.dma_semaphore, #tpu.memory_space<semaphore_mem>>
    %dma_start3A_1334 = arith.constant 0 : i32
    %dma_start3A_1335 = tpu.memref_slice %arg4[%mul3A_1323, %dma_start3A_1334] : memref<100000x128xf32, #tpu.memory_space<hbm>> -> memref<128x128xf32, #tpu.memory_space<hbm>>
    %dma_start3A_1336 = arith.constant 0 : i32
    %dma_start3A_1337 = arith.constant 0 : i32
    %dma_start3A_1338 = tpu.memref_slice %arg6[%dma_start3A_1324, %dma_start3A_1336, %dma_start3A_1337] : memref<5x128x128xf32, #tpu.memory_space<vmem>> -> memref<1x128x128xf32, #tpu.memory_space<vmem>>
    %dma_start3A_1339 = tpu.memref_squeeze %dma_start3A_1338 : memref<1x128x128xf32, #tpu.memory_space<vmem>> -> memref<128x128xf32, #tpu.memory_space<vmem>>
    tpu.enqueue_dma source(%dma_start3A_1339 : memref<128x128xf32, #tpu.memory_space<vmem>>) target(%dma_start3A_1335 : memref<128x128xf32, #tpu.memory_space<hbm>>) target_semaphore(%dma_start3A_1333 : memref<!tpu.dma_semaphore, #tpu.memory_space<semaphore_mem>>)
    %add3A_1340 = arith.constant 544 : i32
    %add3A_1341 = arith.addi %add3A, %add3A_1340 : i32
    %mul3A_1342 = arith.constant 128 : i32
    %mul3A_1343 = arith.muli %add3A_1341, %mul3A_1342 : i32
    %dma_start3A_1344 = arith.constant 2 : i32
    %dma_start3A_1345 = arith.constant 2 : i32
    %dma_start3A_1346 = arith.constant 0 : i32
    %dma_start3A_1347 = tpu.memref_slice %arg5[%dma_start3A_1344, %dma_start3A_1346] : memref<5x128xi32, #tpu.memory_space<vmem>> -> memref<1x128xi32, #tpu.memory_space<vmem>>
    %dma_start3A_1348 = tpu.memref_squeeze %dma_start3A_1347 : memref<1x128xi32, #tpu.memory_space<vmem>> -> memref<128xi32, #tpu.memory_space<vmem>>
    %dma_start3A_1349 = tpu.memref_slice %arg3[%mul3A_1343] : memref<100000xi32, #tpu.memory_space<hbm>> -> memref<128xi32, #tpu.memory_space<hbm>>
    %dma_start3A_1350 = tpu.memref_slice %arg9[%dma_start3A_1345] : memref<5x!tpu.dma_semaphore, #tpu.memory_space<semaphore_mem>> -> memref<1x!tpu.dma_semaphore, #tpu.memory_space<semaphore_mem>>
    %dma_start3A_1351 = tpu.memref_squeeze %dma_start3A_1350 : memref<1x!tpu.dma_semaphore, #tpu.memory_space<semaphore_mem>> -> memref<!tpu.dma_semaphore, #tpu.memory_space<semaphore_mem>>
    %dma_start3A_1352 = arith.constant 0 : i32
    %dma_start3A_1353 = tpu.memref_slice %arg5[%dma_start3A_1344, %dma_start3A_1352] : memref<5x128xi32, #tpu.memory_space<vmem>> -> memref<1x128xi32, #tpu.memory_space<vmem>>
    %dma_start3A_1354 = tpu.memref_squeeze %dma_start3A_1353 : memref<1x128xi32, #tpu.memory_space<vmem>> -> memref<128xi32, #tpu.memory_space<vmem>>
    %dma_start3A_1355 = tpu.memref_slice %arg3[%mul3A_1343] : memref<100000xi32, #tpu.memory_space<hbm>> -> memref<128xi32, #tpu.memory_space<hbm>>
    tpu.enqueue_dma source(%dma_start3A_1355 : memref<128xi32, #tpu.memory_space<hbm>>) target(%dma_start3A_1354 : memref<128xi32, #tpu.memory_space<vmem>>) target_semaphore(%dma_start3A_1351 : memref<!tpu.dma_semaphore, #tpu.memory_space<semaphore_mem>>)
    %add3A_1356 = arith.constant 448 : i32
    %add3A_1357 = arith.addi %add3A, %add3A_1356 : i32
    %mul3A_1358 = arith.constant 128 : i32
    %mul3A_1359 = arith.muli %add3A_1357, %mul3A_1358 : i32
    %dma_wait3A_1360 = arith.constant 4 : i32
    %dma_wait3A_1361 = arith.constant 4 : i32
    %dma_wait3A_1362 = arith.constant 0 : i32
    %dma_wait3A_1363 = tpu.memref_slice %arg5[%dma_wait3A_1360, %dma_wait3A_1362] : memref<5x128xi32, #tpu.memory_space<vmem>> -> memref<1x128xi32, #tpu.memory_space<vmem>>
    %dma_wait3A_1364 = tpu.memref_squeeze %dma_wait3A_1363 : memref<1x128xi32, #tpu.memory_space<vmem>> -> memref<128xi32, #tpu.memory_space<vmem>>
    %dma_wait3A_1365 = tpu.memref_slice %arg3[%mul3A_1359] : memref<100000xi32, #tpu.memory_space<hbm>> -> memref<128xi32, #tpu.memory_space<hbm>>
    %dma_wait3A_1366 = tpu.memref_slice %arg9[%dma_wait3A_1361] : memref<5x!tpu.dma_semaphore, #tpu.memory_space<semaphore_mem>> -> memref<1x!tpu.dma_semaphore, #tpu.memory_space<semaphore_mem>>
    %dma_wait3A_1367 = tpu.memref_squeeze %dma_wait3A_1366 : memref<1x!tpu.dma_semaphore, #tpu.memory_space<semaphore_mem>> -> memref<!tpu.dma_semaphore, #tpu.memory_space<semaphore_mem>>
    %dma_wait3A_1368 = arith.constant 0 : i32
    %dma_wait3A_1369 = tpu.memref_slice %arg5[%dma_wait3A_1360, %dma_wait3A_1368] : memref<5x128xi32, #tpu.memory_space<vmem>> -> memref<1x128xi32, #tpu.memory_space<vmem>>
    %dma_wait3A_1370 = tpu.memref_squeeze %dma_wait3A_1369 : memref<1x128xi32, #tpu.memory_space<vmem>> -> memref<128xi32, #tpu.memory_space<vmem>>
    %dma_wait3A_1371 = tpu.memref_slice %arg3[%mul3A_1359] : memref<100000xi32, #tpu.memory_space<hbm>> -> memref<128xi32, #tpu.memory_space<hbm>>
    tpu.wait_dma2 semaphore(%dma_wait3A_1367 : memref<!tpu.dma_semaphore, #tpu.memory_space<semaphore_mem>>) src(%dma_wait3A_1371 : memref<128xi32, #tpu.memory_space<hbm>>) dst(%dma_wait3A_1370 : memref<128xi32, #tpu.memory_space<vmem>>)
    %add3A_1372 = arith.constant 288 : i32
    %add3A_1373 = arith.addi %add3A, %add3A_1372 : i32
    %mul3A_1374 = arith.constant 128 : i32
    %mul3A_1375 = arith.muli %add3A_1373, %mul3A_1374 : i32
    %dma_wait3A_1376 = arith.constant 4 : i32
    %dma_wait3A_1377 = arith.constant 4 : i32
    %dma_wait3A_1378 = arith.constant 0 : i32
    %dma_wait3A_1379 = arith.constant 0 : i32
    %dma_wait3A_1380 = tpu.memref_slice %arg6[%dma_wait3A_1376, %dma_wait3A_1378, %dma_wait3A_1379] : memref<5x128x128xf32, #tpu.memory_space<vmem>> -> memref<1x128x128xf32, #tpu.memory_space<vmem>>
    %dma_wait3A_1381 = tpu.memref_squeeze %dma_wait3A_1380 : memref<1x128x128xf32, #tpu.memory_space<vmem>> -> memref<128x128xf32, #tpu.memory_space<vmem>>
    %dma_wait3A_1382 = arith.constant 0 : i32
    %dma_wait3A_1383 = tpu.memref_slice %arg4[%mul3A_1375, %dma_wait3A_1382] : memref<100000x128xf32, #tpu.memory_space<hbm>> -> memref<128x128xf32, #tpu.memory_space<hbm>>
    %dma_wait3A_1384 = tpu.memref_slice %arg11[%dma_wait3A_1377] : memref<5x!tpu.dma_semaphore, #tpu.memory_space<semaphore_mem>> -> memref<1x!tpu.dma_semaphore, #tpu.memory_space<semaphore_mem>>
    %dma_wait3A_1385 = tpu.memref_squeeze %dma_wait3A_1384 : memref<1x!tpu.dma_semaphore, #tpu.memory_space<semaphore_mem>> -> memref<!tpu.dma_semaphore, #tpu.memory_space<semaphore_mem>>
    %dma_wait3A_1386 = arith.constant 0 : i32
    %dma_wait3A_1387 = tpu.memref_slice %arg4[%mul3A_1375, %dma_wait3A_1386] : memref<100000x128xf32, #tpu.memory_space<hbm>> -> memref<128x128xf32, #tpu.memory_space<hbm>>
    %dma_wait3A_1388 = arith.constant 0 : i32
    %dma_wait3A_1389 = arith.constant 0 : i32
    %dma_wait3A_1390 = tpu.memref_slice %arg6[%dma_wait3A_1376, %dma_wait3A_1388, %dma_wait3A_1389] : memref<5x128x128xf32, #tpu.memory_space<vmem>> -> memref<1x128x128xf32, #tpu.memory_space<vmem>>
    %dma_wait3A_1391 = tpu.memref_squeeze %dma_wait3A_1390 : memref<1x128x128xf32, #tpu.memory_space<vmem>> -> memref<128x128xf32, #tpu.memory_space<vmem>>
    tpu.wait_dma2 semaphore(%dma_wait3A_1385 : memref<!tpu.dma_semaphore, #tpu.memory_space<semaphore_mem>>) src(%dma_wait3A_1391 : memref<128x128xf32, #tpu.memory_space<vmem>>) dst(%dma_wait3A_1387 : memref<128x128xf32, #tpu.memory_space<hbm>>)
    %dma_start3A_1392 = arith.constant 4 : i32
    %dma_start3A_1393 = arith.constant 4 : i32
    %dma_start3A_1394 = arith.constant 4 : i32
    %dma_start3A_1395 = arith.constant 0 : i32
    %dma_start3A_1396 = arith.constant 0 : i32
    %dma_start3A_1397 = tpu.memref_slice %arg6[%dma_start3A_1393, %dma_start3A_1395, %dma_start3A_1396] : memref<5x128x128xf32, #tpu.memory_space<vmem>> -> memref<1x128x128xf32, #tpu.memory_space<vmem>>
    %dma_start3A_1398 = tpu.memref_squeeze %dma_start3A_1397 : memref<1x128x128xf32, #tpu.memory_space<vmem>> -> memref<128x128xf32, #tpu.memory_space<vmem>>
    %dma_start3A_1399 = arith.constant 0 : i32
    %dma_start3A_1400 = tpu.memref_slice %arg5[%dma_start3A_1392, %dma_start3A_1399] : memref<5x128xi32, #tpu.memory_space<vmem>> -> memref<1x128xi32, #tpu.memory_space<vmem>>
    %dma_start3A_1401 = tpu.memref_squeeze %dma_start3A_1400 : memref<1x128xi32, #tpu.memory_space<vmem>> -> memref<128xi32, #tpu.memory_space<vmem>>
    %dma_start3A_1402 = arith.constant 0 : i32
    %dma_start3A_1403 = arith.constant 0 : i32
    %dma_start3A_1404 = tpu.memref_slice %arg2[%dma_start3A_1402, %dma_start3A_1403] : memref<100x128xf32, #tpu.memory_space<hbm>> -> memref<100x128xf32, #tpu.memory_space<hbm>>
    %dma_start3A_1405 = tpu.memref_slice %arg10[%dma_start3A_1394] : memref<5x!tpu.dma_semaphore, #tpu.memory_space<semaphore_mem>> -> memref<1x!tpu.dma_semaphore, #tpu.memory_space<semaphore_mem>>
    %dma_start3A_1406 = tpu.memref_squeeze %dma_start3A_1405 : memref<1x!tpu.dma_semaphore, #tpu.memory_space<semaphore_mem>> -> memref<!tpu.dma_semaphore, #tpu.memory_space<semaphore_mem>>
    tpu.enqueue_indirect_dma source(%dma_start3A_1404 : memref<100x128xf32, #tpu.memory_space<hbm>>) target(%dma_start3A_1398 : memref<128x128xf32, #tpu.memory_space<vmem>>) offsets(%dma_start3A_1401 : memref<128xi32, #tpu.memory_space<vmem>>) semaphore(%dma_start3A_1406 : memref<!tpu.dma_semaphore, #tpu.memory_space<semaphore_mem>>)
    %dma_wait3A_1407 = arith.constant 3 : i32
    %dma_wait3A_1408 = arith.constant 3 : i32
    %dma_wait3A_1409 = arith.constant 3 : i32
    %dma_wait3A_1410 = arith.constant 0 : i32
    %dma_wait3A_1411 = arith.constant 0 : i32
    %dma_wait3A_1412 = tpu.memref_slice %arg6[%dma_wait3A_1408, %dma_wait3A_1410, %dma_wait3A_1411] : memref<5x128x128xf32, #tpu.memory_space<vmem>> -> memref<1x128x128xf32, #tpu.memory_space<vmem>>
    %dma_wait3A_1413 = tpu.memref_squeeze %dma_wait3A_1412 : memref<1x128x128xf32, #tpu.memory_space<vmem>> -> memref<128x128xf32, #tpu.memory_space<vmem>>
    %dma_wait3A_1414 = arith.constant 0 : i32
    %dma_wait3A_1415 = tpu.memref_slice %arg5[%dma_wait3A_1407, %dma_wait3A_1414] : memref<5x128xi32, #tpu.memory_space<vmem>> -> memref<1x128xi32, #tpu.memory_space<vmem>>
    %dma_wait3A_1416 = tpu.memref_squeeze %dma_wait3A_1415 : memref<1x128xi32, #tpu.memory_space<vmem>> -> memref<128xi32, #tpu.memory_space<vmem>>
    %dma_wait3A_1417 = arith.constant 0 : i32
    %dma_wait3A_1418 = arith.constant 0 : i32
    %dma_wait3A_1419 = tpu.memref_slice %arg2[%dma_wait3A_1417, %dma_wait3A_1418] : memref<100x128xf32, #tpu.memory_space<hbm>> -> memref<100x128xf32, #tpu.memory_space<hbm>>
    %dma_wait3A_1420 = tpu.memref_slice %arg10[%dma_wait3A_1409] : memref<5x!tpu.dma_semaphore, #tpu.memory_space<semaphore_mem>> -> memref<1x!tpu.dma_semaphore, #tpu.memory_space<semaphore_mem>>
    %dma_wait3A_1421 = tpu.memref_squeeze %dma_wait3A_1420 : memref<1x!tpu.dma_semaphore, #tpu.memory_space<semaphore_mem>> -> memref<!tpu.dma_semaphore, #tpu.memory_space<semaphore_mem>>
    tpu.wait_indirect_dma semaphore(%dma_wait3A_1421 : memref<!tpu.dma_semaphore, #tpu.memory_space<semaphore_mem>>) src(%dma_wait3A_1419 : memref<100x128xf32, #tpu.memory_space<hbm>>) dst(%dma_wait3A_1413 : memref<128x128xf32, #tpu.memory_space<vmem>>)
    %add3A_1422 = arith.constant 416 : i32
    %add3A_1423 = arith.addi %add3A, %add3A_1422 : i32
    %mul3A_1424 = arith.constant 128 : i32
    %mul3A_1425 = arith.muli %add3A_1423, %mul3A_1424 : i32
    %dma_start3A_1426 = arith.constant 3 : i32
    %dma_start3A_1427 = arith.constant 3 : i32
    %dma_start3A_1428 = arith.constant 0 : i32
    %dma_start3A_1429 = arith.constant 0 : i32
    %dma_start3A_1430 = tpu.memref_slice %arg6[%dma_start3A_1426, %dma_start3A_1428, %dma_start3A_1429] : memref<5x128x128xf32, #tpu.memory_space<vmem>> -> memref<1x128x128xf32, #tpu.memory_space<vmem>>
    %dma_start3A_1431 = tpu.memref_squeeze %dma_start3A_1430 : memref<1x128x128xf32, #tpu.memory_space<vmem>> -> memref<128x128xf32, #tpu.memory_space<vmem>>
    %dma_start3A_1432 = arith.constant 0 : i32
    %dma_start3A_1433 = tpu.memref_slice %arg4[%mul3A_1425, %dma_start3A_1432] : memref<100000x128xf32, #tpu.memory_space<hbm>> -> memref<128x128xf32, #tpu.memory_space<hbm>>
    %dma_start3A_1434 = tpu.memref_slice %arg11[%dma_start3A_1427] : memref<5x!tpu.dma_semaphore, #tpu.memory_space<semaphore_mem>> -> memref<1x!tpu.dma_semaphore, #tpu.memory_space<semaphore_mem>>
    %dma_start3A_1435 = tpu.memref_squeeze %dma_start3A_1434 : memref<1x!tpu.dma_semaphore, #tpu.memory_space<semaphore_mem>> -> memref<!tpu.dma_semaphore, #tpu.memory_space<semaphore_mem>>
    %dma_start3A_1436 = arith.constant 0 : i32
    %dma_start3A_1437 = tpu.memref_slice %arg4[%mul3A_1425, %dma_start3A_1436] : memref<100000x128xf32, #tpu.memory_space<hbm>> -> memref<128x128xf32, #tpu.memory_space<hbm>>
    %dma_start3A_1438 = arith.constant 0 : i32
    %dma_start3A_1439 = arith.constant 0 : i32
    %dma_start3A_1440 = tpu.memref_slice %arg6[%dma_start3A_1426, %dma_start3A_1438, %dma_start3A_1439] : memref<5x128x128xf32, #tpu.memory_space<vmem>> -> memref<1x128x128xf32, #tpu.memory_space<vmem>>
    %dma_start3A_1441 = tpu.memref_squeeze %dma_start3A_1440 : memref<1x128x128xf32, #tpu.memory_space<vmem>> -> memref<128x128xf32, #tpu.memory_space<vmem>>
    tpu.enqueue_dma source(%dma_start3A_1441 : memref<128x128xf32, #tpu.memory_space<vmem>>) target(%dma_start3A_1437 : memref<128x128xf32, #tpu.memory_space<hbm>>) target_semaphore(%dma_start3A_1435 : memref<!tpu.dma_semaphore, #tpu.memory_space<semaphore_mem>>)
    %add3A_1442 = arith.constant 576 : i32
    %add3A_1443 = arith.addi %add3A, %add3A_1442 : i32
    %mul3A_1444 = arith.constant 128 : i32
    %mul3A_1445 = arith.muli %add3A_1443, %mul3A_1444 : i32
    %dma_start3A_1446 = arith.constant 3 : i32
    %dma_start3A_1447 = arith.constant 3 : i32
    %dma_start3A_1448 = arith.constant 0 : i32
    %dma_start3A_1449 = tpu.memref_slice %arg5[%dma_start3A_1446, %dma_start3A_1448] : memref<5x128xi32, #tpu.memory_space<vmem>> -> memref<1x128xi32, #tpu.memory_space<vmem>>
    %dma_start3A_1450 = tpu.memref_squeeze %dma_start3A_1449 : memref<1x128xi32, #tpu.memory_space<vmem>> -> memref<128xi32, #tpu.memory_space<vmem>>
    %dma_start3A_1451 = tpu.memref_slice %arg3[%mul3A_1445] : memref<100000xi32, #tpu.memory_space<hbm>> -> memref<128xi32, #tpu.memory_space<hbm>>
    %dma_start3A_1452 = tpu.memref_slice %arg9[%dma_start3A_1447] : memref<5x!tpu.dma_semaphore, #tpu.memory_space<semaphore_mem>> -> memref<1x!tpu.dma_semaphore, #tpu.memory_space<semaphore_mem>>
    %dma_start3A_1453 = tpu.memref_squeeze %dma_start3A_1452 : memref<1x!tpu.dma_semaphore, #tpu.memory_space<semaphore_mem>> -> memref<!tpu.dma_semaphore, #tpu.memory_space<semaphore_mem>>
    %dma_start3A_1454 = arith.constant 0 : i32
    %dma_start3A_1455 = tpu.memref_slice %arg5[%dma_start3A_1446, %dma_start3A_1454] : memref<5x128xi32, #tpu.memory_space<vmem>> -> memref<1x128xi32, #tpu.memory_space<vmem>>
    %dma_start3A_1456 = tpu.memref_squeeze %dma_start3A_1455 : memref<1x128xi32, #tpu.memory_space<vmem>> -> memref<128xi32, #tpu.memory_space<vmem>>
    %dma_start3A_1457 = tpu.memref_slice %arg3[%mul3A_1445] : memref<100000xi32, #tpu.memory_space<hbm>> -> memref<128xi32, #tpu.memory_space<hbm>>
    tpu.enqueue_dma source(%dma_start3A_1457 : memref<128xi32, #tpu.memory_space<hbm>>) target(%dma_start3A_1456 : memref<128xi32, #tpu.memory_space<vmem>>) target_semaphore(%dma_start3A_1453 : memref<!tpu.dma_semaphore, #tpu.memory_space<semaphore_mem>>)
    %add3A_1458 = arith.constant 480 : i32
    %add3A_1459 = arith.addi %add3A, %add3A_1458 : i32
    %mul3A_1460 = arith.constant 128 : i32
    %mul3A_1461 = arith.muli %add3A_1459, %mul3A_1460 : i32
    %dma_wait3A_1462 = arith.constant 0 : i32
    %dma_wait3A_1463 = arith.constant 0 : i32
    %dma_wait3A_1464 = arith.constant 0 : i32
    %dma_wait3A_1465 = tpu.memref_slice %arg5[%dma_wait3A_1462, %dma_wait3A_1464] : memref<5x128xi32, #tpu.memory_space<vmem>> -> memref<1x128xi32, #tpu.memory_space<vmem>>
    %dma_wait3A_1466 = tpu.memref_squeeze %dma_wait3A_1465 : memref<1x128xi32, #tpu.memory_space<vmem>> -> memref<128xi32, #tpu.memory_space<vmem>>
    %dma_wait3A_1467 = tpu.memref_slice %arg3[%mul3A_1461] : memref<100000xi32, #tpu.memory_space<hbm>> -> memref<128xi32, #tpu.memory_space<hbm>>
    %dma_wait3A_1468 = tpu.memref_slice %arg9[%dma_wait3A_1463] : memref<5x!tpu.dma_semaphore, #tpu.memory_space<semaphore_mem>> -> memref<1x!tpu.dma_semaphore, #tpu.memory_space<semaphore_mem>>
    %dma_wait3A_1469 = tpu.memref_squeeze %dma_wait3A_1468 : memref<1x!tpu.dma_semaphore, #tpu.memory_space<semaphore_mem>> -> memref<!tpu.dma_semaphore, #tpu.memory_space<semaphore_mem>>
    %dma_wait3A_1470 = arith.constant 0 : i32
    %dma_wait3A_1471 = tpu.memref_slice %arg5[%dma_wait3A_1462, %dma_wait3A_1470] : memref<5x128xi32, #tpu.memory_space<vmem>> -> memref<1x128xi32, #tpu.memory_space<vmem>>
    %dma_wait3A_1472 = tpu.memref_squeeze %dma_wait3A_1471 : memref<1x128xi32, #tpu.memory_space<vmem>> -> memref<128xi32, #tpu.memory_space<vmem>>
    %dma_wait3A_1473 = tpu.memref_slice %arg3[%mul3A_1461] : memref<100000xi32, #tpu.memory_space<hbm>> -> memref<128xi32, #tpu.memory_space<hbm>>
    tpu.wait_dma2 semaphore(%dma_wait3A_1469 : memref<!tpu.dma_semaphore, #tpu.memory_space<semaphore_mem>>) src(%dma_wait3A_1473 : memref<128xi32, #tpu.memory_space<hbm>>) dst(%dma_wait3A_1472 : memref<128xi32, #tpu.memory_space<vmem>>)
    %add3A_1474 = arith.constant 320 : i32
    %add3A_1475 = arith.addi %add3A, %add3A_1474 : i32
    %mul3A_1476 = arith.constant 128 : i32
    %mul3A_1477 = arith.muli %add3A_1475, %mul3A_1476 : i32
    %dma_wait3A_1478 = arith.constant 0 : i32
    %dma_wait3A_1479 = arith.constant 0 : i32
    %dma_wait3A_1480 = arith.constant 0 : i32
    %dma_wait3A_1481 = arith.constant 0 : i32
    %dma_wait3A_1482 = tpu.memref_slice %arg6[%dma_wait3A_1478, %dma_wait3A_1480, %dma_wait3A_1481] : memref<5x128x128xf32, #tpu.memory_space<vmem>> -> memref<1x128x128xf32, #tpu.memory_space<vmem>>
    %dma_wait3A_1483 = tpu.memref_squeeze %dma_wait3A_1482 : memref<1x128x128xf32, #tpu.memory_space<vmem>> -> memref<128x128xf32, #tpu.memory_space<vmem>>
    %dma_wait3A_1484 = arith.constant 0 : i32
    %dma_wait3A_1485 = tpu.memref_slice %arg4[%mul3A_1477, %dma_wait3A_1484] : memref<100000x128xf32, #tpu.memory_space<hbm>> -> memref<128x128xf32, #tpu.memory_space<hbm>>
    %dma_wait3A_1486 = tpu.memref_slice %arg11[%dma_wait3A_1479] : memref<5x!tpu.dma_semaphore, #tpu.memory_space<semaphore_mem>> -> memref<1x!tpu.dma_semaphore, #tpu.memory_space<semaphore_mem>>
    %dma_wait3A_1487 = tpu.memref_squeeze %dma_wait3A_1486 : memref<1x!tpu.dma_semaphore, #tpu.memory_space<semaphore_mem>> -> memref<!tpu.dma_semaphore, #tpu.memory_space<semaphore_mem>>
    %dma_wait3A_1488 = arith.constant 0 : i32
    %dma_wait3A_1489 = tpu.memref_slice %arg4[%mul3A_1477, %dma_wait3A_1488] : memref<100000x128xf32, #tpu.memory_space<hbm>> -> memref<128x128xf32, #tpu.memory_space<hbm>>
    %dma_wait3A_1490 = arith.constant 0 : i32
    %dma_wait3A_1491 = arith.constant 0 : i32
    %dma_wait3A_1492 = tpu.memref_slice %arg6[%dma_wait3A_1478, %dma_wait3A_1490, %dma_wait3A_1491] : memref<5x128x128xf32, #tpu.memory_space<vmem>> -> memref<1x128x128xf32, #tpu.memory_space<vmem>>
    %dma_wait3A_1493 = tpu.memref_squeeze %dma_wait3A_1492 : memref<1x128x128xf32, #tpu.memory_space<vmem>> -> memref<128x128xf32, #tpu.memory_space<vmem>>
    tpu.wait_dma2 semaphore(%dma_wait3A_1487 : memref<!tpu.dma_semaphore, #tpu.memory_space<semaphore_mem>>) src(%dma_wait3A_1493 : memref<128x128xf32, #tpu.memory_space<vmem>>) dst(%dma_wait3A_1489 : memref<128x128xf32, #tpu.memory_space<hbm>>)
    %dma_start3A_1494 = arith.constant 0 : i32
    %dma_start3A_1495 = arith.constant 0 : i32
    %dma_start3A_1496 = arith.constant 0 : i32
    %dma_start3A_1497 = arith.constant 0 : i32
    %dma_start3A_1498 = arith.constant 0 : i32
    %dma_start3A_1499 = tpu.memref_slice %arg6[%dma_start3A_1495, %dma_start3A_1497, %dma_start3A_1498] : memref<5x128x128xf32, #tpu.memory_space<vmem>> -> memref<1x128x128xf32, #tpu.memory_space<vmem>>
    %dma_start3A_1500 = tpu.memref_squeeze %dma_start3A_1499 : memref<1x128x128xf32, #tpu.memory_space<vmem>> -> memref<128x128xf32, #tpu.memory_space<vmem>>
    %dma_start3A_1501 = arith.constant 0 : i32
    %dma_start3A_1502 = tpu.memref_slice %arg5[%dma_start3A_1494, %dma_start3A_1501] : memref<5x128xi32, #tpu.memory_space<vmem>> -> memref<1x128xi32, #tpu.memory_space<vmem>>
    %dma_start3A_1503 = tpu.memref_squeeze %dma_start3A_1502 : memref<1x128xi32, #tpu.memory_space<vmem>> -> memref<128xi32, #tpu.memory_space<vmem>>
    %dma_start3A_1504 = arith.constant 0 : i32
    %dma_start3A_1505 = arith.constant 0 : i32
    %dma_start3A_1506 = tpu.memref_slice %arg2[%dma_start3A_1504, %dma_start3A_1505] : memref<100x128xf32, #tpu.memory_space<hbm>> -> memref<100x128xf32, #tpu.memory_space<hbm>>
    %dma_start3A_1507 = tpu.memref_slice %arg10[%dma_start3A_1496] : memref<5x!tpu.dma_semaphore, #tpu.memory_space<semaphore_mem>> -> memref<1x!tpu.dma_semaphore, #tpu.memory_space<semaphore_mem>>
    %dma_start3A_1508 = tpu.memref_squeeze %dma_start3A_1507 : memref<1x!tpu.dma_semaphore, #tpu.memory_space<semaphore_mem>> -> memref<!tpu.dma_semaphore, #tpu.memory_space<semaphore_mem>>
    tpu.enqueue_indirect_dma source(%dma_start3A_1506 : memref<100x128xf32, #tpu.memory_space<hbm>>) target(%dma_start3A_1500 : memref<128x128xf32, #tpu.memory_space<vmem>>) offsets(%dma_start3A_1503 : memref<128xi32, #tpu.memory_space<vmem>>) semaphore(%dma_start3A_1508 : memref<!tpu.dma_semaphore, #tpu.memory_space<semaphore_mem>>)
    %dma_wait3A_1509 = arith.constant 4 : i32
    %dma_wait3A_1510 = arith.constant 4 : i32
    %dma_wait3A_1511 = arith.constant 4 : i32
    %dma_wait3A_1512 = arith.constant 0 : i32
    %dma_wait3A_1513 = arith.constant 0 : i32
    %dma_wait3A_1514 = tpu.memref_slice %arg6[%dma_wait3A_1510, %dma_wait3A_1512, %dma_wait3A_1513] : memref<5x128x128xf32, #tpu.memory_space<vmem>> -> memref<1x128x128xf32, #tpu.memory_space<vmem>>
    %dma_wait3A_1515 = tpu.memref_squeeze %dma_wait3A_1514 : memref<1x128x128xf32, #tpu.memory_space<vmem>> -> memref<128x128xf32, #tpu.memory_space<vmem>>
    %dma_wait3A_1516 = arith.constant 0 : i32
    %dma_wait3A_1517 = tpu.memref_slice %arg5[%dma_wait3A_1509, %dma_wait3A_1516] : memref<5x128xi32, #tpu.memory_space<vmem>> -> memref<1x128xi32, #tpu.memory_space<vmem>>
    %dma_wait3A_1518 = tpu.memref_squeeze %dma_wait3A_1517 : memref<1x128xi32, #tpu.memory_space<vmem>> -> memref<128xi32, #tpu.memory_space<vmem>>
    %dma_wait3A_1519 = arith.constant 0 : i32
    %dma_wait3A_1520 = arith.constant 0 : i32
    %dma_wait3A_1521 = tpu.memref_slice %arg2[%dma_wait3A_1519, %dma_wait3A_1520] : memref<100x128xf32, #tpu.memory_space<hbm>> -> memref<100x128xf32, #tpu.memory_space<hbm>>
    %dma_wait3A_1522 = tpu.memref_slice %arg10[%dma_wait3A_1511] : memref<5x!tpu.dma_semaphore, #tpu.memory_space<semaphore_mem>> -> memref<1x!tpu.dma_semaphore, #tpu.memory_space<semaphore_mem>>
    %dma_wait3A_1523 = tpu.memref_squeeze %dma_wait3A_1522 : memref<1x!tpu.dma_semaphore, #tpu.memory_space<semaphore_mem>> -> memref<!tpu.dma_semaphore, #tpu.memory_space<semaphore_mem>>
    tpu.wait_indirect_dma semaphore(%dma_wait3A_1523 : memref<!tpu.dma_semaphore, #tpu.memory_space<semaphore_mem>>) src(%dma_wait3A_1521 : memref<100x128xf32, #tpu.memory_space<hbm>>) dst(%dma_wait3A_1515 : memref<128x128xf32, #tpu.memory_space<vmem>>)
    %add3A_1524 = arith.constant 448 : i32
    %add3A_1525 = arith.addi %add3A, %add3A_1524 : i32
    %mul3A_1526 = arith.constant 128 : i32
    %mul3A_1527 = arith.muli %add3A_1525, %mul3A_1526 : i32
    %dma_start3A_1528 = arith.constant 4 : i32
    %dma_start3A_1529 = arith.constant 4 : i32
    %dma_start3A_1530 = arith.constant 0 : i32
    %dma_start3A_1531 = arith.constant 0 : i32
    %dma_start3A_1532 = tpu.memref_slice %arg6[%dma_start3A_1528, %dma_start3A_1530, %dma_start3A_1531] : memref<5x128x128xf32, #tpu.memory_space<vmem>> -> memref<1x128x128xf32, #tpu.memory_space<vmem>>
    %dma_start3A_1533 = tpu.memref_squeeze %dma_start3A_1532 : memref<1x128x128xf32, #tpu.memory_space<vmem>> -> memref<128x128xf32, #tpu.memory_space<vmem>>
    %dma_start3A_1534 = arith.constant 0 : i32
    %dma_start3A_1535 = tpu.memref_slice %arg4[%mul3A_1527, %dma_start3A_1534] : memref<100000x128xf32, #tpu.memory_space<hbm>> -> memref<128x128xf32, #tpu.memory_space<hbm>>
    %dma_start3A_1536 = tpu.memref_slice %arg11[%dma_start3A_1529] : memref<5x!tpu.dma_semaphore, #tpu.memory_space<semaphore_mem>> -> memref<1x!tpu.dma_semaphore, #tpu.memory_space<semaphore_mem>>
    %dma_start3A_1537 = tpu.memref_squeeze %dma_start3A_1536 : memref<1x!tpu.dma_semaphore, #tpu.memory_space<semaphore_mem>> -> memref<!tpu.dma_semaphore, #tpu.memory_space<semaphore_mem>>
    %dma_start3A_1538 = arith.constant 0 : i32
    %dma_start3A_1539 = tpu.memref_slice %arg4[%mul3A_1527, %dma_start3A_1538] : memref<100000x128xf32, #tpu.memory_space<hbm>> -> memref<128x128xf32, #tpu.memory_space<hbm>>
    %dma_start3A_1540 = arith.constant 0 : i32
    %dma_start3A_1541 = arith.constant 0 : i32
    %dma_start3A_1542 = tpu.memref_slice %arg6[%dma_start3A_1528, %dma_start3A_1540, %dma_start3A_1541] : memref<5x128x128xf32, #tpu.memory_space<vmem>> -> memref<1x128x128xf32, #tpu.memory_space<vmem>>
    %dma_start3A_1543 = tpu.memref_squeeze %dma_start3A_1542 : memref<1x128x128xf32, #tpu.memory_space<vmem>> -> memref<128x128xf32, #tpu.memory_space<vmem>>
    tpu.enqueue_dma source(%dma_start3A_1543 : memref<128x128xf32, #tpu.memory_space<vmem>>) target(%dma_start3A_1539 : memref<128x128xf32, #tpu.memory_space<hbm>>) target_semaphore(%dma_start3A_1537 : memref<!tpu.dma_semaphore, #tpu.memory_space<semaphore_mem>>)
    %add3A_1544 = arith.constant 608 : i32
    %add3A_1545 = arith.addi %add3A, %add3A_1544 : i32
    %mul3A_1546 = arith.constant 128 : i32
    %mul3A_1547 = arith.muli %add3A_1545, %mul3A_1546 : i32
    %dma_start3A_1548 = arith.constant 4 : i32
    %dma_start3A_1549 = arith.constant 4 : i32
    %dma_start3A_1550 = arith.constant 0 : i32
    %dma_start3A_1551 = tpu.memref_slice %arg5[%dma_start3A_1548, %dma_start3A_1550] : memref<5x128xi32, #tpu.memory_space<vmem>> -> memref<1x128xi32, #tpu.memory_space<vmem>>
    %dma_start3A_1552 = tpu.memref_squeeze %dma_start3A_1551 : memref<1x128xi32, #tpu.memory_space<vmem>> -> memref<128xi32, #tpu.memory_space<vmem>>
    %dma_start3A_1553 = tpu.memref_slice %arg3[%mul3A_1547] : memref<100000xi32, #tpu.memory_space<hbm>> -> memref<128xi32, #tpu.memory_space<hbm>>
    %dma_start3A_1554 = tpu.memref_slice %arg9[%dma_start3A_1549] : memref<5x!tpu.dma_semaphore, #tpu.memory_space<semaphore_mem>> -> memref<1x!tpu.dma_semaphore, #tpu.memory_space<semaphore_mem>>
    %dma_start3A_1555 = tpu.memref_squeeze %dma_start3A_1554 : memref<1x!tpu.dma_semaphore, #tpu.memory_space<semaphore_mem>> -> memref<!tpu.dma_semaphore, #tpu.memory_space<semaphore_mem>>
    %dma_start3A_1556 = arith.constant 0 : i32
    %dma_start3A_1557 = tpu.memref_slice %arg5[%dma_start3A_1548, %dma_start3A_1556] : memref<5x128xi32, #tpu.memory_space<vmem>> -> memref<1x128xi32, #tpu.memory_space<vmem>>
    %dma_start3A_1558 = tpu.memref_squeeze %dma_start3A_1557 : memref<1x128xi32, #tpu.memory_space<vmem>> -> memref<128xi32, #tpu.memory_space<vmem>>
    %dma_start3A_1559 = tpu.memref_slice %arg3[%mul3A_1547] : memref<100000xi32, #tpu.memory_space<hbm>> -> memref<128xi32, #tpu.memory_space<hbm>>
    tpu.enqueue_dma source(%dma_start3A_1559 : memref<128xi32, #tpu.memory_space<hbm>>) target(%dma_start3A_1558 : memref<128xi32, #tpu.memory_space<vmem>>) target_semaphore(%dma_start3A_1555 : memref<!tpu.dma_semaphore, #tpu.memory_space<semaphore_mem>>)
    %add3A_1560 = arith.constant 512 : i32
    %add3A_1561 = arith.addi %add3A, %add3A_1560 : i32
    %mul3A_1562 = arith.constant 128 : i32
    %mul3A_1563 = arith.muli %add3A_1561, %mul3A_1562 : i32
    %dma_wait3A_1564 = arith.constant 1 : i32
    %dma_wait3A_1565 = arith.constant 1 : i32
    %dma_wait3A_1566 = arith.constant 0 : i32
    %dma_wait3A_1567 = tpu.memref_slice %arg5[%dma_wait3A_1564, %dma_wait3A_1566] : memref<5x128xi32, #tpu.memory_space<vmem>> -> memref<1x128xi32, #tpu.memory_space<vmem>>
    %dma_wait3A_1568 = tpu.memref_squeeze %dma_wait3A_1567 : memref<1x128xi32, #tpu.memory_space<vmem>> -> memref<128xi32, #tpu.memory_space<vmem>>
    %dma_wait3A_1569 = tpu.memref_slice %arg3[%mul3A_1563] : memref<100000xi32, #tpu.memory_space<hbm>> -> memref<128xi32, #tpu.memory_space<hbm>>
    %dma_wait3A_1570 = tpu.memref_slice %arg9[%dma_wait3A_1565] : memref<5x!tpu.dma_semaphore, #tpu.memory_space<semaphore_mem>> -> memref<1x!tpu.dma_semaphore, #tpu.memory_space<semaphore_mem>>
    %dma_wait3A_1571 = tpu.memref_squeeze %dma_wait3A_1570 : memref<1x!tpu.dma_semaphore, #tpu.memory_space<semaphore_mem>> -> memref<!tpu.dma_semaphore, #tpu.memory_space<semaphore_mem>>
    %dma_wait3A_1572 = arith.constant 0 : i32
    %dma_wait3A_1573 = tpu.memref_slice %arg5[%dma_wait3A_1564, %dma_wait3A_1572] : memref<5x128xi32, #tpu.memory_space<vmem>> -> memref<1x128xi32, #tpu.memory_space<vmem>>
    %dma_wait3A_1574 = tpu.memref_squeeze %dma_wait3A_1573 : memref<1x128xi32, #tpu.memory_space<vmem>> -> memref<128xi32, #tpu.memory_space<vmem>>
    %dma_wait3A_1575 = tpu.memref_slice %arg3[%mul3A_1563] : memref<100000xi32, #tpu.memory_space<hbm>> -> memref<128xi32, #tpu.memory_space<hbm>>
    tpu.wait_dma2 semaphore(%dma_wait3A_1571 : memref<!tpu.dma_semaphore, #tpu.memory_space<semaphore_mem>>) src(%dma_wait3A_1575 : memref<128xi32, #tpu.memory_space<hbm>>) dst(%dma_wait3A_1574 : memref<128xi32, #tpu.memory_space<vmem>>)
    %add3A_1576 = arith.constant 352 : i32
    %add3A_1577 = arith.addi %add3A, %add3A_1576 : i32
    %mul3A_1578 = arith.constant 128 : i32
    %mul3A_1579 = arith.muli %add3A_1577, %mul3A_1578 : i32
    %dma_wait3A_1580 = arith.constant 1 : i32
    %dma_wait3A_1581 = arith.constant 1 : i32
    %dma_wait3A_1582 = arith.constant 0 : i32
    %dma_wait3A_1583 = arith.constant 0 : i32
    %dma_wait3A_1584 = tpu.memref_slice %arg6[%dma_wait3A_1580, %dma_wait3A_1582, %dma_wait3A_1583] : memref<5x128x128xf32, #tpu.memory_space<vmem>> -> memref<1x128x128xf32, #tpu.memory_space<vmem>>
    %dma_wait3A_1585 = tpu.memref_squeeze %dma_wait3A_1584 : memref<1x128x128xf32, #tpu.memory_space<vmem>> -> memref<128x128xf32, #tpu.memory_space<vmem>>
    %dma_wait3A_1586 = arith.constant 0 : i32
    %dma_wait3A_1587 = tpu.memref_slice %arg4[%mul3A_1579, %dma_wait3A_1586] : memref<100000x128xf32, #tpu.memory_space<hbm>> -> memref<128x128xf32, #tpu.memory_space<hbm>>
    %dma_wait3A_1588 = tpu.memref_slice %arg11[%dma_wait3A_1581] : memref<5x!tpu.dma_semaphore, #tpu.memory_space<semaphore_mem>> -> memref<1x!tpu.dma_semaphore, #tpu.memory_space<semaphore_mem>>
    %dma_wait3A_1589 = tpu.memref_squeeze %dma_wait3A_1588 : memref<1x!tpu.dma_semaphore, #tpu.memory_space<semaphore_mem>> -> memref<!tpu.dma_semaphore, #tpu.memory_space<semaphore_mem>>
    %dma_wait3A_1590 = arith.constant 0 : i32
    %dma_wait3A_1591 = tpu.memref_slice %arg4[%mul3A_1579, %dma_wait3A_1590] : memref<100000x128xf32, #tpu.memory_space<hbm>> -> memref<128x128xf32, #tpu.memory_space<hbm>>
    %dma_wait3A_1592 = arith.constant 0 : i32
    %dma_wait3A_1593 = arith.constant 0 : i32
    %dma_wait3A_1594 = tpu.memref_slice %arg6[%dma_wait3A_1580, %dma_wait3A_1592, %dma_wait3A_1593] : memref<5x128x128xf32, #tpu.memory_space<vmem>> -> memref<1x128x128xf32, #tpu.memory_space<vmem>>
    %dma_wait3A_1595 = tpu.memref_squeeze %dma_wait3A_1594 : memref<1x128x128xf32, #tpu.memory_space<vmem>> -> memref<128x128xf32, #tpu.memory_space<vmem>>
    tpu.wait_dma2 semaphore(%dma_wait3A_1589 : memref<!tpu.dma_semaphore, #tpu.memory_space<semaphore_mem>>) src(%dma_wait3A_1595 : memref<128x128xf32, #tpu.memory_space<vmem>>) dst(%dma_wait3A_1591 : memref<128x128xf32, #tpu.memory_space<hbm>>)
    %dma_start3A_1596 = arith.constant 1 : i32
    %dma_start3A_1597 = arith.constant 1 : i32
    %dma_start3A_1598 = arith.constant 1 : i32
    %dma_start3A_1599 = arith.constant 0 : i32
    %dma_start3A_1600 = arith.constant 0 : i32
    %dma_start3A_1601 = tpu.memref_slice %arg6[%dma_start3A_1597, %dma_start3A_1599, %dma_start3A_1600] : memref<5x128x128xf32, #tpu.memory_space<vmem>> -> memref<1x128x128xf32, #tpu.memory_space<vmem>>
    %dma_start3A_1602 = tpu.memref_squeeze %dma_start3A_1601 : memref<1x128x128xf32, #tpu.memory_space<vmem>> -> memref<128x128xf32, #tpu.memory_space<vmem>>
    %dma_start3A_1603 = arith.constant 0 : i32
    %dma_start3A_1604 = tpu.memref_slice %arg5[%dma_start3A_1596, %dma_start3A_1603] : memref<5x128xi32, #tpu.memory_space<vmem>> -> memref<1x128xi32, #tpu.memory_space<vmem>>
    %dma_start3A_1605 = tpu.memref_squeeze %dma_start3A_1604 : memref<1x128xi32, #tpu.memory_space<vmem>> -> memref<128xi32, #tpu.memory_space<vmem>>
    %dma_start3A_1606 = arith.constant 0 : i32
    %dma_start3A_1607 = arith.constant 0 : i32
    %dma_start3A_1608 = tpu.memref_slice %arg2[%dma_start3A_1606, %dma_start3A_1607] : memref<100x128xf32, #tpu.memory_space<hbm>> -> memref<100x128xf32, #tpu.memory_space<hbm>>
    %dma_start3A_1609 = tpu.memref_slice %arg10[%dma_start3A_1598] : memref<5x!tpu.dma_semaphore, #tpu.memory_space<semaphore_mem>> -> memref<1x!tpu.dma_semaphore, #tpu.memory_space<semaphore_mem>>
    %dma_start3A_1610 = tpu.memref_squeeze %dma_start3A_1609 : memref<1x!tpu.dma_semaphore, #tpu.memory_space<semaphore_mem>> -> memref<!tpu.dma_semaphore, #tpu.memory_space<semaphore_mem>>
    tpu.enqueue_indirect_dma source(%dma_start3A_1608 : memref<100x128xf32, #tpu.memory_space<hbm>>) target(%dma_start3A_1602 : memref<128x128xf32, #tpu.memory_space<vmem>>) offsets(%dma_start3A_1605 : memref<128xi32, #tpu.memory_space<vmem>>) semaphore(%dma_start3A_1610 : memref<!tpu.dma_semaphore, #tpu.memory_space<semaphore_mem>>)
    %dma_wait3A_1611 = arith.constant 0 : i32
    %dma_wait3A_1612 = arith.constant 0 : i32
    %dma_wait3A_1613 = arith.constant 0 : i32
    %dma_wait3A_1614 = arith.constant 0 : i32
    %dma_wait3A_1615 = arith.constant 0 : i32
    %dma_wait3A_1616 = tpu.memref_slice %arg6[%dma_wait3A_1612, %dma_wait3A_1614, %dma_wait3A_1615] : memref<5x128x128xf32, #tpu.memory_space<vmem>> -> memref<1x128x128xf32, #tpu.memory_space<vmem>>
    %dma_wait3A_1617 = tpu.memref_squeeze %dma_wait3A_1616 : memref<1x128x128xf32, #tpu.memory_space<vmem>> -> memref<128x128xf32, #tpu.memory_space<vmem>>
    %dma_wait3A_1618 = arith.constant 0 : i32
    %dma_wait3A_1619 = tpu.memref_slice %arg5[%dma_wait3A_1611, %dma_wait3A_1618] : memref<5x128xi32, #tpu.memory_space<vmem>> -> memref<1x128xi32, #tpu.memory_space<vmem>>
    %dma_wait3A_1620 = tpu.memref_squeeze %dma_wait3A_1619 : memref<1x128xi32, #tpu.memory_space<vmem>> -> memref<128xi32, #tpu.memory_space<vmem>>
    %dma_wait3A_1621 = arith.constant 0 : i32
    %dma_wait3A_1622 = arith.constant 0 : i32
    %dma_wait3A_1623 = tpu.memref_slice %arg2[%dma_wait3A_1621, %dma_wait3A_1622] : memref<100x128xf32, #tpu.memory_space<hbm>> -> memref<100x128xf32, #tpu.memory_space<hbm>>
    %dma_wait3A_1624 = tpu.memref_slice %arg10[%dma_wait3A_1613] : memref<5x!tpu.dma_semaphore, #tpu.memory_space<semaphore_mem>> -> memref<1x!tpu.dma_semaphore, #tpu.memory_space<semaphore_mem>>
    %dma_wait3A_1625 = tpu.memref_squeeze %dma_wait3A_1624 : memref<1x!tpu.dma_semaphore, #tpu.memory_space<semaphore_mem>> -> memref<!tpu.dma_semaphore, #tpu.memory_space<semaphore_mem>>
    tpu.wait_indirect_dma semaphore(%dma_wait3A_1625 : memref<!tpu.dma_semaphore, #tpu.memory_space<semaphore_mem>>) src(%dma_wait3A_1623 : memref<100x128xf32, #tpu.memory_space<hbm>>) dst(%dma_wait3A_1617 : memref<128x128xf32, #tpu.memory_space<vmem>>)
    %add3A_1626 = arith.constant 480 : i32
    %add3A_1627 = arith.addi %add3A, %add3A_1626 : i32
    %mul3A_1628 = arith.constant 128 : i32
    %mul3A_1629 = arith.muli %add3A_1627, %mul3A_1628 : i32
    %dma_start3A_1630 = arith.constant 0 : i32
    %dma_start3A_1631 = arith.constant 0 : i32
    %dma_start3A_1632 = arith.constant 0 : i32
    %dma_start3A_1633 = arith.constant 0 : i32
    %dma_start3A_1634 = tpu.memref_slice %arg6[%dma_start3A_1630, %dma_start3A_1632, %dma_start3A_1633] : memref<5x128x128xf32, #tpu.memory_space<vmem>> -> memref<1x128x128xf32, #tpu.memory_space<vmem>>
    %dma_start3A_1635 = tpu.memref_squeeze %dma_start3A_1634 : memref<1x128x128xf32, #tpu.memory_space<vmem>> -> memref<128x128xf32, #tpu.memory_space<vmem>>
    %dma_start3A_1636 = arith.constant 0 : i32
    %dma_start3A_1637 = tpu.memref_slice %arg4[%mul3A_1629, %dma_start3A_1636] : memref<100000x128xf32, #tpu.memory_space<hbm>> -> memref<128x128xf32, #tpu.memory_space<hbm>>
    %dma_start3A_1638 = tpu.memref_slice %arg11[%dma_start3A_1631] : memref<5x!tpu.dma_semaphore, #tpu.memory_space<semaphore_mem>> -> memref<1x!tpu.dma_semaphore, #tpu.memory_space<semaphore_mem>>
    %dma_start3A_1639 = tpu.memref_squeeze %dma_start3A_1638 : memref<1x!tpu.dma_semaphore, #tpu.memory_space<semaphore_mem>> -> memref<!tpu.dma_semaphore, #tpu.memory_space<semaphore_mem>>
    %dma_start3A_1640 = arith.constant 0 : i32
    %dma_start3A_1641 = tpu.memref_slice %arg4[%mul3A_1629, %dma_start3A_1640] : memref<100000x128xf32, #tpu.memory_space<hbm>> -> memref<128x128xf32, #tpu.memory_space<hbm>>
    %dma_start3A_1642 = arith.constant 0 : i32
    %dma_start3A_1643 = arith.constant 0 : i32
    %dma_start3A_1644 = tpu.memref_slice %arg6[%dma_start3A_1630, %dma_start3A_1642, %dma_start3A_1643] : memref<5x128x128xf32, #tpu.memory_space<vmem>> -> memref<1x128x128xf32, #tpu.memory_space<vmem>>
    %dma_start3A_1645 = tpu.memref_squeeze %dma_start3A_1644 : memref<1x128x128xf32, #tpu.memory_space<vmem>> -> memref<128x128xf32, #tpu.memory_space<vmem>>
    tpu.enqueue_dma source(%dma_start3A_1645 : memref<128x128xf32, #tpu.memory_space<vmem>>) target(%dma_start3A_1641 : memref<128x128xf32, #tpu.memory_space<hbm>>) target_semaphore(%dma_start3A_1639 : memref<!tpu.dma_semaphore, #tpu.memory_space<semaphore_mem>>)
    %add3A_1646 = arith.constant 640 : i32
    %add3A_1647 = arith.addi %add3A, %add3A_1646 : i32
    %mul3A_1648 = arith.constant 128 : i32
    %mul3A_1649 = arith.muli %add3A_1647, %mul3A_1648 : i32
    %dma_start3A_1650 = arith.constant 0 : i32
    %dma_start3A_1651 = arith.constant 0 : i32
    %dma_start3A_1652 = arith.constant 0 : i32
    %dma_start3A_1653 = tpu.memref_slice %arg5[%dma_start3A_1650, %dma_start3A_1652] : memref<5x128xi32, #tpu.memory_space<vmem>> -> memref<1x128xi32, #tpu.memory_space<vmem>>
    %dma_start3A_1654 = tpu.memref_squeeze %dma_start3A_1653 : memref<1x128xi32, #tpu.memory_space<vmem>> -> memref<128xi32, #tpu.memory_space<vmem>>
    %dma_start3A_1655 = tpu.memref_slice %arg3[%mul3A_1649] : memref<100000xi32, #tpu.memory_space<hbm>> -> memref<128xi32, #tpu.memory_space<hbm>>
    %dma_start3A_1656 = tpu.memref_slice %arg9[%dma_start3A_1651] : memref<5x!tpu.dma_semaphore, #tpu.memory_space<semaphore_mem>> -> memref<1x!tpu.dma_semaphore, #tpu.memory_space<semaphore_mem>>
    %dma_start3A_1657 = tpu.memref_squeeze %dma_start3A_1656 : memref<1x!tpu.dma_semaphore, #tpu.memory_space<semaphore_mem>> -> memref<!tpu.dma_semaphore, #tpu.memory_space<semaphore_mem>>
    %dma_start3A_1658 = arith.constant 0 : i32
    %dma_start3A_1659 = tpu.memref_slice %arg5[%dma_start3A_1650, %dma_start3A_1658] : memref<5x128xi32, #tpu.memory_space<vmem>> -> memref<1x128xi32, #tpu.memory_space<vmem>>
    %dma_start3A_1660 = tpu.memref_squeeze %dma_start3A_1659 : memref<1x128xi32, #tpu.memory_space<vmem>> -> memref<128xi32, #tpu.memory_space<vmem>>
    %dma_start3A_1661 = tpu.memref_slice %arg3[%mul3A_1649] : memref<100000xi32, #tpu.memory_space<hbm>> -> memref<128xi32, #tpu.memory_space<hbm>>
    tpu.enqueue_dma source(%dma_start3A_1661 : memref<128xi32, #tpu.memory_space<hbm>>) target(%dma_start3A_1660 : memref<128xi32, #tpu.memory_space<vmem>>) target_semaphore(%dma_start3A_1657 : memref<!tpu.dma_semaphore, #tpu.memory_space<semaphore_mem>>)
    %add3A_1662 = arith.constant 544 : i32
    %add3A_1663 = arith.addi %add3A, %add3A_1662 : i32
    %mul3A_1664 = arith.constant 128 : i32
    %mul3A_1665 = arith.muli %add3A_1663, %mul3A_1664 : i32
    %dma_wait3A_1666 = arith.constant 2 : i32
    %dma_wait3A_1667 = arith.constant 2 : i32
    %dma_wait3A_1668 = arith.constant 0 : i32
    %dma_wait3A_1669 = tpu.memref_slice %arg5[%dma_wait3A_1666, %dma_wait3A_1668] : memref<5x128xi32, #tpu.memory_space<vmem>> -> memref<1x128xi32, #tpu.memory_space<vmem>>
    %dma_wait3A_1670 = tpu.memref_squeeze %dma_wait3A_1669 : memref<1x128xi32, #tpu.memory_space<vmem>> -> memref<128xi32, #tpu.memory_space<vmem>>
    %dma_wait3A_1671 = tpu.memref_slice %arg3[%mul3A_1665] : memref<100000xi32, #tpu.memory_space<hbm>> -> memref<128xi32, #tpu.memory_space<hbm>>
    %dma_wait3A_1672 = tpu.memref_slice %arg9[%dma_wait3A_1667] : memref<5x!tpu.dma_semaphore, #tpu.memory_space<semaphore_mem>> -> memref<1x!tpu.dma_semaphore, #tpu.memory_space<semaphore_mem>>
    %dma_wait3A_1673 = tpu.memref_squeeze %dma_wait3A_1672 : memref<1x!tpu.dma_semaphore, #tpu.memory_space<semaphore_mem>> -> memref<!tpu.dma_semaphore, #tpu.memory_space<semaphore_mem>>
    %dma_wait3A_1674 = arith.constant 0 : i32
    %dma_wait3A_1675 = tpu.memref_slice %arg5[%dma_wait3A_1666, %dma_wait3A_1674] : memref<5x128xi32, #tpu.memory_space<vmem>> -> memref<1x128xi32, #tpu.memory_space<vmem>>
    %dma_wait3A_1676 = tpu.memref_squeeze %dma_wait3A_1675 : memref<1x128xi32, #tpu.memory_space<vmem>> -> memref<128xi32, #tpu.memory_space<vmem>>
    %dma_wait3A_1677 = tpu.memref_slice %arg3[%mul3A_1665] : memref<100000xi32, #tpu.memory_space<hbm>> -> memref<128xi32, #tpu.memory_space<hbm>>
    tpu.wait_dma2 semaphore(%dma_wait3A_1673 : memref<!tpu.dma_semaphore, #tpu.memory_space<semaphore_mem>>) src(%dma_wait3A_1677 : memref<128xi32, #tpu.memory_space<hbm>>) dst(%dma_wait3A_1676 : memref<128xi32, #tpu.memory_space<vmem>>)
    %add3A_1678 = arith.constant 384 : i32
    %add3A_1679 = arith.addi %add3A, %add3A_1678 : i32
    %mul3A_1680 = arith.constant 128 : i32
    %mul3A_1681 = arith.muli %add3A_1679, %mul3A_1680 : i32
    %dma_wait3A_1682 = arith.constant 2 : i32
    %dma_wait3A_1683 = arith.constant 2 : i32
    %dma_wait3A_1684 = arith.constant 0 : i32
    %dma_wait3A_1685 = arith.constant 0 : i32
    %dma_wait3A_1686 = tpu.memref_slice %arg6[%dma_wait3A_1682, %dma_wait3A_1684, %dma_wait3A_1685] : memref<5x128x128xf32, #tpu.memory_space<vmem>> -> memref<1x128x128xf32, #tpu.memory_space<vmem>>
    %dma_wait3A_1687 = tpu.memref_squeeze %dma_wait3A_1686 : memref<1x128x128xf32, #tpu.memory_space<vmem>> -> memref<128x128xf32, #tpu.memory_space<vmem>>
    %dma_wait3A_1688 = arith.constant 0 : i32
    %dma_wait3A_1689 = tpu.memref_slice %arg4[%mul3A_1681, %dma_wait3A_1688] : memref<100000x128xf32, #tpu.memory_space<hbm>> -> memref<128x128xf32, #tpu.memory_space<hbm>>
    %dma_wait3A_1690 = tpu.memref_slice %arg11[%dma_wait3A_1683] : memref<5x!tpu.dma_semaphore, #tpu.memory_space<semaphore_mem>> -> memref<1x!tpu.dma_semaphore, #tpu.memory_space<semaphore_mem>>
    %dma_wait3A_1691 = tpu.memref_squeeze %dma_wait3A_1690 : memref<1x!tpu.dma_semaphore, #tpu.memory_space<semaphore_mem>> -> memref<!tpu.dma_semaphore, #tpu.memory_space<semaphore_mem>>
    %dma_wait3A_1692 = arith.constant 0 : i32
    %dma_wait3A_1693 = tpu.memref_slice %arg4[%mul3A_1681, %dma_wait3A_1692] : memref<100000x128xf32, #tpu.memory_space<hbm>> -> memref<128x128xf32, #tpu.memory_space<hbm>>
    %dma_wait3A_1694 = arith.constant 0 : i32
    %dma_wait3A_1695 = arith.constant 0 : i32
    %dma_wait3A_1696 = tpu.memref_slice %arg6[%dma_wait3A_1682, %dma_wait3A_1694, %dma_wait3A_1695] : memref<5x128x128xf32, #tpu.memory_space<vmem>> -> memref<1x128x128xf32, #tpu.memory_space<vmem>>
    %dma_wait3A_1697 = tpu.memref_squeeze %dma_wait3A_1696 : memref<1x128x128xf32, #tpu.memory_space<vmem>> -> memref<128x128xf32, #tpu.memory_space<vmem>>
    tpu.wait_dma2 semaphore(%dma_wait3A_1691 : memref<!tpu.dma_semaphore, #tpu.memory_space<semaphore_mem>>) src(%dma_wait3A_1697 : memref<128x128xf32, #tpu.memory_space<vmem>>) dst(%dma_wait3A_1693 : memref<128x128xf32, #tpu.memory_space<hbm>>)
    %dma_start3A_1698 = arith.constant 2 : i32
    %dma_start3A_1699 = arith.constant 2 : i32
    %dma_start3A_1700 = arith.constant 2 : i32
    %dma_start3A_1701 = arith.constant 0 : i32
    %dma_start3A_1702 = arith.constant 0 : i32
    %dma_start3A_1703 = tpu.memref_slice %arg6[%dma_start3A_1699, %dma_start3A_1701, %dma_start3A_1702] : memref<5x128x128xf32, #tpu.memory_space<vmem>> -> memref<1x128x128xf32, #tpu.memory_space<vmem>>
    %dma_start3A_1704 = tpu.memref_squeeze %dma_start3A_1703 : memref<1x128x128xf32, #tpu.memory_space<vmem>> -> memref<128x128xf32, #tpu.memory_space<vmem>>
    %dma_start3A_1705 = arith.constant 0 : i32
    %dma_start3A_1706 = tpu.memref_slice %arg5[%dma_start3A_1698, %dma_start3A_1705] : memref<5x128xi32, #tpu.memory_space<vmem>> -> memref<1x128xi32, #tpu.memory_space<vmem>>
    %dma_start3A_1707 = tpu.memref_squeeze %dma_start3A_1706 : memref<1x128xi32, #tpu.memory_space<vmem>> -> memref<128xi32, #tpu.memory_space<vmem>>
    %dma_start3A_1708 = arith.constant 0 : i32
    %dma_start3A_1709 = arith.constant 0 : i32
    %dma_start3A_1710 = tpu.memref_slice %arg2[%dma_start3A_1708, %dma_start3A_1709] : memref<100x128xf32, #tpu.memory_space<hbm>> -> memref<100x128xf32, #tpu.memory_space<hbm>>
    %dma_start3A_1711 = tpu.memref_slice %arg10[%dma_start3A_1700] : memref<5x!tpu.dma_semaphore, #tpu.memory_space<semaphore_mem>> -> memref<1x!tpu.dma_semaphore, #tpu.memory_space<semaphore_mem>>
    %dma_start3A_1712 = tpu.memref_squeeze %dma_start3A_1711 : memref<1x!tpu.dma_semaphore, #tpu.memory_space<semaphore_mem>> -> memref<!tpu.dma_semaphore, #tpu.memory_space<semaphore_mem>>
    tpu.enqueue_indirect_dma source(%dma_start3A_1710 : memref<100x128xf32, #tpu.memory_space<hbm>>) target(%dma_start3A_1704 : memref<128x128xf32, #tpu.memory_space<vmem>>) offsets(%dma_start3A_1707 : memref<128xi32, #tpu.memory_space<vmem>>) semaphore(%dma_start3A_1712 : memref<!tpu.dma_semaphore, #tpu.memory_space<semaphore_mem>>)
    %dma_wait3A_1713 = arith.constant 1 : i32
    %dma_wait3A_1714 = arith.constant 1 : i32
    %dma_wait3A_1715 = arith.constant 1 : i32
    %dma_wait3A_1716 = arith.constant 0 : i32
    %dma_wait3A_1717 = arith.constant 0 : i32
    %dma_wait3A_1718 = tpu.memref_slice %arg6[%dma_wait3A_1714, %dma_wait3A_1716, %dma_wait3A_1717] : memref<5x128x128xf32, #tpu.memory_space<vmem>> -> memref<1x128x128xf32, #tpu.memory_space<vmem>>
    %dma_wait3A_1719 = tpu.memref_squeeze %dma_wait3A_1718 : memref<1x128x128xf32, #tpu.memory_space<vmem>> -> memref<128x128xf32, #tpu.memory_space<vmem>>
    %dma_wait3A_1720 = arith.constant 0 : i32
    %dma_wait3A_1721 = tpu.memref_slice %arg5[%dma_wait3A_1713, %dma_wait3A_1720] : memref<5x128xi32, #tpu.memory_space<vmem>> -> memref<1x128xi32, #tpu.memory_space<vmem>>
    %dma_wait3A_1722 = tpu.memref_squeeze %dma_wait3A_1721 : memref<1x128xi32, #tpu.memory_space<vmem>> -> memref<128xi32, #tpu.memory_space<vmem>>
    %dma_wait3A_1723 = arith.constant 0 : i32
    %dma_wait3A_1724 = arith.constant 0 : i32
    %dma_wait3A_1725 = tpu.memref_slice %arg2[%dma_wait3A_1723, %dma_wait3A_1724] : memref<100x128xf32, #tpu.memory_space<hbm>> -> memref<100x128xf32, #tpu.memory_space<hbm>>
    %dma_wait3A_1726 = tpu.memref_slice %arg10[%dma_wait3A_1715] : memref<5x!tpu.dma_semaphore, #tpu.memory_space<semaphore_mem>> -> memref<1x!tpu.dma_semaphore, #tpu.memory_space<semaphore_mem>>
    %dma_wait3A_1727 = tpu.memref_squeeze %dma_wait3A_1726 : memref<1x!tpu.dma_semaphore, #tpu.memory_space<semaphore_mem>> -> memref<!tpu.dma_semaphore, #tpu.memory_space<semaphore_mem>>
    tpu.wait_indirect_dma semaphore(%dma_wait3A_1727 : memref<!tpu.dma_semaphore, #tpu.memory_space<semaphore_mem>>) src(%dma_wait3A_1725 : memref<100x128xf32, #tpu.memory_space<hbm>>) dst(%dma_wait3A_1719 : memref<128x128xf32, #tpu.memory_space<vmem>>)
    %add3A_1728 = arith.constant 512 : i32
    %add3A_1729 = arith.addi %add3A, %add3A_1728 : i32
    %mul3A_1730 = arith.constant 128 : i32
    %mul3A_1731 = arith.muli %add3A_1729, %mul3A_1730 : i32
    %dma_start3A_1732 = arith.constant 1 : i32
    %dma_start3A_1733 = arith.constant 1 : i32
    %dma_start3A_1734 = arith.constant 0 : i32
    %dma_start3A_1735 = arith.constant 0 : i32
    %dma_start3A_1736 = tpu.memref_slice %arg6[%dma_start3A_1732, %dma_start3A_1734, %dma_start3A_1735] : memref<5x128x128xf32, #tpu.memory_space<vmem>> -> memref<1x128x128xf32, #tpu.memory_space<vmem>>
    %dma_start3A_1737 = tpu.memref_squeeze %dma_start3A_1736 : memref<1x128x128xf32, #tpu.memory_space<vmem>> -> memref<128x128xf32, #tpu.memory_space<vmem>>
    %dma_start3A_1738 = arith.constant 0 : i32
    %dma_start3A_1739 = tpu.memref_slice %arg4[%mul3A_1731, %dma_start3A_1738] : memref<100000x128xf32, #tpu.memory_space<hbm>> -> memref<128x128xf32, #tpu.memory_space<hbm>>
    %dma_start3A_1740 = tpu.memref_slice %arg11[%dma_start3A_1733] : memref<5x!tpu.dma_semaphore, #tpu.memory_space<semaphore_mem>> -> memref<1x!tpu.dma_semaphore, #tpu.memory_space<semaphore_mem>>
    %dma_start3A_1741 = tpu.memref_squeeze %dma_start3A_1740 : memref<1x!tpu.dma_semaphore, #tpu.memory_space<semaphore_mem>> -> memref<!tpu.dma_semaphore, #tpu.memory_space<semaphore_mem>>
    %dma_start3A_1742 = arith.constant 0 : i32
    %dma_start3A_1743 = tpu.memref_slice %arg4[%mul3A_1731, %dma_start3A_1742] : memref<100000x128xf32, #tpu.memory_space<hbm>> -> memref<128x128xf32, #tpu.memory_space<hbm>>
    %dma_start3A_1744 = arith.constant 0 : i32
    %dma_start3A_1745 = arith.constant 0 : i32
    %dma_start3A_1746 = tpu.memref_slice %arg6[%dma_start3A_1732, %dma_start3A_1744, %dma_start3A_1745] : memref<5x128x128xf32, #tpu.memory_space<vmem>> -> memref<1x128x128xf32, #tpu.memory_space<vmem>>
    %dma_start3A_1747 = tpu.memref_squeeze %dma_start3A_1746 : memref<1x128x128xf32, #tpu.memory_space<vmem>> -> memref<128x128xf32, #tpu.memory_space<vmem>>
    tpu.enqueue_dma source(%dma_start3A_1747 : memref<128x128xf32, #tpu.memory_space<vmem>>) target(%dma_start3A_1743 : memref<128x128xf32, #tpu.memory_space<hbm>>) target_semaphore(%dma_start3A_1741 : memref<!tpu.dma_semaphore, #tpu.memory_space<semaphore_mem>>)
    %add3A_1748 = arith.constant 672 : i32
    %add3A_1749 = arith.addi %add3A, %add3A_1748 : i32
    %mul3A_1750 = arith.constant 128 : i32
    %mul3A_1751 = arith.muli %add3A_1749, %mul3A_1750 : i32
    %dma_start3A_1752 = arith.constant 1 : i32
    %dma_start3A_1753 = arith.constant 1 : i32
    %dma_start3A_1754 = arith.constant 0 : i32
    %dma_start3A_1755 = tpu.memref_slice %arg5[%dma_start3A_1752, %dma_start3A_1754] : memref<5x128xi32, #tpu.memory_space<vmem>> -> memref<1x128xi32, #tpu.memory_space<vmem>>
    %dma_start3A_1756 = tpu.memref_squeeze %dma_start3A_1755 : memref<1x128xi32, #tpu.memory_space<vmem>> -> memref<128xi32, #tpu.memory_space<vmem>>
    %dma_start3A_1757 = tpu.memref_slice %arg3[%mul3A_1751] : memref<100000xi32, #tpu.memory_space<hbm>> -> memref<128xi32, #tpu.memory_space<hbm>>
    %dma_start3A_1758 = tpu.memref_slice %arg9[%dma_start3A_1753] : memref<5x!tpu.dma_semaphore, #tpu.memory_space<semaphore_mem>> -> memref<1x!tpu.dma_semaphore, #tpu.memory_space<semaphore_mem>>
    %dma_start3A_1759 = tpu.memref_squeeze %dma_start3A_1758 : memref<1x!tpu.dma_semaphore, #tpu.memory_space<semaphore_mem>> -> memref<!tpu.dma_semaphore, #tpu.memory_space<semaphore_mem>>
    %dma_start3A_1760 = arith.constant 0 : i32
    %dma_start3A_1761 = tpu.memref_slice %arg5[%dma_start3A_1752, %dma_start3A_1760] : memref<5x128xi32, #tpu.memory_space<vmem>> -> memref<1x128xi32, #tpu.memory_space<vmem>>
    %dma_start3A_1762 = tpu.memref_squeeze %dma_start3A_1761 : memref<1x128xi32, #tpu.memory_space<vmem>> -> memref<128xi32, #tpu.memory_space<vmem>>
    %dma_start3A_1763 = tpu.memref_slice %arg3[%mul3A_1751] : memref<100000xi32, #tpu.memory_space<hbm>> -> memref<128xi32, #tpu.memory_space<hbm>>
    tpu.enqueue_dma source(%dma_start3A_1763 : memref<128xi32, #tpu.memory_space<hbm>>) target(%dma_start3A_1762 : memref<128xi32, #tpu.memory_space<vmem>>) target_semaphore(%dma_start3A_1759 : memref<!tpu.dma_semaphore, #tpu.memory_space<semaphore_mem>>)
    %add3A_1764 = arith.constant 576 : i32
    %add3A_1765 = arith.addi %add3A, %add3A_1764 : i32
    %mul3A_1766 = arith.constant 128 : i32
    %mul3A_1767 = arith.muli %add3A_1765, %mul3A_1766 : i32
    %dma_wait3A_1768 = arith.constant 3 : i32
    %dma_wait3A_1769 = arith.constant 3 : i32
    %dma_wait3A_1770 = arith.constant 0 : i32
    %dma_wait3A_1771 = tpu.memref_slice %arg5[%dma_wait3A_1768, %dma_wait3A_1770] : memref<5x128xi32, #tpu.memory_space<vmem>> -> memref<1x128xi32, #tpu.memory_space<vmem>>
    %dma_wait3A_1772 = tpu.memref_squeeze %dma_wait3A_1771 : memref<1x128xi32, #tpu.memory_space<vmem>> -> memref<128xi32, #tpu.memory_space<vmem>>
    %dma_wait3A_1773 = tpu.memref_slice %arg3[%mul3A_1767] : memref<100000xi32, #tpu.memory_space<hbm>> -> memref<128xi32, #tpu.memory_space<hbm>>
    %dma_wait3A_1774 = tpu.memref_slice %arg9[%dma_wait3A_1769] : memref<5x!tpu.dma_semaphore, #tpu.memory_space<semaphore_mem>> -> memref<1x!tpu.dma_semaphore, #tpu.memory_space<semaphore_mem>>
    %dma_wait3A_1775 = tpu.memref_squeeze %dma_wait3A_1774 : memref<1x!tpu.dma_semaphore, #tpu.memory_space<semaphore_mem>> -> memref<!tpu.dma_semaphore, #tpu.memory_space<semaphore_mem>>
    %dma_wait3A_1776 = arith.constant 0 : i32
    %dma_wait3A_1777 = tpu.memref_slice %arg5[%dma_wait3A_1768, %dma_wait3A_1776] : memref<5x128xi32, #tpu.memory_space<vmem>> -> memref<1x128xi32, #tpu.memory_space<vmem>>
    %dma_wait3A_1778 = tpu.memref_squeeze %dma_wait3A_1777 : memref<1x128xi32, #tpu.memory_space<vmem>> -> memref<128xi32, #tpu.memory_space<vmem>>
    %dma_wait3A_1779 = tpu.memref_slice %arg3[%mul3A_1767] : memref<100000xi32, #tpu.memory_space<hbm>> -> memref<128xi32, #tpu.memory_space<hbm>>
    tpu.wait_dma2 semaphore(%dma_wait3A_1775 : memref<!tpu.dma_semaphore, #tpu.memory_space<semaphore_mem>>) src(%dma_wait3A_1779 : memref<128xi32, #tpu.memory_space<hbm>>) dst(%dma_wait3A_1778 : memref<128xi32, #tpu.memory_space<vmem>>)
    %add3A_1780 = arith.constant 416 : i32
    %add3A_1781 = arith.addi %add3A, %add3A_1780 : i32
    %mul3A_1782 = arith.constant 128 : i32
    %mul3A_1783 = arith.muli %add3A_1781, %mul3A_1782 : i32
    %dma_wait3A_1784 = arith.constant 3 : i32
    %dma_wait3A_1785 = arith.constant 3 : i32
    %dma_wait3A_1786 = arith.constant 0 : i32
    %dma_wait3A_1787 = arith.constant 0 : i32
    %dma_wait3A_1788 = tpu.memref_slice %arg6[%dma_wait3A_1784, %dma_wait3A_1786, %dma_wait3A_1787] : memref<5x128x128xf32, #tpu.memory_space<vmem>> -> memref<1x128x128xf32, #tpu.memory_space<vmem>>
    %dma_wait3A_1789 = tpu.memref_squeeze %dma_wait3A_1788 : memref<1x128x128xf32, #tpu.memory_space<vmem>> -> memref<128x128xf32, #tpu.memory_space<vmem>>
    %dma_wait3A_1790 = arith.constant 0 : i32
    %dma_wait3A_1791 = tpu.memref_slice %arg4[%mul3A_1783, %dma_wait3A_1790] : memref<100000x128xf32, #tpu.memory_space<hbm>> -> memref<128x128xf32, #tpu.memory_space<hbm>>
    %dma_wait3A_1792 = tpu.memref_slice %arg11[%dma_wait3A_1785] : memref<5x!tpu.dma_semaphore, #tpu.memory_space<semaphore_mem>> -> memref<1x!tpu.dma_semaphore, #tpu.memory_space<semaphore_mem>>
    %dma_wait3A_1793 = tpu.memref_squeeze %dma_wait3A_1792 : memref<1x!tpu.dma_semaphore, #tpu.memory_space<semaphore_mem>> -> memref<!tpu.dma_semaphore, #tpu.memory_space<semaphore_mem>>
    %dma_wait3A_1794 = arith.constant 0 : i32
    %dma_wait3A_1795 = tpu.memref_slice %arg4[%mul3A_1783, %dma_wait3A_1794] : memref<100000x128xf32, #tpu.memory_space<hbm>> -> memref<128x128xf32, #tpu.memory_space<hbm>>
    %dma_wait3A_1796 = arith.constant 0 : i32
    %dma_wait3A_1797 = arith.constant 0 : i32
    %dma_wait3A_1798 = tpu.memref_slice %arg6[%dma_wait3A_1784, %dma_wait3A_1796, %dma_wait3A_1797] : memref<5x128x128xf32, #tpu.memory_space<vmem>> -> memref<1x128x128xf32, #tpu.memory_space<vmem>>
    %dma_wait3A_1799 = tpu.memref_squeeze %dma_wait3A_1798 : memref<1x128x128xf32, #tpu.memory_space<vmem>> -> memref<128x128xf32, #tpu.memory_space<vmem>>
    tpu.wait_dma2 semaphore(%dma_wait3A_1793 : memref<!tpu.dma_semaphore, #tpu.memory_space<semaphore_mem>>) src(%dma_wait3A_1799 : memref<128x128xf32, #tpu.memory_space<vmem>>) dst(%dma_wait3A_1795 : memref<128x128xf32, #tpu.memory_space<hbm>>)
    %dma_start3A_1800 = arith.constant 3 : i32
    %dma_start3A_1801 = arith.constant 3 : i32
    %dma_start3A_1802 = arith.constant 3 : i32
    %dma_start3A_1803 = arith.constant 0 : i32
    %dma_start3A_1804 = arith.constant 0 : i32
    %dma_start3A_1805 = tpu.memref_slice %arg6[%dma_start3A_1801, %dma_start3A_1803, %dma_start3A_1804] : memref<5x128x128xf32, #tpu.memory_space<vmem>> -> memref<1x128x128xf32, #tpu.memory_space<vmem>>
    %dma_start3A_1806 = tpu.memref_squeeze %dma_start3A_1805 : memref<1x128x128xf32, #tpu.memory_space<vmem>> -> memref<128x128xf32, #tpu.memory_space<vmem>>
    %dma_start3A_1807 = arith.constant 0 : i32
    %dma_start3A_1808 = tpu.memref_slice %arg5[%dma_start3A_1800, %dma_start3A_1807] : memref<5x128xi32, #tpu.memory_space<vmem>> -> memref<1x128xi32, #tpu.memory_space<vmem>>
    %dma_start3A_1809 = tpu.memref_squeeze %dma_start3A_1808 : memref<1x128xi32, #tpu.memory_space<vmem>> -> memref<128xi32, #tpu.memory_space<vmem>>
    %dma_start3A_1810 = arith.constant 0 : i32
    %dma_start3A_1811 = arith.constant 0 : i32
    %dma_start3A_1812 = tpu.memref_slice %arg2[%dma_start3A_1810, %dma_start3A_1811] : memref<100x128xf32, #tpu.memory_space<hbm>> -> memref<100x128xf32, #tpu.memory_space<hbm>>
    %dma_start3A_1813 = tpu.memref_slice %arg10[%dma_start3A_1802] : memref<5x!tpu.dma_semaphore, #tpu.memory_space<semaphore_mem>> -> memref<1x!tpu.dma_semaphore, #tpu.memory_space<semaphore_mem>>
    %dma_start3A_1814 = tpu.memref_squeeze %dma_start3A_1813 : memref<1x!tpu.dma_semaphore, #tpu.memory_space<semaphore_mem>> -> memref<!tpu.dma_semaphore, #tpu.memory_space<semaphore_mem>>
    tpu.enqueue_indirect_dma source(%dma_start3A_1812 : memref<100x128xf32, #tpu.memory_space<hbm>>) target(%dma_start3A_1806 : memref<128x128xf32, #tpu.memory_space<vmem>>) offsets(%dma_start3A_1809 : memref<128xi32, #tpu.memory_space<vmem>>) semaphore(%dma_start3A_1814 : memref<!tpu.dma_semaphore, #tpu.memory_space<semaphore_mem>>)
    %dma_wait3A_1815 = arith.constant 2 : i32
    %dma_wait3A_1816 = arith.constant 2 : i32
    %dma_wait3A_1817 = arith.constant 2 : i32
    %dma_wait3A_1818 = arith.constant 0 : i32
    %dma_wait3A_1819 = arith.constant 0 : i32
    %dma_wait3A_1820 = tpu.memref_slice %arg6[%dma_wait3A_1816, %dma_wait3A_1818, %dma_wait3A_1819] : memref<5x128x128xf32, #tpu.memory_space<vmem>> -> memref<1x128x128xf32, #tpu.memory_space<vmem>>
    %dma_wait3A_1821 = tpu.memref_squeeze %dma_wait3A_1820 : memref<1x128x128xf32, #tpu.memory_space<vmem>> -> memref<128x128xf32, #tpu.memory_space<vmem>>
    %dma_wait3A_1822 = arith.constant 0 : i32
    %dma_wait3A_1823 = tpu.memref_slice %arg5[%dma_wait3A_1815, %dma_wait3A_1822] : memref<5x128xi32, #tpu.memory_space<vmem>> -> memref<1x128xi32, #tpu.memory_space<vmem>>
    %dma_wait3A_1824 = tpu.memref_squeeze %dma_wait3A_1823 : memref<1x128xi32, #tpu.memory_space<vmem>> -> memref<128xi32, #tpu.memory_space<vmem>>
    %dma_wait3A_1825 = arith.constant 0 : i32
    %dma_wait3A_1826 = arith.constant 0 : i32
    %dma_wait3A_1827 = tpu.memref_slice %arg2[%dma_wait3A_1825, %dma_wait3A_1826] : memref<100x128xf32, #tpu.memory_space<hbm>> -> memref<100x128xf32, #tpu.memory_space<hbm>>
    %dma_wait3A_1828 = tpu.memref_slice %arg10[%dma_wait3A_1817] : memref<5x!tpu.dma_semaphore, #tpu.memory_space<semaphore_mem>> -> memref<1x!tpu.dma_semaphore, #tpu.memory_space<semaphore_mem>>
    %dma_wait3A_1829 = tpu.memref_squeeze %dma_wait3A_1828 : memref<1x!tpu.dma_semaphore, #tpu.memory_space<semaphore_mem>> -> memref<!tpu.dma_semaphore, #tpu.memory_space<semaphore_mem>>
    tpu.wait_indirect_dma semaphore(%dma_wait3A_1829 : memref<!tpu.dma_semaphore, #tpu.memory_space<semaphore_mem>>) src(%dma_wait3A_1827 : memref<100x128xf32, #tpu.memory_space<hbm>>) dst(%dma_wait3A_1821 : memref<128x128xf32, #tpu.memory_space<vmem>>)
    %add3A_1830 = arith.constant 544 : i32
    %add3A_1831 = arith.addi %add3A, %add3A_1830 : i32
    %mul3A_1832 = arith.constant 128 : i32
    %mul3A_1833 = arith.muli %add3A_1831, %mul3A_1832 : i32
    %dma_start3A_1834 = arith.constant 2 : i32
    %dma_start3A_1835 = arith.constant 2 : i32
    %dma_start3A_1836 = arith.constant 0 : i32
    %dma_start3A_1837 = arith.constant 0 : i32
    %dma_start3A_1838 = tpu.memref_slice %arg6[%dma_start3A_1834, %dma_start3A_1836, %dma_start3A_1837] : memref<5x128x128xf32, #tpu.memory_space<vmem>> -> memref<1x128x128xf32, #tpu.memory_space<vmem>>
    %dma_start3A_1839 = tpu.memref_squeeze %dma_start3A_1838 : memref<1x128x128xf32, #tpu.memory_space<vmem>> -> memref<128x128xf32, #tpu.memory_space<vmem>>
    %dma_start3A_1840 = arith.constant 0 : i32
    %dma_start3A_1841 = tpu.memref_slice %arg4[%mul3A_1833, %dma_start3A_1840] : memref<100000x128xf32, #tpu.memory_space<hbm>> -> memref<128x128xf32, #tpu.memory_space<hbm>>
    %dma_start3A_1842 = tpu.memref_slice %arg11[%dma_start3A_1835] : memref<5x!tpu.dma_semaphore, #tpu.memory_space<semaphore_mem>> -> memref<1x!tpu.dma_semaphore, #tpu.memory_space<semaphore_mem>>
    %dma_start3A_1843 = tpu.memref_squeeze %dma_start3A_1842 : memref<1x!tpu.dma_semaphore, #tpu.memory_space<semaphore_mem>> -> memref<!tpu.dma_semaphore, #tpu.memory_space<semaphore_mem>>
    %dma_start3A_1844 = arith.constant 0 : i32
    %dma_start3A_1845 = tpu.memref_slice %arg4[%mul3A_1833, %dma_start3A_1844] : memref<100000x128xf32, #tpu.memory_space<hbm>> -> memref<128x128xf32, #tpu.memory_space<hbm>>
    %dma_start3A_1846 = arith.constant 0 : i32
    %dma_start3A_1847 = arith.constant 0 : i32
    %dma_start3A_1848 = tpu.memref_slice %arg6[%dma_start3A_1834, %dma_start3A_1846, %dma_start3A_1847] : memref<5x128x128xf32, #tpu.memory_space<vmem>> -> memref<1x128x128xf32, #tpu.memory_space<vmem>>
    %dma_start3A_1849 = tpu.memref_squeeze %dma_start3A_1848 : memref<1x128x128xf32, #tpu.memory_space<vmem>> -> memref<128x128xf32, #tpu.memory_space<vmem>>
    tpu.enqueue_dma source(%dma_start3A_1849 : memref<128x128xf32, #tpu.memory_space<vmem>>) target(%dma_start3A_1845 : memref<128x128xf32, #tpu.memory_space<hbm>>) target_semaphore(%dma_start3A_1843 : memref<!tpu.dma_semaphore, #tpu.memory_space<semaphore_mem>>)
    %add3A_1850 = arith.constant 704 : i32
    %add3A_1851 = arith.addi %add3A, %add3A_1850 : i32
    %mul3A_1852 = arith.constant 128 : i32
    %mul3A_1853 = arith.muli %add3A_1851, %mul3A_1852 : i32
    %dma_start3A_1854 = arith.constant 2 : i32
    %dma_start3A_1855 = arith.constant 2 : i32
    %dma_start3A_1856 = arith.constant 0 : i32
    %dma_start3A_1857 = tpu.memref_slice %arg5[%dma_start3A_1854, %dma_start3A_1856] : memref<5x128xi32, #tpu.memory_space<vmem>> -> memref<1x128xi32, #tpu.memory_space<vmem>>
    %dma_start3A_1858 = tpu.memref_squeeze %dma_start3A_1857 : memref<1x128xi32, #tpu.memory_space<vmem>> -> memref<128xi32, #tpu.memory_space<vmem>>
    %dma_start3A_1859 = tpu.memref_slice %arg3[%mul3A_1853] : memref<100000xi32, #tpu.memory_space<hbm>> -> memref<128xi32, #tpu.memory_space<hbm>>
    %dma_start3A_1860 = tpu.memref_slice %arg9[%dma_start3A_1855] : memref<5x!tpu.dma_semaphore, #tpu.memory_space<semaphore_mem>> -> memref<1x!tpu.dma_semaphore, #tpu.memory_space<semaphore_mem>>
    %dma_start3A_1861 = tpu.memref_squeeze %dma_start3A_1860 : memref<1x!tpu.dma_semaphore, #tpu.memory_space<semaphore_mem>> -> memref<!tpu.dma_semaphore, #tpu.memory_space<semaphore_mem>>
    %dma_start3A_1862 = arith.constant 0 : i32
    %dma_start3A_1863 = tpu.memref_slice %arg5[%dma_start3A_1854, %dma_start3A_1862] : memref<5x128xi32, #tpu.memory_space<vmem>> -> memref<1x128xi32, #tpu.memory_space<vmem>>
    %dma_start3A_1864 = tpu.memref_squeeze %dma_start3A_1863 : memref<1x128xi32, #tpu.memory_space<vmem>> -> memref<128xi32, #tpu.memory_space<vmem>>
    %dma_start3A_1865 = tpu.memref_slice %arg3[%mul3A_1853] : memref<100000xi32, #tpu.memory_space<hbm>> -> memref<128xi32, #tpu.memory_space<hbm>>
    tpu.enqueue_dma source(%dma_start3A_1865 : memref<128xi32, #tpu.memory_space<hbm>>) target(%dma_start3A_1864 : memref<128xi32, #tpu.memory_space<vmem>>) target_semaphore(%dma_start3A_1861 : memref<!tpu.dma_semaphore, #tpu.memory_space<semaphore_mem>>)
    %add3A_1866 = arith.constant 608 : i32
    %add3A_1867 = arith.addi %add3A, %add3A_1866 : i32
    %mul3A_1868 = arith.constant 128 : i32
    %mul3A_1869 = arith.muli %add3A_1867, %mul3A_1868 : i32
    %dma_wait3A_1870 = arith.constant 4 : i32
    %dma_wait3A_1871 = arith.constant 4 : i32
    %dma_wait3A_1872 = arith.constant 0 : i32
    %dma_wait3A_1873 = tpu.memref_slice %arg5[%dma_wait3A_1870, %dma_wait3A_1872] : memref<5x128xi32, #tpu.memory_space<vmem>> -> memref<1x128xi32, #tpu.memory_space<vmem>>
    %dma_wait3A_1874 = tpu.memref_squeeze %dma_wait3A_1873 : memref<1x128xi32, #tpu.memory_space<vmem>> -> memref<128xi32, #tpu.memory_space<vmem>>
    %dma_wait3A_1875 = tpu.memref_slice %arg3[%mul3A_1869] : memref<100000xi32, #tpu.memory_space<hbm>> -> memref<128xi32, #tpu.memory_space<hbm>>
    %dma_wait3A_1876 = tpu.memref_slice %arg9[%dma_wait3A_1871] : memref<5x!tpu.dma_semaphore, #tpu.memory_space<semaphore_mem>> -> memref<1x!tpu.dma_semaphore, #tpu.memory_space<semaphore_mem>>
    %dma_wait3A_1877 = tpu.memref_squeeze %dma_wait3A_1876 : memref<1x!tpu.dma_semaphore, #tpu.memory_space<semaphore_mem>> -> memref<!tpu.dma_semaphore, #tpu.memory_space<semaphore_mem>>
    %dma_wait3A_1878 = arith.constant 0 : i32
    %dma_wait3A_1879 = tpu.memref_slice %arg5[%dma_wait3A_1870, %dma_wait3A_1878] : memref<5x128xi32, #tpu.memory_space<vmem>> -> memref<1x128xi32, #tpu.memory_space<vmem>>
    %dma_wait3A_1880 = tpu.memref_squeeze %dma_wait3A_1879 : memref<1x128xi32, #tpu.memory_space<vmem>> -> memref<128xi32, #tpu.memory_space<vmem>>
    %dma_wait3A_1881 = tpu.memref_slice %arg3[%mul3A_1869] : memref<100000xi32, #tpu.memory_space<hbm>> -> memref<128xi32, #tpu.memory_space<hbm>>
    tpu.wait_dma2 semaphore(%dma_wait3A_1877 : memref<!tpu.dma_semaphore, #tpu.memory_space<semaphore_mem>>) src(%dma_wait3A_1881 : memref<128xi32, #tpu.memory_space<hbm>>) dst(%dma_wait3A_1880 : memref<128xi32, #tpu.memory_space<vmem>>)
    %add3A_1882 = arith.constant 448 : i32
    %add3A_1883 = arith.addi %add3A, %add3A_1882 : i32
    %mul3A_1884 = arith.constant 128 : i32
    %mul3A_1885 = arith.muli %add3A_1883, %mul3A_1884 : i32
    %dma_wait3A_1886 = arith.constant 4 : i32
    %dma_wait3A_1887 = arith.constant 4 : i32
    %dma_wait3A_1888 = arith.constant 0 : i32
    %dma_wait3A_1889 = arith.constant 0 : i32
    %dma_wait3A_1890 = tpu.memref_slice %arg6[%dma_wait3A_1886, %dma_wait3A_1888, %dma_wait3A_1889] : memref<5x128x128xf32, #tpu.memory_space<vmem>> -> memref<1x128x128xf32, #tpu.memory_space<vmem>>
    %dma_wait3A_1891 = tpu.memref_squeeze %dma_wait3A_1890 : memref<1x128x128xf32, #tpu.memory_space<vmem>> -> memref<128x128xf32, #tpu.memory_space<vmem>>
    %dma_wait3A_1892 = arith.constant 0 : i32
    %dma_wait3A_1893 = tpu.memref_slice %arg4[%mul3A_1885, %dma_wait3A_1892] : memref<100000x128xf32, #tpu.memory_space<hbm>> -> memref<128x128xf32, #tpu.memory_space<hbm>>
    %dma_wait3A_1894 = tpu.memref_slice %arg11[%dma_wait3A_1887] : memref<5x!tpu.dma_semaphore, #tpu.memory_space<semaphore_mem>> -> memref<1x!tpu.dma_semaphore, #tpu.memory_space<semaphore_mem>>
    %dma_wait3A_1895 = tpu.memref_squeeze %dma_wait3A_1894 : memref<1x!tpu.dma_semaphore, #tpu.memory_space<semaphore_mem>> -> memref<!tpu.dma_semaphore, #tpu.memory_space<semaphore_mem>>
    %dma_wait3A_1896 = arith.constant 0 : i32
    %dma_wait3A_1897 = tpu.memref_slice %arg4[%mul3A_1885, %dma_wait3A_1896] : memref<100000x128xf32, #tpu.memory_space<hbm>> -> memref<128x128xf32, #tpu.memory_space<hbm>>
    %dma_wait3A_1898 = arith.constant 0 : i32
    %dma_wait3A_1899 = arith.constant 0 : i32
    %dma_wait3A_1900 = tpu.memref_slice %arg6[%dma_wait3A_1886, %dma_wait3A_1898, %dma_wait3A_1899] : memref<5x128x128xf32, #tpu.memory_space<vmem>> -> memref<1x128x128xf32, #tpu.memory_space<vmem>>
    %dma_wait3A_1901 = tpu.memref_squeeze %dma_wait3A_1900 : memref<1x128x128xf32, #tpu.memory_space<vmem>> -> memref<128x128xf32, #tpu.memory_space<vmem>>
    tpu.wait_dma2 semaphore(%dma_wait3A_1895 : memref<!tpu.dma_semaphore, #tpu.memory_space<semaphore_mem>>) src(%dma_wait3A_1901 : memref<128x128xf32, #tpu.memory_space<vmem>>) dst(%dma_wait3A_1897 : memref<128x128xf32, #tpu.memory_space<hbm>>)
    %dma_start3A_1902 = arith.constant 4 : i32
    %dma_start3A_1903 = arith.constant 4 : i32
    %dma_start3A_1904 = arith.constant 4 : i32
    %dma_start3A_1905 = arith.constant 0 : i32
    %dma_start3A_1906 = arith.constant 0 : i32
    %dma_start3A_1907 = tpu.memref_slice %arg6[%dma_start3A_1903, %dma_start3A_1905, %dma_start3A_1906] : memref<5x128x128xf32, #tpu.memory_space<vmem>> -> memref<1x128x128xf32, #tpu.memory_space<vmem>>
    %dma_start3A_1908 = tpu.memref_squeeze %dma_start3A_1907 : memref<1x128x128xf32, #tpu.memory_space<vmem>> -> memref<128x128xf32, #tpu.memory_space<vmem>>
    %dma_start3A_1909 = arith.constant 0 : i32
    %dma_start3A_1910 = tpu.memref_slice %arg5[%dma_start3A_1902, %dma_start3A_1909] : memref<5x128xi32, #tpu.memory_space<vmem>> -> memref<1x128xi32, #tpu.memory_space<vmem>>
    %dma_start3A_1911 = tpu.memref_squeeze %dma_start3A_1910 : memref<1x128xi32, #tpu.memory_space<vmem>> -> memref<128xi32, #tpu.memory_space<vmem>>
    %dma_start3A_1912 = arith.constant 0 : i32
    %dma_start3A_1913 = arith.constant 0 : i32
    %dma_start3A_1914 = tpu.memref_slice %arg2[%dma_start3A_1912, %dma_start3A_1913] : memref<100x128xf32, #tpu.memory_space<hbm>> -> memref<100x128xf32, #tpu.memory_space<hbm>>
    %dma_start3A_1915 = tpu.memref_slice %arg10[%dma_start3A_1904] : memref<5x!tpu.dma_semaphore, #tpu.memory_space<semaphore_mem>> -> memref<1x!tpu.dma_semaphore, #tpu.memory_space<semaphore_mem>>
    %dma_start3A_1916 = tpu.memref_squeeze %dma_start3A_1915 : memref<1x!tpu.dma_semaphore, #tpu.memory_space<semaphore_mem>> -> memref<!tpu.dma_semaphore, #tpu.memory_space<semaphore_mem>>
    tpu.enqueue_indirect_dma source(%dma_start3A_1914 : memref<100x128xf32, #tpu.memory_space<hbm>>) target(%dma_start3A_1908 : memref<128x128xf32, #tpu.memory_space<vmem>>) offsets(%dma_start3A_1911 : memref<128xi32, #tpu.memory_space<vmem>>) semaphore(%dma_start3A_1916 : memref<!tpu.dma_semaphore, #tpu.memory_space<semaphore_mem>>)
    %dma_wait3A_1917 = arith.constant 3 : i32
    %dma_wait3A_1918 = arith.constant 3 : i32
    %dma_wait3A_1919 = arith.constant 3 : i32
    %dma_wait3A_1920 = arith.constant 0 : i32
    %dma_wait3A_1921 = arith.constant 0 : i32
    %dma_wait3A_1922 = tpu.memref_slice %arg6[%dma_wait3A_1918, %dma_wait3A_1920, %dma_wait3A_1921] : memref<5x128x128xf32, #tpu.memory_space<vmem>> -> memref<1x128x128xf32, #tpu.memory_space<vmem>>
    %dma_wait3A_1923 = tpu.memref_squeeze %dma_wait3A_1922 : memref<1x128x128xf32, #tpu.memory_space<vmem>> -> memref<128x128xf32, #tpu.memory_space<vmem>>
    %dma_wait3A_1924 = arith.constant 0 : i32
    %dma_wait3A_1925 = tpu.memref_slice %arg5[%dma_wait3A_1917, %dma_wait3A_1924] : memref<5x128xi32, #tpu.memory_space<vmem>> -> memref<1x128xi32, #tpu.memory_space<vmem>>
    %dma_wait3A_1926 = tpu.memref_squeeze %dma_wait3A_1925 : memref<1x128xi32, #tpu.memory_space<vmem>> -> memref<128xi32, #tpu.memory_space<vmem>>
    %dma_wait3A_1927 = arith.constant 0 : i32
    %dma_wait3A_1928 = arith.constant 0 : i32
    %dma_wait3A_1929 = tpu.memref_slice %arg2[%dma_wait3A_1927, %dma_wait3A_1928] : memref<100x128xf32, #tpu.memory_space<hbm>> -> memref<100x128xf32, #tpu.memory_space<hbm>>
    %dma_wait3A_1930 = tpu.memref_slice %arg10[%dma_wait3A_1919] : memref<5x!tpu.dma_semaphore, #tpu.memory_space<semaphore_mem>> -> memref<1x!tpu.dma_semaphore, #tpu.memory_space<semaphore_mem>>
    %dma_wait3A_1931 = tpu.memref_squeeze %dma_wait3A_1930 : memref<1x!tpu.dma_semaphore, #tpu.memory_space<semaphore_mem>> -> memref<!tpu.dma_semaphore, #tpu.memory_space<semaphore_mem>>
    tpu.wait_indirect_dma semaphore(%dma_wait3A_1931 : memref<!tpu.dma_semaphore, #tpu.memory_space<semaphore_mem>>) src(%dma_wait3A_1929 : memref<100x128xf32, #tpu.memory_space<hbm>>) dst(%dma_wait3A_1923 : memref<128x128xf32, #tpu.memory_space<vmem>>)
    %add3A_1932 = arith.constant 576 : i32
    %add3A_1933 = arith.addi %add3A, %add3A_1932 : i32
    %mul3A_1934 = arith.constant 128 : i32
    %mul3A_1935 = arith.muli %add3A_1933, %mul3A_1934 : i32
    %dma_start3A_1936 = arith.constant 3 : i32
    %dma_start3A_1937 = arith.constant 3 : i32
    %dma_start3A_1938 = arith.constant 0 : i32
    %dma_start3A_1939 = arith.constant 0 : i32
    %dma_start3A_1940 = tpu.memref_slice %arg6[%dma_start3A_1936, %dma_start3A_1938, %dma_start3A_1939] : memref<5x128x128xf32, #tpu.memory_space<vmem>> -> memref<1x128x128xf32, #tpu.memory_space<vmem>>
    %dma_start3A_1941 = tpu.memref_squeeze %dma_start3A_1940 : memref<1x128x128xf32, #tpu.memory_space<vmem>> -> memref<128x128xf32, #tpu.memory_space<vmem>>
    %dma_start3A_1942 = arith.constant 0 : i32
    %dma_start3A_1943 = tpu.memref_slice %arg4[%mul3A_1935, %dma_start3A_1942] : memref<100000x128xf32, #tpu.memory_space<hbm>> -> memref<128x128xf32, #tpu.memory_space<hbm>>
    %dma_start3A_1944 = tpu.memref_slice %arg11[%dma_start3A_1937] : memref<5x!tpu.dma_semaphore, #tpu.memory_space<semaphore_mem>> -> memref<1x!tpu.dma_semaphore, #tpu.memory_space<semaphore_mem>>
    %dma_start3A_1945 = tpu.memref_squeeze %dma_start3A_1944 : memref<1x!tpu.dma_semaphore, #tpu.memory_space<semaphore_mem>> -> memref<!tpu.dma_semaphore, #tpu.memory_space<semaphore_mem>>
    %dma_start3A_1946 = arith.constant 0 : i32
    %dma_start3A_1947 = tpu.memref_slice %arg4[%mul3A_1935, %dma_start3A_1946] : memref<100000x128xf32, #tpu.memory_space<hbm>> -> memref<128x128xf32, #tpu.memory_space<hbm>>
    %dma_start3A_1948 = arith.constant 0 : i32
    %dma_start3A_1949 = arith.constant 0 : i32
    %dma_start3A_1950 = tpu.memref_slice %arg6[%dma_start3A_1936, %dma_start3A_1948, %dma_start3A_1949] : memref<5x128x128xf32, #tpu.memory_space<vmem>> -> memref<1x128x128xf32, #tpu.memory_space<vmem>>
    %dma_start3A_1951 = tpu.memref_squeeze %dma_start3A_1950 : memref<1x128x128xf32, #tpu.memory_space<vmem>> -> memref<128x128xf32, #tpu.memory_space<vmem>>
    tpu.enqueue_dma source(%dma_start3A_1951 : memref<128x128xf32, #tpu.memory_space<vmem>>) target(%dma_start3A_1947 : memref<128x128xf32, #tpu.memory_space<hbm>>) target_semaphore(%dma_start3A_1945 : memref<!tpu.dma_semaphore, #tpu.memory_space<semaphore_mem>>)
    %add3A_1952 = arith.constant 736 : i32
    %add3A_1953 = arith.addi %add3A, %add3A_1952 : i32
    %mul3A_1954 = arith.constant 128 : i32
    %mul3A_1955 = arith.muli %add3A_1953, %mul3A_1954 : i32
    %dma_start3A_1956 = arith.constant 3 : i32
    %dma_start3A_1957 = arith.constant 3 : i32
    %dma_start3A_1958 = arith.constant 0 : i32
    %dma_start3A_1959 = tpu.memref_slice %arg5[%dma_start3A_1956, %dma_start3A_1958] : memref<5x128xi32, #tpu.memory_space<vmem>> -> memref<1x128xi32, #tpu.memory_space<vmem>>
    %dma_start3A_1960 = tpu.memref_squeeze %dma_start3A_1959 : memref<1x128xi32, #tpu.memory_space<vmem>> -> memref<128xi32, #tpu.memory_space<vmem>>
    %dma_start3A_1961 = tpu.memref_slice %arg3[%mul3A_1955] : memref<100000xi32, #tpu.memory_space<hbm>> -> memref<128xi32, #tpu.memory_space<hbm>>
    %dma_start3A_1962 = tpu.memref_slice %arg9[%dma_start3A_1957] : memref<5x!tpu.dma_semaphore, #tpu.memory_space<semaphore_mem>> -> memref<1x!tpu.dma_semaphore, #tpu.memory_space<semaphore_mem>>
    %dma_start3A_1963 = tpu.memref_squeeze %dma_start3A_1962 : memref<1x!tpu.dma_semaphore, #tpu.memory_space<semaphore_mem>> -> memref<!tpu.dma_semaphore, #tpu.memory_space<semaphore_mem>>
    %dma_start3A_1964 = arith.constant 0 : i32
    %dma_start3A_1965 = tpu.memref_slice %arg5[%dma_start3A_1956, %dma_start3A_1964] : memref<5x128xi32, #tpu.memory_space<vmem>> -> memref<1x128xi32, #tpu.memory_space<vmem>>
    %dma_start3A_1966 = tpu.memref_squeeze %dma_start3A_1965 : memref<1x128xi32, #tpu.memory_space<vmem>> -> memref<128xi32, #tpu.memory_space<vmem>>
    %dma_start3A_1967 = tpu.memref_slice %arg3[%mul3A_1955] : memref<100000xi32, #tpu.memory_space<hbm>> -> memref<128xi32, #tpu.memory_space<hbm>>
    tpu.enqueue_dma source(%dma_start3A_1967 : memref<128xi32, #tpu.memory_space<hbm>>) target(%dma_start3A_1966 : memref<128xi32, #tpu.memory_space<vmem>>) target_semaphore(%dma_start3A_1963 : memref<!tpu.dma_semaphore, #tpu.memory_space<semaphore_mem>>)
    %add3A_1968 = arith.constant 640 : i32
    %add3A_1969 = arith.addi %add3A, %add3A_1968 : i32
    %mul3A_1970 = arith.constant 128 : i32
    %mul3A_1971 = arith.muli %add3A_1969, %mul3A_1970 : i32
    %dma_wait3A_1972 = arith.constant 0 : i32
    %dma_wait3A_1973 = arith.constant 0 : i32
    %dma_wait3A_1974 = arith.constant 0 : i32
    %dma_wait3A_1975 = tpu.memref_slice %arg5[%dma_wait3A_1972, %dma_wait3A_1974] : memref<5x128xi32, #tpu.memory_space<vmem>> -> memref<1x128xi32, #tpu.memory_space<vmem>>
    %dma_wait3A_1976 = tpu.memref_squeeze %dma_wait3A_1975 : memref<1x128xi32, #tpu.memory_space<vmem>> -> memref<128xi32, #tpu.memory_space<vmem>>
    %dma_wait3A_1977 = tpu.memref_slice %arg3[%mul3A_1971] : memref<100000xi32, #tpu.memory_space<hbm>> -> memref<128xi32, #tpu.memory_space<hbm>>
    %dma_wait3A_1978 = tpu.memref_slice %arg9[%dma_wait3A_1973] : memref<5x!tpu.dma_semaphore, #tpu.memory_space<semaphore_mem>> -> memref<1x!tpu.dma_semaphore, #tpu.memory_space<semaphore_mem>>
    %dma_wait3A_1979 = tpu.memref_squeeze %dma_wait3A_1978 : memref<1x!tpu.dma_semaphore, #tpu.memory_space<semaphore_mem>> -> memref<!tpu.dma_semaphore, #tpu.memory_space<semaphore_mem>>
    %dma_wait3A_1980 = arith.constant 0 : i32
    %dma_wait3A_1981 = tpu.memref_slice %arg5[%dma_wait3A_1972, %dma_wait3A_1980] : memref<5x128xi32, #tpu.memory_space<vmem>> -> memref<1x128xi32, #tpu.memory_space<vmem>>
    %dma_wait3A_1982 = tpu.memref_squeeze %dma_wait3A_1981 : memref<1x128xi32, #tpu.memory_space<vmem>> -> memref<128xi32, #tpu.memory_space<vmem>>
    %dma_wait3A_1983 = tpu.memref_slice %arg3[%mul3A_1971] : memref<100000xi32, #tpu.memory_space<hbm>> -> memref<128xi32, #tpu.memory_space<hbm>>
    tpu.wait_dma2 semaphore(%dma_wait3A_1979 : memref<!tpu.dma_semaphore, #tpu.memory_space<semaphore_mem>>) src(%dma_wait3A_1983 : memref<128xi32, #tpu.memory_space<hbm>>) dst(%dma_wait3A_1982 : memref<128xi32, #tpu.memory_space<vmem>>)
    %add3A_1984 = arith.constant 480 : i32
    %add3A_1985 = arith.addi %add3A, %add3A_1984 : i32
    %mul3A_1986 = arith.constant 128 : i32
    %mul3A_1987 = arith.muli %add3A_1985, %mul3A_1986 : i32
    %dma_wait3A_1988 = arith.constant 0 : i32
    %dma_wait3A_1989 = arith.constant 0 : i32
    %dma_wait3A_1990 = arith.constant 0 : i32
    %dma_wait3A_1991 = arith.constant 0 : i32
    %dma_wait3A_1992 = tpu.memref_slice %arg6[%dma_wait3A_1988, %dma_wait3A_1990, %dma_wait3A_1991] : memref<5x128x128xf32, #tpu.memory_space<vmem>> -> memref<1x128x128xf32, #tpu.memory_space<vmem>>
    %dma_wait3A_1993 = tpu.memref_squeeze %dma_wait3A_1992 : memref<1x128x128xf32, #tpu.memory_space<vmem>> -> memref<128x128xf32, #tpu.memory_space<vmem>>
    %dma_wait3A_1994 = arith.constant 0 : i32
    %dma_wait3A_1995 = tpu.memref_slice %arg4[%mul3A_1987, %dma_wait3A_1994] : memref<100000x128xf32, #tpu.memory_space<hbm>> -> memref<128x128xf32, #tpu.memory_space<hbm>>
    %dma_wait3A_1996 = tpu.memref_slice %arg11[%dma_wait3A_1989] : memref<5x!tpu.dma_semaphore, #tpu.memory_space<semaphore_mem>> -> memref<1x!tpu.dma_semaphore, #tpu.memory_space<semaphore_mem>>
    %dma_wait3A_1997 = tpu.memref_squeeze %dma_wait3A_1996 : memref<1x!tpu.dma_semaphore, #tpu.memory_space<semaphore_mem>> -> memref<!tpu.dma_semaphore, #tpu.memory_space<semaphore_mem>>
    %dma_wait3A_1998 = arith.constant 0 : i32
    %dma_wait3A_1999 = tpu.memref_slice %arg4[%mul3A_1987, %dma_wait3A_1998] : memref<100000x128xf32, #tpu.memory_space<hbm>> -> memref<128x128xf32, #tpu.memory_space<hbm>>
    %dma_wait3A_2000 = arith.constant 0 : i32
    %dma_wait3A_2001 = arith.constant 0 : i32
    %dma_wait3A_2002 = tpu.memref_slice %arg6[%dma_wait3A_1988, %dma_wait3A_2000, %dma_wait3A_2001] : memref<5x128x128xf32, #tpu.memory_space<vmem>> -> memref<1x128x128xf32, #tpu.memory_space<vmem>>
    %dma_wait3A_2003 = tpu.memref_squeeze %dma_wait3A_2002 : memref<1x128x128xf32, #tpu.memory_space<vmem>> -> memref<128x128xf32, #tpu.memory_space<vmem>>
    tpu.wait_dma2 semaphore(%dma_wait3A_1997 : memref<!tpu.dma_semaphore, #tpu.memory_space<semaphore_mem>>) src(%dma_wait3A_2003 : memref<128x128xf32, #tpu.memory_space<vmem>>) dst(%dma_wait3A_1999 : memref<128x128xf32, #tpu.memory_space<hbm>>)
    %dma_start3A_2004 = arith.constant 0 : i32
    %dma_start3A_2005 = arith.constant 0 : i32
    %dma_start3A_2006 = arith.constant 0 : i32
    %dma_start3A_2007 = arith.constant 0 : i32
    %dma_start3A_2008 = arith.constant 0 : i32
    %dma_start3A_2009 = tpu.memref_slice %arg6[%dma_start3A_2005, %dma_start3A_2007, %dma_start3A_2008] : memref<5x128x128xf32, #tpu.memory_space<vmem>> -> memref<1x128x128xf32, #tpu.memory_space<vmem>>
    %dma_start3A_2010 = tpu.memref_squeeze %dma_start3A_2009 : memref<1x128x128xf32, #tpu.memory_space<vmem>> -> memref<128x128xf32, #tpu.memory_space<vmem>>
    %dma_start3A_2011 = arith.constant 0 : i32
    %dma_start3A_2012 = tpu.memref_slice %arg5[%dma_start3A_2004, %dma_start3A_2011] : memref<5x128xi32, #tpu.memory_space<vmem>> -> memref<1x128xi32, #tpu.memory_space<vmem>>
    %dma_start3A_2013 = tpu.memref_squeeze %dma_start3A_2012 : memref<1x128xi32, #tpu.memory_space<vmem>> -> memref<128xi32, #tpu.memory_space<vmem>>
    %dma_start3A_2014 = arith.constant 0 : i32
    %dma_start3A_2015 = arith.constant 0 : i32
    %dma_start3A_2016 = tpu.memref_slice %arg2[%dma_start3A_2014, %dma_start3A_2015] : memref<100x128xf32, #tpu.memory_space<hbm>> -> memref<100x128xf32, #tpu.memory_space<hbm>>
    %dma_start3A_2017 = tpu.memref_slice %arg10[%dma_start3A_2006] : memref<5x!tpu.dma_semaphore, #tpu.memory_space<semaphore_mem>> -> memref<1x!tpu.dma_semaphore, #tpu.memory_space<semaphore_mem>>
    %dma_start3A_2018 = tpu.memref_squeeze %dma_start3A_2017 : memref<1x!tpu.dma_semaphore, #tpu.memory_space<semaphore_mem>> -> memref<!tpu.dma_semaphore, #tpu.memory_space<semaphore_mem>>
    tpu.enqueue_indirect_dma source(%dma_start3A_2016 : memref<100x128xf32, #tpu.memory_space<hbm>>) target(%dma_start3A_2010 : memref<128x128xf32, #tpu.memory_space<vmem>>) offsets(%dma_start3A_2013 : memref<128xi32, #tpu.memory_space<vmem>>) semaphore(%dma_start3A_2018 : memref<!tpu.dma_semaphore, #tpu.memory_space<semaphore_mem>>)
    %dma_wait3A_2019 = arith.constant 4 : i32
    %dma_wait3A_2020 = arith.constant 4 : i32
    %dma_wait3A_2021 = arith.constant 4 : i32
    %dma_wait3A_2022 = arith.constant 0 : i32
    %dma_wait3A_2023 = arith.constant 0 : i32
    %dma_wait3A_2024 = tpu.memref_slice %arg6[%dma_wait3A_2020, %dma_wait3A_2022, %dma_wait3A_2023] : memref<5x128x128xf32, #tpu.memory_space<vmem>> -> memref<1x128x128xf32, #tpu.memory_space<vmem>>
    %dma_wait3A_2025 = tpu.memref_squeeze %dma_wait3A_2024 : memref<1x128x128xf32, #tpu.memory_space<vmem>> -> memref<128x128xf32, #tpu.memory_space<vmem>>
    %dma_wait3A_2026 = arith.constant 0 : i32
    %dma_wait3A_2027 = tpu.memref_slice %arg5[%dma_wait3A_2019, %dma_wait3A_2026] : memref<5x128xi32, #tpu.memory_space<vmem>> -> memref<1x128xi32, #tpu.memory_space<vmem>>
    %dma_wait3A_2028 = tpu.memref_squeeze %dma_wait3A_2027 : memref<1x128xi32, #tpu.memory_space<vmem>> -> memref<128xi32, #tpu.memory_space<vmem>>
    %dma_wait3A_2029 = arith.constant 0 : i32
    %dma_wait3A_2030 = arith.constant 0 : i32
    %dma_wait3A_2031 = tpu.memref_slice %arg2[%dma_wait3A_2029, %dma_wait3A_2030] : memref<100x128xf32, #tpu.memory_space<hbm>> -> memref<100x128xf32, #tpu.memory_space<hbm>>
    %dma_wait3A_2032 = tpu.memref_slice %arg10[%dma_wait3A_2021] : memref<5x!tpu.dma_semaphore, #tpu.memory_space<semaphore_mem>> -> memref<1x!tpu.dma_semaphore, #tpu.memory_space<semaphore_mem>>
    %dma_wait3A_2033 = tpu.memref_squeeze %dma_wait3A_2032 : memref<1x!tpu.dma_semaphore, #tpu.memory_space<semaphore_mem>> -> memref<!tpu.dma_semaphore, #tpu.memory_space<semaphore_mem>>
    tpu.wait_indirect_dma semaphore(%dma_wait3A_2033 : memref<!tpu.dma_semaphore, #tpu.memory_space<semaphore_mem>>) src(%dma_wait3A_2031 : memref<100x128xf32, #tpu.memory_space<hbm>>) dst(%dma_wait3A_2025 : memref<128x128xf32, #tpu.memory_space<vmem>>)
    %add3A_2034 = arith.constant 608 : i32
    %add3A_2035 = arith.addi %add3A, %add3A_2034 : i32
    %mul3A_2036 = arith.constant 128 : i32
    %mul3A_2037 = arith.muli %add3A_2035, %mul3A_2036 : i32
    %dma_start3A_2038 = arith.constant 4 : i32
    %dma_start3A_2039 = arith.constant 4 : i32
    %dma_start3A_2040 = arith.constant 0 : i32
    %dma_start3A_2041 = arith.constant 0 : i32
    %dma_start3A_2042 = tpu.memref_slice %arg6[%dma_start3A_2038, %dma_start3A_2040, %dma_start3A_2041] : memref<5x128x128xf32, #tpu.memory_space<vmem>> -> memref<1x128x128xf32, #tpu.memory_space<vmem>>
    %dma_start3A_2043 = tpu.memref_squeeze %dma_start3A_2042 : memref<1x128x128xf32, #tpu.memory_space<vmem>> -> memref<128x128xf32, #tpu.memory_space<vmem>>
    %dma_start3A_2044 = arith.constant 0 : i32
    %dma_start3A_2045 = tpu.memref_slice %arg4[%mul3A_2037, %dma_start3A_2044] : memref<100000x128xf32, #tpu.memory_space<hbm>> -> memref<128x128xf32, #tpu.memory_space<hbm>>
    %dma_start3A_2046 = tpu.memref_slice %arg11[%dma_start3A_2039] : memref<5x!tpu.dma_semaphore, #tpu.memory_space<semaphore_mem>> -> memref<1x!tpu.dma_semaphore, #tpu.memory_space<semaphore_mem>>
    %dma_start3A_2047 = tpu.memref_squeeze %dma_start3A_2046 : memref<1x!tpu.dma_semaphore, #tpu.memory_space<semaphore_mem>> -> memref<!tpu.dma_semaphore, #tpu.memory_space<semaphore_mem>>
    %dma_start3A_2048 = arith.constant 0 : i32
    %dma_start3A_2049 = tpu.memref_slice %arg4[%mul3A_2037, %dma_start3A_2048] : memref<100000x128xf32, #tpu.memory_space<hbm>> -> memref<128x128xf32, #tpu.memory_space<hbm>>
    %dma_start3A_2050 = arith.constant 0 : i32
    %dma_start3A_2051 = arith.constant 0 : i32
    %dma_start3A_2052 = tpu.memref_slice %arg6[%dma_start3A_2038, %dma_start3A_2050, %dma_start3A_2051] : memref<5x128x128xf32, #tpu.memory_space<vmem>> -> memref<1x128x128xf32, #tpu.memory_space<vmem>>
    %dma_start3A_2053 = tpu.memref_squeeze %dma_start3A_2052 : memref<1x128x128xf32, #tpu.memory_space<vmem>> -> memref<128x128xf32, #tpu.memory_space<vmem>>
    tpu.enqueue_dma source(%dma_start3A_2053 : memref<128x128xf32, #tpu.memory_space<vmem>>) target(%dma_start3A_2049 : memref<128x128xf32, #tpu.memory_space<hbm>>) target_semaphore(%dma_start3A_2047 : memref<!tpu.dma_semaphore, #tpu.memory_space<semaphore_mem>>)
    %lt3A = arith.constant 13 : i32
    %lt3A_2054 = arith.cmpi slt, %add3A, %lt3A : i32
    %convert_element_type3A = arith.extui %lt3A_2054 : i1 to i32
    %cond3A = arith.constant 0 : i32
    %cond3A_2055 = arith.cmpi ne, %convert_element_type3A, %cond3A : i32
    scf.if %cond3A_2055 {
      %add3A_2478 = arith.constant 768 : i32
      %add3A_2479 = arith.addi %add3A, %add3A_2478 : i32
      %mul3A_2480 = arith.constant 128 : i32
      %mul3A_2481 = arith.muli %add3A_2479, %mul3A_2480 : i32
      %dma_start3A_2482 = arith.constant 4 : i32
      %dma_start3A_2483 = arith.constant 4 : i32
      %dma_start3A_2484 = arith.constant 0 : i32
      %dma_start3A_2485 = tpu.memref_slice %arg5[%dma_start3A_2482, %dma_start3A_2484] : memref<5x128xi32, #tpu.memory_space<vmem>> -> memref<1x128xi32, #tpu.memory_space<vmem>>
      %dma_start3A_2486 = tpu.memref_squeeze %dma_start3A_2485 : memref<1x128xi32, #tpu.memory_space<vmem>> -> memref<128xi32, #tpu.memory_space<vmem>>
      %dma_start3A_2487 = tpu.memref_slice %arg3[%mul3A_2481] : memref<100000xi32, #tpu.memory_space<hbm>> -> memref<128xi32, #tpu.memory_space<hbm>>
      %dma_start3A_2488 = tpu.memref_slice %arg9[%dma_start3A_2483] : memref<5x!tpu.dma_semaphore, #tpu.memory_space<semaphore_mem>> -> memref<1x!tpu.dma_semaphore, #tpu.memory_space<semaphore_mem>>
      %dma_start3A_2489 = tpu.memref_squeeze %dma_start3A_2488 : memref<1x!tpu.dma_semaphore, #tpu.memory_space<semaphore_mem>> -> memref<!tpu.dma_semaphore, #tpu.memory_space<semaphore_mem>>
      %dma_start3A_2490 = arith.constant 0 : i32
      %dma_start3A_2491 = tpu.memref_slice %arg5[%dma_start3A_2482, %dma_start3A_2490] : memref<5x128xi32, #tpu.memory_space<vmem>> -> memref<1x128xi32, #tpu.memory_space<vmem>>
      %dma_start3A_2492 = tpu.memref_squeeze %dma_start3A_2491 : memref<1x128xi32, #tpu.memory_space<vmem>> -> memref<128xi32, #tpu.memory_space<vmem>>
      %dma_start3A_2493 = tpu.memref_slice %arg3[%mul3A_2481] : memref<100000xi32, #tpu.memory_space<hbm>> -> memref<128xi32, #tpu.memory_space<hbm>>
      tpu.enqueue_dma source(%dma_start3A_2493 : memref<128xi32, #tpu.memory_space<hbm>>) target(%dma_start3A_2492 : memref<128xi32, #tpu.memory_space<vmem>>) target_semaphore(%dma_start3A_2489 : memref<!tpu.dma_semaphore, #tpu.memory_space<semaphore_mem>>)
    } else {
    }
    %add3A_2056 = arith.constant 672 : i32
    %add3A_2057 = arith.addi %add3A, %add3A_2056 : i32
    %mul3A_2058 = arith.constant 128 : i32
    %mul3A_2059 = arith.muli %add3A_2057, %mul3A_2058 : i32
    %dma_wait3A_2060 = arith.constant 1 : i32
    %dma_wait3A_2061 = arith.constant 1 : i32
    %dma_wait3A_2062 = arith.constant 0 : i32
    %dma_wait3A_2063 = tpu.memref_slice %arg5[%dma_wait3A_2060, %dma_wait3A_2062] : memref<5x128xi32, #tpu.memory_space<vmem>> -> memref<1x128xi32, #tpu.memory_space<vmem>>
    %dma_wait3A_2064 = tpu.memref_squeeze %dma_wait3A_2063 : memref<1x128xi32, #tpu.memory_space<vmem>> -> memref<128xi32, #tpu.memory_space<vmem>>
    %dma_wait3A_2065 = tpu.memref_slice %arg3[%mul3A_2059] : memref<100000xi32, #tpu.memory_space<hbm>> -> memref<128xi32, #tpu.memory_space<hbm>>
    %dma_wait3A_2066 = tpu.memref_slice %arg9[%dma_wait3A_2061] : memref<5x!tpu.dma_semaphore, #tpu.memory_space<semaphore_mem>> -> memref<1x!tpu.dma_semaphore, #tpu.memory_space<semaphore_mem>>
    %dma_wait3A_2067 = tpu.memref_squeeze %dma_wait3A_2066 : memref<1x!tpu.dma_semaphore, #tpu.memory_space<semaphore_mem>> -> memref<!tpu.dma_semaphore, #tpu.memory_space<semaphore_mem>>
    %dma_wait3A_2068 = arith.constant 0 : i32
    %dma_wait3A_2069 = tpu.memref_slice %arg5[%dma_wait3A_2060, %dma_wait3A_2068] : memref<5x128xi32, #tpu.memory_space<vmem>> -> memref<1x128xi32, #tpu.memory_space<vmem>>
    %dma_wait3A_2070 = tpu.memref_squeeze %dma_wait3A_2069 : memref<1x128xi32, #tpu.memory_space<vmem>> -> memref<128xi32, #tpu.memory_space<vmem>>
    %dma_wait3A_2071 = tpu.memref_slice %arg3[%mul3A_2059] : memref<100000xi32, #tpu.memory_space<hbm>> -> memref<128xi32, #tpu.memory_space<hbm>>
    tpu.wait_dma2 semaphore(%dma_wait3A_2067 : memref<!tpu.dma_semaphore, #tpu.memory_space<semaphore_mem>>) src(%dma_wait3A_2071 : memref<128xi32, #tpu.memory_space<hbm>>) dst(%dma_wait3A_2070 : memref<128xi32, #tpu.memory_space<vmem>>)
    %add3A_2072 = arith.constant 512 : i32
    %add3A_2073 = arith.addi %add3A, %add3A_2072 : i32
    %mul3A_2074 = arith.constant 128 : i32
    %mul3A_2075 = arith.muli %add3A_2073, %mul3A_2074 : i32
    %dma_wait3A_2076 = arith.constant 1 : i32
    %dma_wait3A_2077 = arith.constant 1 : i32
    %dma_wait3A_2078 = arith.constant 0 : i32
    %dma_wait3A_2079 = arith.constant 0 : i32
    %dma_wait3A_2080 = tpu.memref_slice %arg6[%dma_wait3A_2076, %dma_wait3A_2078, %dma_wait3A_2079] : memref<5x128x128xf32, #tpu.memory_space<vmem>> -> memref<1x128x128xf32, #tpu.memory_space<vmem>>
    %dma_wait3A_2081 = tpu.memref_squeeze %dma_wait3A_2080 : memref<1x128x128xf32, #tpu.memory_space<vmem>> -> memref<128x128xf32, #tpu.memory_space<vmem>>
    %dma_wait3A_2082 = arith.constant 0 : i32
    %dma_wait3A_2083 = tpu.memref_slice %arg4[%mul3A_2075, %dma_wait3A_2082] : memref<100000x128xf32, #tpu.memory_space<hbm>> -> memref<128x128xf32, #tpu.memory_space<hbm>>
    %dma_wait3A_2084 = tpu.memref_slice %arg11[%dma_wait3A_2077] : memref<5x!tpu.dma_semaphore, #tpu.memory_space<semaphore_mem>> -> memref<1x!tpu.dma_semaphore, #tpu.memory_space<semaphore_mem>>
    %dma_wait3A_2085 = tpu.memref_squeeze %dma_wait3A_2084 : memref<1x!tpu.dma_semaphore, #tpu.memory_space<semaphore_mem>> -> memref<!tpu.dma_semaphore, #tpu.memory_space<semaphore_mem>>
    %dma_wait3A_2086 = arith.constant 0 : i32
    %dma_wait3A_2087 = tpu.memref_slice %arg4[%mul3A_2075, %dma_wait3A_2086] : memref<100000x128xf32, #tpu.memory_space<hbm>> -> memref<128x128xf32, #tpu.memory_space<hbm>>
    %dma_wait3A_2088 = arith.constant 0 : i32
    %dma_wait3A_2089 = arith.constant 0 : i32
    %dma_wait3A_2090 = tpu.memref_slice %arg6[%dma_wait3A_2076, %dma_wait3A_2088, %dma_wait3A_2089] : memref<5x128x128xf32, #tpu.memory_space<vmem>> -> memref<1x128x128xf32, #tpu.memory_space<vmem>>
    %dma_wait3A_2091 = tpu.memref_squeeze %dma_wait3A_2090 : memref<1x128x128xf32, #tpu.memory_space<vmem>> -> memref<128x128xf32, #tpu.memory_space<vmem>>
    tpu.wait_dma2 semaphore(%dma_wait3A_2085 : memref<!tpu.dma_semaphore, #tpu.memory_space<semaphore_mem>>) src(%dma_wait3A_2091 : memref<128x128xf32, #tpu.memory_space<vmem>>) dst(%dma_wait3A_2087 : memref<128x128xf32, #tpu.memory_space<hbm>>)
    %dma_start3A_2092 = arith.constant 1 : i32
    %dma_start3A_2093 = arith.constant 1 : i32
    %dma_start3A_2094 = arith.constant 1 : i32
    %dma_start3A_2095 = arith.constant 0 : i32
    %dma_start3A_2096 = arith.constant 0 : i32
    %dma_start3A_2097 = tpu.memref_slice %arg6[%dma_start3A_2093, %dma_start3A_2095, %dma_start3A_2096] : memref<5x128x128xf32, #tpu.memory_space<vmem>> -> memref<1x128x128xf32, #tpu.memory_space<vmem>>
    %dma_start3A_2098 = tpu.memref_squeeze %dma_start3A_2097 : memref<1x128x128xf32, #tpu.memory_space<vmem>> -> memref<128x128xf32, #tpu.memory_space<vmem>>
    %dma_start3A_2099 = arith.constant 0 : i32
    %dma_start3A_2100 = tpu.memref_slice %arg5[%dma_start3A_2092, %dma_start3A_2099] : memref<5x128xi32, #tpu.memory_space<vmem>> -> memref<1x128xi32, #tpu.memory_space<vmem>>
    %dma_start3A_2101 = tpu.memref_squeeze %dma_start3A_2100 : memref<1x128xi32, #tpu.memory_space<vmem>> -> memref<128xi32, #tpu.memory_space<vmem>>
    %dma_start3A_2102 = arith.constant 0 : i32
    %dma_start3A_2103 = arith.constant 0 : i32
    %dma_start3A_2104 = tpu.memref_slice %arg2[%dma_start3A_2102, %dma_start3A_2103] : memref<100x128xf32, #tpu.memory_space<hbm>> -> memref<100x128xf32, #tpu.memory_space<hbm>>
    %dma_start3A_2105 = tpu.memref_slice %arg10[%dma_start3A_2094] : memref<5x!tpu.dma_semaphore, #tpu.memory_space<semaphore_mem>> -> memref<1x!tpu.dma_semaphore, #tpu.memory_space<semaphore_mem>>
    %dma_start3A_2106 = tpu.memref_squeeze %dma_start3A_2105 : memref<1x!tpu.dma_semaphore, #tpu.memory_space<semaphore_mem>> -> memref<!tpu.dma_semaphore, #tpu.memory_space<semaphore_mem>>
    tpu.enqueue_indirect_dma source(%dma_start3A_2104 : memref<100x128xf32, #tpu.memory_space<hbm>>) target(%dma_start3A_2098 : memref<128x128xf32, #tpu.memory_space<vmem>>) offsets(%dma_start3A_2101 : memref<128xi32, #tpu.memory_space<vmem>>) semaphore(%dma_start3A_2106 : memref<!tpu.dma_semaphore, #tpu.memory_space<semaphore_mem>>)
    %dma_wait3A_2107 = arith.constant 0 : i32
    %dma_wait3A_2108 = arith.constant 0 : i32
    %dma_wait3A_2109 = arith.constant 0 : i32
    %dma_wait3A_2110 = arith.constant 0 : i32
    %dma_wait3A_2111 = arith.constant 0 : i32
    %dma_wait3A_2112 = tpu.memref_slice %arg6[%dma_wait3A_2108, %dma_wait3A_2110, %dma_wait3A_2111] : memref<5x128x128xf32, #tpu.memory_space<vmem>> -> memref<1x128x128xf32, #tpu.memory_space<vmem>>
    %dma_wait3A_2113 = tpu.memref_squeeze %dma_wait3A_2112 : memref<1x128x128xf32, #tpu.memory_space<vmem>> -> memref<128x128xf32, #tpu.memory_space<vmem>>
    %dma_wait3A_2114 = arith.constant 0 : i32
    %dma_wait3A_2115 = tpu.memref_slice %arg5[%dma_wait3A_2107, %dma_wait3A_2114] : memref<5x128xi32, #tpu.memory_space<vmem>> -> memref<1x128xi32, #tpu.memory_space<vmem>>
    %dma_wait3A_2116 = tpu.memref_squeeze %dma_wait3A_2115 : memref<1x128xi32, #tpu.memory_space<vmem>> -> memref<128xi32, #tpu.memory_space<vmem>>
    %dma_wait3A_2117 = arith.constant 0 : i32
    %dma_wait3A_2118 = arith.constant 0 : i32
    %dma_wait3A_2119 = tpu.memref_slice %arg2[%dma_wait3A_2117, %dma_wait3A_2118] : memref<100x128xf32, #tpu.memory_space<hbm>> -> memref<100x128xf32, #tpu.memory_space<hbm>>
    %dma_wait3A_2120 = tpu.memref_slice %arg10[%dma_wait3A_2109] : memref<5x!tpu.dma_semaphore, #tpu.memory_space<semaphore_mem>> -> memref<1x!tpu.dma_semaphore, #tpu.memory_space<semaphore_mem>>
    %dma_wait3A_2121 = tpu.memref_squeeze %dma_wait3A_2120 : memref<1x!tpu.dma_semaphore, #tpu.memory_space<semaphore_mem>> -> memref<!tpu.dma_semaphore, #tpu.memory_space<semaphore_mem>>
    tpu.wait_indirect_dma semaphore(%dma_wait3A_2121 : memref<!tpu.dma_semaphore, #tpu.memory_space<semaphore_mem>>) src(%dma_wait3A_2119 : memref<100x128xf32, #tpu.memory_space<hbm>>) dst(%dma_wait3A_2113 : memref<128x128xf32, #tpu.memory_space<vmem>>)
    %add3A_2122 = arith.constant 640 : i32
    %add3A_2123 = arith.addi %add3A, %add3A_2122 : i32
    %mul3A_2124 = arith.constant 128 : i32
    %mul3A_2125 = arith.muli %add3A_2123, %mul3A_2124 : i32
    %dma_start3A_2126 = arith.constant 0 : i32
    %dma_start3A_2127 = arith.constant 0 : i32
    %dma_start3A_2128 = arith.constant 0 : i32
    %dma_start3A_2129 = arith.constant 0 : i32
    %dma_start3A_2130 = tpu.memref_slice %arg6[%dma_start3A_2126, %dma_start3A_2128, %dma_start3A_2129] : memref<5x128x128xf32, #tpu.memory_space<vmem>> -> memref<1x128x128xf32, #tpu.memory_space<vmem>>
    %dma_start3A_2131 = tpu.memref_squeeze %dma_start3A_2130 : memref<1x128x128xf32, #tpu.memory_space<vmem>> -> memref<128x128xf32, #tpu.memory_space<vmem>>
    %dma_start3A_2132 = arith.constant 0 : i32
    %dma_start3A_2133 = tpu.memref_slice %arg4[%mul3A_2125, %dma_start3A_2132] : memref<100000x128xf32, #tpu.memory_space<hbm>> -> memref<128x128xf32, #tpu.memory_space<hbm>>
    %dma_start3A_2134 = tpu.memref_slice %arg11[%dma_start3A_2127] : memref<5x!tpu.dma_semaphore, #tpu.memory_space<semaphore_mem>> -> memref<1x!tpu.dma_semaphore, #tpu.memory_space<semaphore_mem>>
    %dma_start3A_2135 = tpu.memref_squeeze %dma_start3A_2134 : memref<1x!tpu.dma_semaphore, #tpu.memory_space<semaphore_mem>> -> memref<!tpu.dma_semaphore, #tpu.memory_space<semaphore_mem>>
    %dma_start3A_2136 = arith.constant 0 : i32
    %dma_start3A_2137 = tpu.memref_slice %arg4[%mul3A_2125, %dma_start3A_2136] : memref<100000x128xf32, #tpu.memory_space<hbm>> -> memref<128x128xf32, #tpu.memory_space<hbm>>
    %dma_start3A_2138 = arith.constant 0 : i32
    %dma_start3A_2139 = arith.constant 0 : i32
    %dma_start3A_2140 = tpu.memref_slice %arg6[%dma_start3A_2126, %dma_start3A_2138, %dma_start3A_2139] : memref<5x128x128xf32, #tpu.memory_space<vmem>> -> memref<1x128x128xf32, #tpu.memory_space<vmem>>
    %dma_start3A_2141 = tpu.memref_squeeze %dma_start3A_2140 : memref<1x128x128xf32, #tpu.memory_space<vmem>> -> memref<128x128xf32, #tpu.memory_space<vmem>>
    tpu.enqueue_dma source(%dma_start3A_2141 : memref<128x128xf32, #tpu.memory_space<vmem>>) target(%dma_start3A_2137 : memref<128x128xf32, #tpu.memory_space<hbm>>) target_semaphore(%dma_start3A_2135 : memref<!tpu.dma_semaphore, #tpu.memory_space<semaphore_mem>>)
    %add3A_2142 = arith.constant 704 : i32
    %add3A_2143 = arith.addi %add3A, %add3A_2142 : i32
    %mul3A_2144 = arith.constant 128 : i32
    %mul3A_2145 = arith.muli %add3A_2143, %mul3A_2144 : i32
    %dma_wait3A_2146 = arith.constant 2 : i32
    %dma_wait3A_2147 = arith.constant 2 : i32
    %dma_wait3A_2148 = arith.constant 0 : i32
    %dma_wait3A_2149 = tpu.memref_slice %arg5[%dma_wait3A_2146, %dma_wait3A_2148] : memref<5x128xi32, #tpu.memory_space<vmem>> -> memref<1x128xi32, #tpu.memory_space<vmem>>
    %dma_wait3A_2150 = tpu.memref_squeeze %dma_wait3A_2149 : memref<1x128xi32, #tpu.memory_space<vmem>> -> memref<128xi32, #tpu.memory_space<vmem>>
    %dma_wait3A_2151 = tpu.memref_slice %arg3[%mul3A_2145] : memref<100000xi32, #tpu.memory_space<hbm>> -> memref<128xi32, #tpu.memory_space<hbm>>
    %dma_wait3A_2152 = tpu.memref_slice %arg9[%dma_wait3A_2147] : memref<5x!tpu.dma_semaphore, #tpu.memory_space<semaphore_mem>> -> memref<1x!tpu.dma_semaphore, #tpu.memory_space<semaphore_mem>>
    %dma_wait3A_2153 = tpu.memref_squeeze %dma_wait3A_2152 : memref<1x!tpu.dma_semaphore, #tpu.memory_space<semaphore_mem>> -> memref<!tpu.dma_semaphore, #tpu.memory_space<semaphore_mem>>
    %dma_wait3A_2154 = arith.constant 0 : i32
    %dma_wait3A_2155 = tpu.memref_slice %arg5[%dma_wait3A_2146, %dma_wait3A_2154] : memref<5x128xi32, #tpu.memory_space<vmem>> -> memref<1x128xi32, #tpu.memory_space<vmem>>
    %dma_wait3A_2156 = tpu.memref_squeeze %dma_wait3A_2155 : memref<1x128xi32, #tpu.memory_space<vmem>> -> memref<128xi32, #tpu.memory_space<vmem>>
    %dma_wait3A_2157 = tpu.memref_slice %arg3[%mul3A_2145] : memref<100000xi32, #tpu.memory_space<hbm>> -> memref<128xi32, #tpu.memory_space<hbm>>
    tpu.wait_dma2 semaphore(%dma_wait3A_2153 : memref<!tpu.dma_semaphore, #tpu.memory_space<semaphore_mem>>) src(%dma_wait3A_2157 : memref<128xi32, #tpu.memory_space<hbm>>) dst(%dma_wait3A_2156 : memref<128xi32, #tpu.memory_space<vmem>>)
    %add3A_2158 = arith.constant 544 : i32
    %add3A_2159 = arith.addi %add3A, %add3A_2158 : i32
    %mul3A_2160 = arith.constant 128 : i32
    %mul3A_2161 = arith.muli %add3A_2159, %mul3A_2160 : i32
    %dma_wait3A_2162 = arith.constant 2 : i32
    %dma_wait3A_2163 = arith.constant 2 : i32
    %dma_wait3A_2164 = arith.constant 0 : i32
    %dma_wait3A_2165 = arith.constant 0 : i32
    %dma_wait3A_2166 = tpu.memref_slice %arg6[%dma_wait3A_2162, %dma_wait3A_2164, %dma_wait3A_2165] : memref<5x128x128xf32, #tpu.memory_space<vmem>> -> memref<1x128x128xf32, #tpu.memory_space<vmem>>
    %dma_wait3A_2167 = tpu.memref_squeeze %dma_wait3A_2166 : memref<1x128x128xf32, #tpu.memory_space<vmem>> -> memref<128x128xf32, #tpu.memory_space<vmem>>
    %dma_wait3A_2168 = arith.constant 0 : i32
    %dma_wait3A_2169 = tpu.memref_slice %arg4[%mul3A_2161, %dma_wait3A_2168] : memref<100000x128xf32, #tpu.memory_space<hbm>> -> memref<128x128xf32, #tpu.memory_space<hbm>>
    %dma_wait3A_2170 = tpu.memref_slice %arg11[%dma_wait3A_2163] : memref<5x!tpu.dma_semaphore, #tpu.memory_space<semaphore_mem>> -> memref<1x!tpu.dma_semaphore, #tpu.memory_space<semaphore_mem>>
    %dma_wait3A_2171 = tpu.memref_squeeze %dma_wait3A_2170 : memref<1x!tpu.dma_semaphore, #tpu.memory_space<semaphore_mem>> -> memref<!tpu.dma_semaphore, #tpu.memory_space<semaphore_mem>>
    %dma_wait3A_2172 = arith.constant 0 : i32
    %dma_wait3A_2173 = tpu.memref_slice %arg4[%mul3A_2161, %dma_wait3A_2172] : memref<100000x128xf32, #tpu.memory_space<hbm>> -> memref<128x128xf32, #tpu.memory_space<hbm>>
    %dma_wait3A_2174 = arith.constant 0 : i32
    %dma_wait3A_2175 = arith.constant 0 : i32
    %dma_wait3A_2176 = tpu.memref_slice %arg6[%dma_wait3A_2162, %dma_wait3A_2174, %dma_wait3A_2175] : memref<5x128x128xf32, #tpu.memory_space<vmem>> -> memref<1x128x128xf32, #tpu.memory_space<vmem>>
    %dma_wait3A_2177 = tpu.memref_squeeze %dma_wait3A_2176 : memref<1x128x128xf32, #tpu.memory_space<vmem>> -> memref<128x128xf32, #tpu.memory_space<vmem>>
    tpu.wait_dma2 semaphore(%dma_wait3A_2171 : memref<!tpu.dma_semaphore, #tpu.memory_space<semaphore_mem>>) src(%dma_wait3A_2177 : memref<128x128xf32, #tpu.memory_space<vmem>>) dst(%dma_wait3A_2173 : memref<128x128xf32, #tpu.memory_space<hbm>>)
    %dma_start3A_2178 = arith.constant 2 : i32
    %dma_start3A_2179 = arith.constant 2 : i32
    %dma_start3A_2180 = arith.constant 2 : i32
    %dma_start3A_2181 = arith.constant 0 : i32
    %dma_start3A_2182 = arith.constant 0 : i32
    %dma_start3A_2183 = tpu.memref_slice %arg6[%dma_start3A_2179, %dma_start3A_2181, %dma_start3A_2182] : memref<5x128x128xf32, #tpu.memory_space<vmem>> -> memref<1x128x128xf32, #tpu.memory_space<vmem>>
    %dma_start3A_2184 = tpu.memref_squeeze %dma_start3A_2183 : memref<1x128x128xf32, #tpu.memory_space<vmem>> -> memref<128x128xf32, #tpu.memory_space<vmem>>
    %dma_start3A_2185 = arith.constant 0 : i32
    %dma_start3A_2186 = tpu.memref_slice %arg5[%dma_start3A_2178, %dma_start3A_2185] : memref<5x128xi32, #tpu.memory_space<vmem>> -> memref<1x128xi32, #tpu.memory_space<vmem>>
    %dma_start3A_2187 = tpu.memref_squeeze %dma_start3A_2186 : memref<1x128xi32, #tpu.memory_space<vmem>> -> memref<128xi32, #tpu.memory_space<vmem>>
    %dma_start3A_2188 = arith.constant 0 : i32
    %dma_start3A_2189 = arith.constant 0 : i32
    %dma_start3A_2190 = tpu.memref_slice %arg2[%dma_start3A_2188, %dma_start3A_2189] : memref<100x128xf32, #tpu.memory_space<hbm>> -> memref<100x128xf32, #tpu.memory_space<hbm>>
    %dma_start3A_2191 = tpu.memref_slice %arg10[%dma_start3A_2180] : memref<5x!tpu.dma_semaphore, #tpu.memory_space<semaphore_mem>> -> memref<1x!tpu.dma_semaphore, #tpu.memory_space<semaphore_mem>>
    %dma_start3A_2192 = tpu.memref_squeeze %dma_start3A_2191 : memref<1x!tpu.dma_semaphore, #tpu.memory_space<semaphore_mem>> -> memref<!tpu.dma_semaphore, #tpu.memory_space<semaphore_mem>>
    tpu.enqueue_indirect_dma source(%dma_start3A_2190 : memref<100x128xf32, #tpu.memory_space<hbm>>) target(%dma_start3A_2184 : memref<128x128xf32, #tpu.memory_space<vmem>>) offsets(%dma_start3A_2187 : memref<128xi32, #tpu.memory_space<vmem>>) semaphore(%dma_start3A_2192 : memref<!tpu.dma_semaphore, #tpu.memory_space<semaphore_mem>>)
    %dma_wait3A_2193 = arith.constant 1 : i32
    %dma_wait3A_2194 = arith.constant 1 : i32
    %dma_wait3A_2195 = arith.constant 1 : i32
    %dma_wait3A_2196 = arith.constant 0 : i32
    %dma_wait3A_2197 = arith.constant 0 : i32
    %dma_wait3A_2198 = tpu.memref_slice %arg6[%dma_wait3A_2194, %dma_wait3A_2196, %dma_wait3A_2197] : memref<5x128x128xf32, #tpu.memory_space<vmem>> -> memref<1x128x128xf32, #tpu.memory_space<vmem>>
    %dma_wait3A_2199 = tpu.memref_squeeze %dma_wait3A_2198 : memref<1x128x128xf32, #tpu.memory_space<vmem>> -> memref<128x128xf32, #tpu.memory_space<vmem>>
    %dma_wait3A_2200 = arith.constant 0 : i32
    %dma_wait3A_2201 = tpu.memref_slice %arg5[%dma_wait3A_2193, %dma_wait3A_2200] : memref<5x128xi32, #tpu.memory_space<vmem>> -> memref<1x128xi32, #tpu.memory_space<vmem>>
    %dma_wait3A_2202 = tpu.memref_squeeze %dma_wait3A_2201 : memref<1x128xi32, #tpu.memory_space<vmem>> -> memref<128xi32, #tpu.memory_space<vmem>>
    %dma_wait3A_2203 = arith.constant 0 : i32
    %dma_wait3A_2204 = arith.constant 0 : i32
    %dma_wait3A_2205 = tpu.memref_slice %arg2[%dma_wait3A_2203, %dma_wait3A_2204] : memref<100x128xf32, #tpu.memory_space<hbm>> -> memref<100x128xf32, #tpu.memory_space<hbm>>
    %dma_wait3A_2206 = tpu.memref_slice %arg10[%dma_wait3A_2195] : memref<5x!tpu.dma_semaphore, #tpu.memory_space<semaphore_mem>> -> memref<1x!tpu.dma_semaphore, #tpu.memory_space<semaphore_mem>>
    %dma_wait3A_2207 = tpu.memref_squeeze %dma_wait3A_2206 : memref<1x!tpu.dma_semaphore, #tpu.memory_space<semaphore_mem>> -> memref<!tpu.dma_semaphore, #tpu.memory_space<semaphore_mem>>
    tpu.wait_indirect_dma semaphore(%dma_wait3A_2207 : memref<!tpu.dma_semaphore, #tpu.memory_space<semaphore_mem>>) src(%dma_wait3A_2205 : memref<100x128xf32, #tpu.memory_space<hbm>>) dst(%dma_wait3A_2199 : memref<128x128xf32, #tpu.memory_space<vmem>>)
    %add3A_2208 = arith.constant 672 : i32
    %add3A_2209 = arith.addi %add3A, %add3A_2208 : i32
    %mul3A_2210 = arith.constant 128 : i32
    %mul3A_2211 = arith.muli %add3A_2209, %mul3A_2210 : i32
    %dma_start3A_2212 = arith.constant 1 : i32
    %dma_start3A_2213 = arith.constant 1 : i32
    %dma_start3A_2214 = arith.constant 0 : i32
    %dma_start3A_2215 = arith.constant 0 : i32
    %dma_start3A_2216 = tpu.memref_slice %arg6[%dma_start3A_2212, %dma_start3A_2214, %dma_start3A_2215] : memref<5x128x128xf32, #tpu.memory_space<vmem>> -> memref<1x128x128xf32, #tpu.memory_space<vmem>>
    %dma_start3A_2217 = tpu.memref_squeeze %dma_start3A_2216 : memref<1x128x128xf32, #tpu.memory_space<vmem>> -> memref<128x128xf32, #tpu.memory_space<vmem>>
    %dma_start3A_2218 = arith.constant 0 : i32
    %dma_start3A_2219 = tpu.memref_slice %arg4[%mul3A_2211, %dma_start3A_2218] : memref<100000x128xf32, #tpu.memory_space<hbm>> -> memref<128x128xf32, #tpu.memory_space<hbm>>
    %dma_start3A_2220 = tpu.memref_slice %arg11[%dma_start3A_2213] : memref<5x!tpu.dma_semaphore, #tpu.memory_space<semaphore_mem>> -> memref<1x!tpu.dma_semaphore, #tpu.memory_space<semaphore_mem>>
    %dma_start3A_2221 = tpu.memref_squeeze %dma_start3A_2220 : memref<1x!tpu.dma_semaphore, #tpu.memory_space<semaphore_mem>> -> memref<!tpu.dma_semaphore, #tpu.memory_space<semaphore_mem>>
    %dma_start3A_2222 = arith.constant 0 : i32
    %dma_start3A_2223 = tpu.memref_slice %arg4[%mul3A_2211, %dma_start3A_2222] : memref<100000x128xf32, #tpu.memory_space<hbm>> -> memref<128x128xf32, #tpu.memory_space<hbm>>
    %dma_start3A_2224 = arith.constant 0 : i32
    %dma_start3A_2225 = arith.constant 0 : i32
    %dma_start3A_2226 = tpu.memref_slice %arg6[%dma_start3A_2212, %dma_start3A_2224, %dma_start3A_2225] : memref<5x128x128xf32, #tpu.memory_space<vmem>> -> memref<1x128x128xf32, #tpu.memory_space<vmem>>
    %dma_start3A_2227 = tpu.memref_squeeze %dma_start3A_2226 : memref<1x128x128xf32, #tpu.memory_space<vmem>> -> memref<128x128xf32, #tpu.memory_space<vmem>>
    tpu.enqueue_dma source(%dma_start3A_2227 : memref<128x128xf32, #tpu.memory_space<vmem>>) target(%dma_start3A_2223 : memref<128x128xf32, #tpu.memory_space<hbm>>) target_semaphore(%dma_start3A_2221 : memref<!tpu.dma_semaphore, #tpu.memory_space<semaphore_mem>>)
    %add3A_2228 = arith.constant 736 : i32
    %add3A_2229 = arith.addi %add3A, %add3A_2228 : i32
    %mul3A_2230 = arith.constant 128 : i32
    %mul3A_2231 = arith.muli %add3A_2229, %mul3A_2230 : i32
    %dma_wait3A_2232 = arith.constant 3 : i32
    %dma_wait3A_2233 = arith.constant 3 : i32
    %dma_wait3A_2234 = arith.constant 0 : i32
    %dma_wait3A_2235 = tpu.memref_slice %arg5[%dma_wait3A_2232, %dma_wait3A_2234] : memref<5x128xi32, #tpu.memory_space<vmem>> -> memref<1x128xi32, #tpu.memory_space<vmem>>
    %dma_wait3A_2236 = tpu.memref_squeeze %dma_wait3A_2235 : memref<1x128xi32, #tpu.memory_space<vmem>> -> memref<128xi32, #tpu.memory_space<vmem>>
    %dma_wait3A_2237 = tpu.memref_slice %arg3[%mul3A_2231] : memref<100000xi32, #tpu.memory_space<hbm>> -> memref<128xi32, #tpu.memory_space<hbm>>
    %dma_wait3A_2238 = tpu.memref_slice %arg9[%dma_wait3A_2233] : memref<5x!tpu.dma_semaphore, #tpu.memory_space<semaphore_mem>> -> memref<1x!tpu.dma_semaphore, #tpu.memory_space<semaphore_mem>>
    %dma_wait3A_2239 = tpu.memref_squeeze %dma_wait3A_2238 : memref<1x!tpu.dma_semaphore, #tpu.memory_space<semaphore_mem>> -> memref<!tpu.dma_semaphore, #tpu.memory_space<semaphore_mem>>
    %dma_wait3A_2240 = arith.constant 0 : i32
    %dma_wait3A_2241 = tpu.memref_slice %arg5[%dma_wait3A_2232, %dma_wait3A_2240] : memref<5x128xi32, #tpu.memory_space<vmem>> -> memref<1x128xi32, #tpu.memory_space<vmem>>
    %dma_wait3A_2242 = tpu.memref_squeeze %dma_wait3A_2241 : memref<1x128xi32, #tpu.memory_space<vmem>> -> memref<128xi32, #tpu.memory_space<vmem>>
    %dma_wait3A_2243 = tpu.memref_slice %arg3[%mul3A_2231] : memref<100000xi32, #tpu.memory_space<hbm>> -> memref<128xi32, #tpu.memory_space<hbm>>
    tpu.wait_dma2 semaphore(%dma_wait3A_2239 : memref<!tpu.dma_semaphore, #tpu.memory_space<semaphore_mem>>) src(%dma_wait3A_2243 : memref<128xi32, #tpu.memory_space<hbm>>) dst(%dma_wait3A_2242 : memref<128xi32, #tpu.memory_space<vmem>>)
    %add3A_2244 = arith.constant 576 : i32
    %add3A_2245 = arith.addi %add3A, %add3A_2244 : i32
    %mul3A_2246 = arith.constant 128 : i32
    %mul3A_2247 = arith.muli %add3A_2245, %mul3A_2246 : i32
    %dma_wait3A_2248 = arith.constant 3 : i32
    %dma_wait3A_2249 = arith.constant 3 : i32
    %dma_wait3A_2250 = arith.constant 0 : i32
    %dma_wait3A_2251 = arith.constant 0 : i32
    %dma_wait3A_2252 = tpu.memref_slice %arg6[%dma_wait3A_2248, %dma_wait3A_2250, %dma_wait3A_2251] : memref<5x128x128xf32, #tpu.memory_space<vmem>> -> memref<1x128x128xf32, #tpu.memory_space<vmem>>
    %dma_wait3A_2253 = tpu.memref_squeeze %dma_wait3A_2252 : memref<1x128x128xf32, #tpu.memory_space<vmem>> -> memref<128x128xf32, #tpu.memory_space<vmem>>
    %dma_wait3A_2254 = arith.constant 0 : i32
    %dma_wait3A_2255 = tpu.memref_slice %arg4[%mul3A_2247, %dma_wait3A_2254] : memref<100000x128xf32, #tpu.memory_space<hbm>> -> memref<128x128xf32, #tpu.memory_space<hbm>>
    %dma_wait3A_2256 = tpu.memref_slice %arg11[%dma_wait3A_2249] : memref<5x!tpu.dma_semaphore, #tpu.memory_space<semaphore_mem>> -> memref<1x!tpu.dma_semaphore, #tpu.memory_space<semaphore_mem>>
    %dma_wait3A_2257 = tpu.memref_squeeze %dma_wait3A_2256 : memref<1x!tpu.dma_semaphore, #tpu.memory_space<semaphore_mem>> -> memref<!tpu.dma_semaphore, #tpu.memory_space<semaphore_mem>>
    %dma_wait3A_2258 = arith.constant 0 : i32
    %dma_wait3A_2259 = tpu.memref_slice %arg4[%mul3A_2247, %dma_wait3A_2258] : memref<100000x128xf32, #tpu.memory_space<hbm>> -> memref<128x128xf32, #tpu.memory_space<hbm>>
    %dma_wait3A_2260 = arith.constant 0 : i32
    %dma_wait3A_2261 = arith.constant 0 : i32
    %dma_wait3A_2262 = tpu.memref_slice %arg6[%dma_wait3A_2248, %dma_wait3A_2260, %dma_wait3A_2261] : memref<5x128x128xf32, #tpu.memory_space<vmem>> -> memref<1x128x128xf32, #tpu.memory_space<vmem>>
    %dma_wait3A_2263 = tpu.memref_squeeze %dma_wait3A_2262 : memref<1x128x128xf32, #tpu.memory_space<vmem>> -> memref<128x128xf32, #tpu.memory_space<vmem>>
    tpu.wait_dma2 semaphore(%dma_wait3A_2257 : memref<!tpu.dma_semaphore, #tpu.memory_space<semaphore_mem>>) src(%dma_wait3A_2263 : memref<128x128xf32, #tpu.memory_space<vmem>>) dst(%dma_wait3A_2259 : memref<128x128xf32, #tpu.memory_space<hbm>>)
    %dma_start3A_2264 = arith.constant 3 : i32
    %dma_start3A_2265 = arith.constant 3 : i32
    %dma_start3A_2266 = arith.constant 3 : i32
    %dma_start3A_2267 = arith.constant 0 : i32
    %dma_start3A_2268 = arith.constant 0 : i32
    %dma_start3A_2269 = tpu.memref_slice %arg6[%dma_start3A_2265, %dma_start3A_2267, %dma_start3A_2268] : memref<5x128x128xf32, #tpu.memory_space<vmem>> -> memref<1x128x128xf32, #tpu.memory_space<vmem>>
    %dma_start3A_2270 = tpu.memref_squeeze %dma_start3A_2269 : memref<1x128x128xf32, #tpu.memory_space<vmem>> -> memref<128x128xf32, #tpu.memory_space<vmem>>
    %dma_start3A_2271 = arith.constant 0 : i32
    %dma_start3A_2272 = tpu.memref_slice %arg5[%dma_start3A_2264, %dma_start3A_2271] : memref<5x128xi32, #tpu.memory_space<vmem>> -> memref<1x128xi32, #tpu.memory_space<vmem>>
    %dma_start3A_2273 = tpu.memref_squeeze %dma_start3A_2272 : memref<1x128xi32, #tpu.memory_space<vmem>> -> memref<128xi32, #tpu.memory_space<vmem>>
    %dma_start3A_2274 = arith.constant 0 : i32
    %dma_start3A_2275 = arith.constant 0 : i32
    %dma_start3A_2276 = tpu.memref_slice %arg2[%dma_start3A_2274, %dma_start3A_2275] : memref<100x128xf32, #tpu.memory_space<hbm>> -> memref<100x128xf32, #tpu.memory_space<hbm>>
    %dma_start3A_2277 = tpu.memref_slice %arg10[%dma_start3A_2266] : memref<5x!tpu.dma_semaphore, #tpu.memory_space<semaphore_mem>> -> memref<1x!tpu.dma_semaphore, #tpu.memory_space<semaphore_mem>>
    %dma_start3A_2278 = tpu.memref_squeeze %dma_start3A_2277 : memref<1x!tpu.dma_semaphore, #tpu.memory_space<semaphore_mem>> -> memref<!tpu.dma_semaphore, #tpu.memory_space<semaphore_mem>>
    tpu.enqueue_indirect_dma source(%dma_start3A_2276 : memref<100x128xf32, #tpu.memory_space<hbm>>) target(%dma_start3A_2270 : memref<128x128xf32, #tpu.memory_space<vmem>>) offsets(%dma_start3A_2273 : memref<128xi32, #tpu.memory_space<vmem>>) semaphore(%dma_start3A_2278 : memref<!tpu.dma_semaphore, #tpu.memory_space<semaphore_mem>>)
    %dma_wait3A_2279 = arith.constant 2 : i32
    %dma_wait3A_2280 = arith.constant 2 : i32
    %dma_wait3A_2281 = arith.constant 2 : i32
    %dma_wait3A_2282 = arith.constant 0 : i32
    %dma_wait3A_2283 = arith.constant 0 : i32
    %dma_wait3A_2284 = tpu.memref_slice %arg6[%dma_wait3A_2280, %dma_wait3A_2282, %dma_wait3A_2283] : memref<5x128x128xf32, #tpu.memory_space<vmem>> -> memref<1x128x128xf32, #tpu.memory_space<vmem>>
    %dma_wait3A_2285 = tpu.memref_squeeze %dma_wait3A_2284 : memref<1x128x128xf32, #tpu.memory_space<vmem>> -> memref<128x128xf32, #tpu.memory_space<vmem>>
    %dma_wait3A_2286 = arith.constant 0 : i32
    %dma_wait3A_2287 = tpu.memref_slice %arg5[%dma_wait3A_2279, %dma_wait3A_2286] : memref<5x128xi32, #tpu.memory_space<vmem>> -> memref<1x128xi32, #tpu.memory_space<vmem>>
    %dma_wait3A_2288 = tpu.memref_squeeze %dma_wait3A_2287 : memref<1x128xi32, #tpu.memory_space<vmem>> -> memref<128xi32, #tpu.memory_space<vmem>>
    %dma_wait3A_2289 = arith.constant 0 : i32
    %dma_wait3A_2290 = arith.constant 0 : i32
    %dma_wait3A_2291 = tpu.memref_slice %arg2[%dma_wait3A_2289, %dma_wait3A_2290] : memref<100x128xf32, #tpu.memory_space<hbm>> -> memref<100x128xf32, #tpu.memory_space<hbm>>
    %dma_wait3A_2292 = tpu.memref_slice %arg10[%dma_wait3A_2281] : memref<5x!tpu.dma_semaphore, #tpu.memory_space<semaphore_mem>> -> memref<1x!tpu.dma_semaphore, #tpu.memory_space<semaphore_mem>>
    %dma_wait3A_2293 = tpu.memref_squeeze %dma_wait3A_2292 : memref<1x!tpu.dma_semaphore, #tpu.memory_space<semaphore_mem>> -> memref<!tpu.dma_semaphore, #tpu.memory_space<semaphore_mem>>
    tpu.wait_indirect_dma semaphore(%dma_wait3A_2293 : memref<!tpu.dma_semaphore, #tpu.memory_space<semaphore_mem>>) src(%dma_wait3A_2291 : memref<100x128xf32, #tpu.memory_space<hbm>>) dst(%dma_wait3A_2285 : memref<128x128xf32, #tpu.memory_space<vmem>>)
    %add3A_2294 = arith.constant 704 : i32
    %add3A_2295 = arith.addi %add3A, %add3A_2294 : i32
    %mul3A_2296 = arith.constant 128 : i32
    %mul3A_2297 = arith.muli %add3A_2295, %mul3A_2296 : i32
    %dma_start3A_2298 = arith.constant 2 : i32
    %dma_start3A_2299 = arith.constant 2 : i32
    %dma_start3A_2300 = arith.constant 0 : i32
    %dma_start3A_2301 = arith.constant 0 : i32
    %dma_start3A_2302 = tpu.memref_slice %arg6[%dma_start3A_2298, %dma_start3A_2300, %dma_start3A_2301] : memref<5x128x128xf32, #tpu.memory_space<vmem>> -> memref<1x128x128xf32, #tpu.memory_space<vmem>>
    %dma_start3A_2303 = tpu.memref_squeeze %dma_start3A_2302 : memref<1x128x128xf32, #tpu.memory_space<vmem>> -> memref<128x128xf32, #tpu.memory_space<vmem>>
    %dma_start3A_2304 = arith.constant 0 : i32
    %dma_start3A_2305 = tpu.memref_slice %arg4[%mul3A_2297, %dma_start3A_2304] : memref<100000x128xf32, #tpu.memory_space<hbm>> -> memref<128x128xf32, #tpu.memory_space<hbm>>
    %dma_start3A_2306 = tpu.memref_slice %arg11[%dma_start3A_2299] : memref<5x!tpu.dma_semaphore, #tpu.memory_space<semaphore_mem>> -> memref<1x!tpu.dma_semaphore, #tpu.memory_space<semaphore_mem>>
    %dma_start3A_2307 = tpu.memref_squeeze %dma_start3A_2306 : memref<1x!tpu.dma_semaphore, #tpu.memory_space<semaphore_mem>> -> memref<!tpu.dma_semaphore, #tpu.memory_space<semaphore_mem>>
    %dma_start3A_2308 = arith.constant 0 : i32
    %dma_start3A_2309 = tpu.memref_slice %arg4[%mul3A_2297, %dma_start3A_2308] : memref<100000x128xf32, #tpu.memory_space<hbm>> -> memref<128x128xf32, #tpu.memory_space<hbm>>
    %dma_start3A_2310 = arith.constant 0 : i32
    %dma_start3A_2311 = arith.constant 0 : i32
    %dma_start3A_2312 = tpu.memref_slice %arg6[%dma_start3A_2298, %dma_start3A_2310, %dma_start3A_2311] : memref<5x128x128xf32, #tpu.memory_space<vmem>> -> memref<1x128x128xf32, #tpu.memory_space<vmem>>
    %dma_start3A_2313 = tpu.memref_squeeze %dma_start3A_2312 : memref<1x128x128xf32, #tpu.memory_space<vmem>> -> memref<128x128xf32, #tpu.memory_space<vmem>>
    tpu.enqueue_dma source(%dma_start3A_2313 : memref<128x128xf32, #tpu.memory_space<vmem>>) target(%dma_start3A_2309 : memref<128x128xf32, #tpu.memory_space<hbm>>) target_semaphore(%dma_start3A_2307 : memref<!tpu.dma_semaphore, #tpu.memory_space<semaphore_mem>>)
    %lt3A_2314 = arith.constant 13 : i32
    %lt3A_2315 = arith.cmpi slt, %add3A, %lt3A_2314 : i32
    %convert_element_type3A_2316 = arith.extui %lt3A_2315 : i1 to i32
    %cond3A_2317 = arith.constant 0 : i32
    %cond3A_2318 = arith.cmpi ne, %convert_element_type3A_2316, %cond3A_2317 : i32
    scf.if %cond3A_2318 {
      %add3A_2478 = arith.constant 768 : i32
      %add3A_2479 = arith.addi %add3A, %add3A_2478 : i32
      %mul3A_2480 = arith.constant 128 : i32
      %mul3A_2481 = arith.muli %add3A_2479, %mul3A_2480 : i32
      %dma_wait3A_2482 = arith.constant 4 : i32
      %dma_wait3A_2483 = arith.constant 4 : i32
      %dma_wait3A_2484 = arith.constant 0 : i32
      %dma_wait3A_2485 = tpu.memref_slice %arg5[%dma_wait3A_2482, %dma_wait3A_2484] : memref<5x128xi32, #tpu.memory_space<vmem>> -> memref<1x128xi32, #tpu.memory_space<vmem>>
      %dma_wait3A_2486 = tpu.memref_squeeze %dma_wait3A_2485 : memref<1x128xi32, #tpu.memory_space<vmem>> -> memref<128xi32, #tpu.memory_space<vmem>>
      %dma_wait3A_2487 = tpu.memref_slice %arg3[%mul3A_2481] : memref<100000xi32, #tpu.memory_space<hbm>> -> memref<128xi32, #tpu.memory_space<hbm>>
      %dma_wait3A_2488 = tpu.memref_slice %arg9[%dma_wait3A_2483] : memref<5x!tpu.dma_semaphore, #tpu.memory_space<semaphore_mem>> -> memref<1x!tpu.dma_semaphore, #tpu.memory_space<semaphore_mem>>
      %dma_wait3A_2489 = tpu.memref_squeeze %dma_wait3A_2488 : memref<1x!tpu.dma_semaphore, #tpu.memory_space<semaphore_mem>> -> memref<!tpu.dma_semaphore, #tpu.memory_space<semaphore_mem>>
      %dma_wait3A_2490 = arith.constant 0 : i32
      %dma_wait3A_2491 = tpu.memref_slice %arg5[%dma_wait3A_2482, %dma_wait3A_2490] : memref<5x128xi32, #tpu.memory_space<vmem>> -> memref<1x128xi32, #tpu.memory_space<vmem>>
      %dma_wait3A_2492 = tpu.memref_squeeze %dma_wait3A_2491 : memref<1x128xi32, #tpu.memory_space<vmem>> -> memref<128xi32, #tpu.memory_space<vmem>>
      %dma_wait3A_2493 = tpu.memref_slice %arg3[%mul3A_2481] : memref<100000xi32, #tpu.memory_space<hbm>> -> memref<128xi32, #tpu.memory_space<hbm>>
      tpu.wait_dma2 semaphore(%dma_wait3A_2489 : memref<!tpu.dma_semaphore, #tpu.memory_space<semaphore_mem>>) src(%dma_wait3A_2493 : memref<128xi32, #tpu.memory_space<hbm>>) dst(%dma_wait3A_2492 : memref<128xi32, #tpu.memory_space<vmem>>)
    } else {
    }
    %add3A_2319 = arith.constant 608 : i32
    %add3A_2320 = arith.addi %add3A, %add3A_2319 : i32
    %mul3A_2321 = arith.constant 128 : i32
    %mul3A_2322 = arith.muli %add3A_2320, %mul3A_2321 : i32
    %dma_wait3A_2323 = arith.constant 4 : i32
    %dma_wait3A_2324 = arith.constant 4 : i32
    %dma_wait3A_2325 = arith.constant 0 : i32
    %dma_wait3A_2326 = arith.constant 0 : i32
    %dma_wait3A_2327 = tpu.memref_slice %arg6[%dma_wait3A_2323, %dma_wait3A_2325, %dma_wait3A_2326] : memref<5x128x128xf32, #tpu.memory_space<vmem>> -> memref<1x128x128xf32, #tpu.memory_space<vmem>>
    %dma_wait3A_2328 = tpu.memref_squeeze %dma_wait3A_2327 : memref<1x128x128xf32, #tpu.memory_space<vmem>> -> memref<128x128xf32, #tpu.memory_space<vmem>>
    %dma_wait3A_2329 = arith.constant 0 : i32
    %dma_wait3A_2330 = tpu.memref_slice %arg4[%mul3A_2322, %dma_wait3A_2329] : memref<100000x128xf32, #tpu.memory_space<hbm>> -> memref<128x128xf32, #tpu.memory_space<hbm>>
    %dma_wait3A_2331 = tpu.memref_slice %arg11[%dma_wait3A_2324] : memref<5x!tpu.dma_semaphore, #tpu.memory_space<semaphore_mem>> -> memref<1x!tpu.dma_semaphore, #tpu.memory_space<semaphore_mem>>
    %dma_wait3A_2332 = tpu.memref_squeeze %dma_wait3A_2331 : memref<1x!tpu.dma_semaphore, #tpu.memory_space<semaphore_mem>> -> memref<!tpu.dma_semaphore, #tpu.memory_space<semaphore_mem>>
    %dma_wait3A_2333 = arith.constant 0 : i32
    %dma_wait3A_2334 = tpu.memref_slice %arg4[%mul3A_2322, %dma_wait3A_2333] : memref<100000x128xf32, #tpu.memory_space<hbm>> -> memref<128x128xf32, #tpu.memory_space<hbm>>
    %dma_wait3A_2335 = arith.constant 0 : i32
    %dma_wait3A_2336 = arith.constant 0 : i32
    %dma_wait3A_2337 = tpu.memref_slice %arg6[%dma_wait3A_2323, %dma_wait3A_2335, %dma_wait3A_2336] : memref<5x128x128xf32, #tpu.memory_space<vmem>> -> memref<1x128x128xf32, #tpu.memory_space<vmem>>
    %dma_wait3A_2338 = tpu.memref_squeeze %dma_wait3A_2337 : memref<1x128x128xf32, #tpu.memory_space<vmem>> -> memref<128x128xf32, #tpu.memory_space<vmem>>
    tpu.wait_dma2 semaphore(%dma_wait3A_2332 : memref<!tpu.dma_semaphore, #tpu.memory_space<semaphore_mem>>) src(%dma_wait3A_2338 : memref<128x128xf32, #tpu.memory_space<vmem>>) dst(%dma_wait3A_2334 : memref<128x128xf32, #tpu.memory_space<hbm>>)
    %lt3A_2339 = arith.constant 13 : i32
    %lt3A_2340 = arith.cmpi slt, %add3A, %lt3A_2339 : i32
    %convert_element_type3A_2341 = arith.extui %lt3A_2340 : i1 to i32
    %cond3A_2342 = arith.constant 0 : i32
    %cond3A_2343 = arith.cmpi ne, %convert_element_type3A_2341, %cond3A_2342 : i32
    scf.if %cond3A_2343 {
      %dma_start3A_2478 = arith.constant 4 : i32
      %dma_start3A_2479 = arith.constant 4 : i32
      %dma_start3A_2480 = arith.constant 4 : i32
      %dma_start3A_2481 = arith.constant 0 : i32
      %dma_start3A_2482 = arith.constant 0 : i32
      %dma_start3A_2483 = tpu.memref_slice %arg6[%dma_start3A_2479, %dma_start3A_2481, %dma_start3A_2482] : memref<5x128x128xf32, #tpu.memory_space<vmem>> -> memref<1x128x128xf32, #tpu.memory_space<vmem>>
      %dma_start3A_2484 = tpu.memref_squeeze %dma_start3A_2483 : memref<1x128x128xf32, #tpu.memory_space<vmem>> -> memref<128x128xf32, #tpu.memory_space<vmem>>
      %dma_start3A_2485 = arith.constant 0 : i32
      %dma_start3A_2486 = tpu.memref_slice %arg5[%dma_start3A_2478, %dma_start3A_2485] : memref<5x128xi32, #tpu.memory_space<vmem>> -> memref<1x128xi32, #tpu.memory_space<vmem>>
      %dma_start3A_2487 = tpu.memref_squeeze %dma_start3A_2486 : memref<1x128xi32, #tpu.memory_space<vmem>> -> memref<128xi32, #tpu.memory_space<vmem>>
      %dma_start3A_2488 = arith.constant 0 : i32
      %dma_start3A_2489 = arith.constant 0 : i32
      %dma_start3A_2490 = tpu.memref_slice %arg2[%dma_start3A_2488, %dma_start3A_2489] : memref<100x128xf32, #tpu.memory_space<hbm>> -> memref<100x128xf32, #tpu.memory_space<hbm>>
      %dma_start3A_2491 = tpu.memref_slice %arg10[%dma_start3A_2480] : memref<5x!tpu.dma_semaphore, #tpu.memory_space<semaphore_mem>> -> memref<1x!tpu.dma_semaphore, #tpu.memory_space<semaphore_mem>>
      %dma_start3A_2492 = tpu.memref_squeeze %dma_start3A_2491 : memref<1x!tpu.dma_semaphore, #tpu.memory_space<semaphore_mem>> -> memref<!tpu.dma_semaphore, #tpu.memory_space<semaphore_mem>>
      tpu.enqueue_indirect_dma source(%dma_start3A_2490 : memref<100x128xf32, #tpu.memory_space<hbm>>) target(%dma_start3A_2484 : memref<128x128xf32, #tpu.memory_space<vmem>>) offsets(%dma_start3A_2487 : memref<128xi32, #tpu.memory_space<vmem>>) semaphore(%dma_start3A_2492 : memref<!tpu.dma_semaphore, #tpu.memory_space<semaphore_mem>>)
    } else {
    }
    %dma_wait3A_2344 = arith.constant 3 : i32
    %dma_wait3A_2345 = arith.constant 3 : i32
    %dma_wait3A_2346 = arith.constant 3 : i32
    %dma_wait3A_2347 = arith.constant 0 : i32
    %dma_wait3A_2348 = arith.constant 0 : i32
    %dma_wait3A_2349 = tpu.memref_slice %arg6[%dma_wait3A_2345, %dma_wait3A_2347, %dma_wait3A_2348] : memref<5x128x128xf32, #tpu.memory_space<vmem>> -> memref<1x128x128xf32, #tpu.memory_space<vmem>>
    %dma_wait3A_2350 = tpu.memref_squeeze %dma_wait3A_2349 : memref<1x128x128xf32, #tpu.memory_space<vmem>> -> memref<128x128xf32, #tpu.memory_space<vmem>>
    %dma_wait3A_2351 = arith.constant 0 : i32
    %dma_wait3A_2352 = tpu.memref_slice %arg5[%dma_wait3A_2344, %dma_wait3A_2351] : memref<5x128xi32, #tpu.memory_space<vmem>> -> memref<1x128xi32, #tpu.memory_space<vmem>>
    %dma_wait3A_2353 = tpu.memref_squeeze %dma_wait3A_2352 : memref<1x128xi32, #tpu.memory_space<vmem>> -> memref<128xi32, #tpu.memory_space<vmem>>
    %dma_wait3A_2354 = arith.constant 0 : i32
    %dma_wait3A_2355 = arith.constant 0 : i32
    %dma_wait3A_2356 = tpu.memref_slice %arg2[%dma_wait3A_2354, %dma_wait3A_2355] : memref<100x128xf32, #tpu.memory_space<hbm>> -> memref<100x128xf32, #tpu.memory_space<hbm>>
    %dma_wait3A_2357 = tpu.memref_slice %arg10[%dma_wait3A_2346] : memref<5x!tpu.dma_semaphore, #tpu.memory_space<semaphore_mem>> -> memref<1x!tpu.dma_semaphore, #tpu.memory_space<semaphore_mem>>
    %dma_wait3A_2358 = tpu.memref_squeeze %dma_wait3A_2357 : memref<1x!tpu.dma_semaphore, #tpu.memory_space<semaphore_mem>> -> memref<!tpu.dma_semaphore, #tpu.memory_space<semaphore_mem>>
    tpu.wait_indirect_dma semaphore(%dma_wait3A_2358 : memref<!tpu.dma_semaphore, #tpu.memory_space<semaphore_mem>>) src(%dma_wait3A_2356 : memref<100x128xf32, #tpu.memory_space<hbm>>) dst(%dma_wait3A_2350 : memref<128x128xf32, #tpu.memory_space<vmem>>)
    %add3A_2359 = arith.constant 736 : i32
    %add3A_2360 = arith.addi %add3A, %add3A_2359 : i32
    %mul3A_2361 = arith.constant 128 : i32
    %mul3A_2362 = arith.muli %add3A_2360, %mul3A_2361 : i32
    %dma_start3A_2363 = arith.constant 3 : i32
    %dma_start3A_2364 = arith.constant 3 : i32
    %dma_start3A_2365 = arith.constant 0 : i32
    %dma_start3A_2366 = arith.constant 0 : i32
    %dma_start3A_2367 = tpu.memref_slice %arg6[%dma_start3A_2363, %dma_start3A_2365, %dma_start3A_2366] : memref<5x128x128xf32, #tpu.memory_space<vmem>> -> memref<1x128x128xf32, #tpu.memory_space<vmem>>
    %dma_start3A_2368 = tpu.memref_squeeze %dma_start3A_2367 : memref<1x128x128xf32, #tpu.memory_space<vmem>> -> memref<128x128xf32, #tpu.memory_space<vmem>>
    %dma_start3A_2369 = arith.constant 0 : i32
    %dma_start3A_2370 = tpu.memref_slice %arg4[%mul3A_2362, %dma_start3A_2369] : memref<100000x128xf32, #tpu.memory_space<hbm>> -> memref<128x128xf32, #tpu.memory_space<hbm>>
    %dma_start3A_2371 = tpu.memref_slice %arg11[%dma_start3A_2364] : memref<5x!tpu.dma_semaphore, #tpu.memory_space<semaphore_mem>> -> memref<1x!tpu.dma_semaphore, #tpu.memory_space<semaphore_mem>>
    %dma_start3A_2372 = tpu.memref_squeeze %dma_start3A_2371 : memref<1x!tpu.dma_semaphore, #tpu.memory_space<semaphore_mem>> -> memref<!tpu.dma_semaphore, #tpu.memory_space<semaphore_mem>>
    %dma_start3A_2373 = arith.constant 0 : i32
    %dma_start3A_2374 = tpu.memref_slice %arg4[%mul3A_2362, %dma_start3A_2373] : memref<100000x128xf32, #tpu.memory_space<hbm>> -> memref<128x128xf32, #tpu.memory_space<hbm>>
    %dma_start3A_2375 = arith.constant 0 : i32
    %dma_start3A_2376 = arith.constant 0 : i32
    %dma_start3A_2377 = tpu.memref_slice %arg6[%dma_start3A_2363, %dma_start3A_2375, %dma_start3A_2376] : memref<5x128x128xf32, #tpu.memory_space<vmem>> -> memref<1x128x128xf32, #tpu.memory_space<vmem>>
    %dma_start3A_2378 = tpu.memref_squeeze %dma_start3A_2377 : memref<1x128x128xf32, #tpu.memory_space<vmem>> -> memref<128x128xf32, #tpu.memory_space<vmem>>
    tpu.enqueue_dma source(%dma_start3A_2378 : memref<128x128xf32, #tpu.memory_space<vmem>>) target(%dma_start3A_2374 : memref<128x128xf32, #tpu.memory_space<hbm>>) target_semaphore(%dma_start3A_2372 : memref<!tpu.dma_semaphore, #tpu.memory_space<semaphore_mem>>)
    %lt3A_2379 = arith.constant 13 : i32
    %lt3A_2380 = arith.cmpi slt, %add3A, %lt3A_2379 : i32
    %convert_element_type3A_2381 = arith.extui %lt3A_2380 : i1 to i32
    %cond3A_2382 = arith.constant 0 : i32
    %cond3A_2383 = arith.cmpi ne, %convert_element_type3A_2381, %cond3A_2382 : i32
    scf.if %cond3A_2383 {
      %dma_wait3A_2478 = arith.constant 4 : i32
      %dma_wait3A_2479 = arith.constant 4 : i32
      %dma_wait3A_2480 = arith.constant 4 : i32
      %dma_wait3A_2481 = arith.constant 0 : i32
      %dma_wait3A_2482 = arith.constant 0 : i32
      %dma_wait3A_2483 = tpu.memref_slice %arg6[%dma_wait3A_2479, %dma_wait3A_2481, %dma_wait3A_2482] : memref<5x128x128xf32, #tpu.memory_space<vmem>> -> memref<1x128x128xf32, #tpu.memory_space<vmem>>
      %dma_wait3A_2484 = tpu.memref_squeeze %dma_wait3A_2483 : memref<1x128x128xf32, #tpu.memory_space<vmem>> -> memref<128x128xf32, #tpu.memory_space<vmem>>
      %dma_wait3A_2485 = arith.constant 0 : i32
      %dma_wait3A_2486 = tpu.memref_slice %arg5[%dma_wait3A_2478, %dma_wait3A_2485] : memref<5x128xi32, #tpu.memory_space<vmem>> -> memref<1x128xi32, #tpu.memory_space<vmem>>
      %dma_wait3A_2487 = tpu.memref_squeeze %dma_wait3A_2486 : memref<1x128xi32, #tpu.memory_space<vmem>> -> memref<128xi32, #tpu.memory_space<vmem>>
      %dma_wait3A_2488 = arith.constant 0 : i32
      %dma_wait3A_2489 = arith.constant 0 : i32
      %dma_wait3A_2490 = tpu.memref_slice %arg2[%dma_wait3A_2488, %dma_wait3A_2489] : memref<100x128xf32, #tpu.memory_space<hbm>> -> memref<100x128xf32, #tpu.memory_space<hbm>>
      %dma_wait3A_2491 = tpu.memref_slice %arg10[%dma_wait3A_2480] : memref<5x!tpu.dma_semaphore, #tpu.memory_space<semaphore_mem>> -> memref<1x!tpu.dma_semaphore, #tpu.memory_space<semaphore_mem>>
      %dma_wait3A_2492 = tpu.memref_squeeze %dma_wait3A_2491 : memref<1x!tpu.dma_semaphore, #tpu.memory_space<semaphore_mem>> -> memref<!tpu.dma_semaphore, #tpu.memory_space<semaphore_mem>>
      tpu.wait_indirect_dma semaphore(%dma_wait3A_2492 : memref<!tpu.dma_semaphore, #tpu.memory_space<semaphore_mem>>) src(%dma_wait3A_2490 : memref<100x128xf32, #tpu.memory_space<hbm>>) dst(%dma_wait3A_2484 : memref<128x128xf32, #tpu.memory_space<vmem>>)
    } else {
    }
    %lt3A_2384 = arith.constant 13 : i32
    %lt3A_2385 = arith.cmpi slt, %add3A, %lt3A_2384 : i32
    %convert_element_type3A_2386 = arith.extui %lt3A_2385 : i1 to i32
    %cond3A_2387 = arith.constant 0 : i32
    %cond3A_2388 = arith.cmpi ne, %convert_element_type3A_2386, %cond3A_2387 : i32
    scf.if %cond3A_2388 {
      %add3A_2478 = arith.constant 768 : i32
      %add3A_2479 = arith.addi %add3A, %add3A_2478 : i32
      %mul3A_2480 = arith.constant 128 : i32
      %mul3A_2481 = arith.muli %add3A_2479, %mul3A_2480 : i32
      %dma_start3A_2482 = arith.constant 4 : i32
      %dma_start3A_2483 = arith.constant 4 : i32
      %dma_start3A_2484 = arith.constant 0 : i32
      %dma_start3A_2485 = arith.constant 0 : i32
      %dma_start3A_2486 = tpu.memref_slice %arg6[%dma_start3A_2482, %dma_start3A_2484, %dma_start3A_2485] : memref<5x128x128xf32, #tpu.memory_space<vmem>> -> memref<1x128x128xf32, #tpu.memory_space<vmem>>
      %dma_start3A_2487 = tpu.memref_squeeze %dma_start3A_2486 : memref<1x128x128xf32, #tpu.memory_space<vmem>> -> memref<128x128xf32, #tpu.memory_space<vmem>>
      %dma_start3A_2488 = arith.constant 0 : i32
      %dma_start3A_2489 = tpu.memref_slice %arg4[%mul3A_2481, %dma_start3A_2488] : memref<100000x128xf32, #tpu.memory_space<hbm>> -> memref<128x128xf32, #tpu.memory_space<hbm>>
      %dma_start3A_2490 = tpu.memref_slice %arg11[%dma_start3A_2483] : memref<5x!tpu.dma_semaphore, #tpu.memory_space<semaphore_mem>> -> memref<1x!tpu.dma_semaphore, #tpu.memory_space<semaphore_mem>>
      %dma_start3A_2491 = tpu.memref_squeeze %dma_start3A_2490 : memref<1x!tpu.dma_semaphore, #tpu.memory_space<semaphore_mem>> -> memref<!tpu.dma_semaphore, #tpu.memory_space<semaphore_mem>>
      %dma_start3A_2492 = arith.constant 0 : i32
      %dma_start3A_2493 = tpu.memref_slice %arg4[%mul3A_2481, %dma_start3A_2492] : memref<100000x128xf32, #tpu.memory_space<hbm>> -> memref<128x128xf32, #tpu.memory_space<hbm>>
      %dma_start3A_2494 = arith.constant 0 : i32
      %dma_start3A_2495 = arith.constant 0 : i32
      %dma_start3A_2496 = tpu.memref_slice %arg6[%dma_start3A_2482, %dma_start3A_2494, %dma_start3A_2495] : memref<5x128x128xf32, #tpu.memory_space<vmem>> -> memref<1x128x128xf32, #tpu.memory_space<vmem>>
      %dma_start3A_2497 = tpu.memref_squeeze %dma_start3A_2496 : memref<1x128x128xf32, #tpu.memory_space<vmem>> -> memref<128x128xf32, #tpu.memory_space<vmem>>
      tpu.enqueue_dma source(%dma_start3A_2497 : memref<128x128xf32, #tpu.memory_space<vmem>>) target(%dma_start3A_2493 : memref<128x128xf32, #tpu.memory_space<hbm>>) target_semaphore(%dma_start3A_2491 : memref<!tpu.dma_semaphore, #tpu.memory_space<semaphore_mem>>)
    } else {
    }
    %add3A_2389 = arith.constant 640 : i32
    %add3A_2390 = arith.addi %add3A, %add3A_2389 : i32
    %mul3A_2391 = arith.constant 128 : i32
    %mul3A_2392 = arith.muli %add3A_2390, %mul3A_2391 : i32
    %dma_wait3A_2393 = arith.constant 0 : i32
    %dma_wait3A_2394 = arith.constant 0 : i32
    %dma_wait3A_2395 = arith.constant 0 : i32
    %dma_wait3A_2396 = arith.constant 0 : i32
    %dma_wait3A_2397 = tpu.memref_slice %arg6[%dma_wait3A_2393, %dma_wait3A_2395, %dma_wait3A_2396] : memref<5x128x128xf32, #tpu.memory_space<vmem>> -> memref<1x128x128xf32, #tpu.memory_space<vmem>>
    %dma_wait3A_2398 = tpu.memref_squeeze %dma_wait3A_2397 : memref<1x128x128xf32, #tpu.memory_space<vmem>> -> memref<128x128xf32, #tpu.memory_space<vmem>>
    %dma_wait3A_2399 = arith.constant 0 : i32
    %dma_wait3A_2400 = tpu.memref_slice %arg4[%mul3A_2392, %dma_wait3A_2399] : memref<100000x128xf32, #tpu.memory_space<hbm>> -> memref<128x128xf32, #tpu.memory_space<hbm>>
    %dma_wait3A_2401 = tpu.memref_slice %arg11[%dma_wait3A_2394] : memref<5x!tpu.dma_semaphore, #tpu.memory_space<semaphore_mem>> -> memref<1x!tpu.dma_semaphore, #tpu.memory_space<semaphore_mem>>
    %dma_wait3A_2402 = tpu.memref_squeeze %dma_wait3A_2401 : memref<1x!tpu.dma_semaphore, #tpu.memory_space<semaphore_mem>> -> memref<!tpu.dma_semaphore, #tpu.memory_space<semaphore_mem>>
    %dma_wait3A_2403 = arith.constant 0 : i32
    %dma_wait3A_2404 = tpu.memref_slice %arg4[%mul3A_2392, %dma_wait3A_2403] : memref<100000x128xf32, #tpu.memory_space<hbm>> -> memref<128x128xf32, #tpu.memory_space<hbm>>
    %dma_wait3A_2405 = arith.constant 0 : i32
    %dma_wait3A_2406 = arith.constant 0 : i32
    %dma_wait3A_2407 = tpu.memref_slice %arg6[%dma_wait3A_2393, %dma_wait3A_2405, %dma_wait3A_2406] : memref<5x128x128xf32, #tpu.memory_space<vmem>> -> memref<1x128x128xf32, #tpu.memory_space<vmem>>
    %dma_wait3A_2408 = tpu.memref_squeeze %dma_wait3A_2407 : memref<1x128x128xf32, #tpu.memory_space<vmem>> -> memref<128x128xf32, #tpu.memory_space<vmem>>
    tpu.wait_dma2 semaphore(%dma_wait3A_2402 : memref<!tpu.dma_semaphore, #tpu.memory_space<semaphore_mem>>) src(%dma_wait3A_2408 : memref<128x128xf32, #tpu.memory_space<vmem>>) dst(%dma_wait3A_2404 : memref<128x128xf32, #tpu.memory_space<hbm>>)
    %add3A_2409 = arith.constant 672 : i32
    %add3A_2410 = arith.addi %add3A, %add3A_2409 : i32
    %mul3A_2411 = arith.constant 128 : i32
    %mul3A_2412 = arith.muli %add3A_2410, %mul3A_2411 : i32
    %dma_wait3A_2413 = arith.constant 1 : i32
    %dma_wait3A_2414 = arith.constant 1 : i32
    %dma_wait3A_2415 = arith.constant 0 : i32
    %dma_wait3A_2416 = arith.constant 0 : i32
    %dma_wait3A_2417 = tpu.memref_slice %arg6[%dma_wait3A_2413, %dma_wait3A_2415, %dma_wait3A_2416] : memref<5x128x128xf32, #tpu.memory_space<vmem>> -> memref<1x128x128xf32, #tpu.memory_space<vmem>>
    %dma_wait3A_2418 = tpu.memref_squeeze %dma_wait3A_2417 : memref<1x128x128xf32, #tpu.memory_space<vmem>> -> memref<128x128xf32, #tpu.memory_space<vmem>>
    %dma_wait3A_2419 = arith.constant 0 : i32
    %dma_wait3A_2420 = tpu.memref_slice %arg4[%mul3A_2412, %dma_wait3A_2419] : memref<100000x128xf32, #tpu.memory_space<hbm>> -> memref<128x128xf32, #tpu.memory_space<hbm>>
    %dma_wait3A_2421 = tpu.memref_slice %arg11[%dma_wait3A_2414] : memref<5x!tpu.dma_semaphore, #tpu.memory_space<semaphore_mem>> -> memref<1x!tpu.dma_semaphore, #tpu.memory_space<semaphore_mem>>
    %dma_wait3A_2422 = tpu.memref_squeeze %dma_wait3A_2421 : memref<1x!tpu.dma_semaphore, #tpu.memory_space<semaphore_mem>> -> memref<!tpu.dma_semaphore, #tpu.memory_space<semaphore_mem>>
    %dma_wait3A_2423 = arith.constant 0 : i32
    %dma_wait3A_2424 = tpu.memref_slice %arg4[%mul3A_2412, %dma_wait3A_2423] : memref<100000x128xf32, #tpu.memory_space<hbm>> -> memref<128x128xf32, #tpu.memory_space<hbm>>
    %dma_wait3A_2425 = arith.constant 0 : i32
    %dma_wait3A_2426 = arith.constant 0 : i32
    %dma_wait3A_2427 = tpu.memref_slice %arg6[%dma_wait3A_2413, %dma_wait3A_2425, %dma_wait3A_2426] : memref<5x128x128xf32, #tpu.memory_space<vmem>> -> memref<1x128x128xf32, #tpu.memory_space<vmem>>
    %dma_wait3A_2428 = tpu.memref_squeeze %dma_wait3A_2427 : memref<1x128x128xf32, #tpu.memory_space<vmem>> -> memref<128x128xf32, #tpu.memory_space<vmem>>
    tpu.wait_dma2 semaphore(%dma_wait3A_2422 : memref<!tpu.dma_semaphore, #tpu.memory_space<semaphore_mem>>) src(%dma_wait3A_2428 : memref<128x128xf32, #tpu.memory_space<vmem>>) dst(%dma_wait3A_2424 : memref<128x128xf32, #tpu.memory_space<hbm>>)
    %add3A_2429 = arith.constant 704 : i32
    %add3A_2430 = arith.addi %add3A, %add3A_2429 : i32
    %mul3A_2431 = arith.constant 128 : i32
    %mul3A_2432 = arith.muli %add3A_2430, %mul3A_2431 : i32
    %dma_wait3A_2433 = arith.constant 2 : i32
    %dma_wait3A_2434 = arith.constant 2 : i32
    %dma_wait3A_2435 = arith.constant 0 : i32
    %dma_wait3A_2436 = arith.constant 0 : i32
    %dma_wait3A_2437 = tpu.memref_slice %arg6[%dma_wait3A_2433, %dma_wait3A_2435, %dma_wait3A_2436] : memref<5x128x128xf32, #tpu.memory_space<vmem>> -> memref<1x128x128xf32, #tpu.memory_space<vmem>>
    %dma_wait3A_2438 = tpu.memref_squeeze %dma_wait3A_2437 : memref<1x128x128xf32, #tpu.memory_space<vmem>> -> memref<128x128xf32, #tpu.memory_space<vmem>>
    %dma_wait3A_2439 = arith.constant 0 : i32
    %dma_wait3A_2440 = tpu.memref_slice %arg4[%mul3A_2432, %dma_wait3A_2439] : memref<100000x128xf32, #tpu.memory_space<hbm>> -> memref<128x128xf32, #tpu.memory_space<hbm>>
    %dma_wait3A_2441 = tpu.memref_slice %arg11[%dma_wait3A_2434] : memref<5x!tpu.dma_semaphore, #tpu.memory_space<semaphore_mem>> -> memref<1x!tpu.dma_semaphore, #tpu.memory_space<semaphore_mem>>
    %dma_wait3A_2442 = tpu.memref_squeeze %dma_wait3A_2441 : memref<1x!tpu.dma_semaphore, #tpu.memory_space<semaphore_mem>> -> memref<!tpu.dma_semaphore, #tpu.memory_space<semaphore_mem>>
    %dma_wait3A_2443 = arith.constant 0 : i32
    %dma_wait3A_2444 = tpu.memref_slice %arg4[%mul3A_2432, %dma_wait3A_2443] : memref<100000x128xf32, #tpu.memory_space<hbm>> -> memref<128x128xf32, #tpu.memory_space<hbm>>
    %dma_wait3A_2445 = arith.constant 0 : i32
    %dma_wait3A_2446 = arith.constant 0 : i32
    %dma_wait3A_2447 = tpu.memref_slice %arg6[%dma_wait3A_2433, %dma_wait3A_2445, %dma_wait3A_2446] : memref<5x128x128xf32, #tpu.memory_space<vmem>> -> memref<1x128x128xf32, #tpu.memory_space<vmem>>
    %dma_wait3A_2448 = tpu.memref_squeeze %dma_wait3A_2447 : memref<1x128x128xf32, #tpu.memory_space<vmem>> -> memref<128x128xf32, #tpu.memory_space<vmem>>
    tpu.wait_dma2 semaphore(%dma_wait3A_2442 : memref<!tpu.dma_semaphore, #tpu.memory_space<semaphore_mem>>) src(%dma_wait3A_2448 : memref<128x128xf32, #tpu.memory_space<vmem>>) dst(%dma_wait3A_2444 : memref<128x128xf32, #tpu.memory_space<hbm>>)
    %add3A_2449 = arith.constant 736 : i32
    %add3A_2450 = arith.addi %add3A, %add3A_2449 : i32
    %mul3A_2451 = arith.constant 128 : i32
    %mul3A_2452 = arith.muli %add3A_2450, %mul3A_2451 : i32
    %dma_wait3A_2453 = arith.constant 3 : i32
    %dma_wait3A_2454 = arith.constant 3 : i32
    %dma_wait3A_2455 = arith.constant 0 : i32
    %dma_wait3A_2456 = arith.constant 0 : i32
    %dma_wait3A_2457 = tpu.memref_slice %arg6[%dma_wait3A_2453, %dma_wait3A_2455, %dma_wait3A_2456] : memref<5x128x128xf32, #tpu.memory_space<vmem>> -> memref<1x128x128xf32, #tpu.memory_space<vmem>>
    %dma_wait3A_2458 = tpu.memref_squeeze %dma_wait3A_2457 : memref<1x128x128xf32, #tpu.memory_space<vmem>> -> memref<128x128xf32, #tpu.memory_space<vmem>>
    %dma_wait3A_2459 = arith.constant 0 : i32
    %dma_wait3A_2460 = tpu.memref_slice %arg4[%mul3A_2452, %dma_wait3A_2459] : memref<100000x128xf32, #tpu.memory_space<hbm>> -> memref<128x128xf32, #tpu.memory_space<hbm>>
    %dma_wait3A_2461 = tpu.memref_slice %arg11[%dma_wait3A_2454] : memref<5x!tpu.dma_semaphore, #tpu.memory_space<semaphore_mem>> -> memref<1x!tpu.dma_semaphore, #tpu.memory_space<semaphore_mem>>
    %dma_wait3A_2462 = tpu.memref_squeeze %dma_wait3A_2461 : memref<1x!tpu.dma_semaphore, #tpu.memory_space<semaphore_mem>> -> memref<!tpu.dma_semaphore, #tpu.memory_space<semaphore_mem>>
    %dma_wait3A_2463 = arith.constant 0 : i32
    %dma_wait3A_2464 = tpu.memref_slice %arg4[%mul3A_2452, %dma_wait3A_2463] : memref<100000x128xf32, #tpu.memory_space<hbm>> -> memref<128x128xf32, #tpu.memory_space<hbm>>
    %dma_wait3A_2465 = arith.constant 0 : i32
    %dma_wait3A_2466 = arith.constant 0 : i32
    %dma_wait3A_2467 = tpu.memref_slice %arg6[%dma_wait3A_2453, %dma_wait3A_2465, %dma_wait3A_2466] : memref<5x128x128xf32, #tpu.memory_space<vmem>> -> memref<1x128x128xf32, #tpu.memory_space<vmem>>
    %dma_wait3A_2468 = tpu.memref_squeeze %dma_wait3A_2467 : memref<1x128x128xf32, #tpu.memory_space<vmem>> -> memref<128x128xf32, #tpu.memory_space<vmem>>
    tpu.wait_dma2 semaphore(%dma_wait3A_2462 : memref<!tpu.dma_semaphore, #tpu.memory_space<semaphore_mem>>) src(%dma_wait3A_2468 : memref<128x128xf32, #tpu.memory_space<vmem>>) dst(%dma_wait3A_2464 : memref<128x128xf32, #tpu.memory_space<hbm>>)
    %lt3A_2469 = arith.constant 13 : i32
    %lt3A_2470 = arith.cmpi slt, %add3A, %lt3A_2469 : i32
    %convert_element_type3A_2471 = arith.extui %lt3A_2470 : i1 to i32
    %cond3A_2472 = arith.constant 0 : i32
    %cond3A_2473 = arith.cmpi ne, %convert_element_type3A_2471, %cond3A_2472 : i32
    scf.if %cond3A_2473 {
      %add3A_2478 = arith.constant 768 : i32
      %add3A_2479 = arith.addi %add3A, %add3A_2478 : i32
      %mul3A_2480 = arith.constant 128 : i32
      %mul3A_2481 = arith.muli %add3A_2479, %mul3A_2480 : i32
      %dma_wait3A_2482 = arith.constant 4 : i32
      %dma_wait3A_2483 = arith.constant 4 : i32
      %dma_wait3A_2484 = arith.constant 0 : i32
      %dma_wait3A_2485 = arith.constant 0 : i32
      %dma_wait3A_2486 = tpu.memref_slice %arg6[%dma_wait3A_2482, %dma_wait3A_2484, %dma_wait3A_2485] : memref<5x128x128xf32, #tpu.memory_space<vmem>> -> memref<1x128x128xf32, #tpu.memory_space<vmem>>
      %dma_wait3A_2487 = tpu.memref_squeeze %dma_wait3A_2486 : memref<1x128x128xf32, #tpu.memory_space<vmem>> -> memref<128x128xf32, #tpu.memory_space<vmem>>
      %dma_wait3A_2488 = arith.constant 0 : i32
      %dma_wait3A_2489 = tpu.memref_slice %arg4[%mul3A_2481, %dma_wait3A_2488] : memref<100000x128xf32, #tpu.memory_space<hbm>> -> memref<128x128xf32, #tpu.memory_space<hbm>>
      %dma_wait3A_2490 = tpu.memref_slice %arg11[%dma_wait3A_2483] : memref<5x!tpu.dma_semaphore, #tpu.memory_space<semaphore_mem>> -> memref<1x!tpu.dma_semaphore, #tpu.memory_space<semaphore_mem>>
      %dma_wait3A_2491 = tpu.memref_squeeze %dma_wait3A_2490 : memref<1x!tpu.dma_semaphore, #tpu.memory_space<semaphore_mem>> -> memref<!tpu.dma_semaphore, #tpu.memory_space<semaphore_mem>>
      %dma_wait3A_2492 = arith.constant 0 : i32
      %dma_wait3A_2493 = tpu.memref_slice %arg4[%mul3A_2481, %dma_wait3A_2492] : memref<100000x128xf32, #tpu.memory_space<hbm>> -> memref<128x128xf32, #tpu.memory_space<hbm>>
      %dma_wait3A_2494 = arith.constant 0 : i32
      %dma_wait3A_2495 = arith.constant 0 : i32
      %dma_wait3A_2496 = tpu.memref_slice %arg6[%dma_wait3A_2482, %dma_wait3A_2494, %dma_wait3A_2495] : memref<5x128x128xf32, #tpu.memory_space<vmem>> -> memref<1x128x128xf32, #tpu.memory_space<vmem>>
      %dma_wait3A_2497 = tpu.memref_squeeze %dma_wait3A_2496 : memref<1x128x128xf32, #tpu.memory_space<vmem>> -> memref<128x128xf32, #tpu.memory_space<vmem>>
      tpu.wait_dma2 semaphore(%dma_wait3A_2491 : memref<!tpu.dma_semaphore, #tpu.memory_space<semaphore_mem>>) src(%dma_wait3A_2497 : memref<128x128xf32, #tpu.memory_space<vmem>>) dst(%dma_wait3A_2493 : memref<128x128xf32, #tpu.memory_space<hbm>>)
    } else {
    }
    %eq3A = arith.constant 31 : i32
    %eq3A_2474 = arith.cmpi eq, %add3A, %eq3A : i32
    %convert_element_type3A_2475 = arith.extui %eq3A_2474 : i1 to i32
    %cond3A_2476 = arith.constant 0 : i32
    %cond3A_2477 = arith.cmpi ne, %convert_element_type3A_2475, %cond3A_2476 : i32
    scf.if %cond3A_2477 {
      "tpu.region"() ({
        %run_scoped3A = tpu.sem_alloc : memref<!tpu.dma_semaphore, #tpu.memory_space<semaphore_mem>>
        %dma_start3A_2490 = arith.constant 99968 : i32
        %dma_start3A_2491 = tpu.memref_slice %arg3[%dma_start3A_2490] : memref<100000xi32, #tpu.memory_space<hbm>> -> memref<32xi32, #tpu.memory_space<hbm>>
        %dma_start3A_2492 = arith.constant 99968 : i32
        %dma_start3A_2493 = tpu.memref_slice %arg3[%dma_start3A_2492] : memref<100000xi32, #tpu.memory_space<hbm>> -> memref<32xi32, #tpu.memory_space<hbm>>
        tpu.enqueue_dma source(%dma_start3A_2493 : memref<32xi32, #tpu.memory_space<hbm>>) target(%arg7 : memref<32xi32, #tpu.memory_space<vmem>>) target_semaphore(%run_scoped3A : memref<!tpu.dma_semaphore, #tpu.memory_space<semaphore_mem>>)
        %dma_wait3A_2494 = arith.constant 99968 : i32
        %dma_wait3A_2495 = tpu.memref_slice %arg3[%dma_wait3A_2494] : memref<100000xi32, #tpu.memory_space<hbm>> -> memref<32xi32, #tpu.memory_space<hbm>>
        %dma_wait3A_2496 = arith.constant 99968 : i32
        %dma_wait3A_2497 = tpu.memref_slice %arg3[%dma_wait3A_2496] : memref<100000xi32, #tpu.memory_space<hbm>> -> memref<32xi32, #tpu.memory_space<hbm>>
        tpu.wait_dma2 semaphore(%run_scoped3A : memref<!tpu.dma_semaphore, #tpu.memory_space<semaphore_mem>>) src(%dma_wait3A_2497 : memref<32xi32, #tpu.memory_space<hbm>>) dst(%arg7 : memref<32xi32, #tpu.memory_space<vmem>>)
        tpu.yield
      }) : () -> ()
      %dma_start3A_2478 = arith.constant 0 : i32
      %dma_start3A_2479 = arith.constant 0 : i32
      %dma_start3A_2480 = arith.constant 0 : i32
      %dma_start3A_2481 = tpu.memref_slice %arg2[%dma_start3A_2479, %dma_start3A_2480] : memref<100x128xf32, #tpu.memory_space<hbm>> -> memref<100x128xf32, #tpu.memory_space<hbm>>
      %dma_start3A_2482 = tpu.memref_slice %arg10[%dma_start3A_2478] : memref<5x!tpu.dma_semaphore, #tpu.memory_space<semaphore_mem>> -> memref<1x!tpu.dma_semaphore, #tpu.memory_space<semaphore_mem>>
      %dma_start3A_2483 = tpu.memref_squeeze %dma_start3A_2482 : memref<1x!tpu.dma_semaphore, #tpu.memory_space<semaphore_mem>> -> memref<!tpu.dma_semaphore, #tpu.memory_space<semaphore_mem>>
      tpu.enqueue_indirect_dma source(%dma_start3A_2481 : memref<100x128xf32, #tpu.memory_space<hbm>>) target(%arg8 : memref<32x128xf32, #tpu.memory_space<vmem>>) offsets(%arg7 : memref<32xi32, #tpu.memory_space<vmem>>) semaphore(%dma_start3A_2483 : memref<!tpu.dma_semaphore, #tpu.memory_space<semaphore_mem>>)
      %dma_wait3A_2484 = arith.constant 0 : i32
      %dma_wait3A_2485 = arith.constant 0 : i32
      %dma_wait3A_2486 = arith.constant 0 : i32
      %dma_wait3A_2487 = tpu.memref_slice %arg2[%dma_wait3A_2485, %dma_wait3A_2486] : memref<100x128xf32, #tpu.memory_space<hbm>> -> memref<100x128xf32, #tpu.memory_space<hbm>>
      %dma_wait3A_2488 = tpu.memref_slice %arg10[%dma_wait3A_2484] : memref<5x!tpu.dma_semaphore, #tpu.memory_space<semaphore_mem>> -> memref<1x!tpu.dma_semaphore, #tpu.memory_space<semaphore_mem>>
      %dma_wait3A_2489 = tpu.memref_squeeze %dma_wait3A_2488 : memref<1x!tpu.dma_semaphore, #tpu.memory_space<semaphore_mem>> -> memref<!tpu.dma_semaphore, #tpu.memory_space<semaphore_mem>>
      tpu.wait_indirect_dma semaphore(%dma_wait3A_2489 : memref<!tpu.dma_semaphore, #tpu.memory_space<semaphore_mem>>) src(%dma_wait3A_2487 : memref<100x128xf32, #tpu.memory_space<hbm>>) dst(%arg8 : memref<32x128xf32, #tpu.memory_space<vmem>>)
      "tpu.region"() ({
        %run_scoped3A = tpu.sem_alloc : memref<!tpu.dma_semaphore, #tpu.memory_space<semaphore_mem>>
        %dma_start3A_2490 = arith.constant 99968 : i32
        %dma_start3A_2491 = arith.constant 0 : i32
        %dma_start3A_2492 = tpu.memref_slice %arg4[%dma_start3A_2490, %dma_start3A_2491] : memref<100000x128xf32, #tpu.memory_space<hbm>> -> memref<32x128xf32, #tpu.memory_space<hbm>>
        %dma_start3A_2493 = arith.constant 99968 : i32
        %dma_start3A_2494 = arith.constant 0 : i32
        %dma_start3A_2495 = tpu.memref_slice %arg4[%dma_start3A_2493, %dma_start3A_2494] : memref<100000x128xf32, #tpu.memory_space<hbm>> -> memref<32x128xf32, #tpu.memory_space<hbm>>
        tpu.enqueue_dma source(%arg8 : memref<32x128xf32, #tpu.memory_space<vmem>>) target(%dma_start3A_2495 : memref<32x128xf32, #tpu.memory_space<hbm>>) target_semaphore(%run_scoped3A : memref<!tpu.dma_semaphore, #tpu.memory_space<semaphore_mem>>)
        %dma_wait3A_2496 = arith.constant 99968 : i32
        %dma_wait3A_2497 = arith.constant 0 : i32
        %dma_wait3A_2498 = tpu.memref_slice %arg4[%dma_wait3A_2496, %dma_wait3A_2497] : memref<100000x128xf32, #tpu.memory_space<hbm>> -> memref<32x128xf32, #tpu.memory_space<hbm>>
        %dma_wait3A_2499 = arith.constant 99968 : i32
        %dma_wait3A_2500 = arith.constant 0 : i32
        %dma_wait3A_2501 = tpu.memref_slice %arg4[%dma_wait3A_2499, %dma_wait3A_2500] : memref<100000x128xf32, #tpu.memory_space<hbm>> -> memref<32x128xf32, #tpu.memory_space<hbm>>
        tpu.wait_dma2 semaphore(%run_scoped3A : memref<!tpu.dma_semaphore, #tpu.memory_space<semaphore_mem>>) src(%arg8 : memref<32x128xf32, #tpu.memory_space<vmem>>) dst(%dma_wait3A_2501 : memref<32x128xf32, #tpu.memory_space<hbm>>)
        tpu.yield
      }) : () -> ()
    } else {
    }
    return
  }
}

</mosaic_0001>

<sc_bundles>
// kernel: kernel.3.cloned.1.call-start
scs
__scs_entry_jumppad:
0x0: {  	(pc) =	sbr.rel $0x88, $3  }
0x1: {  	(tag) =	ssettag $0x0;
	lr =	simm.s32 $0x1  }
0x2: {  	[smem:$0x3F9F] =	sst lr;
	_ =	strace $0xD0000000  }
0x3: {  	_ = 	snop  }
0x4: {  	_ = 	snop  }
0x5: {  	_ = 	snop  }
0x6: {  	_ = 	snop  }
0x7: {  	_ = 	snop  }
__scs_overlays_trampoline_lowered:
0x8: {  	[smem:$0x3FAE] =	sst s0  }
0x9: {  	[smem:$0x3FAF] =	sst s1  }
0xa: {  	[smem:$0x3FB0] =	sst s2  }
0xb: {  	[smem:$0x3FB1] =	sst s3  }
0xc: {  	[smem:$0x3FB2] =	sst s4  }
0xd: {  	[smem:$0x3FB3] =	sst s5  }
0xe: {  	[smem:$0x3FB4] =	sst s6  }
0xf: {  	[smem:$0x3FB5] =	sst s7  }
0x10: {  	[smem:$0x3FB6] =	sst s8  }
0x11: {  	[smem:$0x3FB7] =	sst s9;
	s0 =	simm.s32 @!p0 $0x0  }
0x12: {  	s1 =	sld [smem:$0x3F9D];
	s0 =	simm.s32 @p0 $0x1  }
0x13: {  	[smem:$0x3FB8] =	sst s0;
	s0 =	simm.s32 @!p1 $0x0  }
0x14: {  	s2 =	sld [smem:$0x3F9C];
	s0 =	simm.s32 @p1 $0x1  }
0x15: {  	[smem:$0x3FB9] =	sst s0;
	s0 =	simm.s32 @!p2 $0x0  }
0x16: {  	s3 =	sld [smem:$0x3FDB];
	s0 =	simm.s32 @p2 $0x1  }
0x17: {  	s4 =	simm.s32 $0x1BF5;
	[smem:$0x3FBB] =	sst s0  }
0x18: {  	s0 =	sld [smem:$0x3F9E];
	_ =	swait.ge [sflag:s4], $0x0  }
0x19: {  	s7 =	sld [smem:$0x3F9F]  }
0x1a: {  	s8 =	sadd.s32 $0xFFFFE003, lr  }
0x1b: {  	s9 =	sadd.s32 $0xFFFFFEF7, lr;
	s5 =	simm.s32 $0xFFFFFFFF;
	p2 =	slt.u32 s8, $0xFFFFF086  }
0x1c: {  	p1 =	slt.u32 s9, $0xF7A;
	s5 =	simm.s32 @!p2 $0x0  }
0x1d: {  	s5 =	simm.s32 @p1 $0x1;
	p0 =	seq.s32 s7, s2  }
0x1e: {  	s7 =	smul.u32 @!p0 $0xF7A, s2;
	p2 =	seq.s32 @!p0 s5, $0x0  }
0x1f: {  	s9 =	smul.u32 $0xF7A, s1;
	s8 =	simm.s32 @!p0 $0x1BF5;
	p2 =	por !p2, p0  }
0x20: {  	[sflag:s8] =	ssyncset.s32 @!p0 $0xFFFFF086;
	s6 =	sadd.s32 @!p0 s3, s7;
	s7 =	simm.s32 @!p0 $0x108  }
0x21: {  	s3 =	sadd.s32 s3, s9;
	s6 =	sadd.s32 @!p0 $0x88, s6;
	s7 =	simm.s32 @p2 $0x1082  }
0x22: {  	[simem:s7], [sflag:s8] =	dma.local @!p0 [hbm:s6], $0xF7A  }
0x23: {  	s9 =	sor.u32 $0xD0000000, s2;
	s6 =	simm.s32 $0x108;
	_ =	swait.ge @!p0 [sflag:s8], $0x0  }
0x24: {  	s3 =	sadd.s32 $0x88, s3;
	s6 =	simm.s32 @!p1 $0x1082;
	[sflag:s4] =	ssyncset.s32 $0xFFFFF086  }
0x25: {  	[simem:s6], [sflag:s4] =	dma.local [hbm:s3], $0xF7A  }
0x26: {  	[smem:$0x3F9F] =	sst s1;
	(tag) =	ssettag s2;
	_ =	strace s9  }
0x27: {  	s1 =	sld [smem:$0x3FAF]  }
0x28: {  	s2 =	sld [smem:$0x3FB0]  }
0x29: {  	s4 =	sld [smem:$0x3FB2]  }
0x2a: {  	p0 =	seq.s32 s5, $0x0;
	s5 =	sld [smem:$0x3FB3]  }
0x2b: {  	s6 =	sld [smem:$0x3FB4]  }
0x2c: {  	s7 =	sld [smem:$0x3FB5]  }
0x2d: {  	s3 =	simm.s32 $0x108;
	s8 =	sld [smem:$0x3FB6]  }
0x2e: {  	s3 =	simm.s32 @!p0 $0x1082;
	s9 =	sld [smem:$0x3FB7]  }
0x2f: {  	lr =	sadd.s32 s0, s3;
	s0 =	sld [smem:$0x3FAE]  }
0x30: {  	s3 =	sld [smem:$0x3FB1]  }
0x31: {  	[smem:$0x3FBA] =	sst s10  }
0x32: {  	s10 =	sld [smem:$0x3FB8];
	_ =	sdelay $0x3  }
0x33: {  	p0 =	seq.s32 s10, $0x1;
	s10 =	sld [smem:$0x3FBA];
	_ =	sdelay $0x3  }
0x34: {  	[smem:$0x3FBA] =	sst s10  }
0x35: {  	s10 =	sld [smem:$0x3FB9];
	_ =	sdelay $0x3  }
0x36: {  	p1 =	seq.s32 s10, $0x1;
	s10 =	sld [smem:$0x3FBA];
	_ =	sdelay $0x3  }
0x37: {  	[smem:$0x3FBA] =	sst s10  }
0x38: {  	s10 =	sld [smem:$0x3FBB]  }
0x39: {  	_ = 	snop;
	(pc) =	sbr.ind lr, $3  }
0x3a: {  	_ = 	snop  }
0x3b: {  	_ = 	snop  }
0x3c: {  	p2 =	seq.s32 s10, $0x1;
	s10 =	sld [smem:$0x3FBA]  }
0x3d: {  	_ =	shalt  }
0x3e: {  	_ =	shalt  }
0x3f: {  	_ =	shalt  }
0x40: {  	_ =	shalt  }
0x41: {  	_ =	shalt  }
0x42: {  	_ =	shalt  }
0x43: {  	_ =	shalt  }
0x44: {  	_ =	shalt  }
0x45: {  	_ =	shalt  }
0x46: {  	_ =	shalt  }
0x47: {  	_ =	shalt  }
0x48: {  	_ =	shalt  }
0x49: {  	_ =	shalt  }
0x4a: {  	_ =	shalt  }
0x4b: {  	_ =	shalt  }
0x4c: {  	_ =	shalt  }
0x4d: {  	_ =	shalt  }
0x4e: {  	_ =	shalt  }
0x4f: {  	_ =	shalt  }
0x50: {  	_ =	shalt  }
0x51: {  	_ =	shalt  }
0x52: {  	_ =	shalt  }
0x53: {  	_ =	shalt  }
0x54: {  	_ =	shalt  }
0x55: {  	_ =	shalt  }
0x56: {  	_ =	shalt  }
0x57: {  	_ =	shalt  }
0x58: {  	_ =	shalt  }
0x59: {  	_ =	shalt  }
0x5a: {  	_ =	shalt  }
0x5b: {  	_ =	shalt  }
0x5c: {  	_ =	shalt  }
0x5d: {  	_ =	shalt  }
0x5e: {  	_ =	shalt  }
0x5f: {  	_ =	shalt  }
0x60: {  	_ =	shalt  }
0x61: {  	_ =	shalt  }
0x62: {  	_ =	shalt  }
0x63: {  	_ =	shalt  }
0x64: {  	_ =	shalt  }
0x65: {  	_ =	shalt  }
0x66: {  	_ =	shalt  }
0x67: {  	_ =	shalt  }
0x68: {  	_ =	shalt  }
0x69: {  	_ =	shalt  }
0x6a: {  	_ =	shalt  }
0x6b: {  	_ =	shalt  }
0x6c: {  	_ =	shalt  }
0x6d: {  	_ =	shalt  }
0x6e: {  	_ =	shalt  }
0x6f: {  	_ =	shalt  }
0x70: {  	_ =	shalt  }
0x71: {  	_ =	shalt  }
0x72: {  	_ =	shalt  }
0x73: {  	_ =	shalt  }
0x74: {  	_ =	shalt  }
0x75: {  	_ =	shalt  }
0x76: {  	_ =	shalt  }
0x77: {  	_ =	shalt  }
0x78: {  	_ =	shalt  }
0x79: {  	_ =	shalt  }
0x7a: {  	_ =	shalt  }
0x7b: {  	_ =	shalt  }
0x7c: {  	_ =	shalt  }
0x7d: {  	_ =	shalt  }
0x7e: {  	_ =	shalt  }
0x7f: {  	_ =	shalt  }
0x80: {  	_ =	shalt  }
0x81: {  	_ =	shalt  }
0x82: {  	_ =	shalt  }
0x83: {  	_ =	shalt  }
0x84: {  	_ =	shalt  }
0x85: {  	_ =	shalt  }
0x86: {  	_ =	shalt  }
0x87: {  	_ =	shalt  }
.Lfunc_end0:
.L_simem_size_0:
called_computation_lowered:
.L_overlay_start_0:
0x88: {  	s2 =	sld [smem:$0x3FD9]  }
0x89: {  	s3 =	sld [smem:$0x3FFE];
	_ =	sdelay $0x1  }
0x8a: {  	s1 =	srdreg.scid  }
0x8b: {  	s0 =	sand.u32 $0x1, s1  }
0x8c: {  	s18 =	sshll.u32 s0, $0xA;
	s2 =	sadd.s32 s3, s2  }
0x8d: {  	s2 =	sadd.s32 s2, s18  }
0x8e: {  	[smem:$0x3FC6] =	sst s2  }
0x8f: {  	_ = 	snop  }
0x90: {  	s2 =	sld [smem:$0x3FC9]  }
0x91: {  	s19 =	sld [smem:$0x3FC8]  }
0x92: {  	s4 =	sld [smem:$0x3FD0];
	(tm) =	ssettm $0x1  }
0x93: {  	s5 =	sld [smem:$0x3FFB];
	_ =	sdelay $0x3  }
0x94: {  	_ =	strace s5  }
0x95: {  	s5 =	sld [smem:$0x3FFC];
	_ =	sdelay $0x3  }
0x96: {  	_ =	strace s5  }
0x97: {  	s5 =	sld [smem:$0x3FFD];
	_ =	sdelay $0x3  }
0x98: {  	_ =	strace s5  }
0x99: {  	_ =	strace $0x8FFFFFFF  }
0x9a: {  	s20 =	sld [smem:$0x3FDB];
	_ =	sdelay $0x1  }
0x9b: {  	s6 =	simm.s32 $_scs_section_size  }
0x9c: {  	s7 =	simm.s32 $_size__tile_overlayer_lowered;
	s8 =	simm.s32 $_tile_overlayer_lowered  }
0x9d: {  	s23 =	simm.s32 $0x1BFF;
	s22 =	sshll.u32 s8, $0x1;
	s5 =	sadd.s32 s6, s20  }
0x9e: {  	s9 =	simm.s32 $0x0;
	s21 =	sshll.u32 s7, $0x1;
	s7 =	sadd.s32 s22, s5  }
0x9f: {  	[timem:s9], [sflag:s23] =	dma.local [hbm:s7], s21  }
0xa0: {  	_ =	swait.ge [sflag:s23], s21  }
0xa1: {  	s6 =	ssub.s32 $0x0, s21;
	[sflag:s23] =	ssyncset.done $0x0  }
0xa2: {  	[sflag:s23] =	ssyncadd.s32 s6;
	_ =	sdelay $0x1  }
0xa3: {  	s24 =	simm.s32 $0x1B8B  }
0xa4: {  	_ =	swait.ge [sflag:s24], $0x1  }
0xa5: {  	[sflag:s24] =	ssyncset.done $0x0  }
0xa6: {  	s25 =	simm.s32 $0x1B8E;
	[sflag:s24] =	ssyncadd.s32 $0xFFFFFFFF  }
0xa7: {  	s26 =	simm.s32 $execute0_lowered;
	[smem:$0x3FD2] =	sst s25  }
0xa8: {  	s6 =	sshll.u32 s26, $0x1;
	_ =	strace $0x80000046;
	[dreg:$0x1] =	wrdreg $0xFFFFFFFF  }
0xa9: {  	s28 =	simm.s32 $_size_execute0_lowered;
	s5 =	sadd.s32 s5, s6;
	[dreg:$0x0] =	wrdreg $0x0  }
0xaa: {  	s6 =	sshll.u32 s28, $0x1;
	[dreg:$0x2] =	wrdreg s5  }
0xab: {  	[dreg:$0x3] =	wrdreg s6  }
0xac: {  	[dreg:$0x4] =	wrdreg $0xC0  }
0xad: {  	_ =	task [dreg:s9], $0x5FFFF  }
0xae: {  	[dreg:$0x1] =	wrdreg $0xFFFFFFFF  }
0xaf: {  	[dreg:$0x0] =	wrdreg $0x60  }
0xb0: {  	[dreg:$0x2] =	wrdreg s19  }
0xb1: {  	[dreg:$0x3] =	wrdreg s2  }
0xb2: {  	[dreg:$0x4] =	wrdreg s4  }
0xb3: {  	[dreg:$0x5] =	wrdreg $0x9  }
0xb4: {  	_ =	task.clear_ibuf [dreg:s9], $0x6FFFF;
	_ =	strace $0x90000046  }
0xb5: {  	s29 =	simm.s32 $0x9;
	_ =	strace $0x80000048  }
0xb6: {  	_ =	swait.ge [sflag:s29], $0x1  }
0xb7: {  	[sflag:s29] =	ssyncadd.s32 $0xFFFFFFFF  }
0xb8: {  	_ =	strace $0x90000048  }
0xb9: {  	_ =	sfence  }
0xba: {  	s30 =	sld [smem:$0x0];
	_ =	sdelay $0x2  }
0xbb: {  	s31 =	sshll.u32 s1, $0xD;
	s1 =	sshrl.u32 s1, $0x2  }
0xbc: {  	s3 =	sand.u32 $0x4000, s31;
	s1 =	sadd.s32 s1, s30  }
0xbd: {  	s0 =	sor.u32 s3, s0;
	s1 =	sshll.u32 s1, $0x11  }
0xbe: {  	s0 =	sor.u32 s1, s0  }
0xbf: {  	s0 =	sadd.s32 $0x8F2B, s0  }
0xc0: {  	[sflag:s0] =	ssyncadd.remote.s32 $0x1  }
0xc1: {  	_ =	sfence.sel $0xFFFF  }
0xc2: {  	[dreg:$0x0] =	wrdreg $0xFFFFFFFF;
	(pc) =	sbr.abs _section_cstart, $3  }
0xc3: {  	[dreg:$0x1] =	wrdreg $0xFFFFFFFF  }
0xc4: {  	_ =	task.clear_ibuf [dreg:s9], $0x2FFFF;
	_ =	strace $0x9FFFFFFF  }
0xc5: {  	(tm) =	ssettm $0x7FFFFFFF  }
tec
execute0_lowered:
.L_overlay_start_1:
0x0: {  	(tag) =	ssettag $0x1  }
0x1: {  	s2 =	rddreg [dreg:$0x0]  }
0x2: {  	s4 =	rddreg [dreg:$0x1]  }
0x3: {  	s0 =	srdreg.scid;
	s1 =	rddreg [dreg:$0x2]  }
0x4: {  	s30 =	stileid.u32;
	s31 =	rddreg [dreg:$0x3];
	s3 =	simm.s32 $0x0  }
0x5: {  	s28 =	simm.s32 $0xC400;
	s5 =	sand.u32 $0x1, s0;
	s17 =	sshll.u32 s30, $0x1  }
0x6: {  	p2 =	por $0x0, $0x0;
	[smem:$0x7FF] =	sst s3;
	s0 =	sor.u32 s5, s17  }
0x7: {  	_ =	strace $0x80000047;
	s5 =	ssub.s32 $0x2, s5;
	s6 =	sshll.u32 s0, $0x7  }
0x8: {  	p0 =	sgt.u32 s0, $0xC;
	s7 =	sor.u32 $0x1000, s6;
	s9 =	sor.u32 $0x2000, s6  }
0x9: {  	s19 =	sor.u32 $0x3000, s6;
	s11 =	sor.u32 $0x4000, s6;
	s13 =	sor.u32 $0x5000, s6  }
0xa: {  	p1 =	sne.s32 @p0 s0, $0x1F;
	s8 =	sshrl.u32 s7, $0x3;
	s10 =	sshrl.u32 s9, $0x3  }
0xb: {  	s20 =	sshrl.u32 s19, $0x3;
	s12 =	sshrl.u32 s11, $0x3;
	s22 =	sshrl.u32 s13, $0x3  }
0xc: {  	s7 =	sshll.u32 s7, $0x4;
	s9 =	sshll.u32 s9, $0x4;
	s8 =	sadd.s32 s4, s8  }
0xd: {  	s14 =	sshll.u32 s19, $0x4;
	s18 =	sadd.s32 s4, s10;
	[dreg:$0x4] =	wrdreg s8  }
0xe: {  	s17 =	sshll.u32 s11, $0x4;
	s21 =	sadd.s32 s4, s12;
	[dreg:$0x5] =	wrdreg s18  }
0xf: {  	s11 =	sor.u32 $0x9000, s6;
	s23 =	sadd.s32 s4, s22;
	[dreg:$0x7] =	wrdreg s21  }
0x10: {  	p1 =	por p1, !p0;
	s7 =	sadd.s32 s1, s7;
	[dreg:$0x8] =	wrdreg s23  }
0x11: {  	s12 =	sor.u32 $0x7000, s6;
	s25 =	sadd.s32 s1, s9;
	[dreg:$0x9] =	wrdreg s7  }
0x12: {  	s15 =	sadd.s32 s1, s14;
	s19 =	sshrl.u32 s11, $0x3;
	[dreg:$0xb] =	wrdreg s25  }
0x13: {  	s8 =	sadd.s32 s4, s20;
	s26 =	sshrl.u32 s12, $0x3;
	[dreg:$0xd] =	wrdreg s15  }
0x14: {  	s18 =	sadd.s32 s1, s17;
	s20 =	sadd.s32 s4, s19;
	s21 =	sshll.u32 s13, $0x4  }
0x15: {  	s23 =	sor.u32 $0xA000, s6;
	s13 =	sor.u32 $0xB000, s6;
	s12 =	sshll.u32 s12, $0x4  }
0x16: {  	s19 =	sshll.u32 s11, $0x4;
	s11 =	sor.u32 $0xF000, s6;
	[dreg:$0x6] =	wrdreg s8  }
0x17: {  	s8 =	sor.u32 $0x6000, s6;
	s9 =	sadd.s32 s4, s26;
	[dreg:$0xf] =	wrdreg s18  }
0x18: {  	[dreg:$0x10] =	wrdreg s20;
	s22 =	sadd.s32 s1, s21;
	s26 =	sshrl.u32 s13, $0x3  }
0x19: {  	s14 =	sadd.s32 s1, s12;
	s12 =	sor.u32 $0xD000, s6;
	s20 =	sadd.s32 s1, s19  }
0x1a: {  	s21 =	sor.u32 $0xE000, s6;
	s10 =	sshll.u32 s23, $0x4;
	[dreg:$0xc] =	wrdreg s9  }
0x1b: {  	s24 =	sshrl.u32 s8, $0x3;
	s9 =	sor.u32 $0x8000, s6;
	[dreg:$0x11] =	wrdreg s22  }
0x1c: {  	s8 =	sshll.u32 s8, $0x4;
	[dreg:$0x15] =	wrdreg s14;
	s17 =	sshrl.u32 s12, $0x3  }
0x1d: {  	[dreg:$0x19] =	wrdreg s20;
	s22 =	sshrl.u32 s21, $0x3;
	s7 =	sadd.s32 s4, s24  }
0x1e: {  	s16 =	sshrl.u32 s9, $0x3;
	s24 =	sshrl.u32 s23, $0x3;
	s25 =	sadd.s32 s1, s8  }
0x1f: {  	s8 =	sadd.s32 s4, s26;
	s9 =	sshll.u32 s9, $0x4;
	[dreg:$0xa] =	wrdreg s7  }
0x20: {  	s18 =	sadd.s32 s4, s17;
	s23 =	sadd.s32 s1, s10;
	[dreg:$0x13] =	wrdreg s25  }
0x21: {  	s26 =	sshll.u32 s13, $0x4;
	s10 =	sor.u32 $0x10000, s6;
	[dreg:$0x14] =	wrdreg s8  }
0x22: {  	s7 =	sadd.s32 s4, s16;
	s8 =	sor.u32 $0xC000, s6;
	[dreg:$0x18] =	wrdreg s18  }
0x23: {  	s16 =	sadd.s32 s1, s9;
	[dreg:$0x1b] =	wrdreg s23;
	s13 =	sadd.s32 s1, s26  }
0x24: {  	s14 =	sshrl.u32 s10, $0x3;
	s18 =	sshll.u32 s12, $0x4;
	s9 =	sshll.u32 s21, $0x4  }
0x25: {  	s12 =	sor.u32 $0x13000, s6;
	s26 =	sshll.u32 s0, $0x4;
	[dreg:$0xe] =	wrdreg s7  }
0x26: {  	s10 =	sshll.u32 s10, $0x4;
	s7 =	sadd.s32 s4, s24;
	[dreg:$0x17] =	wrdreg s16  }
0x27: {  	s15 =	sshrl.u32 s8, $0x3;
	s24 =	sshrl.u32 s11, $0x3;
	[dreg:$0x1d] =	wrdreg s13  }
0x28: {  	s8 =	sshll.u32 s8, $0x4;
	s13 =	sor.u32 $0x11000, s6;
	s19 =	sadd.s32 s1, s18  }
0x29: {  	s21 =	sadd.s32 s1, s9;
	s9 =	sor.u32 $0x14000, s6;
	[dreg:$0x12] =	wrdreg s7  }
0x2a: {  	s7 =	sadd.s32 s4, s15;
	s25 =	sadd.s32 s4, s24;
	[smem:$0x7E7] =	sst s19  }
0x2b: {  	s15 =	sadd.s32 s1, s8;
	s16 =	sshrl.u32 s13, $0x3;
	[smem:$0x7E9] =	sst s21  }
0x2c: {  	s8 =	sor.u32 $0x12000, s6;
	s24 =	sshll.u32 s11, $0x4;
	[dreg:$0x16] =	wrdreg s7  }
0x2d: {  	s18 =	sshll.u32 s13, $0x4;
	s11 =	simm.s32 $0x180;
	[dreg:$0x1c] =	wrdreg s25  }
0x2e: {  	s13 =	simm.s32 $0x8;
	s7 =	sadd.s32 s4, s22;
	[dreg:$0x1f] =	wrdreg s15  }
0x2f: {  	s17 =	sadd.s32 s4, s16;
	s20 =	sshrl.u32 s8, $0x3;
	[dreg:$0x1a] =	wrdreg s7  }
0x30: {  	s22 =	sshrl.u32 s12, $0x3;
	s25 =	sadd.s32 s1, s24;
	[smem:$0x7E6] =	sst s17  }
0x31: {  	s15 =	sadd.s32 s1, s10;
	s19 =	sadd.s32 s1, s18;
	[smem:$0x7EB] =	sst s25  }
0x32: {  	s10 =	sor.u32 $0x16000, s6;
	s8 =	sshll.u32 s8, $0x4;
	[smem:$0x7ED] =	sst s15  }
0x33: {  	s7 =	sadd.s32 s4, s14;
	s23 =	sadd.s32 s4, s22;
	[smem:$0x7EF] =	sst s19  }
0x34: {  	s14 =	sshrl.u32 s9, $0x3;
	s21 =	sshrl.u32 s10, $0x3;
	[dreg:$0x1e] =	wrdreg s7  }
0x35: {  	s22 =	sadd.s32 s1, s8;
	s25 =	sshll.u32 s12, $0x4;
	[smem:$0x7EA] =	sst s23  }
0x36: {  	s8 =	simm.s32 $0xC;
	s7 =	sadd.s32 s4, s20;
	[smem:$0x7F1] =	sst s22  }
0x37: {  	s20 =	sadd.s32 s4, s26;
	s12 =	sadd.s32 s1, s25;
	[smem:$0x7E8] =	sst s7  }
0x38: {  	s26 =	sshll.u32 s0, $0xB;
	s7 =	sadd.s32 s4, s14;
	[smem:$0x7F3] =	sst s12  }
0x39: {  	s14 =	sor.u32 $0x15000, s6;
	s6 =	sor.u32 $0x17000, s6;
	[smem:$0x7F4] =	sst s20  }
0x3a: {  	s15 =	sadd.s32 $0x3000, s20;
	s20 =	sshll.u32 s10, $0x4;
	s22 =	sadd.s32 s1, s26  }
0x3b: {  	s10 =	simm.s32 $0x80;
	s12 =	simm.s32 $0x8400;
	s26 =	simm.s32 $0x5  }
0x3c: {  	[smem:$0x7EC] =	sst s7;
	s16 =	sshrl.u32 s14, $0x3;
	s7 =	sadd.s32 s4, s21  }
0x3d: {  	s23 =	sshrl.u32 s6, $0x3;
	[smem:$0x7F5] =	sst s15;
	s18 =	sshll.u32 s14, $0x4  }
0x3e: {  	s21 =	sadd.s32 s1, s20;
	s6 =	sshll.u32 s6, $0x4;
	[smem:$0x7FA] =	sst s22  }
0x3f: {  	s14 =	simm.s32 $0x100;
	s15 =	simm.s32 $0x4400;
	s20 =	simm.s32 $0x6  }
0x40: {  	s17 =	sadd.s32 s4, s16;
	[smem:$0x7F0] =	sst s7;
	s24 =	sadd.s32 s4, s23  }
0x41: {  	s16 =	sshll.u32 s9, $0x4;
	s19 =	sadd.s32 s1, s18;
	[smem:$0x7F8] =	sst s21  }
0x42: {  	s6 =	sadd.s32 s1, s6;
	s23 =	sadd.s32 $0x180000, s22;
	s4 =	sadd.s32 $0x30D0, s4  }
0x43: {  	s22 =	simm.s32 $0x1;
	[smem:$0x7F2] =	sst s24;
	s24 =	sshrl.u32 s5, $0x1  }
0x44: {  	s18 =	simm.s32 $0x400;
	[smem:$0x7EE] =	sst s17;
	s5 =	ssub.s32 s5, s24  }
0x45: {  	s21 =	simm.s32 $0x2;
	[smem:$0x7F7] =	sst s19;
	s25 =	smax.u32 s5, $0x1  }
0x46: {  	s9 =	simm.s32 $0x9;
	[smem:$0x7F9] =	sst s6;
	s0 =	sadd.s32 $0xFFFFFFFF, s25  }
0x47: {  	s7 =	simm.s32 $0xF;
	[smem:$0x7FB] =	sst s23;
	p3 =	sne.s32 s0, $0x0  }
.Ltmp0:
0x48: {  	s17 =	sadd.s32 s1, s16;
	[smem:$0x7FC] =	sst s4;
	(pc) =	sbr.rel @!p3 .LBB2_5-.Ltmp0, $4  }
0x49: {  	s1 =	sadd.s32 $0x186800, s1;
	s19 =	simm.s32 $0x3;
	s16 =	simm.s32 $0x4  }
0x4a: {  	s23 =	simm.s32 $0x10400;
	s6 =	simm.s32 $0xD;
	[smem:$0x7F6] =	sst s17  }
0x4b: {  	s4 =	simm.s32 $0xE;
	[smem:$0x7FD] =	sst s1;
	s24 =	simm.s32 $0x200  }
0x4c: {  	s17 =	simm.s32 $0x7;
	s5 =	simm.s32 $0xB;
	s25 =	simm.s32 $0xA  }
0x4d: {  	s1 =	sld [smem:$0x7F4];
	_ =	sdelay $0x1  }
0x4e: {  	[smem:$0x7E5] =	sst s0  }
0x4f: {  	[tilespmem:s3], [sflag:$0x1] =	stream.linear.gather [hbm4b:s1+s3], $0x80, $0x38;
	[tilespmem:$0x15480] =	vst v63  }
0x50: {  	s0 =	rddreg [dreg:$0x4]  }
0x51: {  	[tilespmem:s10], [sflag:$0x2] =	stream.linear.gather [hbm4b:s0+s3], $0x80, $0x38;
	[tilespmem:$0x15480] =	vst v63  }
0x52: {  	s1 =	rddreg [dreg:$0x5]  }
0x53: {  	[tilespmem:s14], [sflag:$0x3] =	stream.linear.gather [hbm4b:s1+s3], $0x80, $0x38;
	[tilespmem:$0x15480] =	vst v63  }
0x54: {  	s0 =	rddreg [dreg:$0x6]  }
0x55: {  	[tilespmem:s11], [sflag:$0x4] =	stream.linear.gather [hbm4b:s0+s3], $0x80, $0x38;
	[tilespmem:$0x15480] =	vst v63  }
0x56: {  	s1 =	rddreg [dreg:$0x7]  }
0x57: {  	[tilespmem:s24], [sflag:$0x5] =	stream.linear.gather [hbm4b:s1+s3], $0x80, $0x38;
	[tilespmem:$0x15480] =	vst v63  }
0x58: {  	_ =	swait.ge [sflag:s22], $0x80  }
0x59: {  	[sflag:s22] =	ssyncset.done $0x0  }
0x5a: {  	[sflag:s22] =	ssyncadd.s32 $0xFFFFFF80  }
0x5b: {  	[tilespmem:s18], [sflag:$0x6] =	stream.indirect.gather [hbm4b:s2+s10], $0x80, s3, s10, $0xb8;
	[tilespmem:$0x15480] =	vst v63  }
0x5c: {  	_ =	swait.ge [sflag:s21], $0x80  }
0x5d: {  	[sflag:s21] =	ssyncset.done $0x0  }
0x5e: {  	[sflag:s21] =	ssyncadd.s32 $0xFFFFFF80  }
0x5f: {  	[tilespmem:s15], [sflag:$0x7] =	stream.indirect.gather [hbm4b:s2+s10], $0x80, s10, s10, $0xb8;
	[tilespmem:$0x15480] =	vst v63  }
0x60: {  	_ =	swait.ge [sflag:s20], $0x4000  }
0x61: {  	s1 =	sld [smem:$0x7FA]  }
0x62: {  	[sflag:s20] =	ssyncset.done $0x0  }
0x63: {  	[sflag:s20] =	ssyncadd.s32 $0xFFFFC000  }
0x64: {  	[hbm4b:s1+s3] =	stream.linear.scatter [tilespmem:s18], [sflag:$0xB], $0x4000, $0x38;
	[tilespmem:$0x15480] =	vst v63  }
0x65: {  	s0 =	rddreg [dreg:$0x8]  }
0x66: {  	[tilespmem:s3], [sflag:$0x1] =	stream.linear.gather [hbm4b:s0+s3], $0x80, $0x38;
	[tilespmem:$0x15480] =	vst v63  }
0x67: {  	_ =	swait.ge [sflag:s19], $0x80  }
0x68: {  	[sflag:s19] =	ssyncset.done $0x0  }
0x69: {  	[sflag:s19] =	ssyncadd.s32 $0xFFFFFF80  }
0x6a: {  	[tilespmem:s12], [sflag:$0x8] =	stream.indirect.gather [hbm4b:s2+s10], $0x80, s14, s10, $0xb8;
	[tilespmem:$0x15480] =	vst v63  }
0x6b: {  	_ =	swait.ge [sflag:s17], $0x4000  }
0x6c: {  	[sflag:s17] =	ssyncset.done $0x0  }
0x6d: {  	s0 =	rddreg [dreg:$0x9];
	[sflag:s17] =	ssyncadd.s32 $0xFFFFC000  }
0x6e: {  	[hbm4b:s0+s3] =	stream.linear.scatter [tilespmem:s15], [sflag:$0xC], $0x4000, $0x38;
	[tilespmem:$0x15480] =	vst v63  }
0x6f: {  	s1 =	rddreg [dreg:$0xa]  }
0x70: {  	[tilespmem:s10], [sflag:$0x2] =	stream.linear.gather [hbm4b:s1+s3], $0x80, $0x38;
	[tilespmem:$0x15480] =	vst v63  }
0x71: {  	_ =	swait.ge [sflag:s16], $0x80  }
0x72: {  	[sflag:s16] =	ssyncset.done $0x0  }
0x73: {  	[sflag:s16] =	ssyncadd.s32 $0xFFFFFF80  }
0x74: {  	[tilespmem:s28], [sflag:$0x9] =	stream.indirect.gather [hbm4b:s2+s10], $0x80, s11, s10, $0xb8;
	[tilespmem:$0x15480] =	vst v63  }
0x75: {  	_ =	swait.ge [sflag:s13], $0x4000  }
0x76: {  	[sflag:s13] =	ssyncset.done $0x0  }
0x77: {  	s0 =	rddreg [dreg:$0xb];
	[sflag:s13] =	ssyncadd.s32 $0xFFFFC000  }
0x78: {  	[hbm4b:s0+s3] =	stream.linear.scatter [tilespmem:s12], [sflag:$0xD], $0x4000, $0x38;
	[tilespmem:$0x15480] =	vst v63  }
0x79: {  	s1 =	rddreg [dreg:$0xc]  }
0x7a: {  	[tilespmem:s14], [sflag:$0x3] =	stream.linear.gather [hbm4b:s1+s3], $0x80, $0x38;
	[tilespmem:$0x15480] =	vst v63  }
0x7b: {  	_ =	swait.ge [sflag:s26], $0x80  }
0x7c: {  	[sflag:s26] =	ssyncset.done $0x0  }
0x7d: {  	[sflag:s26] =	ssyncadd.s32 $0xFFFFFF80  }
0x7e: {  	[tilespmem:s23], [sflag:$0xA] =	stream.indirect.gather [hbm4b:s2+s10], $0x80, s24, s10, $0xb8;
	[tilespmem:$0x15480] =	vst v63  }
0x7f: {  	_ =	swait.ge [sflag:s9], $0x4000  }
0x80: {  	[sflag:s9] =	ssyncset.done $0x0  }
0x81: {  	s0 =	rddreg [dreg:$0xd];
	[sflag:s9] =	ssyncadd.s32 $0xFFFFC000  }
0x82: {  	[hbm4b:s0+s3] =	stream.linear.scatter [tilespmem:s28], [sflag:$0xE], $0x4000, $0x38;
	[tilespmem:$0x15480] =	vst v63  }
0x83: {  	s1 =	rddreg [dreg:$0xe]  }
0x84: {  	[tilespmem:s11], [sflag:$0x4] =	stream.linear.gather [hbm4b:s1+s3], $0x80, $0x38;
	[tilespmem:$0x15480] =	vst v63  }
0x85: {  	_ =	swait.ge [sflag:s22], $0x80  }
0x86: {  	[sflag:s22] =	ssyncset.done $0x0  }
0x87: {  	[sflag:s22] =	ssyncadd.s32 $0xFFFFFF80  }
0x88: {  	_ =	swait.ge [sflag:s5], $0x4000  }
0x89: {  	[sflag:s5] =	ssyncset.done $0x0  }
0x8a: {  	[sflag:s5] =	ssyncadd.s32 $0xFFFFC000  }
0x8b: {  	[tilespmem:s18], [sflag:$0x6] =	stream.indirect.gather [hbm4b:s2+s10], $0x80, s3, s10, $0xb8;
	[tilespmem:$0x15480] =	vst v63  }
0x8c: {  	_ =	swait.ge [sflag:s25], $0x4000  }
0x8d: {  	[sflag:s25] =	ssyncset.done $0x0  }
0x8e: {  	s0 =	rddreg [dreg:$0xf];
	[sflag:s25] =	ssyncadd.s32 $0xFFFFC000  }
0x8f: {  	[hbm4b:s0+s3] =	stream.linear.scatter [tilespmem:s23], [sflag:$0xF], $0x4000, $0x38;
	[tilespmem:$0x15480] =	vst v63  }
0x90: {  	s1 =	rddreg [dreg:$0x10]  }
0x91: {  	[tilespmem:s24], [sflag:$0x5] =	stream.linear.gather [hbm4b:s1+s3], $0x80, $0x38;
	[tilespmem:$0x15480] =	vst v63  }
0x92: {  	_ =	swait.ge [sflag:s21], $0x80  }
0x93: {  	[sflag:s21] =	ssyncset.done $0x0  }
0x94: {  	[sflag:s21] =	ssyncadd.s32 $0xFFFFFF80  }
0x95: {  	_ =	swait.ge [sflag:s8], $0x4000  }
0x96: {  	[sflag:s8] =	ssyncset.done $0x0  }
0x97: {  	[sflag:s8] =	ssyncadd.s32 $0xFFFFC000  }
0x98: {  	[tilespmem:s15], [sflag:$0x7] =	stream.indirect.gather [hbm4b:s2+s10], $0x80, s10, s10, $0xb8;
	[tilespmem:$0x15480] =	vst v63  }
0x99: {  	_ =	swait.ge [sflag:s20], $0x4000  }
0x9a: {  	[sflag:s20] =	ssyncset.done $0x0  }
0x9b: {  	s0 =	rddreg [dreg:$0x11];
	[sflag:s20] =	ssyncadd.s32 $0xFFFFC000  }
0x9c: {  	[hbm4b:s0+s3] =	stream.linear.scatter [tilespmem:s18], [sflag:$0xB], $0x4000, $0x38;
	[tilespmem:$0x15480] =	vst v63  }
0x9d: {  	s1 =	rddreg [dreg:$0x12]  }
0x9e: {  	[tilespmem:s3], [sflag:$0x1] =	stream.linear.gather [hbm4b:s1+s3], $0x80, $0x38;
	[tilespmem:$0x15480] =	vst v63  }
0x9f: {  	_ =	swait.ge [sflag:s19], $0x80  }
0xa0: {  	[sflag:s19] =	ssyncset.done $0x0  }
0xa1: {  	[sflag:s19] =	ssyncadd.s32 $0xFFFFFF80  }
0xa2: {  	_ =	swait.ge [sflag:s6], $0x4000  }
0xa3: {  	[sflag:s6] =	ssyncset.done $0x0  }
0xa4: {  	[sflag:s6] =	ssyncadd.s32 $0xFFFFC000  }
0xa5: {  	[tilespmem:s12], [sflag:$0x8] =	stream.indirect.gather [hbm4b:s2+s10], $0x80, s14, s10, $0xb8;
	[tilespmem:$0x15480] =	vst v63  }
0xa6: {  	_ =	swait.ge [sflag:s17], $0x4000  }
0xa7: {  	[sflag:s17] =	ssyncset.done $0x0  }
0xa8: {  	s0 =	rddreg [dreg:$0x13];
	[sflag:s17] =	ssyncadd.s32 $0xFFFFC000  }
0xa9: {  	[hbm4b:s0+s3] =	stream.linear.scatter [tilespmem:s15], [sflag:$0xC], $0x4000, $0x38;
	[tilespmem:$0x15480] =	vst v63  }
0xaa: {  	s1 =	rddreg [dreg:$0x14]  }
0xab: {  	[tilespmem:s10], [sflag:$0x2] =	stream.linear.gather [hbm4b:s1+s3], $0x80, $0x38;
	[tilespmem:$0x15480] =	vst v63  }
0xac: {  	_ =	swait.ge [sflag:s16], $0x80  }
0xad: {  	[sflag:s16] =	ssyncset.done $0x0  }
0xae: {  	[sflag:s16] =	ssyncadd.s32 $0xFFFFFF80  }
0xaf: {  	_ =	swait.ge [sflag:s4], $0x4000  }
0xb0: {  	[sflag:s4] =	ssyncset.done $0x0  }
0xb1: {  	[sflag:s4] =	ssyncadd.s32 $0xFFFFC000  }
0xb2: {  	[tilespmem:s28], [sflag:$0x9] =	stream.indirect.gather [hbm4b:s2+s10], $0x80, s11, s10, $0xb8;
	[tilespmem:$0x15480] =	vst v63  }
0xb3: {  	_ =	swait.ge [sflag:s13], $0x4000  }
0xb4: {  	[sflag:s13] =	ssyncset.done $0x0  }
0xb5: {  	s0 =	rddreg [dreg:$0x15];
	[sflag:s13] =	ssyncadd.s32 $0xFFFFC000  }
0xb6: {  	[hbm4b:s0+s3] =	stream.linear.scatter [tilespmem:s12], [sflag:$0xD], $0x4000, $0x38;
	[tilespmem:$0x15480] =	vst v63  }
0xb7: {  	s1 =	rddreg [dreg:$0x16]  }
0xb8: {  	[tilespmem:s14], [sflag:$0x3] =	stream.linear.gather [hbm4b:s1+s3], $0x80, $0x38;
	[tilespmem:$0x15480] =	vst v63  }
0xb9: {  	_ =	swait.ge [sflag:s26], $0x80  }
0xba: {  	[sflag:s26] =	ssyncset.done $0x0  }
0xbb: {  	[sflag:s26] =	ssyncadd.s32 $0xFFFFFF80  }
0xbc: {  	_ =	swait.ge [sflag:s7], $0x4000  }
0xbd: {  	[sflag:s7] =	ssyncset.done $0x0  }
0xbe: {  	[sflag:s7] =	ssyncadd.s32 $0xFFFFC000  }
0xbf: {  	[tilespmem:s23], [sflag:$0xA] =	stream.indirect.gather [hbm4b:s2+s10], $0x80, s24, s10, $0xb8;
	[tilespmem:$0x15480] =	vst v63  }
0xc0: {  	_ =	swait.ge [sflag:s9], $0x4000  }
0xc1: {  	[sflag:s9] =	ssyncset.done $0x0  }
0xc2: {  	s0 =	rddreg [dreg:$0x17];
	[sflag:s9] =	ssyncadd.s32 $0xFFFFC000  }
0xc3: {  	[hbm4b:s0+s3] =	stream.linear.scatter [tilespmem:s28], [sflag:$0xE], $0x4000, $0x38;
	[tilespmem:$0x15480] =	vst v63  }
0xc4: {  	s1 =	rddreg [dreg:$0x18]  }
0xc5: {  	[tilespmem:s11], [sflag:$0x4] =	stream.linear.gather [hbm4b:s1+s3], $0x80, $0x38;
	[tilespmem:$0x15480] =	vst v63  }
0xc6: {  	_ =	swait.ge [sflag:s22], $0x80  }
0xc7: {  	[sflag:s22] =	ssyncset.done $0x0  }
0xc8: {  	[sflag:s22] =	ssyncadd.s32 $0xFFFFFF80  }
0xc9: {  	_ =	swait.ge [sflag:s5], $0x4000  }
0xca: {  	[sflag:s5] =	ssyncset.done $0x0  }
0xcb: {  	[sflag:s5] =	ssyncadd.s32 $0xFFFFC000  }
0xcc: {  	[tilespmem:s18], [sflag:$0x6] =	stream.indirect.gather [hbm4b:s2+s10], $0x80, s3, s10, $0xb8;
	[tilespmem:$0x15480] =	vst v63  }
0xcd: {  	_ =	swait.ge [sflag:s25], $0x4000  }
0xce: {  	[sflag:s25] =	ssyncset.done $0x0  }
0xcf: {  	s0 =	rddreg [dreg:$0x19];
	[sflag:s25] =	ssyncadd.s32 $0xFFFFC000  }
0xd0: {  	[hbm4b:s0+s3] =	stream.linear.scatter [tilespmem:s23], [sflag:$0xF], $0x4000, $0x38;
	[tilespmem:$0x15480] =	vst v63  }
0xd1: {  	s1 =	rddreg [dreg:$0x1a]  }
0xd2: {  	[tilespmem:s24], [sflag:$0x5] =	stream.linear.gather [hbm4b:s1+s3], $0x80, $0x38;
	[tilespmem:$0x15480] =	vst v63  }
0xd3: {  	_ =	swait.ge [sflag:s21], $0x80  }
0xd4: {  	[sflag:s21] =	ssyncset.done $0x0  }
0xd5: {  	[sflag:s21] =	ssyncadd.s32 $0xFFFFFF80  }
0xd6: {  	_ =	swait.ge [sflag:s8], $0x4000  }
0xd7: {  	[sflag:s8] =	ssyncset.done $0x0  }
0xd8: {  	[sflag:s8] =	ssyncadd.s32 $0xFFFFC000  }
0xd9: {  	[tilespmem:s15], [sflag:$0x7] =	stream.indirect.gather [hbm4b:s2+s10], $0x80, s10, s10, $0xb8;
	[tilespmem:$0x15480] =	vst v63  }
0xda: {  	_ =	swait.ge [sflag:s20], $0x4000  }
0xdb: {  	[sflag:s20] =	ssyncset.done $0x0  }
0xdc: {  	s0 =	rddreg [dreg:$0x1b];
	[sflag:s20] =	ssyncadd.s32 $0xFFFFC000  }
0xdd: {  	[hbm4b:s0+s3] =	stream.linear.scatter [tilespmem:s18], [sflag:$0xB], $0x4000, $0x38;
	[tilespmem:$0x15480] =	vst v63  }
0xde: {  	s1 =	rddreg [dreg:$0x1c]  }
0xdf: {  	[tilespmem:s3], [sflag:$0x1] =	stream.linear.gather [hbm4b:s1+s3], $0x80, $0x38;
	[tilespmem:$0x15480] =	vst v63  }
0xe0: {  	_ =	swait.ge [sflag:s19], $0x80  }
0xe1: {  	[sflag:s19] =	ssyncset.done $0x0  }
0xe2: {  	[sflag:s19] =	ssyncadd.s32 $0xFFFFFF80  }
0xe3: {  	_ =	swait.ge [sflag:s6], $0x4000  }
0xe4: {  	[sflag:s6] =	ssyncset.done $0x0  }
0xe5: {  	[sflag:s6] =	ssyncadd.s32 $0xFFFFC000  }
0xe6: {  	[tilespmem:s12], [sflag:$0x8] =	stream.indirect.gather [hbm4b:s2+s10], $0x80, s14, s10, $0xb8;
	[tilespmem:$0x15480] =	vst v63  }
0xe7: {  	_ =	swait.ge [sflag:s17], $0x4000  }
0xe8: {  	[sflag:s17] =	ssyncset.done $0x0  }
0xe9: {  	s0 =	rddreg [dreg:$0x1d];
	[sflag:s17] =	ssyncadd.s32 $0xFFFFC000  }
0xea: {  	[hbm4b:s0+s3] =	stream.linear.scatter [tilespmem:s15], [sflag:$0xC], $0x4000, $0x38;
	[tilespmem:$0x15480] =	vst v63  }
0xeb: {  	s1 =	rddreg [dreg:$0x1e]  }
0xec: {  	[tilespmem:s10], [sflag:$0x2] =	stream.linear.gather [hbm4b:s1+s3], $0x80, $0x38;
	[tilespmem:$0x15480] =	vst v63  }
0xed: {  	_ =	swait.ge [sflag:s16], $0x80  }
0xee: {  	[sflag:s16] =	ssyncset.done $0x0  }
0xef: {  	[sflag:s16] =	ssyncadd.s32 $0xFFFFFF80  }
0xf0: {  	_ =	swait.ge [sflag:s4], $0x4000  }
0xf1: {  	[sflag:s4] =	ssyncset.done $0x0  }
0xf2: {  	[sflag:s4] =	ssyncadd.s32 $0xFFFFC000  }
0xf3: {  	[tilespmem:s28], [sflag:$0x9] =	stream.indirect.gather [hbm4b:s2+s10], $0x80, s11, s10, $0xb8;
	[tilespmem:$0x15480] =	vst v63  }
0xf4: {  	_ =	swait.ge [sflag:s13], $0x4000  }
0xf5: {  	s0 =	rddreg [dreg:$0x1f];
	[sflag:s13] =	ssyncset.done $0x0  }
0xf6: {  	s1 =	sld [smem:$0x7E6];
	[sflag:s13] =	ssyncadd.s32 $0xFFFFC000  }
0xf7: {  	[hbm4b:s0+s3] =	stream.linear.scatter [tilespmem:s12], [sflag:$0xD], $0x4000, $0x38;
	[tilespmem:$0x15480] =	vst v63  }
0xf8: {  	_ = 	snop  }
0xf9: {  	[tilespmem:s14], [sflag:$0x3] =	stream.linear.gather [hbm4b:s1+s3], $0x80, $0x38;
	[tilespmem:$0x15480] =	vst v63  }
0xfa: {  	_ =	swait.ge [sflag:s26], $0x80  }
0xfb: {  	[sflag:s26] =	ssyncset.done $0x0  }
0xfc: {  	[sflag:s26] =	ssyncadd.s32 $0xFFFFFF80  }
0xfd: {  	_ =	swait.ge [sflag:s7], $0x4000  }
0xfe: {  	[sflag:s7] =	ssyncset.done $0x0  }
0xff: {  	[sflag:s7] =	ssyncadd.s32 $0xFFFFC000  }
0x100: {  	[tilespmem:s23], [sflag:$0xA] =	stream.indirect.gather [hbm4b:s2+s10], $0x80, s24, s10, $0xb8;
	[tilespmem:$0x15480] =	vst v63  }
0x101: {  	_ =	swait.ge [sflag:s9], $0x4000  }
0x102: {  	s0 =	sld [smem:$0x7E7]  }
0x103: {  	[sflag:s9] =	ssyncset.done $0x0  }
0x104: {  	s1 =	sld [smem:$0x7E8];
	[sflag:s9] =	ssyncadd.s32 $0xFFFFC000  }
0x105: {  	[hbm4b:s0+s3] =	stream.linear.scatter [tilespmem:s28], [sflag:$0xE], $0x4000, $0x38;
	[tilespmem:$0x15480] =	vst v63  }
0x106: {  	_ = 	snop  }
0x107: {  	[tilespmem:s11], [sflag:$0x4] =	stream.linear.gather [hbm4b:s1+s3], $0x80, $0x38;
	[tilespmem:$0x15480] =	vst v63  }
0x108: {  	_ =	swait.ge [sflag:s22], $0x80  }
0x109: {  	[sflag:s22] =	ssyncset.done $0x0  }
0x10a: {  	[sflag:s22] =	ssyncadd.s32 $0xFFFFFF80  }
0x10b: {  	_ =	swait.ge [sflag:s5], $0x4000  }
0x10c: {  	[sflag:s5] =	ssyncset.done $0x0  }
0x10d: {  	[sflag:s5] =	ssyncadd.s32 $0xFFFFC000  }
0x10e: {  	[tilespmem:s18], [sflag:$0x6] =	stream.indirect.gather [hbm4b:s2+s10], $0x80, s3, s10, $0xb8;
	[tilespmem:$0x15480] =	vst v63  }
0x10f: {  	_ =	swait.ge [sflag:s25], $0x4000  }
0x110: {  	s0 =	sld [smem:$0x7E9]  }
0x111: {  	[sflag:s25] =	ssyncset.done $0x0  }
0x112: {  	s1 =	sld [smem:$0x7EA];
	[sflag:s25] =	ssyncadd.s32 $0xFFFFC000  }
0x113: {  	[hbm4b:s0+s3] =	stream.linear.scatter [tilespmem:s23], [sflag:$0xF], $0x4000, $0x38;
	[tilespmem:$0x15480] =	vst v63  }
0x114: {  	_ = 	snop  }
0x115: {  	[tilespmem:s24], [sflag:$0x5] =	stream.linear.gather [hbm4b:s1+s3], $0x80, $0x38;
	[tilespmem:$0x15480] =	vst v63  }
0x116: {  	_ =	swait.ge [sflag:s21], $0x80  }
0x117: {  	[sflag:s21] =	ssyncset.done $0x0  }
0x118: {  	[sflag:s21] =	ssyncadd.s32 $0xFFFFFF80  }
0x119: {  	_ =	swait.ge [sflag:s8], $0x4000  }
0x11a: {  	[sflag:s8] =	ssyncset.done $0x0  }
0x11b: {  	[sflag:s8] =	ssyncadd.s32 $0xFFFFC000  }
0x11c: {  	[tilespmem:s15], [sflag:$0x7] =	stream.indirect.gather [hbm4b:s2+s10], $0x80, s10, s10, $0xb8;
	[tilespmem:$0x15480] =	vst v63  }
0x11d: {  	_ =	swait.ge [sflag:s20], $0x4000  }
0x11e: {  	s0 =	sld [smem:$0x7EB]  }
0x11f: {  	[sflag:s20] =	ssyncset.done $0x0  }
0x120: {  	s1 =	sld [smem:$0x7EC];
	[sflag:s20] =	ssyncadd.s32 $0xFFFFC000  }
0x121: {  	[hbm4b:s0+s3] =	stream.linear.scatter [tilespmem:s18], [sflag:$0xB], $0x4000, $0x38;
	[tilespmem:$0x15480] =	vst v63  }
0x122: {  	_ = 	snop  }
0x123: {  	[tilespmem:s3], [sflag:$0x1] =	stream.linear.gather [hbm4b:s1+s3], $0x80, $0x38;
	[tilespmem:$0x15480] =	vst v63  }
0x124: {  	_ =	swait.ge [sflag:s19], $0x80  }
0x125: {  	[sflag:s19] =	ssyncset.done $0x0  }
0x126: {  	[sflag:s19] =	ssyncadd.s32 $0xFFFFFF80  }
0x127: {  	_ =	swait.ge [sflag:s6], $0x4000  }
0x128: {  	[sflag:s6] =	ssyncset.done $0x0  }
0x129: {  	[sflag:s6] =	ssyncadd.s32 $0xFFFFC000  }
0x12a: {  	[tilespmem:s12], [sflag:$0x8] =	stream.indirect.gather [hbm4b:s2+s10], $0x80, s14, s10, $0xb8;
	[tilespmem:$0x15480] =	vst v63  }
0x12b: {  	_ =	swait.ge [sflag:s17], $0x4000  }
0x12c: {  	s0 =	sld [smem:$0x7ED]  }
0x12d: {  	[sflag:s17] =	ssyncset.done $0x0  }
0x12e: {  	s1 =	sld [smem:$0x7EE];
	[sflag:s17] =	ssyncadd.s32 $0xFFFFC000  }
0x12f: {  	[hbm4b:s0+s3] =	stream.linear.scatter [tilespmem:s15], [sflag:$0xC], $0x4000, $0x38;
	[tilespmem:$0x15480] =	vst v63  }
0x130: {  	_ = 	snop  }
0x131: {  	[tilespmem:s10], [sflag:$0x2] =	stream.linear.gather [hbm4b:s1+s3], $0x80, $0x38;
	[tilespmem:$0x15480] =	vst v63  }
0x132: {  	_ =	swait.ge [sflag:s16], $0x80  }
0x133: {  	[sflag:s16] =	ssyncset.done $0x0  }
0x134: {  	[sflag:s16] =	ssyncadd.s32 $0xFFFFFF80  }
0x135: {  	_ =	swait.ge [sflag:s4], $0x4000  }
0x136: {  	[sflag:s4] =	ssyncset.done $0x0  }
0x137: {  	[sflag:s4] =	ssyncadd.s32 $0xFFFFC000  }
0x138: {  	[tilespmem:s28], [sflag:$0x9] =	stream.indirect.gather [hbm4b:s2+s10], $0x80, s11, s10, $0xb8;
	[tilespmem:$0x15480] =	vst v63  }
0x139: {  	_ =	swait.ge [sflag:s13], $0x4000  }
0x13a: {  	s1 =	sld [smem:$0x7EF]  }
0x13b: {  	[sflag:s13] =	ssyncset.done $0x0  }
0x13c: {  	s15 =	sld [smem:$0x7F0];
	[sflag:s13] =	ssyncadd.s32 $0xFFFFC000  }
0x13d: {  	[hbm4b:s1+s3] =	stream.linear.scatter [tilespmem:s12], [sflag:$0xD], $0x4000, $0x38;
	[tilespmem:$0x15480] =	vst v63  }
0x13e: {  	_ = 	snop  }
0x13f: {  	[tilespmem:s14], [sflag:$0x3] =	stream.linear.gather [hbm4b:s15+s3], $0x80, $0x38;
	[tilespmem:$0x15480] =	vst v63  }
0x140: {  	_ =	swait.ge [sflag:s26], $0x80  }
0x141: {  	[sflag:s26] =	ssyncset.done $0x0  }
0x142: {  	[sflag:s26] =	ssyncadd.s32 $0xFFFFFF80  }
0x143: {  	_ =	swait.ge [sflag:s7], $0x4000  }
0x144: {  	[sflag:s7] =	ssyncset.done $0x0  }
0x145: {  	[sflag:s7] =	ssyncadd.s32 $0xFFFFC000  }
0x146: {  	[tilespmem:s23], [sflag:$0xA] =	stream.indirect.gather [hbm4b:s2+s10], $0x80, s24, s10, $0xb8;
	[tilespmem:$0x15480] =	vst v63  }
0x147: {  	_ =	swait.ge [sflag:s9], $0x4000  }
0x148: {  	s15 =	sld [smem:$0x7F1]  }
0x149: {  	[sflag:s9] =	ssyncset.done $0x0  }
0x14a: {  	s24 =	sld [smem:$0x7F2];
	[sflag:s9] =	ssyncadd.s32 $0xFFFFC000  }
0x14b: {  	[hbm4b:s15+s3] =	stream.linear.scatter [tilespmem:s28], [sflag:$0xE], $0x4000, $0x38;
	[tilespmem:$0x15480] =	vst v63  }
0x14c: {  	_ = 	snop  }
0x14d: {  	[tilespmem:s11], [sflag:$0x4] =	stream.linear.gather [hbm4b:s24+s3], $0x80, $0x38;
	[tilespmem:$0x15480] =	vst v63  }
0x14e: {  	_ =	swait.ge [sflag:s22], $0x80  }
0x14f: {  	[sflag:s22] =	ssyncset.done $0x0  }
0x150: {  	[sflag:s22] =	ssyncadd.s32 $0xFFFFFF80  }
0x151: {  	_ =	swait.ge [sflag:s5], $0x4000  }
0x152: {  	[sflag:s5] =	ssyncset.done $0x0  }
0x153: {  	[sflag:s5] =	ssyncadd.s32 $0xFFFFC000  }
0x154: {  	[tilespmem:s18], [sflag:$0x6] =	stream.indirect.gather [hbm4b:s2+s10], $0x80, s3, s10, $0xb8;
	[tilespmem:$0x15480] =	vst v63  }
0x155: {  	_ =	swait.ge [sflag:s25], $0x4000  }
0x156: {  	s26 =	sld [smem:$0x7F3]  }
0x157: {  	[sflag:s25] =	ssyncset.done $0x0  }
0x158: {  	s1 =	sld [smem:$0x7F5];
	[sflag:s25] =	ssyncadd.s32 $0xFFFFC000  }
0x159: {  	[hbm4b:s26+s3] =	stream.linear.scatter [tilespmem:s23], [sflag:$0xF], $0x4000, $0x38;
	[tilespmem:$0x15480] =	vst v63  }
0x15a: {  	s25 =	simm.s32 @!p0 $0x200;
	s23 =	simm.s32 @!p0 $0x0  }
0x15b: {  	[tilespmem:s25], [sflag:$0x5] =	stream.linear.gather @!p0 [hbm4b:s1+s23], $0x80, $0x38;
	[tilespmem:$0x15480] =	vst v63  }
0x15c: {  	_ =	swait.ge [sflag:s21], $0x80  }
0x15d: {  	[sflag:s21] =	ssyncset.done $0x0  }
0x15e: {  	[sflag:s21] =	ssyncadd.s32 $0xFFFFFF80  }
0x15f: {  	_ =	swait.ge [sflag:s8], $0x4000  }
0x160: {  	[sflag:s8] =	ssyncset.done $0x0  }
0x161: {  	s18 =	simm.s32 $0x4400;
	[sflag:s8] =	ssyncadd.s32 $0xFFFFC000  }
0x162: {  	[tilespmem:s18], [sflag:$0x7] =	stream.indirect.gather [hbm4b:s2+s10], $0x80, s10, s10, $0xb8;
	[tilespmem:$0x15480] =	vst v63  }
0x163: {  	_ =	swait.ge [sflag:s20], $0x4000  }
0x164: {  	s28 =	sld [smem:$0x7F6]  }
0x165: {  	[sflag:s20] =	ssyncset.done $0x0  }
0x166: {  	s31 =	simm.s32 $0x400;
	[sflag:s20] =	ssyncadd.s32 $0xFFFFC000  }
0x167: {  	[hbm4b:s28+s3] =	stream.linear.scatter [tilespmem:s31], [sflag:$0xB], $0x4000, $0x38;
	[tilespmem:$0x15480] =	vst v63  }
0x168: {  	_ =	swait.ge [sflag:s19], $0x80  }
0x169: {  	[sflag:s19] =	ssyncset.done $0x0  }
0x16a: {  	[sflag:s19] =	ssyncadd.s32 $0xFFFFFF80  }
0x16b: {  	_ =	swait.ge [sflag:s6], $0x4000  }
0x16c: {  	[sflag:s6] =	ssyncset.done $0x0  }
0x16d: {  	s14 =	simm.s32 $0x8400;
	s15 =	simm.s32 $0x100;
	[sflag:s6] =	ssyncadd.s32 $0xFFFFC000  }
0x16e: {  	[tilespmem:s14], [sflag:$0x8] =	stream.indirect.gather [hbm4b:s2+s10], $0x80, s15, s10, $0xb8;
	[tilespmem:$0x15480] =	vst v63  }
0x16f: {  	_ =	swait.ge [sflag:s17], $0x4000  }
0x170: {  	s1 =	sld [smem:$0x7F7]  }
0x171: {  	[sflag:s17] =	ssyncset.done $0x0  }
0x172: {  	[sflag:s17] =	ssyncadd.s32 $0xFFFFC000  }
0x173: {  	[hbm4b:s1+s3] =	stream.linear.scatter [tilespmem:s18], [sflag:$0xC], $0x4000, $0x38;
	[tilespmem:$0x15480] =	vst v63  }
0x174: {  	_ =	swait.ge [sflag:s16], $0x80  }
0x175: {  	[sflag:s16] =	ssyncset.done $0x0  }
0x176: {  	[sflag:s16] =	ssyncadd.s32 $0xFFFFFF80  }
0x177: {  	_ =	swait.ge [sflag:s4], $0x4000  }
0x178: {  	[sflag:s4] =	ssyncset.done $0x0  }
0x179: {  	s12 =	simm.s32 $0x180;
	s11 =	simm.s32 $0xC400;
	[sflag:s4] =	ssyncadd.s32 $0xFFFFC000  }
0x17a: {  	[tilespmem:s11], [sflag:$0x9] =	stream.indirect.gather [hbm4b:s2+s10], $0x80, s12, s10, $0xb8;
	[tilespmem:$0x15480] =	vst v63  }
0x17b: {  	_ =	swait.ge [sflag:s13], $0x4000  }
0x17c: {  	s28 =	sld [smem:$0x7F8]  }
0x17d: {  	[sflag:s13] =	ssyncset.done $0x0  }
0x17e: {  	s1 =	simm.s32 @p0 $0xF;
	[sflag:s13] =	ssyncadd.s32 $0xFFFFC000  }
0x17f: {  	[hbm4b:s28+s3] =	stream.linear.scatter [tilespmem:s14], [sflag:$0xD], $0x4000, $0x38;
	[tilespmem:$0x15480] =	vst v63  }
0x180: {  	_ =	swait.ge @p0 [sflag:s1], $0x4000  }
0x181: {  	[sflag:s1] =	ssyncset.done @p0 $0x0  }
0x182: {  	s0 =	simm.s32 @!p0 $0x5;
	[sflag:s1] =	ssyncadd.s32 @p0 $0xFFFFC000  }
0x183: {  	_ =	swait.ge @!p0 [sflag:s0], $0x80  }
0x184: {  	[sflag:s0] =	ssyncset.done @!p0 $0x0  }
0x185: {  	s29 =	simm.s32 @!p0 $0xF;
	[sflag:s0] =	ssyncadd.s32 @!p0 $0xFFFFFF80  }
0x186: {  	_ =	swait.ge @!p0 [sflag:s29], $0x4000  }
0x187: {  	[sflag:s29] =	ssyncset.done @!p0 $0x0  }
0x188: {  	s1 =	simm.s32 @!p0 $0x10400;
	s0 =	simm.s32 @!p0 $0x80;
	[sflag:s29] =	ssyncadd.s32 @!p0 $0xFFFFC000  }
0x189: {  	[tilespmem:s1], [sflag:$0xA] =	stream.indirect.gather @!p0 [hbm4b:s2+s0], $0x80, s25, s0, $0xb8;
	[tilespmem:$0x15480] =	vst v63  }
0x18a: {  	_ =	swait.ge [sflag:s9], $0x4000  }
0x18b: {  	s28 =	sld [smem:$0x7F9]  }
0x18c: {  	[sflag:s9] =	ssyncset.done $0x0  }
0x18d: {  	s25 =	simm.s32 @!p0 $0xA;
	[sflag:s9] =	ssyncadd.s32 $0xFFFFC000  }
0x18e: {  	[hbm4b:s28+s3] =	stream.linear.scatter [tilespmem:s11], [sflag:$0xE], $0x4000, $0x38;
	[tilespmem:$0x15480] =	vst v63  }
0x18f: {  	_ =	swait.ge @!p0 [sflag:s25], $0x4000  }
0x190: {  	s0 =	sld [smem:$0x7FB]  }
0x191: {  	[sflag:s25] =	ssyncset.done @!p0 $0x0  }
0x192: {  	[sflag:s25] =	ssyncadd.s32 @!p0 $0xFFFFC000  }
0x193: {  	[hbm4b:s0+s23] =	stream.linear.scatter @!p0 [tilespmem:s1], [sflag:$0xF], $0x4000, $0x38;
	[tilespmem:$0x15480] =	vst v63  }
0x194: {  	_ =	swait.ge [sflag:s5], $0x4000  }
0x195: {  	[sflag:s5] =	ssyncset.done $0x0  }
0x196: {  	[sflag:s5] =	ssyncadd.s32 $0xFFFFC000  }
0x197: {  	_ =	swait.ge [sflag:s8], $0x4000  }
0x198: {  	[sflag:s8] =	ssyncset.done $0x0  }
0x199: {  	[sflag:s8] =	ssyncadd.s32 $0xFFFFC000  }
0x19a: {  	_ =	swait.ge [sflag:s6], $0x4000  }
0x19b: {  	[sflag:s6] =	ssyncset.done $0x0  }
0x19c: {  	[sflag:s6] =	ssyncadd.s32 $0xFFFFC000  }
0x19d: {  	_ =	swait.ge [sflag:s4], $0x4000  }
0x19e: {  	s0 =	sld [smem:$0x7FC]  }
0x19f: {  	s28 =	simm.s32 @!p1 $0x0;
	[sflag:s4] =	ssyncset.done $0x0  }
0x1a0: {  	s25 =	simm.s32 @!p1 $0x10;
	s23 =	simm.s32 @!p1 $0x14400;
	[sflag:s4] =	ssyncadd.s32 $0xFFFFC000  }
0x1a1: {  	[tilespmem:s23], [sflag:$0x10] =	stream.linear.gather @!p1 [hbm4b:s0+s28], $0x20, $0x38;
	[tilespmem:$0x15480] =	vst v63  }
0x1a2: {  	_ =	swait.ge @!p1 [sflag:s25], $0x20  }
0x1a3: {  	s30 =	simm.s32 @!p1 $0x20;
	[sflag:s25] =	ssyncset.done @!p1 $0x0  }
0x1a4: {  	s1 =	simm.s32 @!p1 $0x14480;
	s0 =	simm.s32 @!p1 $0x6;
	[sflag:s25] =	ssyncadd.s32 @!p1 $0xFFFFFFE0  }
0x1a5: {  	[tilespmem:s1], [sflag:$0x6] =	stream.indirect.gather @!p1 [hbm4b:s2+s30], $0x80, s23, s30, $0xb8;
	[tilespmem:$0x15480] =	vst v63  }
0x1a6: {  	_ =	swait.ge @!p1 [sflag:s0], $0x1000  }
0x1a7: {  	s30 =	sld [smem:$0x7FD]  }
0x1a8: {  	[sflag:s0] =	ssyncset.done @!p1 $0x0  }
0x1a9: {  	[sflag:s0] =	ssyncadd.s32 @!p1 $0xFFFFF000  }
0x1aa: {  	[hbm4b:s30+s28] =	stream.linear.scatter @!p1 [tilespmem:s1], [sflag:$0x10], $0x1000, $0x38;
	[tilespmem:$0x15480] =	vst v63  }
0x1ab: {  	_ =	swait.ge @!p1 [sflag:s25], $0x1000  }
0x1ac: {  	s28 =	sld [smem:$0x7E5];
	_ =	sdelay $0x2  }
0x1ad: {  	s30 =	sadd.s32 $0xFFFFFFFF, s28  }
0x1ae: {  	p3 =	sne.s32 s30, $0x0  }
.Ltmp1:
0x1af: {  	_ = 	snop;
	(pc) =	sbr.rel @!p3 .LBB2_2-.Ltmp1, $4  }
0x1b0: {  	[sflag:s25] =	ssyncset.done @!p1 $0x0  }
0x1b1: {  	[sflag:s25] =	ssyncadd.s32 @!p1 $0xFFFFF000  }
0x1b2: {  	p2 =	por $0x1, $0x1;
	s7 =	simm.s32 $0xF;
	_ =	swait.ge @!p0 [sflag:s29], $0x4000  }
0x1b3: {  	s24 =	simm.s32 $0x5;
	s26 =	simm.s32 $0xA;
	[sflag:s29] =	ssyncset.done @!p0 $0x0  }
.LBB2_3:
0x1b4: {  	s0 =	sld [smem:$0x7F4];
	_ =	sdelay $0x1  }
0x1b5: {  	[sflag:s29] =	ssyncadd.s32 @!p0 $0xFFFFC000  }
0x1b6: {  	[tilespmem:s3], [sflag:$0x1] =	stream.linear.gather [hbm4b:s0+s3], $0x80, $0x38;
	[tilespmem:$0x15480] =	vst v63  }
0x1b7: {  	s1 =	rddreg [dreg:$0x4]  }
0x1b8: {  	[tilespmem:s10], [sflag:$0x2] =	stream.linear.gather [hbm4b:s1+s3], $0x80, $0x38;
	[tilespmem:$0x15480] =	vst v63  }
0x1b9: {  	s23 =	rddreg [dreg:$0x5]  }
0x1ba: {  	[tilespmem:s15], [sflag:$0x3] =	stream.linear.gather [hbm4b:s23+s3], $0x80, $0x38;
	[tilespmem:$0x15480] =	vst v63  }
0x1bb: {  	s25 =	rddreg [dreg:$0x6]  }
0x1bc: {  	[tilespmem:s12], [sflag:$0x4] =	stream.linear.gather [hbm4b:s25+s3], $0x80, $0x38;
	[tilespmem:$0x15480] =	vst v63  }
0x1bd: {  	s28 =	rddreg [dreg:$0x7];
	s25 =	simm.s32 $0x200  }
0x1be: {  	[tilespmem:s25], [sflag:$0x5] =	stream.linear.gather [hbm4b:s28+s3], $0x80, $0x38;
	[tilespmem:$0x15480] =	vst v63  }
0x1bf: {  	_ =	swait.ge [sflag:s22], $0x80  }
0x1c0: {  	[sflag:s22] =	ssyncset.done $0x0  }
0x1c1: {  	[sflag:s22] =	ssyncadd.s32 $0xFFFFFF80  }
0x1c2: {  	[tilespmem:s31], [sflag:$0x6] =	stream.indirect.gather [hbm4b:s2+s10], $0x80, s3, s10, $0xb8;
	[tilespmem:$0x15480] =	vst v63  }
0x1c3: {  	_ =	swait.ge [sflag:s21], $0x80  }
0x1c4: {  	[sflag:s21] =	ssyncset.done $0x0  }
0x1c5: {  	[sflag:s21] =	ssyncadd.s32 $0xFFFFFF80  }
0x1c6: {  	[tilespmem:s18], [sflag:$0x7] =	stream.indirect.gather [hbm4b:s2+s10], $0x80, s10, s10, $0xb8;
	[tilespmem:$0x15480] =	vst v63  }
0x1c7: {  	_ =	swait.ge [sflag:s20], $0x4000  }
0x1c8: {  	s28 =	sld [smem:$0x7FA]  }
0x1c9: {  	[sflag:s20] =	ssyncset.done $0x0  }
0x1ca: {  	[sflag:s20] =	ssyncadd.s32 $0xFFFFC000  }
0x1cb: {  	[hbm4b:s28+s3] =	stream.linear.scatter [tilespmem:s31], [sflag:$0xB], $0x4000, $0x38;
	[tilespmem:$0x15480] =	vst v63  }
0x1cc: {  	s23 =	rddreg [dreg:$0x8]  }
0x1cd: {  	[tilespmem:s3], [sflag:$0x1] =	stream.linear.gather [hbm4b:s23+s3], $0x80, $0x38;
	[tilespmem:$0x15480] =	vst v63  }
0x1ce: {  	_ =	swait.ge [sflag:s19], $0x80  }
0x1cf: {  	[sflag:s19] =	ssyncset.done $0x0  }
0x1d0: {  	[sflag:s19] =	ssyncadd.s32 $0xFFFFFF80  }
0x1d1: {  	[tilespmem:s14], [sflag:$0x8] =	stream.indirect.gather [hbm4b:s2+s10], $0x80, s15, s10, $0xb8;
	[tilespmem:$0x15480] =	vst v63  }
0x1d2: {  	_ =	swait.ge [sflag:s17], $0x4000  }
0x1d3: {  	[sflag:s17] =	ssyncset.done $0x0  }
0x1d4: {  	s23 =	rddreg [dreg:$0x9];
	[sflag:s17] =	ssyncadd.s32 $0xFFFFC000  }
0x1d5: {  	[hbm4b:s23+s3] =	stream.linear.scatter [tilespmem:s18], [sflag:$0xC], $0x4000, $0x38;
	[tilespmem:$0x15480] =	vst v63  }
0x1d6: {  	s28 =	rddreg [dreg:$0xa]  }
0x1d7: {  	[tilespmem:s10], [sflag:$0x2] =	stream.linear.gather [hbm4b:s28+s3], $0x80, $0x38;
	[tilespmem:$0x15480] =	vst v63  }
0x1d8: {  	_ =	swait.ge [sflag:s16], $0x80  }
0x1d9: {  	[sflag:s16] =	ssyncset.done $0x0  }
0x1da: {  	[sflag:s16] =	ssyncadd.s32 $0xFFFFFF80  }
0x1db: {  	[tilespmem:s11], [sflag:$0x9] =	stream.indirect.gather [hbm4b:s2+s10], $0x80, s12, s10, $0xb8;
	[tilespmem:$0x15480] =	vst v63  }
0x1dc: {  	_ =	swait.ge [sflag:s13], $0x4000  }
0x1dd: {  	[sflag:s13] =	ssyncset.done $0x0  }
0x1de: {  	s23 =	rddreg [dreg:$0xb];
	[sflag:s13] =	ssyncadd.s32 $0xFFFFC000  }
0x1df: {  	[hbm4b:s23+s3] =	stream.linear.scatter [tilespmem:s14], [sflag:$0xD], $0x4000, $0x38;
	[tilespmem:$0x15480] =	vst v63  }
0x1e0: {  	s28 =	rddreg [dreg:$0xc]  }
0x1e1: {  	[tilespmem:s15], [sflag:$0x3] =	stream.linear.gather [hbm4b:s28+s3], $0x80, $0x38;
	[tilespmem:$0x15480] =	vst v63  }
0x1e2: {  	_ =	swait.ge [sflag:s24], $0x80  }
0x1e3: {  	[sflag:s24] =	ssyncset.done $0x0  }
0x1e4: {  	s23 =	simm.s32 $0x10400;
	[sflag:s24] =	ssyncadd.s32 $0xFFFFFF80  }
0x1e5: {  	[tilespmem:s23], [sflag:$0xA] =	stream.indirect.gather [hbm4b:s2+s10], $0x80, s25, s10, $0xb8;
	[tilespmem:$0x15480] =	vst v63  }
0x1e6: {  	_ =	swait.ge [sflag:s9], $0x4000  }
0x1e7: {  	[sflag:s9] =	ssyncset.done $0x0  }
0x1e8: {  	s1 =	rddreg [dreg:$0xd];
	[sflag:s9] =	ssyncadd.s32 $0xFFFFC000  }
0x1e9: {  	[hbm4b:s1+s3] =	stream.linear.scatter [tilespmem:s11], [sflag:$0xE], $0x4000, $0x38;
	[tilespmem:$0x15480] =	vst v63  }
0x1ea: {  	s28 =	rddreg [dreg:$0xe]  }
0x1eb: {  	[tilespmem:s12], [sflag:$0x4] =	stream.linear.gather [hbm4b:s28+s3], $0x80, $0x38;
	[tilespmem:$0x15480] =	vst v63  }
0x1ec: {  	_ =	swait.ge [sflag:s22], $0x80  }
0x1ed: {  	[sflag:s22] =	ssyncset.done $0x0  }
0x1ee: {  	[sflag:s22] =	ssyncadd.s32 $0xFFFFFF80  }
0x1ef: {  	_ =	swait.ge [sflag:s5], $0x4000  }
0x1f0: {  	[sflag:s5] =	ssyncset.done $0x0  }
0x1f1: {  	[sflag:s5] =	ssyncadd.s32 $0xFFFFC000  }
0x1f2: {  	[tilespmem:s31], [sflag:$0x6] =	stream.indirect.gather [hbm4b:s2+s10], $0x80, s3, s10, $0xb8;
	[tilespmem:$0x15480] =	vst v63  }
0x1f3: {  	_ =	swait.ge [sflag:s26], $0x4000  }
0x1f4: {  	[sflag:s26] =	ssyncset.done $0x0  }
0x1f5: {  	s1 =	rddreg [dreg:$0xf];
	[sflag:s26] =	ssyncadd.s32 $0xFFFFC000  }
0x1f6: {  	[hbm4b:s1+s3] =	stream.linear.scatter [tilespmem:s23], [sflag:$0xF], $0x4000, $0x38;
	[tilespmem:$0x15480] =	vst v63  }
0x1f7: {  	s28 =	rddreg [dreg:$0x10]  }
0x1f8: {  	[tilespmem:s25], [sflag:$0x5] =	stream.linear.gather [hbm4b:s28+s3], $0x80, $0x38;
	[tilespmem:$0x15480] =	vst v63  }
0x1f9: {  	_ =	swait.ge [sflag:s21], $0x80  }
0x1fa: {  	[sflag:s21] =	ssyncset.done $0x0  }
0x1fb: {  	[sflag:s21] =	ssyncadd.s32 $0xFFFFFF80  }
0x1fc: {  	_ =	swait.ge [sflag:s8], $0x4000  }
0x1fd: {  	[sflag:s8] =	ssyncset.done $0x0  }
0x1fe: {  	[sflag:s8] =	ssyncadd.s32 $0xFFFFC000  }
0x1ff: {  	[tilespmem:s18], [sflag:$0x7] =	stream.indirect.gather [hbm4b:s2+s10], $0x80, s10, s10, $0xb8;
	[tilespmem:$0x15480] =	vst v63  }
0x200: {  	_ =	swait.ge [sflag:s20], $0x4000  }
0x201: {  	[sflag:s20] =	ssyncset.done $0x0  }
0x202: {  	s1 =	rddreg [dreg:$0x11];
	[sflag:s20] =	ssyncadd.s32 $0xFFFFC000  }
0x203: {  	[hbm4b:s1+s3] =	stream.linear.scatter [tilespmem:s31], [sflag:$0xB], $0x4000, $0x38;
	[tilespmem:$0x15480] =	vst v63  }
0x204: {  	s28 =	rddreg [dreg:$0x12]  }
0x205: {  	[tilespmem:s3], [sflag:$0x1] =	stream.linear.gather [hbm4b:s28+s3], $0x80, $0x38;
	[tilespmem:$0x15480] =	vst v63  }
0x206: {  	_ =	swait.ge [sflag:s19], $0x80  }
0x207: {  	[sflag:s19] =	ssyncset.done $0x0  }
0x208: {  	[sflag:s19] =	ssyncadd.s32 $0xFFFFFF80  }
0x209: {  	_ =	swait.ge [sflag:s6], $0x4000  }
0x20a: {  	[sflag:s6] =	ssyncset.done $0x0  }
0x20b: {  	[sflag:s6] =	ssyncadd.s32 $0xFFFFC000  }
0x20c: {  	[tilespmem:s14], [sflag:$0x8] =	stream.indirect.gather [hbm4b:s2+s10], $0x80, s15, s10, $0xb8;
	[tilespmem:$0x15480] =	vst v63  }
0x20d: {  	_ =	swait.ge [sflag:s17], $0x4000  }
0x20e: {  	[sflag:s17] =	ssyncset.done $0x0  }
0x20f: {  	s1 =	rddreg [dreg:$0x13];
	[sflag:s17] =	ssyncadd.s32 $0xFFFFC000  }
0x210: {  	[hbm4b:s1+s3] =	stream.linear.scatter [tilespmem:s18], [sflag:$0xC], $0x4000, $0x38;
	[tilespmem:$0x15480] =	vst v63  }
0x211: {  	s28 =	rddreg [dreg:$0x14]  }
0x212: {  	[tilespmem:s10], [sflag:$0x2] =	stream.linear.gather [hbm4b:s28+s3], $0x80, $0x38;
	[tilespmem:$0x15480] =	vst v63  }
0x213: {  	_ =	swait.ge [sflag:s16], $0x80  }
0x214: {  	[sflag:s16] =	ssyncset.done $0x0  }
0x215: {  	[sflag:s16] =	ssyncadd.s32 $0xFFFFFF80  }
0x216: {  	_ =	swait.ge [sflag:s4], $0x4000  }
0x217: {  	[sflag:s4] =	ssyncset.done $0x0  }
0x218: {  	[sflag:s4] =	ssyncadd.s32 $0xFFFFC000  }
0x219: {  	[tilespmem:s11], [sflag:$0x9] =	stream.indirect.gather [hbm4b:s2+s10], $0x80, s12, s10, $0xb8;
	[tilespmem:$0x15480] =	vst v63  }
0x21a: {  	_ =	swait.ge [sflag:s13], $0x4000  }
0x21b: {  	[sflag:s13] =	ssyncset.done $0x0  }
0x21c: {  	s1 =	rddreg [dreg:$0x15];
	[sflag:s13] =	ssyncadd.s32 $0xFFFFC000  }
0x21d: {  	[hbm4b:s1+s3] =	stream.linear.scatter [tilespmem:s14], [sflag:$0xD], $0x4000, $0x38;
	[tilespmem:$0x15480] =	vst v63  }
0x21e: {  	s28 =	rddreg [dreg:$0x16]  }
0x21f: {  	[tilespmem:s15], [sflag:$0x3] =	stream.linear.gather [hbm4b:s28+s3], $0x80, $0x38;
	[tilespmem:$0x15480] =	vst v63  }
0x220: {  	_ =	swait.ge [sflag:s24], $0x80  }
0x221: {  	[sflag:s24] =	ssyncset.done $0x0  }
0x222: {  	[sflag:s24] =	ssyncadd.s32 $0xFFFFFF80  }
0x223: {  	_ =	swait.ge [sflag:s7], $0x4000  }
0x224: {  	[sflag:s7] =	ssyncset.done $0x0  }
0x225: {  	[sflag:s7] =	ssyncadd.s32 $0xFFFFC000  }
0x226: {  	[tilespmem:s23], [sflag:$0xA] =	stream.indirect.gather [hbm4b:s2+s10], $0x80, s25, s10, $0xb8;
	[tilespmem:$0x15480] =	vst v63  }
0x227: {  	_ =	swait.ge [sflag:s9], $0x4000  }
0x228: {  	[sflag:s9] =	ssyncset.done $0x0  }
0x229: {  	s1 =	rddreg [dreg:$0x17];
	[sflag:s9] =	ssyncadd.s32 $0xFFFFC000  }
0x22a: {  	[hbm4b:s1+s3] =	stream.linear.scatter [tilespmem:s11], [sflag:$0xE], $0x4000, $0x38;
	[tilespmem:$0x15480] =	vst v63  }
0x22b: {  	s28 =	rddreg [dreg:$0x18]  }
0x22c: {  	[tilespmem:s12], [sflag:$0x4] =	stream.linear.gather [hbm4b:s28+s3], $0x80, $0x38;
	[tilespmem:$0x15480] =	vst v63  }
0x22d: {  	_ =	swait.ge [sflag:s22], $0x80  }
0x22e: {  	[sflag:s22] =	ssyncset.done $0x0  }
0x22f: {  	[sflag:s22] =	ssyncadd.s32 $0xFFFFFF80  }
0x230: {  	_ =	swait.ge [sflag:s5], $0x4000  }
0x231: {  	[sflag:s5] =	ssyncset.done $0x0  }
0x232: {  	[sflag:s5] =	ssyncadd.s32 $0xFFFFC000  }
0x233: {  	[tilespmem:s31], [sflag:$0x6] =	stream.indirect.gather [hbm4b:s2+s10], $0x80, s3, s10, $0xb8;
	[tilespmem:$0x15480] =	vst v63  }
0x234: {  	_ =	swait.ge [sflag:s26], $0x4000  }
0x235: {  	[sflag:s26] =	ssyncset.done $0x0  }
0x236: {  	s1 =	rddreg [dreg:$0x19];
	[sflag:s26] =	ssyncadd.s32 $0xFFFFC000  }
0x237: {  	[hbm4b:s1+s3] =	stream.linear.scatter [tilespmem:s23], [sflag:$0xF], $0x4000, $0x38;
	[tilespmem:$0x15480] =	vst v63  }
0x238: {  	s28 =	rddreg [dreg:$0x1a]  }
0x239: {  	[tilespmem:s25], [sflag:$0x5] =	stream.linear.gather [hbm4b:s28+s3], $0x80, $0x38;
	[tilespmem:$0x15480] =	vst v63  }
0x23a: {  	_ =	swait.ge [sflag:s21], $0x80  }
0x23b: {  	[sflag:s21] =	ssyncset.done $0x0  }
0x23c: {  	[sflag:s21] =	ssyncadd.s32 $0xFFFFFF80  }
0x23d: {  	_ =	swait.ge [sflag:s8], $0x4000  }
0x23e: {  	[sflag:s8] =	ssyncset.done $0x0  }
0x23f: {  	[sflag:s8] =	ssyncadd.s32 $0xFFFFC000  }
0x240: {  	[tilespmem:s18], [sflag:$0x7] =	stream.indirect.gather [hbm4b:s2+s10], $0x80, s10, s10, $0xb8;
	[tilespmem:$0x15480] =	vst v63  }
0x241: {  	_ =	swait.ge [sflag:s20], $0x4000  }
0x242: {  	[sflag:s20] =	ssyncset.done $0x0  }
0x243: {  	s1 =	rddreg [dreg:$0x1b];
	[sflag:s20] =	ssyncadd.s32 $0xFFFFC000  }
0x244: {  	[hbm4b:s1+s3] =	stream.linear.scatter [tilespmem:s31], [sflag:$0xB], $0x4000, $0x38;
	[tilespmem:$0x15480] =	vst v63  }
0x245: {  	s28 =	rddreg [dreg:$0x1c]  }
0x246: {  	[tilespmem:s3], [sflag:$0x1] =	stream.linear.gather [hbm4b:s28+s3], $0x80, $0x38;
	[tilespmem:$0x15480] =	vst v63  }
0x247: {  	_ =	swait.ge [sflag:s19], $0x80  }
0x248: {  	[sflag:s19] =	ssyncset.done $0x0  }
0x249: {  	[sflag:s19] =	ssyncadd.s32 $0xFFFFFF80  }
0x24a: {  	_ =	swait.ge [sflag:s6], $0x4000  }
0x24b: {  	[sflag:s6] =	ssyncset.done $0x0  }
0x24c: {  	[sflag:s6] =	ssyncadd.s32 $0xFFFFC000  }
0x24d: {  	[tilespmem:s14], [sflag:$0x8] =	stream.indirect.gather [hbm4b:s2+s10], $0x80, s15, s10, $0xb8;
	[tilespmem:$0x15480] =	vst v63  }
0x24e: {  	_ =	swait.ge [sflag:s17], $0x4000  }
0x24f: {  	[sflag:s17] =	ssyncset.done $0x0  }
0x250: {  	s1 =	rddreg [dreg:$0x1d];
	[sflag:s17] =	ssyncadd.s32 $0xFFFFC000  }
0x251: {  	[hbm4b:s1+s3] =	stream.linear.scatter [tilespmem:s18], [sflag:$0xC], $0x4000, $0x38;
	[tilespmem:$0x15480] =	vst v63  }
0x252: {  	s28 =	rddreg [dreg:$0x1e]  }
0x253: {  	[tilespmem:s10], [sflag:$0x2] =	stream.linear.gather [hbm4b:s28+s3], $0x80, $0x38;
	[tilespmem:$0x15480] =	vst v63  }
0x254: {  	_ =	swait.ge [sflag:s16], $0x80  }
0x255: {  	[sflag:s16] =	ssyncset.done $0x0  }
0x256: {  	[sflag:s16] =	ssyncadd.s32 $0xFFFFFF80  }
0x257: {  	_ =	swait.ge [sflag:s4], $0x4000  }
0x258: {  	[sflag:s4] =	ssyncset.done $0x0  }
0x259: {  	[sflag:s4] =	ssyncadd.s32 $0xFFFFC000  }
0x25a: {  	[tilespmem:s11], [sflag:$0x9] =	stream.indirect.gather [hbm4b:s2+s10], $0x80, s12, s10, $0xb8;
	[tilespmem:$0x15480] =	vst v63  }
0x25b: {  	_ =	swait.ge [sflag:s13], $0x4000  }
0x25c: {  	s1 =	rddreg [dreg:$0x1f];
	[sflag:s13] =	ssyncset.done $0x0  }
0x25d: {  	s28 =	sld [smem:$0x7E6];
	[sflag:s13] =	ssyncadd.s32 $0xFFFFC000  }
0x25e: {  	[hbm4b:s1+s3] =	stream.linear.scatter [tilespmem:s14], [sflag:$0xD], $0x4000, $0x38;
	[tilespmem:$0x15480] =	vst v63  }
0x25f: {  	_ = 	snop  }
0x260: {  	[tilespmem:s15], [sflag:$0x3] =	stream.linear.gather [hbm4b:s28+s3], $0x80, $0x38;
	[tilespmem:$0x15480] =	vst v63  }
0x261: {  	_ =	swait.ge [sflag:s24], $0x80  }
0x262: {  	[sflag:s24] =	ssyncset.done $0x0  }
0x263: {  	[sflag:s24] =	ssyncadd.s32 $0xFFFFFF80  }
0x264: {  	_ =	swait.ge [sflag:s7], $0x4000  }
0x265: {  	[sflag:s7] =	ssyncset.done $0x0  }
0x266: {  	[sflag:s7] =	ssyncadd.s32 $0xFFFFC000  }
0x267: {  	[tilespmem:s23], [sflag:$0xA] =	stream.indirect.gather [hbm4b:s2+s10], $0x80, s25, s10, $0xb8;
	[tilespmem:$0x15480] =	vst v63  }
0x268: {  	_ =	swait.ge [sflag:s9], $0x4000  }
0x269: {  	s1 =	sld [smem:$0x7E7]  }
0x26a: {  	[sflag:s9] =	ssyncset.done $0x0  }
0x26b: {  	s28 =	sld [smem:$0x7E8];
	[sflag:s9] =	ssyncadd.s32 $0xFFFFC000  }
0x26c: {  	[hbm4b:s1+s3] =	stream.linear.scatter [tilespmem:s11], [sflag:$0xE], $0x4000, $0x38;
	[tilespmem:$0x15480] =	vst v63  }
0x26d: {  	_ = 	snop  }
0x26e: {  	[tilespmem:s12], [sflag:$0x4] =	stream.linear.gather [hbm4b:s28+s3], $0x80, $0x38;
	[tilespmem:$0x15480] =	vst v63  }
0x26f: {  	_ =	swait.ge [sflag:s22], $0x80  }
0x270: {  	[sflag:s22] =	ssyncset.done $0x0  }
0x271: {  	[sflag:s22] =	ssyncadd.s32 $0xFFFFFF80  }
0x272: {  	_ =	swait.ge [sflag:s5], $0x4000  }
0x273: {  	[sflag:s5] =	ssyncset.done $0x0  }
0x274: {  	[sflag:s5] =	ssyncadd.s32 $0xFFFFC000  }
0x275: {  	[tilespmem:s31], [sflag:$0x6] =	stream.indirect.gather [hbm4b:s2+s10], $0x80, s3, s10, $0xb8;
	[tilespmem:$0x15480] =	vst v63  }
0x276: {  	_ =	swait.ge [sflag:s26], $0x4000  }
0x277: {  	s1 =	sld [smem:$0x7E9]  }
0x278: {  	[sflag:s26] =	ssyncset.done $0x0  }
0x279: {  	s28 =	sld [smem:$0x7EA];
	[sflag:s26] =	ssyncadd.s32 $0xFFFFC000  }
0x27a: {  	[hbm4b:s1+s3] =	stream.linear.scatter [tilespmem:s23], [sflag:$0xF], $0x4000, $0x38;
	[tilespmem:$0x15480] =	vst v63  }
0x27b: {  	_ = 	snop  }
0x27c: {  	[tilespmem:s25], [sflag:$0x5] =	stream.linear.gather [hbm4b:s28+s3], $0x80, $0x38;
	[tilespmem:$0x15480] =	vst v63  }
0x27d: {  	_ =	swait.ge [sflag:s21], $0x80  }
0x27e: {  	[sflag:s21] =	ssyncset.done $0x0  }
0x27f: {  	[sflag:s21] =	ssyncadd.s32 $0xFFFFFF80  }
0x280: {  	_ =	swait.ge [sflag:s8], $0x4000  }
0x281: {  	[sflag:s8] =	ssyncset.done $0x0  }
0x282: {  	[sflag:s8] =	ssyncadd.s32 $0xFFFFC000  }
0x283: {  	[tilespmem:s18], [sflag:$0x7] =	stream.indirect.gather [hbm4b:s2+s10], $0x80, s10, s10, $0xb8;
	[tilespmem:$0x15480] =	vst v63  }
0x284: {  	_ =	swait.ge [sflag:s20], $0x4000  }
0x285: {  	s1 =	sld [smem:$0x7EB]  }
0x286: {  	[sflag:s20] =	ssyncset.done $0x0  }
0x287: {  	s28 =	sld [smem:$0x7EC];
	[sflag:s20] =	ssyncadd.s32 $0xFFFFC000  }
0x288: {  	[hbm4b:s1+s3] =	stream.linear.scatter [tilespmem:s31], [sflag:$0xB], $0x4000, $0x38;
	[tilespmem:$0x15480] =	vst v63  }
0x289: {  	_ = 	snop  }
0x28a: {  	[tilespmem:s3], [sflag:$0x1] =	stream.linear.gather [hbm4b:s28+s3], $0x80, $0x38;
	[tilespmem:$0x15480] =	vst v63  }
0x28b: {  	_ =	swait.ge [sflag:s19], $0x80  }
0x28c: {  	[sflag:s19] =	ssyncset.done $0x0  }
0x28d: {  	[sflag:s19] =	ssyncadd.s32 $0xFFFFFF80  }
0x28e: {  	_ =	swait.ge [sflag:s6], $0x4000  }
0x28f: {  	[sflag:s6] =	ssyncset.done $0x0  }
0x290: {  	[sflag:s6] =	ssyncadd.s32 $0xFFFFC000  }
0x291: {  	[tilespmem:s14], [sflag:$0x8] =	stream.indirect.gather [hbm4b:s2+s10], $0x80, s15, s10, $0xb8;
	[tilespmem:$0x15480] =	vst v63  }
0x292: {  	_ =	swait.ge [sflag:s17], $0x4000  }
0x293: {  	s1 =	sld [smem:$0x7ED]  }
0x294: {  	[sflag:s17] =	ssyncset.done $0x0  }
0x295: {  	s28 =	sld [smem:$0x7EE];
	[sflag:s17] =	ssyncadd.s32 $0xFFFFC000  }
0x296: {  	[hbm4b:s1+s3] =	stream.linear.scatter [tilespmem:s18], [sflag:$0xC], $0x4000, $0x38;
	[tilespmem:$0x15480] =	vst v63  }
0x297: {  	_ = 	snop  }
0x298: {  	[tilespmem:s10], [sflag:$0x2] =	stream.linear.gather [hbm4b:s28+s3], $0x80, $0x38;
	[tilespmem:$0x15480] =	vst v63  }
0x299: {  	_ =	swait.ge [sflag:s16], $0x80  }
0x29a: {  	[sflag:s16] =	ssyncset.done $0x0  }
0x29b: {  	[sflag:s16] =	ssyncadd.s32 $0xFFFFFF80  }
0x29c: {  	_ =	swait.ge [sflag:s4], $0x4000  }
0x29d: {  	[sflag:s4] =	ssyncset.done $0x0  }
0x29e: {  	[sflag:s4] =	ssyncadd.s32 $0xFFFFC000  }
0x29f: {  	[tilespmem:s11], [sflag:$0x9] =	stream.indirect.gather [hbm4b:s2+s10], $0x80, s12, s10, $0xb8;
	[tilespmem:$0x15480] =	vst v63  }
0x2a0: {  	_ =	swait.ge [sflag:s13], $0x4000  }
0x2a1: {  	s1 =	sld [smem:$0x7EF]  }
0x2a2: {  	[sflag:s13] =	ssyncset.done $0x0  }
0x2a3: {  	s28 =	sld [smem:$0x7F0];
	[sflag:s13] =	ssyncadd.s32 $0xFFFFC000  }
0x2a4: {  	[hbm4b:s1+s3] =	stream.linear.scatter [tilespmem:s14], [sflag:$0xD], $0x4000, $0x38;
	[tilespmem:$0x15480] =	vst v63  }
0x2a5: {  	_ = 	snop  }
0x2a6: {  	[tilespmem:s15], [sflag:$0x3] =	stream.linear.gather [hbm4b:s28+s3], $0x80, $0x38;
	[tilespmem:$0x15480] =	vst v63  }
0x2a7: {  	_ =	swait.ge [sflag:s24], $0x80  }
0x2a8: {  	[sflag:s24] =	ssyncset.done $0x0  }
0x2a9: {  	[sflag:s24] =	ssyncadd.s32 $0xFFFFFF80  }
0x2aa: {  	_ =	swait.ge [sflag:s7], $0x4000  }
0x2ab: {  	[sflag:s7] =	ssyncset.done $0x0  }
0x2ac: {  	[sflag:s7] =	ssyncadd.s32 $0xFFFFC000  }
0x2ad: {  	[tilespmem:s23], [sflag:$0xA] =	stream.indirect.gather [hbm4b:s2+s10], $0x80, s25, s10, $0xb8;
	[tilespmem:$0x15480] =	vst v63  }
0x2ae: {  	_ =	swait.ge [sflag:s9], $0x4000  }
0x2af: {  	s1 =	sld [smem:$0x7F1]  }
0x2b0: {  	[sflag:s9] =	ssyncset.done $0x0  }
0x2b1: {  	s25 =	sld [smem:$0x7F2];
	[sflag:s9] =	ssyncadd.s32 $0xFFFFC000  }
0x2b2: {  	[hbm4b:s1+s3] =	stream.linear.scatter [tilespmem:s11], [sflag:$0xE], $0x4000, $0x38;
	[tilespmem:$0x15480] =	vst v63  }
0x2b3: {  	_ = 	snop  }
0x2b4: {  	[tilespmem:s12], [sflag:$0x4] =	stream.linear.gather [hbm4b:s25+s3], $0x80, $0x38;
	[tilespmem:$0x15480] =	vst v63  }
0x2b5: {  	_ =	swait.ge [sflag:s22], $0x80  }
0x2b6: {  	[sflag:s22] =	ssyncset.done $0x0  }
0x2b7: {  	[sflag:s22] =	ssyncadd.s32 $0xFFFFFF80  }
0x2b8: {  	_ =	swait.ge [sflag:s5], $0x4000  }
0x2b9: {  	[sflag:s5] =	ssyncset.done $0x0  }
0x2ba: {  	[sflag:s5] =	ssyncadd.s32 $0xFFFFC000  }
0x2bb: {  	[tilespmem:s31], [sflag:$0x6] =	stream.indirect.gather [hbm4b:s2+s10], $0x80, s3, s10, $0xb8;
	[tilespmem:$0x15480] =	vst v63  }
0x2bc: {  	_ =	swait.ge [sflag:s26], $0x4000  }
0x2bd: {  	s28 =	sld [smem:$0x7F3]  }
0x2be: {  	[sflag:s26] =	ssyncset.done $0x0  }
0x2bf: {  	s1 =	sld [smem:$0x7F5];
	[sflag:s26] =	ssyncadd.s32 $0xFFFFC000  }
0x2c0: {  	[hbm4b:s28+s3] =	stream.linear.scatter [tilespmem:s23], [sflag:$0xF], $0x4000, $0x38;
	[tilespmem:$0x15480] =	vst v63  }
0x2c1: {  	s25 =	simm.s32 @!p0 $0x200;
	s23 =	simm.s32 @!p0 $0x0  }
0x2c2: {  	[tilespmem:s25], [sflag:$0x5] =	stream.linear.gather @!p0 [hbm4b:s1+s23], $0x80, $0x38;
	[tilespmem:$0x15480] =	vst v63  }
0x2c3: {  	_ =	swait.ge [sflag:s21], $0x80  }
0x2c4: {  	[sflag:s21] =	ssyncset.done $0x0  }
0x2c5: {  	[sflag:s21] =	ssyncadd.s32 $0xFFFFFF80  }
0x2c6: {  	_ =	swait.ge [sflag:s8], $0x4000  }
0x2c7: {  	[sflag:s8] =	ssyncset.done $0x0  }
0x2c8: {  	[sflag:s8] =	ssyncadd.s32 $0xFFFFC000  }
0x2c9: {  	[tilespmem:s18], [sflag:$0x7] =	stream.indirect.gather [hbm4b:s2+s10], $0x80, s10, s10, $0xb8;
	[tilespmem:$0x15480] =	vst v63  }
0x2ca: {  	_ =	swait.ge [sflag:s20], $0x4000  }
0x2cb: {  	s1 =	sld [smem:$0x7F6]  }
0x2cc: {  	[sflag:s20] =	ssyncset.done $0x0  }
0x2cd: {  	[sflag:s20] =	ssyncadd.s32 $0xFFFFC000  }
0x2ce: {  	[hbm4b:s1+s3] =	stream.linear.scatter [tilespmem:s31], [sflag:$0xB], $0x4000, $0x38;
	[tilespmem:$0x15480] =	vst v63  }
0x2cf: {  	_ =	swait.ge [sflag:s19], $0x80  }
0x2d0: {  	[sflag:s19] =	ssyncset.done $0x0  }
0x2d1: {  	[sflag:s19] =	ssyncadd.s32 $0xFFFFFF80  }
0x2d2: {  	_ =	swait.ge [sflag:s6], $0x4000  }
0x2d3: {  	[sflag:s6] =	ssyncset.done $0x0  }
0x2d4: {  	[sflag:s6] =	ssyncadd.s32 $0xFFFFC000  }
0x2d5: {  	[tilespmem:s14], [sflag:$0x8] =	stream.indirect.gather [hbm4b:s2+s10], $0x80, s15, s10, $0xb8;
	[tilespmem:$0x15480] =	vst v63  }
0x2d6: {  	_ =	swait.ge [sflag:s17], $0x4000  }
0x2d7: {  	s28 =	sld [smem:$0x7F7]  }
0x2d8: {  	[sflag:s17] =	ssyncset.done $0x0  }
0x2d9: {  	[sflag:s17] =	ssyncadd.s32 $0xFFFFC000  }
0x2da: {  	[hbm4b:s28+s3] =	stream.linear.scatter [tilespmem:s18], [sflag:$0xC], $0x4000, $0x38;
	[tilespmem:$0x15480] =	vst v63  }
0x2db: {  	_ =	swait.ge [sflag:s16], $0x80  }
0x2dc: {  	[sflag:s16] =	ssyncset.done $0x0  }
0x2dd: {  	[sflag:s16] =	ssyncadd.s32 $0xFFFFFF80  }
0x2de: {  	_ =	swait.ge [sflag:s4], $0x4000  }
0x2df: {  	[sflag:s4] =	ssyncset.done $0x0  }
0x2e0: {  	[sflag:s4] =	ssyncadd.s32 $0xFFFFC000  }
0x2e1: {  	[tilespmem:s11], [sflag:$0x9] =	stream.indirect.gather [hbm4b:s2+s10], $0x80, s12, s10, $0xb8;
	[tilespmem:$0x15480] =	vst v63  }
0x2e2: {  	_ =	swait.ge [sflag:s13], $0x4000  }
0x2e3: {  	s1 =	sld [smem:$0x7F8]  }
0x2e4: {  	[sflag:s13] =	ssyncset.done $0x0  }
0x2e5: {  	s0 =	simm.s32 @p0 $0xF;
	[sflag:s13] =	ssyncadd.s32 $0xFFFFC000  }
0x2e6: {  	[hbm4b:s1+s3] =	stream.linear.scatter [tilespmem:s14], [sflag:$0xD], $0x4000, $0x38;
	[tilespmem:$0x15480] =	vst v63  }
0x2e7: {  	_ =	swait.ge @p0 [sflag:s0], $0x4000  }
0x2e8: {  	[sflag:s0] =	ssyncset.done @p0 $0x0  }
0x2e9: {  	[sflag:s0] =	ssyncadd.s32 @p0 $0xFFFFC000;
	s0 =	simm.s32 @!p0 $0x5  }
0x2ea: {  	_ =	swait.ge @!p0 [sflag:s0], $0x80  }
0x2eb: {  	[sflag:s0] =	ssyncset.done @!p0 $0x0  }
0x2ec: {  	[sflag:s0] =	ssyncadd.s32 @!p0 $0xFFFFFF80  }
0x2ed: {  	_ =	swait.ge @!p0 [sflag:s29], $0x4000  }
0x2ee: {  	[sflag:s29] =	ssyncset.done @!p0 $0x0  }
0x2ef: {  	s1 =	simm.s32 @!p0 $0x10400;
	s0 =	simm.s32 @!p0 $0x80;
	[sflag:s29] =	ssyncadd.s32 @!p0 $0xFFFFC000  }
0x2f0: {  	[tilespmem:s1], [sflag:$0xA] =	stream.indirect.gather @!p0 [hbm4b:s2+s0], $0x80, s25, s0, $0xb8;
	[tilespmem:$0x15480] =	vst v63  }
0x2f1: {  	_ =	swait.ge [sflag:s9], $0x4000  }
0x2f2: {  	s28 =	sld [smem:$0x7F9]  }
0x2f3: {  	[sflag:s9] =	ssyncset.done $0x0  }
0x2f4: {  	s25 =	simm.s32 @!p0 $0xA;
	[sflag:s9] =	ssyncadd.s32 $0xFFFFC000  }
0x2f5: {  	[hbm4b:s28+s3] =	stream.linear.scatter [tilespmem:s11], [sflag:$0xE], $0x4000, $0x38;
	[tilespmem:$0x15480] =	vst v63  }
0x2f6: {  	_ =	swait.ge @!p0 [sflag:s25], $0x4000  }
0x2f7: {  	s0 =	sld [smem:$0x7FB]  }
0x2f8: {  	[sflag:s25] =	ssyncset.done @!p0 $0x0  }
0x2f9: {  	[sflag:s25] =	ssyncadd.s32 @!p0 $0xFFFFC000  }
0x2fa: {  	[hbm4b:s0+s23] =	stream.linear.scatter @!p0 [tilespmem:s1], [sflag:$0xF], $0x4000, $0x38;
	[tilespmem:$0x15480] =	vst v63  }
0x2fb: {  	_ =	swait.ge [sflag:s5], $0x4000  }
0x2fc: {  	[sflag:s5] =	ssyncset.done $0x0  }
0x2fd: {  	[sflag:s5] =	ssyncadd.s32 $0xFFFFC000  }
0x2fe: {  	_ =	swait.ge [sflag:s8], $0x4000  }
0x2ff: {  	[sflag:s8] =	ssyncset.done $0x0  }
0x300: {  	[sflag:s8] =	ssyncadd.s32 $0xFFFFC000  }
0x301: {  	_ =	swait.ge [sflag:s6], $0x4000  }
0x302: {  	[sflag:s6] =	ssyncset.done $0x0  }
0x303: {  	[sflag:s6] =	ssyncadd.s32 $0xFFFFC000  }
0x304: {  	_ =	swait.ge [sflag:s4], $0x4000  }
0x305: {  	s0 =	sld [smem:$0x7FC]  }
0x306: {  	s25 =	simm.s32 @!p1 $0x10;
	[sflag:s4] =	ssyncset.done $0x0  }
0x307: {  	s1 =	simm.s32 @!p1 $0x0;
	s23 =	simm.s32 @!p1 $0x14400;
	[sflag:s4] =	ssyncadd.s32 $0xFFFFC000  }
0x308: {  	[tilespmem:s23], [sflag:$0x10] =	stream.linear.gather @!p1 [hbm4b:s0+s1], $0x20, $0x38;
	[tilespmem:$0x15480] =	vst v63  }
0x309: {  	_ =	swait.ge @!p1 [sflag:s25], $0x20  }
0x30a: {  	[sflag:s25] =	ssyncset.done @!p1 $0x0  }
0x30b: {  	s28 =	simm.s32 @!p1 $0x14480;
	s0 =	simm.s32 @!p1 $0x20;
	[sflag:s25] =	ssyncadd.s32 @!p1 $0xFFFFFFE0  }
0x30c: {  	[tilespmem:s28], [sflag:$0x6] =	stream.indirect.gather @!p1 [hbm4b:s2+s0], $0x80, s23, s0, $0xb8;
	[tilespmem:$0x15480] =	vst v63  }
0x30d: {  	s23 =	simm.s32 @!p1 $0x6  }
0x30e: {  	_ =	swait.ge @!p1 [sflag:s23], $0x1000  }
0x30f: {  	s0 =	sld [smem:$0x7FD]  }
0x310: {  	s30 =	sadd.s32 $0xFFFFFFFF, s30;
	[sflag:s23] =	ssyncset.done @!p1 $0x0  }
0x311: {  	p3 =	sne.s32 s30, $0x0;
	[sflag:s23] =	ssyncadd.s32 @!p1 $0xFFFFF000  }
0x312: {  	[hbm4b:s0+s1] =	stream.linear.scatter @!p1 [tilespmem:s28], [sflag:$0x10], $0x1000, $0x38;
	[tilespmem:$0x15480] =	vst v63  }
.Ltmp2:
0x313: {  	_ =	swait.ge @!p1 [sflag:s25], $0x1000;
	(pc) =	sbr.rel @p3 .LBB2_3-.Ltmp2, $4  }
0x314: {  	[sflag:s25] =	ssyncset.done @!p1 $0x0  }
0x315: {  	[sflag:s25] =	ssyncadd.s32 @!p1 $0xFFFFF000  }
0x316: {  	_ =	swait.ge @!p0 [sflag:s29], $0x4000  }
0x317: {  	[sflag:s29] =	ssyncset.done @!p0 $0x0  }
0x318: {  	s30 =	stileid.u32  }
0x319: {  	s31 =	rddreg [dreg:$0x3];
	s23 =	simm.s32 $0x10400;
	s24 =	simm.s32 $0x200  }
0x31a: {  	s7 =	simm.s32 $0xF;
	s28 =	simm.s32 $0xC400;
	s11 =	simm.s32 $0x180  }
0x31b: {  	s12 =	simm.s32 $0x8400;
	s14 =	simm.s32 $0x100;
	s15 =	simm.s32 $0x4400  }
0x31c: {  	s18 =	simm.s32 $0x400;
	s25 =	simm.s32 $0xA;
	s26 =	simm.s32 $0x5  }
.LBB2_5:
0x31d: {  	s1 =	sld [smem:$0x7F4]  }
0x31e: {  	p2 =	por p0, !p2  }
0x31f: {  	[sflag:s29] =	ssyncadd.s32 @!p2 $0xFFFFC000  }
0x320: {  	[tilespmem:s3], [sflag:$0x1] =	stream.linear.gather [hbm4b:s1+s3], $0x80, $0x38;
	[tilespmem:$0x15480] =	vst v63  }
0x321: {  	s0 =	rddreg [dreg:$0x4]  }
0x322: {  	[tilespmem:s10], [sflag:$0x2] =	stream.linear.gather [hbm4b:s0+s3], $0x80, $0x38;
	[tilespmem:$0x15480] =	vst v63  }
0x323: {  	s29 =	rddreg [dreg:$0x5]  }
0x324: {  	[tilespmem:s14], [sflag:$0x3] =	stream.linear.gather [hbm4b:s29+s3], $0x80, $0x38;
	[tilespmem:$0x15480] =	vst v63  }
0x325: {  	s0 =	rddreg [dreg:$0x6]  }
0x326: {  	[tilespmem:s11], [sflag:$0x4] =	stream.linear.gather [hbm4b:s0+s3], $0x80, $0x38;
	[tilespmem:$0x15480] =	vst v63  }
0x327: {  	s29 =	rddreg [dreg:$0x7]  }
0x328: {  	[tilespmem:s24], [sflag:$0x5] =	stream.linear.gather [hbm4b:s29+s3], $0x80, $0x38;
	[tilespmem:$0x15480] =	vst v63  }
0x329: {  	_ =	swait.ge [sflag:s22], $0x80  }
0x32a: {  	[sflag:s22] =	ssyncset.done $0x0  }
0x32b: {  	[sflag:s22] =	ssyncadd.s32 $0xFFFFFF80  }
0x32c: {  	[tilespmem:s18], [sflag:$0x6] =	stream.indirect.gather [hbm4b:s2+s10], $0x80, s3, s10, $0xb8;
	[tilespmem:$0x15480] =	vst v63  }
0x32d: {  	_ =	swait.ge [sflag:s21], $0x80  }
0x32e: {  	[sflag:s21] =	ssyncset.done $0x0  }
0x32f: {  	[sflag:s21] =	ssyncadd.s32 $0xFFFFFF80  }
0x330: {  	[tilespmem:s15], [sflag:$0x7] =	stream.indirect.gather [hbm4b:s2+s10], $0x80, s10, s10, $0xb8;
	[tilespmem:$0x15480] =	vst v63  }
0x331: {  	_ =	swait.ge [sflag:s20], $0x4000  }
0x332: {  	s29 =	sld [smem:$0x7FA]  }
0x333: {  	[sflag:s20] =	ssyncset.done $0x0  }
0x334: {  	[sflag:s20] =	ssyncadd.s32 $0xFFFFC000  }
0x335: {  	[hbm4b:s29+s3] =	stream.linear.scatter [tilespmem:s18], [sflag:$0xB], $0x4000, $0x38;
	[tilespmem:$0x15480] =	vst v63  }
0x336: {  	s0 =	rddreg [dreg:$0x8]  }
0x337: {  	[tilespmem:s3], [sflag:$0x1] =	stream.linear.gather [hbm4b:s0+s3], $0x80, $0x38;
	[tilespmem:$0x15480] =	vst v63  }
0x338: {  	_ =	swait.ge [sflag:s19], $0x80  }
0x339: {  	[sflag:s19] =	ssyncset.done $0x0  }
0x33a: {  	[sflag:s19] =	ssyncadd.s32 $0xFFFFFF80  }
0x33b: {  	[tilespmem:s12], [sflag:$0x8] =	stream.indirect.gather [hbm4b:s2+s10], $0x80, s14, s10, $0xb8;
	[tilespmem:$0x15480] =	vst v63  }
0x33c: {  	_ =	swait.ge [sflag:s17], $0x4000  }
0x33d: {  	[sflag:s17] =	ssyncset.done $0x0  }
0x33e: {  	s1 =	rddreg [dreg:$0x9];
	[sflag:s17] =	ssyncadd.s32 $0xFFFFC000  }
0x33f: {  	[hbm4b:s1+s3] =	stream.linear.scatter [tilespmem:s15], [sflag:$0xC], $0x4000, $0x38;
	[tilespmem:$0x15480] =	vst v63  }
0x340: {  	s29 =	rddreg [dreg:$0xa]  }
0x341: {  	[tilespmem:s10], [sflag:$0x2] =	stream.linear.gather [hbm4b:s29+s3], $0x80, $0x38;
	[tilespmem:$0x15480] =	vst v63  }
0x342: {  	_ =	swait.ge [sflag:s16], $0x80  }
0x343: {  	[sflag:s16] =	ssyncset.done $0x0  }
0x344: {  	[sflag:s16] =	ssyncadd.s32 $0xFFFFFF80  }
0x345: {  	[tilespmem:s28], [sflag:$0x9] =	stream.indirect.gather [hbm4b:s2+s10], $0x80, s11, s10, $0xb8;
	[tilespmem:$0x15480] =	vst v63  }
0x346: {  	_ =	swait.ge [sflag:s13], $0x4000  }
0x347: {  	[sflag:s13] =	ssyncset.done $0x0  }
0x348: {  	s1 =	rddreg [dreg:$0xb];
	[sflag:s13] =	ssyncadd.s32 $0xFFFFC000  }
0x349: {  	[hbm4b:s1+s3] =	stream.linear.scatter [tilespmem:s12], [sflag:$0xD], $0x4000, $0x38;
	[tilespmem:$0x15480] =	vst v63  }
0x34a: {  	s29 =	rddreg [dreg:$0xc]  }
0x34b: {  	[tilespmem:s14], [sflag:$0x3] =	stream.linear.gather [hbm4b:s29+s3], $0x80, $0x38;
	[tilespmem:$0x15480] =	vst v63  }
0x34c: {  	_ =	swait.ge [sflag:s26], $0x80  }
0x34d: {  	[sflag:s26] =	ssyncset.done $0x0  }
0x34e: {  	[sflag:s26] =	ssyncadd.s32 $0xFFFFFF80  }
0x34f: {  	[tilespmem:s23], [sflag:$0xA] =	stream.indirect.gather [hbm4b:s2+s10], $0x80, s24, s10, $0xb8;
	[tilespmem:$0x15480] =	vst v63  }
0x350: {  	_ =	swait.ge [sflag:s9], $0x4000  }
0x351: {  	[sflag:s9] =	ssyncset.done $0x0  }
0x352: {  	s1 =	rddreg [dreg:$0xd];
	[sflag:s9] =	ssyncadd.s32 $0xFFFFC000  }
0x353: {  	[hbm4b:s1+s3] =	stream.linear.scatter [tilespmem:s28], [sflag:$0xE], $0x4000, $0x38;
	[tilespmem:$0x15480] =	vst v63  }
0x354: {  	s29 =	rddreg [dreg:$0xe]  }
0x355: {  	[tilespmem:s11], [sflag:$0x4] =	stream.linear.gather [hbm4b:s29+s3], $0x80, $0x38;
	[tilespmem:$0x15480] =	vst v63  }
0x356: {  	_ =	swait.ge [sflag:s22], $0x80  }
0x357: {  	[sflag:s22] =	ssyncset.done $0x0  }
0x358: {  	[sflag:s22] =	ssyncadd.s32 $0xFFFFFF80  }
0x359: {  	_ =	swait.ge [sflag:s5], $0x4000  }
0x35a: {  	[sflag:s5] =	ssyncset.done $0x0  }
0x35b: {  	[sflag:s5] =	ssyncadd.s32 $0xFFFFC000  }
0x35c: {  	[tilespmem:s18], [sflag:$0x6] =	stream.indirect.gather [hbm4b:s2+s10], $0x80, s3, s10, $0xb8;
	[tilespmem:$0x15480] =	vst v63  }
0x35d: {  	_ =	swait.ge [sflag:s25], $0x4000  }
0x35e: {  	[sflag:s25] =	ssyncset.done $0x0  }
0x35f: {  	s1 =	rddreg [dreg:$0xf];
	[sflag:s25] =	ssyncadd.s32 $0xFFFFC000  }
0x360: {  	[hbm4b:s1+s3] =	stream.linear.scatter [tilespmem:s23], [sflag:$0xF], $0x4000, $0x38;
	[tilespmem:$0x15480] =	vst v63  }
0x361: {  	s29 =	rddreg [dreg:$0x10]  }
0x362: {  	[tilespmem:s24], [sflag:$0x5] =	stream.linear.gather [hbm4b:s29+s3], $0x80, $0x38;
	[tilespmem:$0x15480] =	vst v63  }
0x363: {  	_ =	swait.ge [sflag:s21], $0x80  }
0x364: {  	[sflag:s21] =	ssyncset.done $0x0  }
0x365: {  	[sflag:s21] =	ssyncadd.s32 $0xFFFFFF80  }
0x366: {  	_ =	swait.ge [sflag:s8], $0x4000  }
0x367: {  	[sflag:s8] =	ssyncset.done $0x0  }
0x368: {  	[sflag:s8] =	ssyncadd.s32 $0xFFFFC000  }
0x369: {  	[tilespmem:s15], [sflag:$0x7] =	stream.indirect.gather [hbm4b:s2+s10], $0x80, s10, s10, $0xb8;
	[tilespmem:$0x15480] =	vst v63  }
0x36a: {  	_ =	swait.ge [sflag:s20], $0x4000  }
0x36b: {  	[sflag:s20] =	ssyncset.done $0x0  }
0x36c: {  	s1 =	rddreg [dreg:$0x11];
	[sflag:s20] =	ssyncadd.s32 $0xFFFFC000  }
0x36d: {  	[hbm4b:s1+s3] =	stream.linear.scatter [tilespmem:s18], [sflag:$0xB], $0x4000, $0x38;
	[tilespmem:$0x15480] =	vst v63  }
0x36e: {  	s29 =	rddreg [dreg:$0x12]  }
0x36f: {  	[tilespmem:s3], [sflag:$0x1] =	stream.linear.gather [hbm4b:s29+s3], $0x80, $0x38;
	[tilespmem:$0x15480] =	vst v63  }
0x370: {  	_ =	swait.ge [sflag:s19], $0x80  }
0x371: {  	[sflag:s19] =	ssyncset.done $0x0  }
0x372: {  	[sflag:s19] =	ssyncadd.s32 $0xFFFFFF80  }
0x373: {  	_ =	swait.ge [sflag:s6], $0x4000  }
0x374: {  	[sflag:s6] =	ssyncset.done $0x0  }
0x375: {  	[sflag:s6] =	ssyncadd.s32 $0xFFFFC000  }
0x376: {  	[tilespmem:s12], [sflag:$0x8] =	stream.indirect.gather [hbm4b:s2+s10], $0x80, s14, s10, $0xb8;
	[tilespmem:$0x15480] =	vst v63  }
0x377: {  	_ =	swait.ge [sflag:s17], $0x4000  }
0x378: {  	[sflag:s17] =	ssyncset.done $0x0  }
0x379: {  	s1 =	rddreg [dreg:$0x13];
	[sflag:s17] =	ssyncadd.s32 $0xFFFFC000  }
0x37a: {  	[hbm4b:s1+s3] =	stream.linear.scatter [tilespmem:s15], [sflag:$0xC], $0x4000, $0x38;
	[tilespmem:$0x15480] =	vst v63  }
0x37b: {  	s29 =	rddreg [dreg:$0x14]  }
0x37c: {  	[tilespmem:s10], [sflag:$0x2] =	stream.linear.gather [hbm4b:s29+s3], $0x80, $0x38;
	[tilespmem:$0x15480] =	vst v63  }
0x37d: {  	_ =	swait.ge [sflag:s16], $0x80  }
0x37e: {  	[sflag:s16] =	ssyncset.done $0x0  }
0x37f: {  	[sflag:s16] =	ssyncadd.s32 $0xFFFFFF80  }
0x380: {  	_ =	swait.ge [sflag:s4], $0x4000  }
0x381: {  	[sflag:s4] =	ssyncset.done $0x0  }
0x382: {  	[sflag:s4] =	ssyncadd.s32 $0xFFFFC000  }
0x383: {  	[tilespmem:s28], [sflag:$0x9] =	stream.indirect.gather [hbm4b:s2+s10], $0x80, s11, s10, $0xb8;
	[tilespmem:$0x15480] =	vst v63  }
0x384: {  	_ =	swait.ge [sflag:s13], $0x4000  }
0x385: {  	[sflag:s13] =	ssyncset.done $0x0  }
0x386: {  	s1 =	rddreg [dreg:$0x15];
	[sflag:s13] =	ssyncadd.s32 $0xFFFFC000  }
0x387: {  	[hbm4b:s1+s3] =	stream.linear.scatter [tilespmem:s12], [sflag:$0xD], $0x4000, $0x38;
	[tilespmem:$0x15480] =	vst v63  }
0x388: {  	s29 =	rddreg [dreg:$0x16]  }
0x389: {  	[tilespmem:s14], [sflag:$0x3] =	stream.linear.gather [hbm4b:s29+s3], $0x80, $0x38;
	[tilespmem:$0x15480] =	vst v63  }
0x38a: {  	_ =	swait.ge [sflag:s26], $0x80  }
0x38b: {  	[sflag:s26] =	ssyncset.done $0x0  }
0x38c: {  	[sflag:s26] =	ssyncadd.s32 $0xFFFFFF80  }
0x38d: {  	_ =	swait.ge [sflag:s7], $0x4000  }
0x38e: {  	[sflag:s7] =	ssyncset.done $0x0  }
0x38f: {  	[sflag:s7] =	ssyncadd.s32 $0xFFFFC000  }
0x390: {  	[tilespmem:s23], [sflag:$0xA] =	stream.indirect.gather [hbm4b:s2+s10], $0x80, s24, s10, $0xb8;
	[tilespmem:$0x15480] =	vst v63  }
0x391: {  	_ =	swait.ge [sflag:s9], $0x4000  }
0x392: {  	[sflag:s9] =	ssyncset.done $0x0  }
0x393: {  	s1 =	rddreg [dreg:$0x17];
	[sflag:s9] =	ssyncadd.s32 $0xFFFFC000  }
0x394: {  	[hbm4b:s1+s3] =	stream.linear.scatter [tilespmem:s28], [sflag:$0xE], $0x4000, $0x38;
	[tilespmem:$0x15480] =	vst v63  }
0x395: {  	s29 =	rddreg [dreg:$0x18]  }
0x396: {  	[tilespmem:s11], [sflag:$0x4] =	stream.linear.gather [hbm4b:s29+s3], $0x80, $0x38;
	[tilespmem:$0x15480] =	vst v63  }
0x397: {  	_ =	swait.ge [sflag:s22], $0x80  }
0x398: {  	[sflag:s22] =	ssyncset.done $0x0  }
0x399: {  	[sflag:s22] =	ssyncadd.s32 $0xFFFFFF80  }
0x39a: {  	_ =	swait.ge [sflag:s5], $0x4000  }
0x39b: {  	[sflag:s5] =	ssyncset.done $0x0  }
0x39c: {  	[sflag:s5] =	ssyncadd.s32 $0xFFFFC000  }
0x39d: {  	[tilespmem:s18], [sflag:$0x6] =	stream.indirect.gather [hbm4b:s2+s10], $0x80, s3, s10, $0xb8;
	[tilespmem:$0x15480] =	vst v63  }
0x39e: {  	_ =	swait.ge [sflag:s25], $0x4000  }
0x39f: {  	[sflag:s25] =	ssyncset.done $0x0  }
0x3a0: {  	s1 =	rddreg [dreg:$0x19];
	[sflag:s25] =	ssyncadd.s32 $0xFFFFC000  }
0x3a1: {  	[hbm4b:s1+s3] =	stream.linear.scatter [tilespmem:s23], [sflag:$0xF], $0x4000, $0x38;
	[tilespmem:$0x15480] =	vst v63  }
0x3a2: {  	s29 =	rddreg [dreg:$0x1a]  }
0x3a3: {  	[tilespmem:s24], [sflag:$0x5] =	stream.linear.gather [hbm4b:s29+s3], $0x80, $0x38;
	[tilespmem:$0x15480] =	vst v63  }
0x3a4: {  	_ =	swait.ge [sflag:s21], $0x80  }
0x3a5: {  	[sflag:s21] =	ssyncset.done $0x0  }
0x3a6: {  	[sflag:s21] =	ssyncadd.s32 $0xFFFFFF80  }
0x3a7: {  	_ =	swait.ge [sflag:s8], $0x4000  }
0x3a8: {  	[sflag:s8] =	ssyncset.done $0x0  }
0x3a9: {  	[sflag:s8] =	ssyncadd.s32 $0xFFFFC000  }
0x3aa: {  	[tilespmem:s15], [sflag:$0x7] =	stream.indirect.gather [hbm4b:s2+s10], $0x80, s10, s10, $0xb8;
	[tilespmem:$0x15480] =	vst v63  }
0x3ab: {  	_ =	swait.ge [sflag:s20], $0x4000  }
0x3ac: {  	[sflag:s20] =	ssyncset.done $0x0  }
0x3ad: {  	s1 =	rddreg [dreg:$0x1b];
	[sflag:s20] =	ssyncadd.s32 $0xFFFFC000  }
0x3ae: {  	[hbm4b:s1+s3] =	stream.linear.scatter [tilespmem:s18], [sflag:$0xB], $0x4000, $0x38;
	[tilespmem:$0x15480] =	vst v63  }
0x3af: {  	s29 =	rddreg [dreg:$0x1c]  }
0x3b0: {  	[tilespmem:s3], [sflag:$0x1] =	stream.linear.gather [hbm4b:s29+s3], $0x80, $0x38;
	[tilespmem:$0x15480] =	vst v63  }
0x3b1: {  	_ =	swait.ge [sflag:s19], $0x80  }
0x3b2: {  	[sflag:s19] =	ssyncset.done $0x0  }
0x3b3: {  	[sflag:s19] =	ssyncadd.s32 $0xFFFFFF80  }
0x3b4: {  	_ =	swait.ge [sflag:s6], $0x4000  }
0x3b5: {  	[sflag:s6] =	ssyncset.done $0x0  }
0x3b6: {  	[sflag:s6] =	ssyncadd.s32 $0xFFFFC000  }
0x3b7: {  	[tilespmem:s12], [sflag:$0x8] =	stream.indirect.gather [hbm4b:s2+s10], $0x80, s14, s10, $0xb8;
	[tilespmem:$0x15480] =	vst v63  }
0x3b8: {  	_ =	swait.ge [sflag:s17], $0x4000  }
0x3b9: {  	[sflag:s17] =	ssyncset.done $0x0  }
0x3ba: {  	s1 =	rddreg [dreg:$0x1d];
	[sflag:s17] =	ssyncadd.s32 $0xFFFFC000  }
0x3bb: {  	[hbm4b:s1+s3] =	stream.linear.scatter [tilespmem:s15], [sflag:$0xC], $0x4000, $0x38;
	[tilespmem:$0x15480] =	vst v63  }
0x3bc: {  	s29 =	rddreg [dreg:$0x1e]  }
0x3bd: {  	[tilespmem:s10], [sflag:$0x2] =	stream.linear.gather [hbm4b:s29+s3], $0x80, $0x38;
	[tilespmem:$0x15480] =	vst v63  }
0x3be: {  	_ =	swait.ge [sflag:s16], $0x80  }
0x3bf: {  	[sflag:s16] =	ssyncset.done $0x0  }
0x3c0: {  	[sflag:s16] =	ssyncadd.s32 $0xFFFFFF80  }
0x3c1: {  	_ =	swait.ge [sflag:s4], $0x4000  }
0x3c2: {  	[sflag:s4] =	ssyncset.done $0x0  }
0x3c3: {  	[sflag:s4] =	ssyncadd.s32 $0xFFFFC000  }
0x3c4: {  	[tilespmem:s28], [sflag:$0x9] =	stream.indirect.gather [hbm4b:s2+s10], $0x80, s11, s10, $0xb8;
	[tilespmem:$0x15480] =	vst v63  }
0x3c5: {  	_ =	swait.ge [sflag:s13], $0x4000  }
0x3c6: {  	s1 =	rddreg [dreg:$0x1f];
	[sflag:s13] =	ssyncset.done $0x0  }
0x3c7: {  	s29 =	sld [smem:$0x7E6];
	[sflag:s13] =	ssyncadd.s32 $0xFFFFC000  }
0x3c8: {  	[hbm4b:s1+s3] =	stream.linear.scatter [tilespmem:s12], [sflag:$0xD], $0x4000, $0x38;
	[tilespmem:$0x15480] =	vst v63  }
0x3c9: {  	_ = 	snop  }
0x3ca: {  	[tilespmem:s14], [sflag:$0x3] =	stream.linear.gather [hbm4b:s29+s3], $0x80, $0x38;
	[tilespmem:$0x15480] =	vst v63  }
0x3cb: {  	_ =	swait.ge [sflag:s26], $0x80  }
0x3cc: {  	[sflag:s26] =	ssyncset.done $0x0  }
0x3cd: {  	[sflag:s26] =	ssyncadd.s32 $0xFFFFFF80  }
0x3ce: {  	_ =	swait.ge [sflag:s7], $0x4000  }
0x3cf: {  	[sflag:s7] =	ssyncset.done $0x0  }
0x3d0: {  	[sflag:s7] =	ssyncadd.s32 $0xFFFFC000  }
0x3d1: {  	[tilespmem:s23], [sflag:$0xA] =	stream.indirect.gather [hbm4b:s2+s10], $0x80, s24, s10, $0xb8;
	[tilespmem:$0x15480] =	vst v63  }
0x3d2: {  	_ =	swait.ge [sflag:s9], $0x4000  }
0x3d3: {  	s1 =	sld [smem:$0x7E7]  }
0x3d4: {  	[sflag:s9] =	ssyncset.done $0x0  }
0x3d5: {  	s29 =	sld [smem:$0x7E8];
	[sflag:s9] =	ssyncadd.s32 $0xFFFFC000  }
0x3d6: {  	[hbm4b:s1+s3] =	stream.linear.scatter [tilespmem:s28], [sflag:$0xE], $0x4000, $0x38;
	[tilespmem:$0x15480] =	vst v63  }
0x3d7: {  	_ = 	snop  }
0x3d8: {  	[tilespmem:s11], [sflag:$0x4] =	stream.linear.gather [hbm4b:s29+s3], $0x80, $0x38;
	[tilespmem:$0x15480] =	vst v63  }
0x3d9: {  	_ =	swait.ge [sflag:s22], $0x80  }
0x3da: {  	[sflag:s22] =	ssyncset.done $0x0  }
0x3db: {  	[sflag:s22] =	ssyncadd.s32 $0xFFFFFF80  }
0x3dc: {  	_ =	swait.ge [sflag:s5], $0x4000  }
0x3dd: {  	[sflag:s5] =	ssyncset.done $0x0  }
0x3de: {  	[sflag:s5] =	ssyncadd.s32 $0xFFFFC000  }
0x3df: {  	[tilespmem:s18], [sflag:$0x6] =	stream.indirect.gather [hbm4b:s2+s10], $0x80, s3, s10, $0xb8;
	[tilespmem:$0x15480] =	vst v63  }
0x3e0: {  	_ =	swait.ge [sflag:s25], $0x4000  }
0x3e1: {  	s1 =	sld [smem:$0x7E9]  }
0x3e2: {  	[sflag:s25] =	ssyncset.done $0x0  }
0x3e3: {  	s29 =	sld [smem:$0x7EA];
	[sflag:s25] =	ssyncadd.s32 $0xFFFFC000  }
0x3e4: {  	[hbm4b:s1+s3] =	stream.linear.scatter [tilespmem:s23], [sflag:$0xF], $0x4000, $0x38;
	[tilespmem:$0x15480] =	vst v63  }
0x3e5: {  	_ = 	snop  }
0x3e6: {  	[tilespmem:s24], [sflag:$0x5] =	stream.linear.gather [hbm4b:s29+s3], $0x80, $0x38;
	[tilespmem:$0x15480] =	vst v63  }
0x3e7: {  	_ =	swait.ge [sflag:s21], $0x80  }
0x3e8: {  	[sflag:s21] =	ssyncset.done $0x0  }
0x3e9: {  	[sflag:s21] =	ssyncadd.s32 $0xFFFFFF80  }
0x3ea: {  	_ =	swait.ge [sflag:s8], $0x4000  }
0x3eb: {  	[sflag:s8] =	ssyncset.done $0x0  }
0x3ec: {  	[sflag:s8] =	ssyncadd.s32 $0xFFFFC000  }
0x3ed: {  	[tilespmem:s15], [sflag:$0x7] =	stream.indirect.gather [hbm4b:s2+s10], $0x80, s10, s10, $0xb8;
	[tilespmem:$0x15480] =	vst v63  }
0x3ee: {  	_ =	swait.ge [sflag:s20], $0x4000  }
0x3ef: {  	s1 =	sld [smem:$0x7EB]  }
0x3f0: {  	[sflag:s20] =	ssyncset.done $0x0  }
0x3f1: {  	s29 =	sld [smem:$0x7EC];
	[sflag:s20] =	ssyncadd.s32 $0xFFFFC000  }
0x3f2: {  	[hbm4b:s1+s3] =	stream.linear.scatter [tilespmem:s18], [sflag:$0xB], $0x4000, $0x38;
	[tilespmem:$0x15480] =	vst v63  }
0x3f3: {  	_ = 	snop  }
0x3f4: {  	[tilespmem:s3], [sflag:$0x1] =	stream.linear.gather [hbm4b:s29+s3], $0x80, $0x38;
	[tilespmem:$0x15480] =	vst v63  }
0x3f5: {  	_ =	swait.ge [sflag:s19], $0x80  }
0x3f6: {  	[sflag:s19] =	ssyncset.done $0x0  }
0x3f7: {  	[sflag:s19] =	ssyncadd.s32 $0xFFFFFF80  }
0x3f8: {  	_ =	swait.ge [sflag:s6], $0x4000  }
0x3f9: {  	[sflag:s6] =	ssyncset.done $0x0  }
0x3fa: {  	[sflag:s6] =	ssyncadd.s32 $0xFFFFC000  }
0x3fb: {  	[tilespmem:s12], [sflag:$0x8] =	stream.indirect.gather [hbm4b:s2+s10], $0x80, s14, s10, $0xb8;
	[tilespmem:$0x15480] =	vst v63  }
0x3fc: {  	_ =	swait.ge [sflag:s17], $0x4000  }
0x3fd: {  	s1 =	sld [smem:$0x7ED]  }
0x3fe: {  	[sflag:s17] =	ssyncset.done $0x0  }
0x3ff: {  	s29 =	sld [smem:$0x7EE];
	[sflag:s17] =	ssyncadd.s32 $0xFFFFC000  }
0x400: {  	[hbm4b:s1+s3] =	stream.linear.scatter [tilespmem:s15], [sflag:$0xC], $0x4000, $0x38;
	[tilespmem:$0x15480] =	vst v63  }
0x401: {  	_ = 	snop  }
0x402: {  	[tilespmem:s10], [sflag:$0x2] =	stream.linear.gather [hbm4b:s29+s3], $0x80, $0x38;
	[tilespmem:$0x15480] =	vst v63  }
0x403: {  	_ =	swait.ge [sflag:s16], $0x80  }
0x404: {  	[sflag:s16] =	ssyncset.done $0x0  }
0x405: {  	[sflag:s16] =	ssyncadd.s32 $0xFFFFFF80  }
0x406: {  	_ =	swait.ge [sflag:s4], $0x4000  }
0x407: {  	[sflag:s4] =	ssyncset.done $0x0  }
0x408: {  	[sflag:s4] =	ssyncadd.s32 $0xFFFFC000  }
0x409: {  	[tilespmem:s28], [sflag:$0x9] =	stream.indirect.gather [hbm4b:s2+s10], $0x80, s11, s10, $0xb8;
	[tilespmem:$0x15480] =	vst v63  }
0x40a: {  	_ =	swait.ge [sflag:s13], $0x4000  }
0x40b: {  	s1 =	sld [smem:$0x7EF]  }
0x40c: {  	[sflag:s13] =	ssyncset.done $0x0  }
0x40d: {  	s29 =	sld [smem:$0x7F0];
	[sflag:s13] =	ssyncadd.s32 $0xFFFFC000  }
0x40e: {  	[hbm4b:s1+s3] =	stream.linear.scatter [tilespmem:s12], [sflag:$0xD], $0x4000, $0x38;
	[tilespmem:$0x15480] =	vst v63  }
0x40f: {  	_ = 	snop  }
0x410: {  	[tilespmem:s14], [sflag:$0x3] =	stream.linear.gather [hbm4b:s29+s3], $0x80, $0x38;
	[tilespmem:$0x15480] =	vst v63  }
0x411: {  	_ =	swait.ge [sflag:s26], $0x80  }
0x412: {  	[sflag:s26] =	ssyncset.done $0x0  }
0x413: {  	[sflag:s26] =	ssyncadd.s32 $0xFFFFFF80  }
0x414: {  	_ =	swait.ge [sflag:s7], $0x4000  }
0x415: {  	[sflag:s7] =	ssyncset.done $0x0  }
0x416: {  	[sflag:s7] =	ssyncadd.s32 $0xFFFFC000  }
0x417: {  	[tilespmem:s23], [sflag:$0xA] =	stream.indirect.gather [hbm4b:s2+s10], $0x80, s24, s10, $0xb8;
	[tilespmem:$0x15480] =	vst v63  }
0x418: {  	_ =	swait.ge [sflag:s9], $0x4000  }
0x419: {  	s1 =	sld [smem:$0x7F1]  }
0x41a: {  	[sflag:s9] =	ssyncset.done $0x0  }
0x41b: {  	s7 =	sld [smem:$0x7F2];
	[sflag:s9] =	ssyncadd.s32 $0xFFFFC000  }
0x41c: {  	[hbm4b:s1+s3] =	stream.linear.scatter [tilespmem:s28], [sflag:$0xE], $0x4000, $0x38;
	[tilespmem:$0x15480] =	vst v63  }
0x41d: {  	_ = 	snop  }
0x41e: {  	[tilespmem:s11], [sflag:$0x4] =	stream.linear.gather [hbm4b:s7+s3], $0x80, $0x38;
	[tilespmem:$0x15480] =	vst v63  }
0x41f: {  	_ =	swait.ge [sflag:s22], $0x80  }
0x420: {  	[sflag:s22] =	ssyncset.done $0x0  }
0x421: {  	[sflag:s22] =	ssyncadd.s32 $0xFFFFFF80  }
0x422: {  	_ =	swait.ge [sflag:s5], $0x4000  }
0x423: {  	[sflag:s5] =	ssyncset.done $0x0  }
0x424: {  	[sflag:s5] =	ssyncadd.s32 $0xFFFFC000  }
0x425: {  	[tilespmem:s18], [sflag:$0x6] =	stream.indirect.gather [hbm4b:s2+s10], $0x80, s3, s10, $0xb8;
	[tilespmem:$0x15480] =	vst v63  }
0x426: {  	_ =	swait.ge [sflag:s25], $0x4000  }
0x427: {  	s22 =	sld [smem:$0x7F3]  }
0x428: {  	[sflag:s25] =	ssyncset.done $0x0  }
0x429: {  	s1 =	sld [smem:$0x7F5];
	[sflag:s25] =	ssyncadd.s32 $0xFFFFC000  }
0x42a: {  	[hbm4b:s22+s3] =	stream.linear.scatter [tilespmem:s23], [sflag:$0xF], $0x4000, $0x38;
	[tilespmem:$0x15480] =	vst v63  }
0x42b: {  	s0 =	simm.s32 @!p0 $0x0;
	s22 =	simm.s32 @!p0 $0x200  }
0x42c: {  	[tilespmem:s22], [sflag:$0x5] =	stream.linear.gather @!p0 [hbm4b:s1+s0], $0x80, $0x38;
	[tilespmem:$0x15480] =	vst v63  }
0x42d: {  	_ =	swait.ge [sflag:s21], $0x80  }
0x42e: {  	[sflag:s21] =	ssyncset.done $0x0  }
0x42f: {  	[sflag:s21] =	ssyncadd.s32 $0xFFFFFF80  }
0x430: {  	_ =	swait.ge [sflag:s8], $0x4000  }
0x431: {  	[sflag:s8] =	ssyncset.done $0x0  }
0x432: {  	[sflag:s8] =	ssyncadd.s32 $0xFFFFC000  }
0x433: {  	[tilespmem:s15], [sflag:$0x7] =	stream.indirect.gather [hbm4b:s2+s10], $0x80, s10, s10, $0xb8;
	[tilespmem:$0x15480] =	vst v63  }
0x434: {  	_ =	swait.ge [sflag:s20], $0x4000  }
0x435: {  	s24 =	sld [smem:$0x7F6]  }
0x436: {  	[sflag:s20] =	ssyncset.done $0x0  }
0x437: {  	[sflag:s20] =	ssyncadd.s32 $0xFFFFC000  }
0x438: {  	[hbm4b:s24+s3] =	stream.linear.scatter [tilespmem:s18], [sflag:$0xB], $0x4000, $0x38;
	[tilespmem:$0x15480] =	vst v63  }
0x439: {  	_ =	swait.ge [sflag:s19], $0x80  }
0x43a: {  	[sflag:s19] =	ssyncset.done $0x0  }
0x43b: {  	[sflag:s19] =	ssyncadd.s32 $0xFFFFFF80  }
0x43c: {  	_ =	swait.ge [sflag:s6], $0x4000  }
0x43d: {  	[sflag:s6] =	ssyncset.done $0x0  }
0x43e: {  	[sflag:s6] =	ssyncadd.s32 $0xFFFFC000  }
0x43f: {  	[tilespmem:s12], [sflag:$0x8] =	stream.indirect.gather [hbm4b:s2+s10], $0x80, s14, s10, $0xb8;
	[tilespmem:$0x15480] =	vst v63  }
0x440: {  	_ =	swait.ge [sflag:s17], $0x4000  }
0x441: {  	s25 =	sld [smem:$0x7F7]  }
0x442: {  	[sflag:s17] =	ssyncset.done $0x0  }
0x443: {  	[sflag:s17] =	ssyncadd.s32 $0xFFFFC000  }
0x444: {  	[hbm4b:s25+s3] =	stream.linear.scatter [tilespmem:s15], [sflag:$0xC], $0x4000, $0x38;
	[tilespmem:$0x15480] =	vst v63  }
0x445: {  	_ =	swait.ge [sflag:s16], $0x80  }
0x446: {  	[sflag:s16] =	ssyncset.done $0x0  }
0x447: {  	[sflag:s16] =	ssyncadd.s32 $0xFFFFFF80  }
0x448: {  	_ =	swait.ge [sflag:s4], $0x4000  }
0x449: {  	[sflag:s4] =	ssyncset.done $0x0  }
0x44a: {  	[sflag:s4] =	ssyncadd.s32 $0xFFFFC000  }
0x44b: {  	[tilespmem:s28], [sflag:$0x9] =	stream.indirect.gather [hbm4b:s2+s10], $0x80, s11, s10, $0xb8;
	[tilespmem:$0x15480] =	vst v63  }
0x44c: {  	_ =	swait.ge [sflag:s13], $0x4000  }
0x44d: {  	s26 =	sld [smem:$0x7F8]  }
0x44e: {  	[sflag:s13] =	ssyncset.done $0x0  }
0x44f: {  	s10 =	simm.s32 @p0 $0xF;
	[sflag:s13] =	ssyncadd.s32 $0xFFFFC000  }
0x450: {  	[hbm4b:s26+s3] =	stream.linear.scatter [tilespmem:s12], [sflag:$0xD], $0x4000, $0x38;
	[tilespmem:$0x15480] =	vst v63  }
0x451: {  	_ =	swait.ge @p0 [sflag:s10], $0x4000  }
0x452: {  	[sflag:s10] =	ssyncset.done @p0 $0x0  }
0x453: {  	s1 =	simm.s32 @!p0 $0x5;
	[sflag:s10] =	ssyncadd.s32 @p0 $0xFFFFC000  }
0x454: {  	_ =	swait.ge @!p0 [sflag:s1], $0x80  }
0x455: {  	[sflag:s1] =	ssyncset.done @!p0 $0x0  }
0x456: {  	[sflag:s1] =	ssyncadd.s32 @!p0 $0xFFFFFF80;
	s1 =	simm.s32 @!p0 $0xF  }
0x457: {  	_ =	swait.ge @!p0 [sflag:s1], $0x4000  }
0x458: {  	[sflag:s1] =	ssyncset.done @!p0 $0x0  }
0x459: {  	s11 =	simm.s32 @!p0 $0x10400;
	s10 =	simm.s32 @!p0 $0x80;
	[sflag:s1] =	ssyncadd.s32 @!p0 $0xFFFFC000  }
0x45a: {  	[tilespmem:s11], [sflag:$0xA] =	stream.indirect.gather @!p0 [hbm4b:s2+s10], $0x80, s22, s10, $0xb8;
	[tilespmem:$0x15480] =	vst v63  }
0x45b: {  	_ =	swait.ge [sflag:s9], $0x4000  }
0x45c: {  	s29 =	sld [smem:$0x7F9]  }
0x45d: {  	[sflag:s9] =	ssyncset.done $0x0  }
0x45e: {  	[sflag:s9] =	ssyncadd.s32 $0xFFFFC000  }
0x45f: {  	[hbm4b:s29+s3] =	stream.linear.scatter [tilespmem:s28], [sflag:$0xE], $0x4000, $0x38;
	[tilespmem:$0x15480] =	vst v63  }
0x460: {  	s3 =	simm.s32 @!p0 $0xA  }
0x461: {  	_ =	swait.ge @!p0 [sflag:s3], $0x4000  }
0x462: {  	s7 =	sld [smem:$0x7FB]  }
0x463: {  	[sflag:s3] =	ssyncset.done @!p0 $0x0  }
0x464: {  	[sflag:s3] =	ssyncadd.s32 @!p0 $0xFFFFC000  }
0x465: {  	[hbm4b:s7+s0] =	stream.linear.scatter @!p0 [tilespmem:s11], [sflag:$0xF], $0x4000, $0x38;
	[tilespmem:$0x15480] =	vst v63  }
0x466: {  	_ =	swait.ge [sflag:s5], $0x4000  }
0x467: {  	[sflag:s5] =	ssyncset.done $0x0  }
0x468: {  	[sflag:s5] =	ssyncadd.s32 $0xFFFFC000  }
0x469: {  	_ =	swait.ge [sflag:s8], $0x4000  }
0x46a: {  	[sflag:s8] =	ssyncset.done $0x0  }
0x46b: {  	[sflag:s8] =	ssyncadd.s32 $0xFFFFC000  }
0x46c: {  	_ =	swait.ge [sflag:s6], $0x4000  }
0x46d: {  	[sflag:s6] =	ssyncset.done $0x0  }
0x46e: {  	[sflag:s6] =	ssyncadd.s32 $0xFFFFC000  }
0x46f: {  	_ =	swait.ge [sflag:s4], $0x4000  }
0x470: {  	s0 =	sld [smem:$0x7FC]  }
0x471: {  	s3 =	simm.s32 @!p1 $0x10;
	[sflag:s4] =	ssyncset.done $0x0  }
0x472: {  	s5 =	simm.s32 @!p1 $0x14400;
	[sflag:s4] =	ssyncadd.s32 $0xFFFFC000;
	s4 =	simm.s32 @!p1 $0x0  }
0x473: {  	[tilespmem:s5], [sflag:$0x10] =	stream.linear.gather @!p1 [hbm4b:s0+s4], $0x20, $0x38;
	[tilespmem:$0x15480] =	vst v63  }
0x474: {  	_ =	swait.ge @!p1 [sflag:s3], $0x20  }
0x475: {  	[sflag:s3] =	ssyncset.done @!p1 $0x0  }
0x476: {  	s6 =	simm.s32 @!p1 $0x14480;
	s0 =	simm.s32 @!p1 $0x20;
	[sflag:s3] =	ssyncadd.s32 @!p1 $0xFFFFFFE0  }
0x477: {  	[tilespmem:s6], [sflag:$0x6] =	stream.indirect.gather @!p1 [hbm4b:s2+s0], $0x80, s5, s0, $0xb8;
	[tilespmem:$0x15480] =	vst v63  }
0x478: {  	s0 =	simm.s32 @!p1 $0x6  }
0x479: {  	_ =	swait.ge @!p1 [sflag:s0], $0x1000  }
0x47a: {  	s2 =	sld [smem:$0x7FD]  }
0x47b: {  	[sflag:s0] =	ssyncset.done @!p1 $0x0  }
0x47c: {  	[sflag:s0] =	ssyncadd.s32 @!p1 $0xFFFFF000  }
0x47d: {  	[hbm4b:s2+s4] =	stream.linear.scatter @!p1 [tilespmem:s6], [sflag:$0x10], $0x1000, $0x38;
	[tilespmem:$0x15480] =	vst v63  }
0x47e: {  	_ =	swait.ge @!p1 [sflag:s3], $0x1000  }
0x47f: {  	[sflag:s3] =	ssyncset.done @!p1 $0x0  }
0x480: {  	[sflag:s3] =	ssyncadd.s32 @!p1 $0xFFFFF000  }
0x481: {  	_ =	swait.ge @!p0 [sflag:s1], $0x4000  }
0x482: {  	[sflag:s1] =	ssyncset.done @!p0 $0x0  }
0x483: {  	[sflag:s1] =	ssyncadd.s32 @!p0 $0xFFFFC000  }
0x484: {  	_ =	sfence.sel $0x180000  }
0x485: {  	[bflag:$0x0] =	sbarrier.arrive $0xFFFF  }
0x486: {  	p0 =	sne.s32 s30, $0x0;
	_ =	strace $0x90000047  }
0x487: {  	s0 =	sadd.s32 @!p0 $0x100000, s31;
	[bflag:$0x2] =	sbarrier.arrive $0xFFFF  }
0x488: {  	[sflag:s0] =	ssyncadd.tile.s32 @!p0 $0x1;
	_ =	shalt  }
.LBB2_2:
.Ltmp3:
0x489: {  	s30 =	stileid.u32;
	(pc) =	sbr.rel .LBB2_5-.Ltmp3, $4  }
0x48a: {  	s31 =	rddreg [dreg:$0x3];
	s23 =	simm.s32 $0x10400;
	s24 =	simm.s32 $0x200  }
0x48b: {  	s7 =	simm.s32 $0xF;
	s28 =	simm.s32 $0xC400;
	s11 =	simm.s32 $0x180  }
0x48c: {  	s12 =	simm.s32 $0x8400;
	s14 =	simm.s32 $0x100;
	s15 =	simm.s32 $0x4400  }
0x48d: {  	s18 =	simm.s32 $0x400;
	s25 =	simm.s32 $0xA;
	s26 =	simm.s32 $0x5  }
.Lfunc_end2:
_tile_overlayer_lowered:
.L_overlay_start_2:
0x48e: {  	(tag) =	ssettag $0x2  }
0x48f: {  	s0 =	rddreg [dreg:$0x0];
	s2 =	stileid.u32  }
0x490: {  	s1 =	rddreg [dreg:$0x1];
	p0 =	sne.s32 s2, $0x0  }
0x491: {  	s3 =	rddreg [dreg:$0x2];
	[bflag:$0x3] =	sbarrier.arrive $0xFFFF;
	s2 =	simm.s32 @!p0 $0x1C10  }
0x492: {  	[timem:s3], [sflag:s2] =	dma.local @!p0 [hbm:s0], s1  }
0x493: {  	s0 =	simm.s32 @!p0 $0x10  }
0x494: {  	_ =	swait.ge @!p0 [sflag:s0], s1  }
0x495: {  	s1 =	ssub.s32 @!p0 $0x0, s1;
	[sflag:s0] =	ssyncset.done @!p0 $0x0  }
0x496: {  	[sflag:s0] =	ssyncadd.s32 @!p0 s1  }
0x497: {  	[bflag:$0x3] =	sbarrier.arrive $0xFFFF  }
0x498: {  	_ =	shalt  }

</sc_bundles>
